<compile_context>
chip_gen: v7x
topology: tpu7x:2x2x1
jax: 0.10.2.dev20260603
libtpu: 0.0.44.dev20260713+nightly
codegen_flags: <defaults>
</compile_context>

<pallas_src>
import functools

import jax
import jax.numpy as jnp
from jax import lax
from jax.experimental import pallas as pl
from jax.experimental.pallas import tpu as pltpu
from jax.experimental.pallas import tpu_sc as plsc

GX = 100
GY = 100
SENT = GX * GY
MAXV = 16000
MAXP = 32

NTILES = 16
NBINS = 10240
BINS_PER_TILE = NBINS // NTILES
CHUNK = 12544
SUB = 6272
NPAD = NTILES * CHUNK

ROWS = MAXV * MAXP
ROWS_TOT = 512256
ZROWS = ROWS_TOT // NTILES
NROWS_TOT = 16256
NZROWS = NROWS_TOT // NTILES

_mesh = plsc.VectorSubcoreMesh(core_axis_name="c", subcore_axis_name="s",
                               num_cores=1)


@functools.partial(
    pl.kernel,
    out_type=[
        jax.ShapeDtypeStruct((ROWS_TOT, 8), jnp.float32),
        jax.ShapeDtypeStruct((NROWS_TOT, 8), jnp.float32),
        jax.ShapeDtypeStruct((NTILES * NBINS,), jnp.int32),
        jax.ShapeDtypeStruct((NTILES * NBINS,), jnp.int32),
        jax.ShapeDtypeStruct((NTILES * 16,), jnp.int32),
        jax.ShapeDtypeStruct((NBINS,), jnp.int32),
    ],
    mesh=_mesh,
    compiler_params=pltpu.CompilerParams(
        needs_layout_passes=False, use_tc_tiling_on_sc=False),
    scratch_types=[
        pltpu.VMEM((SUB, 8), jnp.float32),
        pltpu.VMEM((CHUNK,), jnp.int32),
        pltpu.VMEM((NBINS,), jnp.int32),
        pltpu.VMEM((NBINS,), jnp.int32),
        pltpu.VMEM((BINS_PER_TILE,), jnp.int32),
        pltpu.VMEM((BINS_PER_TILE,), jnp.int32),
        pltpu.VMEM((2 * SUB // 128, 128), jnp.int32),
        pltpu.VMEM((1024, 8), jnp.float32),
        pltpu.VMEM((BINS_PER_TILE, 8), jnp.float32),
        pltpu.VMEM((BINS_PER_TILE // 128, 128), jnp.int32),
        pltpu.VMEM((256,), jnp.int32),
        pltpu.VMEM((16,), jnp.int32),
        pltpu.SemaphoreType.DMA,
        pltpu.SemaphoreType.DMA,
    ],
)
def _voxelize_sc(pts8, out8, nout, hists, offs, occ_cnts, rank_hbm,
                 ptsv, linv, ctrv, rankv, totv, rankb, idxv, zerov,
                 nrows, nidx, occv, vtmp, sem, sem2):
    tid = lax.axis_index("s")
    lane = lax.iota(jnp.int32, 16)
    zvec = jnp.zeros((16,), jnp.float32)

    def zero_fill(g, _):
        r = g * 16 + lane
        for k in range(8):
            plsc.store_scatter(zerov, [r, jnp.full((16,), k, jnp.int32)], zvec)
        return 0
    lax.fori_loop(0, 64, zero_fill, 0)

    def zero_f32(j, _):
        pltpu.sync_copy(zerov, out8.at[pl.ds(tid * ZROWS + j * 1024, 1024)])
        return 0
    lax.fori_loop(0, 31, zero_f32, 0)
    pltpu.sync_copy(zerov.at[pl.ds(0, ZROWS - 31 * 1024)],
                    out8.at[pl.ds(tid * ZROWS + 31 * 1024, ZROWS - 31 * 1024)])
    pltpu.sync_copy(zerov.at[pl.ds(0, NZROWS)],
                    nout.at[pl.ds(tid * NZROWS, NZROWS)])

    def zero_ctr(g, _):
        ctrv[pl.ds(g * 16, 16)] = jnp.zeros((16,), jnp.int32)
        return 0
    lax.fori_loop(0, NBINS // 16, zero_ctr, 0)

    for sub in range(2):
        pltpu.sync_copy(pts8.at[pl.ds((tid * 2 + sub) * SUB, SUB)], ptsv)

        def bin_group(g, _):
            r = g * 16 + lane
            px = plsc.load_gather(ptsv, [r, jnp.full((16,), 0, jnp.int32)])
            py = plsc.load_gather(ptsv, [r, jnp.full((16,), 1, jnp.int32)])
            pz = plsc.load_gather(ptsv, [r, jnp.full((16,), 2, jnp.int32)])
            xi = (px / jnp.float32(0.01)).astype(jnp.int32)
            yi = (py / jnp.float32(0.01)).astype(jnp.int32)
            zi = (pz / jnp.float32(1.0)).astype(jnp.int32)
            inr = ((xi >= 0) & (xi < GX) & (yi >= 0) & (yi < GY)
                   & (zi >= 0) & (zi < 1))
            ln = jnp.where(inr, zi * SENT + yi * GX + xi, SENT)
            old = plsc.load_gather(ctrv, [ln])
            cnt, lastm = plsc.scan_count(ln)
            sl_c = jnp.minimum(old + cnt - 1, 33)
            linv[pl.ds(sub * SUB + g * 16, 16)] = ln * 64 + sl_c
            plsc.store_scatter(ctrv, [ln], old + cnt, mask=lastm)
            return 0
        lax.fori_loop(0, SUB // 16, bin_group, 0)

    pltpu.sync_copy(ctrv, hists.at[pl.ds(tid * NBINS, NBINS)])
    plsc.subcore_barrier()

    b0 = tid * BINS_PER_TILE
    for c in range(NTILES):
        pltpu.sync_copy(hists.at[pl.ds(c * NBINS + b0, BINS_PER_TILE)],
                        rankv.at[pl.ds(c * BINS_PER_TILE, BINS_PER_TILE)])

    def prefix_group(g, _):
        acc = jnp.zeros((16,), jnp.int32)
        for c in range(NTILES):
            h = rankv[pl.ds(c * BINS_PER_TILE + g * 16, 16)]
            rankv[pl.ds(c * BINS_PER_TILE + g * 16, 16)] = acc
            acc = acc + h
        totv[pl.ds(g * 16, 16)] = acc
        return 0
    lax.fori_loop(0, BINS_PER_TILE // 16, prefix_group, 0)

    for c in range(NTILES):
        pltpu.sync_copy(rankv.at[pl.ds(c * BINS_PER_TILE, BINS_PER_TILE)],
                        offs.at[pl.ds(c * NBINS + b0, BINS_PER_TILE)])

    def occ_group(g, a):
        tot = totv[pl.ds(g * 16, 16)]
        binv = b0 + g * 16 + lane
        occ = (tot > 0) & (binv < SENT)
        return a + occ.astype(jnp.int32)
    occ_acc = lax.fori_loop(0, BINS_PER_TILE // 16, occ_group,
                            jnp.zeros((16,), jnp.int32))
    vtmp[...] = jnp.full((16,), jnp.sum(occ_acc), jnp.int32)
    pltpu.sync_copy(vtmp, occ_cnts.at[pl.ds(tid * 16, 16)])
    plsc.subcore_barrier()

    pltpu.sync_copy(occ_cnts, occv)
    diag = plsc.load_gather(occv, [lane * 17])
    rank_base = jnp.sum(jnp.where(lane < tid, diag, 0))

    def rank_group(g, rbase):
        tot = totv[pl.ds(g * 16, 16)]
        binv = b0 + g * 16 + lane
        occ = (tot > 0) & (binv < SENT)
        occ_i = occ.astype(jnp.int32)
        excl = plsc.cumsum(occ_i) - occ_i
        rank = rbase + excl
        rankb[pl.ds(g * 16, 16)] = rank
        r = g * 16 + lane
        plsc.store_scatter(nrows, [r, jnp.full((16,), 0, jnp.int32)],
                           jnp.minimum(tot, MAXP).astype(jnp.float32))
        plsc.store_scatter(nrows, [r, jnp.full((16,), 1, jnp.int32)],
                           (binv // GX).astype(jnp.float32))
        plsc.store_scatter(nrows, [r, jnp.full((16,), 2, jnp.int32)],
                           (binv % GX).astype(jnp.float32))
        fi = g * 16 + lane
        plsc.store_scatter(nidx, [fi // 128, fi % 128],
                           jnp.where(occ, rank, MAXV + tid * 16 + lane))
        return rbase + jnp.sum(occ_i)
    lax.fori_loop(0, BINS_PER_TILE // 16, rank_group, rank_base)

    cps = [pltpu.async_copy(nrows.at[pl.ds(j * 128, 128)],
                            nout.at[nidx.at[j]], sem)
           for j in range(BINS_PER_TILE // 128)]
    for cp in cps:
        cp.wait()
    pltpu.sync_copy(rankb, rank_hbm.at[pl.ds(b0, BINS_PER_TILE)])
    plsc.subcore_barrier()

    pltpu.sync_copy(offs.at[pl.ds(tid * NBINS, NBINS)], ctrv)
    pltpu.sync_copy(rank_hbm, rankv)

    def r32_group(g, _):
        rankv[pl.ds(g * 16, 16)] = rankv[pl.ds(g * 16, 16)] * MAXP
        return 0
    lax.fori_loop(0, NBINS // 16, r32_group, 0)

    for sub in range(2):
        pltpu.sync_copy(pts8.at[pl.ds((tid * 2 + sub) * SUB, SUB)], ptsv)

        def slot_group(g, _):
            packed = linv[pl.ds(sub * SUB + g * 16, 16)]
            ln = jnp.right_shift(packed, 6)
            sl = packed & 63
            off = plsc.load_gather(ctrv, [ln])
            r32 = plsc.load_gather(rankv, [ln])
            s = off + sl
            valid = (ln < SENT) & (s < MAXP)
            dst = jnp.where(valid, r32 + s, ROWS + tid * 16 + lane)
            fi = sub * SUB + g * 16 + lane
            plsc.store_scatter(idxv, [fi // 128, fi % 128], dst)
            return 0
        lax.fori_loop(0, SUB // 16, slot_group, 0)

        def scat_block(b, _):
            for k in range(7):
                pltpu.async_copy(
                    ptsv.at[pl.ds((b * 7 + k) * 128, 128)],
                    out8.at[idxv.at[sub * (SUB // 128) + b * 7 + k]],
                    sem2).wait()
            return 0
        lax.fori_loop(0, 7, scat_block, 0)


def kernel(points):
    n = points.shape[0]
    pts = jnp.concatenate(
        [points, jnp.full((NPAD - n, 4), 2.0, jnp.float32)], axis=0)
    pts8 = jnp.concatenate(
        [pts, jnp.zeros((NPAD, 4), jnp.float32)], axis=1)
    out8, nout, _, _, _, _ = _voxelize_sc(pts8)
    vox = out8[:ROWS, :4].reshape(MAXV, MAXP, 4)
    npts = nout[:MAXV, 0].astype(jnp.int64)
    coords = jnp.stack(
        [jnp.zeros((MAXV,), jnp.int64),
         nout[:MAXV, 1].astype(jnp.int64),
         nout[:MAXV, 2].astype(jnp.int64)], axis=1)
    return vox, coords, npts

# --- scband reference (transcript-rebuilt; emitter-appended) ---
"""Pipeline reference for scband-point-pillars-voxelization-4337916970092 (READ-ONLY COPY).

The authoritative reference and input builder live on the scoring server;
editing this copy changes nothing except your own understanding.
"""

import jax, jax.numpy as jnp
import numpy as np

VOXEL_SIZE = np.array([0.01, 0.01, 1.0], dtype=np.float32)
PC_RANGE = np.array([0.0, 0.0, 0.0, 1.0, 1.0, 1.0], dtype=np.float32)
MAX_POINTS = 32
MAX_VOXELS = 16000
N_POINTS = 200000
GX = int(round(float((PC_RANGE[3] - PC_RANGE[0]) / VOXEL_SIZE[0])))
GY = int(round(float((PC_RANGE[4] - PC_RANGE[1]) / VOXEL_SIZE[1])))
GZ = int(round(float((PC_RANGE[5] - PC_RANGE[2]) / VOXEL_SIZE[2])))
SENTINEL = GX * GY * GZ


def setup_inputs(seed: int = 0):
    key = jax.random.key(seed)
    points = jax.random.uniform(key, (N_POINTS, 4), dtype=jnp.float32)
    return {"points": points}


def _voxelize(points):
    N, D = points.shape
    vs = jnp.asarray(VOXEL_SIZE)
    pr = jnp.asarray(PC_RANGE)
    grid = jnp.array([GX, GY, GZ], dtype=jnp.int32)
    vcoords = jnp.floor((points[:, :3] - pr[None, 0:3]) / vs[None, :]).astype(jnp.int32)
    in_range = jnp.all((vcoords >= 0) & (vcoords < grid[None, :]), axis=1)
    lin = vcoords[:, 2] * (GY * GX) + vcoords[:, 1] * GX + vcoords[:, 0]
    lin = jnp.where(in_range, lin, SENTINEL).astype(jnp.int32)
    # stable sort points by voxel id (histogram binning over the pillar grid)
    order = jnp.argsort(lin)
    lin_s = lin[order]
    pts_s = points[order]
    pos = jnp.arange(N, dtype=jnp.int32)
    new_seg = jnp.concatenate([jnp.ones((1,), dtype=bool), lin_s[1:] != lin_s[:-1]])
    rank = jnp.cumsum(new_seg.astype(jnp.int32)) - 1  # voxel index in order of sorted ids
    seg_start = jax.lax.cummax(jnp.where(new_seg, pos, -1))
    slot = pos - seg_start  # point slot within its voxel
    valid = (lin_s < SENTINEL) & (slot < MAX_POINTS) & (rank < MAX_VOXELS)
    rank_w = jnp.where(valid, rank, MAX_VOXELS)
    slot_w = jnp.where(valid, slot, 0)
    vox = jnp.zeros((MAX_VOXELS + 1, MAX_POINTS, D), dtype=points.dtype)
    vox = vox.at[rank_w, slot_w].set(jnp.where(valid[:, None], pts_s, 0.0))
    out_voxels = vox[:MAX_VOXELS]
    npts = jnp.zeros((MAX_VOXELS + 1,), dtype=jnp.int32).at[rank_w].add(valid.astype(jnp.int32))[:MAX_VOXELS]
    lin_v = jnp.full((MAX_VOXELS + 1,), SENTINEL, dtype=jnp.int32).at[rank_w].min(
        jnp.where(valid, lin_s, SENTINEL))[:MAX_VOXELS]
    occupied = npts > 0
    vz = jnp.where(occupied, lin_v // (GY * GX), 0)
    rem = jnp.where(occupied, lin_v % (GY * GX), 0)
    vy = rem // GX
    vx = rem % GX
    # output coord order is [z, y, x] as in the torch module
    out_coords = jnp.stack([vz, vy, vx], axis=1).astype(jnp.int64)
    return out_voxels, out_coords, npts.astype(jnp.int64)


def reference(points):
    return _voxelize(points)

if __name__ == "__main__":
    import jax
    _d = setup_inputs()
    print(jax.jit(kernel)(*tuple(_d.values())))

</pallas_src>

<mosaic_0001>
#map = affine_map<(d0, d1) -> (0, 0)>
#map1 = affine_map<(d0, d1) -> (0)>
module attributes {stable_mosaic.version = 14 : i64} {
  func.func @_voxelize_sc(%arg0: i32, %arg1: i32, %arg2: memref<200704x8xf32, #tpu.memory_space<hbm>>, %arg3: memref<512256x8xf32, #tpu.memory_space<hbm>>, %arg4: memref<16256x8xf32, #tpu.memory_space<hbm>>, %arg5: memref<163840xi32, #tpu.memory_space<hbm>>, %arg6: memref<163840xi32, #tpu.memory_space<hbm>>, %arg7: memref<256xi32, #tpu.memory_space<hbm>>, %arg8: memref<10240xi32, #tpu.memory_space<hbm>>, %arg9: memref<6272x8xf32, #tpu.memory_space<vmem>>, %arg10: memref<12544xi32, #tpu.memory_space<vmem>>, %arg11: memref<10240xi32, #tpu.memory_space<vmem>>, %arg12: memref<10240xi32, #tpu.memory_space<vmem>>, %arg13: memref<640xi32, #tpu.memory_space<vmem>>, %arg14: memref<640xi32, #tpu.memory_space<vmem>>, %arg15: memref<98x128xi32, #tpu.memory_space<vmem>>, %arg16: memref<1024x8xf32, #tpu.memory_space<vmem>>, %arg17: memref<640x8xf32, #tpu.memory_space<vmem>>, %arg18: memref<5x128xi32, #tpu.memory_space<vmem>>, %arg19: memref<256xi32, #tpu.memory_space<vmem>>, %arg20: memref<16xi32, #tpu.memory_space<vmem>>, %arg21: memref<!tpu.dma_semaphore, #tpu.memory_space<semaphore_mem>>, %arg22: memref<!tpu.dma_semaphore, #tpu.memory_space<semaphore_mem>>) attributes {dimension_semantics = [#tpu.dimension_semantics<core_parallel>, #tpu.dimension_semantics<subcore_parallel>], iteration_bounds = array<i64: 1, 16>, scalar_prefetch = 0 : i64, scratch_operands = 14 : i64, tpu.core_type = #tpu.core_type<sc_vector_subcore>, window_params = [{transform_indices = #map}, {transform_indices = #map}, {transform_indices = #map}, {transform_indices = #map1}, {transform_indices = #map1}, {transform_indices = #map1}, {transform_indices = #map1}]} {
    %iota3A = tpu.iota {dimensions = array<i32: 0>} : vector<16xi32>
    %broadcast_in_dim3A = arith.constant 0.000000e+00 : f32
    %broadcast_in_dim3A_0 = vector.broadcast %broadcast_in_dim3A : f32 to vector<16xf32>
    %scan3A = arith.constant 0 : i32
    %scan3A_1 = arith.constant 0 : i32
    %scan3A_2 = arith.constant 64 : i32
    %scan3A_3 = arith.addi %scan3A_1, %scan3A_2 : i32
    %scan3A_4 = arith.constant 1 : i32
    %scan3A_5 = scf.for %scan3A_305 = %scan3A_1 to %scan3A_3 step %scan3A_4 iter_args(%scan3A_306 = %scan3A) -> (i32)  : i32 {
      %mul3A_307 = arith.constant 16 : i32
      %mul3A_308 = arith.muli %scan3A_305, %mul3A_307 : i32
      %add3A_309 = vector.broadcast %mul3A_308 : i32 to vector<16xi32>
      %add3A_310 = arith.addi %add3A_309, %iota3A : vector<16xi32>
      %broadcast_in_dim3A_311 = arith.constant 0 : i32
      %broadcast_in_dim3A_312 = vector.broadcast %broadcast_in_dim3A_311 : i32 to vector<16xi32>
      tpu.vector_store_idx %arg16[%add3A_310, %broadcast_in_dim3A_312], %broadcast_in_dim3A_0 : memref<1024x8xf32, #tpu.memory_space<vmem>>[vector<16xi32>, vector<16xi32>], vector<16xf32>,
      %broadcast_in_dim3A_313 = arith.constant 1 : i32
      %broadcast_in_dim3A_314 = vector.broadcast %broadcast_in_dim3A_313 : i32 to vector<16xi32>
      tpu.vector_store_idx %arg16[%add3A_310, %broadcast_in_dim3A_314], %broadcast_in_dim3A_0 : memref<1024x8xf32, #tpu.memory_space<vmem>>[vector<16xi32>, vector<16xi32>], vector<16xf32>,
      %broadcast_in_dim3A_315 = arith.constant 2 : i32
      %broadcast_in_dim3A_316 = vector.broadcast %broadcast_in_dim3A_315 : i32 to vector<16xi32>
      tpu.vector_store_idx %arg16[%add3A_310, %broadcast_in_dim3A_316], %broadcast_in_dim3A_0 : memref<1024x8xf32, #tpu.memory_space<vmem>>[vector<16xi32>, vector<16xi32>], vector<16xf32>,
      %broadcast_in_dim3A_317 = arith.constant 3 : i32
      %broadcast_in_dim3A_318 = vector.broadcast %broadcast_in_dim3A_317 : i32 to vector<16xi32>
      tpu.vector_store_idx %arg16[%add3A_310, %broadcast_in_dim3A_318], %broadcast_in_dim3A_0 : memref<1024x8xf32, #tpu.memory_space<vmem>>[vector<16xi32>, vector<16xi32>], vector<16xf32>,
      %broadcast_in_dim3A_319 = arith.constant 4 : i32
      %broadcast_in_dim3A_320 = vector.broadcast %broadcast_in_dim3A_319 : i32 to vector<16xi32>
      tpu.vector_store_idx %arg16[%add3A_310, %broadcast_in_dim3A_320], %broadcast_in_dim3A_0 : memref<1024x8xf32, #tpu.memory_space<vmem>>[vector<16xi32>, vector<16xi32>], vector<16xf32>,
      %broadcast_in_dim3A_321 = arith.constant 5 : i32
      %broadcast_in_dim3A_322 = vector.broadcast %broadcast_in_dim3A_321 : i32 to vector<16xi32>
      tpu.vector_store_idx %arg16[%add3A_310, %broadcast_in_dim3A_322], %broadcast_in_dim3A_0 : memref<1024x8xf32, #tpu.memory_space<vmem>>[vector<16xi32>, vector<16xi32>], vector<16xf32>,
      %broadcast_in_dim3A_323 = arith.constant 6 : i32
      %broadcast_in_dim3A_324 = vector.broadcast %broadcast_in_dim3A_323 : i32 to vector<16xi32>
      tpu.vector_store_idx %arg16[%add3A_310, %broadcast_in_dim3A_324], %broadcast_in_dim3A_0 : memref<1024x8xf32, #tpu.memory_space<vmem>>[vector<16xi32>, vector<16xi32>], vector<16xf32>,
      %broadcast_in_dim3A_325 = arith.constant 7 : i32
      %broadcast_in_dim3A_326 = vector.broadcast %broadcast_in_dim3A_325 : i32 to vector<16xi32>
      tpu.vector_store_idx %arg16[%add3A_310, %broadcast_in_dim3A_326], %broadcast_in_dim3A_0 : memref<1024x8xf32, #tpu.memory_space<vmem>>[vector<16xi32>, vector<16xi32>], vector<16xf32>,
      %scan3A_327 = arith.constant 0 : i32
      scf.yield %scan3A_327 : i32
    }
    %scan3A_6 = arith.constant 64 : i32
    %scan3A_7 = arith.constant 0 : i32
    %scan3A_8 = arith.constant 0 : i32
    %scan3A_9 = arith.constant 31 : i32
    %scan3A_10 = arith.addi %scan3A_8, %scan3A_9 : i32
    %scan3A_11 = arith.constant 1 : i32
    %scan3A_12 = scf.for %scan3A_305 = %scan3A_8 to %scan3A_10 step %scan3A_11 iter_args(%scan3A_306 = %scan3A_7) -> (i32)  : i32 {
      %mul3A_307 = arith.constant 32016 : i32
      %mul3A_308 = arith.muli %arg1, %mul3A_307 : i32
      %mul3A_309 = arith.constant 1024 : i32
      %mul3A_310 = arith.muli %scan3A_305, %mul3A_309 : i32
      %add3A_311 = arith.addi %mul3A_308, %mul3A_310 : i32
      "tpu.region"() ({
        %run_scoped3A = tpu.sem_alloc : memref<!tpu.dma_semaphore, #tpu.memory_space<semaphore_mem>>
        %dma_start3A_313 = arith.constant 0 : i32
        %dma_start3A_314 = tpu.memref_slice %arg3[%add3A_311, %dma_start3A_313] : memref<512256x8xf32, #tpu.memory_space<hbm>> -> memref<1024x8xf32, #tpu.memory_space<hbm>>
        %dma_start3A_315 = arith.constant 0 : i32
        %dma_start3A_316 = tpu.memref_slice %arg3[%add3A_311, %dma_start3A_315] : memref<512256x8xf32, #tpu.memory_space<hbm>> -> memref<1024x8xf32, #tpu.memory_space<hbm>>
        tpu.enqueue_dma source(%arg16 : memref<1024x8xf32, #tpu.memory_space<vmem>>) target(%dma_start3A_316 : memref<1024x8xf32, #tpu.memory_space<hbm>>) target_semaphore(%run_scoped3A : memref<!tpu.dma_semaphore, #tpu.memory_space<semaphore_mem>>)
        %dma_wait3A_317 = arith.constant 0 : i32
        %dma_wait3A_318 = tpu.memref_slice %arg3[%add3A_311, %dma_wait3A_317] : memref<512256x8xf32, #tpu.memory_space<hbm>> -> memref<1024x8xf32, #tpu.memory_space<hbm>>
        %dma_wait3A_319 = arith.constant 0 : i32
        %dma_wait3A_320 = tpu.memref_slice %arg3[%add3A_311, %dma_wait3A_319] : memref<512256x8xf32, #tpu.memory_space<hbm>> -> memref<1024x8xf32, #tpu.memory_space<hbm>>
        tpu.wait_dma2 semaphore(%run_scoped3A : memref<!tpu.dma_semaphore, #tpu.memory_space<semaphore_mem>>) src(%arg16 : memref<1024x8xf32, #tpu.memory_space<vmem>>) dst(%dma_wait3A_320 : memref<1024x8xf32, #tpu.memory_space<hbm>>)
        tpu.yield
      }) : () -> ()
      %scan3A_312 = arith.constant 0 : i32
      scf.yield %scan3A_312 : i32
    }
    %scan3A_13 = arith.constant 31 : i32
    %mul3A = arith.constant 32016 : i32
    %mul3A_14 = arith.muli %arg1, %mul3A : i32
    %add3A = arith.constant 31744 : i32
    %add3A_15 = arith.addi %mul3A_14, %add3A : i32
    "tpu.region"() ({
      %run_scoped3A = tpu.sem_alloc : memref<!tpu.dma_semaphore, #tpu.memory_space<semaphore_mem>>
      %dma_start3A_305 = arith.constant 0 : i32
      %dma_start3A_306 = arith.constant 0 : i32
      %dma_start3A_307 = tpu.memref_slice %arg16[%dma_start3A_305, %dma_start3A_306] : memref<1024x8xf32, #tpu.memory_space<vmem>> -> memref<272x8xf32, #tpu.memory_space<vmem>>
      %dma_start3A_308 = arith.constant 0 : i32
      %dma_start3A_309 = tpu.memref_slice %arg3[%add3A_15, %dma_start3A_308] : memref<512256x8xf32, #tpu.memory_space<hbm>> -> memref<272x8xf32, #tpu.memory_space<hbm>>
      %dma_start3A_310 = arith.constant 0 : i32
      %dma_start3A_311 = tpu.memref_slice %arg3[%add3A_15, %dma_start3A_310] : memref<512256x8xf32, #tpu.memory_space<hbm>> -> memref<272x8xf32, #tpu.memory_space<hbm>>
      %dma_start3A_312 = arith.constant 0 : i32
      %dma_start3A_313 = arith.constant 0 : i32
      %dma_start3A_314 = tpu.memref_slice %arg16[%dma_start3A_312, %dma_start3A_313] : memref<1024x8xf32, #tpu.memory_space<vmem>> -> memref<272x8xf32, #tpu.memory_space<vmem>>
      tpu.enqueue_dma source(%dma_start3A_314 : memref<272x8xf32, #tpu.memory_space<vmem>>) target(%dma_start3A_311 : memref<272x8xf32, #tpu.memory_space<hbm>>) target_semaphore(%run_scoped3A : memref<!tpu.dma_semaphore, #tpu.memory_space<semaphore_mem>>)
      %dma_wait3A_315 = arith.constant 0 : i32
      %dma_wait3A_316 = arith.constant 0 : i32
      %dma_wait3A_317 = tpu.memref_slice %arg16[%dma_wait3A_315, %dma_wait3A_316] : memref<1024x8xf32, #tpu.memory_space<vmem>> -> memref<272x8xf32, #tpu.memory_space<vmem>>
      %dma_wait3A_318 = arith.constant 0 : i32
      %dma_wait3A_319 = tpu.memref_slice %arg3[%add3A_15, %dma_wait3A_318] : memref<512256x8xf32, #tpu.memory_space<hbm>> -> memref<272x8xf32, #tpu.memory_space<hbm>>
      %dma_wait3A_320 = arith.constant 0 : i32
      %dma_wait3A_321 = tpu.memref_slice %arg3[%add3A_15, %dma_wait3A_320] : memref<512256x8xf32, #tpu.memory_space<hbm>> -> memref<272x8xf32, #tpu.memory_space<hbm>>
      %dma_wait3A_322 = arith.constant 0 : i32
      %dma_wait3A_323 = arith.constant 0 : i32
      %dma_wait3A_324 = tpu.memref_slice %arg16[%dma_wait3A_322, %dma_wait3A_323] : memref<1024x8xf32, #tpu.memory_space<vmem>> -> memref<272x8xf32, #tpu.memory_space<vmem>>
      tpu.wait_dma2 semaphore(%run_scoped3A : memref<!tpu.dma_semaphore, #tpu.memory_space<semaphore_mem>>) src(%dma_wait3A_324 : memref<272x8xf32, #tpu.memory_space<vmem>>) dst(%dma_wait3A_321 : memref<272x8xf32, #tpu.memory_space<hbm>>)
      tpu.yield
    }) : () -> ()
    %mul3A_16 = arith.constant 1016 : i32
    %mul3A_17 = arith.muli %arg1, %mul3A_16 : i32
    "tpu.region"() ({
      %run_scoped3A = tpu.sem_alloc : memref<!tpu.dma_semaphore, #tpu.memory_space<semaphore_mem>>
      %dma_start3A_305 = arith.constant 0 : i32
      %dma_start3A_306 = arith.constant 0 : i32
      %dma_start3A_307 = tpu.memref_slice %arg16[%dma_start3A_305, %dma_start3A_306] : memref<1024x8xf32, #tpu.memory_space<vmem>> -> memref<1016x8xf32, #tpu.memory_space<vmem>>
      %dma_start3A_308 = arith.constant 0 : i32
      %dma_start3A_309 = tpu.memref_slice %arg4[%mul3A_17, %dma_start3A_308] : memref<16256x8xf32, #tpu.memory_space<hbm>> -> memref<1016x8xf32, #tpu.memory_space<hbm>>
      %dma_start3A_310 = arith.constant 0 : i32
      %dma_start3A_311 = tpu.memref_slice %arg4[%mul3A_17, %dma_start3A_310] : memref<16256x8xf32, #tpu.memory_space<hbm>> -> memref<1016x8xf32, #tpu.memory_space<hbm>>
      %dma_start3A_312 = arith.constant 0 : i32
      %dma_start3A_313 = arith.constant 0 : i32
      %dma_start3A_314 = tpu.memref_slice %arg16[%dma_start3A_312, %dma_start3A_313] : memref<1024x8xf32, #tpu.memory_space<vmem>> -> memref<1016x8xf32, #tpu.memory_space<vmem>>
      tpu.enqueue_dma source(%dma_start3A_314 : memref<1016x8xf32, #tpu.memory_space<vmem>>) target(%dma_start3A_311 : memref<1016x8xf32, #tpu.memory_space<hbm>>) target_semaphore(%run_scoped3A : memref<!tpu.dma_semaphore, #tpu.memory_space<semaphore_mem>>)
      %dma_wait3A_315 = arith.constant 0 : i32
      %dma_wait3A_316 = arith.constant 0 : i32
      %dma_wait3A_317 = tpu.memref_slice %arg16[%dma_wait3A_315, %dma_wait3A_316] : memref<1024x8xf32, #tpu.memory_space<vmem>> -> memref<1016x8xf32, #tpu.memory_space<vmem>>
      %dma_wait3A_318 = arith.constant 0 : i32
      %dma_wait3A_319 = tpu.memref_slice %arg4[%mul3A_17, %dma_wait3A_318] : memref<16256x8xf32, #tpu.memory_space<hbm>> -> memref<1016x8xf32, #tpu.memory_space<hbm>>
      %dma_wait3A_320 = arith.constant 0 : i32
      %dma_wait3A_321 = tpu.memref_slice %arg4[%mul3A_17, %dma_wait3A_320] : memref<16256x8xf32, #tpu.memory_space<hbm>> -> memref<1016x8xf32, #tpu.memory_space<hbm>>
      %dma_wait3A_322 = arith.constant 0 : i32
      %dma_wait3A_323 = arith.constant 0 : i32
      %dma_wait3A_324 = tpu.memref_slice %arg16[%dma_wait3A_322, %dma_wait3A_323] : memref<1024x8xf32, #tpu.memory_space<vmem>> -> memref<1016x8xf32, #tpu.memory_space<vmem>>
      tpu.wait_dma2 semaphore(%run_scoped3A : memref<!tpu.dma_semaphore, #tpu.memory_space<semaphore_mem>>) src(%dma_wait3A_324 : memref<1016x8xf32, #tpu.memory_space<vmem>>) dst(%dma_wait3A_321 : memref<1016x8xf32, #tpu.memory_space<hbm>>)
      tpu.yield
    }) : () -> ()
    %scan3A_18 = arith.constant 0 : i32
    %scan3A_19 = arith.constant 0 : i32
    %scan3A_20 = arith.constant 640 : i32
    %scan3A_21 = arith.addi %scan3A_19, %scan3A_20 : i32
    %scan3A_22 = arith.constant 1 : i32
    %scan3A_23 = scf.for %scan3A_305 = %scan3A_19 to %scan3A_21 step %scan3A_22 iter_args(%scan3A_306 = %scan3A_18) -> (i32)  : i32 {
      %broadcast_in_dim3A_307 = arith.constant 0 : i32
      %broadcast_in_dim3A_308 = vector.broadcast %broadcast_in_dim3A_307 : i32 to vector<16xi32>
      %mul3A_309 = arith.constant 16 : i32
      %mul3A_310 = arith.muli %scan3A_305, %mul3A_309 : i32
      %swap3A_311 = arith.index_cast %mul3A_310 : i32 to index
      %swap3A_312 = tpu.vector_load %arg11[%swap3A_311] {strides = array<i32>} : memref<10240xi32, #tpu.memory_space<vmem>>, vector<16xi32>,
      tpu.vector_store %arg11[%swap3A_311], %broadcast_in_dim3A_308 {strides = array<i32>} : memref<10240xi32, #tpu.memory_space<vmem>>, vector<16xi32>,
      %scan3A_313 = arith.constant 0 : i32
      scf.yield %scan3A_313 : i32
    }
    %scan3A_24 = arith.constant 640 : i32
    %mul3A_25 = arith.constant 2 : i32
    %mul3A_26 = arith.muli %arg1, %mul3A_25 : i32
    %add3A_27 = arith.constant 0 : i32
    %add3A_28 = arith.addi %mul3A_26, %add3A_27 : i32
    %mul3A_29 = arith.constant 6272 : i32
    %mul3A_30 = arith.muli %add3A_28, %mul3A_29 : i32
    "tpu.region"() ({
      %run_scoped3A = tpu.sem_alloc : memref<!tpu.dma_semaphore, #tpu.memory_space<semaphore_mem>>
      %dma_start3A_305 = arith.constant 0 : i32
      %dma_start3A_306 = tpu.memref_slice %arg2[%mul3A_30, %dma_start3A_305] : memref<200704x8xf32, #tpu.memory_space<hbm>> -> memref<6272x8xf32, #tpu.memory_space<hbm>>
      %dma_start3A_307 = arith.constant 0 : i32
      %dma_start3A_308 = tpu.memref_slice %arg2[%mul3A_30, %dma_start3A_307] : memref<200704x8xf32, #tpu.memory_space<hbm>> -> memref<6272x8xf32, #tpu.memory_space<hbm>>
      tpu.enqueue_dma source(%dma_start3A_308 : memref<6272x8xf32, #tpu.memory_space<hbm>>) target(%arg9 : memref<6272x8xf32, #tpu.memory_space<vmem>>) target_semaphore(%run_scoped3A : memref<!tpu.dma_semaphore, #tpu.memory_space<semaphore_mem>>)
      %dma_wait3A_309 = arith.constant 0 : i32
      %dma_wait3A_310 = tpu.memref_slice %arg2[%mul3A_30, %dma_wait3A_309] : memref<200704x8xf32, #tpu.memory_space<hbm>> -> memref<6272x8xf32, #tpu.memory_space<hbm>>
      %dma_wait3A_311 = arith.constant 0 : i32
      %dma_wait3A_312 = tpu.memref_slice %arg2[%mul3A_30, %dma_wait3A_311] : memref<200704x8xf32, #tpu.memory_space<hbm>> -> memref<6272x8xf32, #tpu.memory_space<hbm>>
      tpu.wait_dma2 semaphore(%run_scoped3A : memref<!tpu.dma_semaphore, #tpu.memory_space<semaphore_mem>>) src(%dma_wait3A_312 : memref<6272x8xf32, #tpu.memory_space<hbm>>) dst(%arg9 : memref<6272x8xf32, #tpu.memory_space<vmem>>)
      tpu.yield
    }) : () -> ()
    %scan3A_31 = arith.constant 0 : i32
    %scan3A_32 = arith.constant 0 : i32
    %scan3A_33 = arith.constant 392 : i32
    %scan3A_34 = arith.addi %scan3A_32, %scan3A_33 : i32
    %scan3A_35 = arith.constant 1 : i32
    %scan3A_36 = scf.for %scan3A_305 = %scan3A_32 to %scan3A_34 step %scan3A_35 iter_args(%scan3A_306 = %scan3A_31) -> (i32)  : i32 {
      %mul3A_307 = arith.constant 16 : i32
      %mul3A_308 = arith.muli %scan3A_305, %mul3A_307 : i32
      %add3A_309 = vector.broadcast %mul3A_308 : i32 to vector<16xi32>
      %add3A_310 = arith.addi %add3A_309, %iota3A : vector<16xi32>
      %broadcast_in_dim3A_311 = arith.constant 0 : i32
      %broadcast_in_dim3A_312 = vector.broadcast %broadcast_in_dim3A_311 : i32 to vector<16xi32>
      %gather3A_313 = tpu.vector_load_idx %arg9[%add3A_310, %broadcast_in_dim3A_312] : memref<6272x8xf32, #tpu.memory_space<vmem>>[vector<16xi32>, vector<16xi32>], vector<16xf32>,
      %broadcast_in_dim3A_314 = arith.constant 1 : i32
      %broadcast_in_dim3A_315 = vector.broadcast %broadcast_in_dim3A_314 : i32 to vector<16xi32>
      %gather3A_316 = tpu.vector_load_idx %arg9[%add3A_310, %broadcast_in_dim3A_315] : memref<6272x8xf32, #tpu.memory_space<vmem>>[vector<16xi32>, vector<16xi32>], vector<16xf32>,
      %broadcast_in_dim3A_317 = arith.constant 2 : i32
      %broadcast_in_dim3A_318 = vector.broadcast %broadcast_in_dim3A_317 : i32 to vector<16xi32>
      %gather3A_319 = tpu.vector_load_idx %arg9[%add3A_310, %broadcast_in_dim3A_318] : memref<6272x8xf32, #tpu.memory_space<vmem>>[vector<16xi32>, vector<16xi32>], vector<16xf32>,
      %div3A = arith.constant 0.00999999977 : f32
      %div3A_320 = vector.broadcast %div3A : f32 to vector<16xf32>
      %div3A_321 = arith.divf %gather3A_313, %div3A_320 : vector<16xf32>
      %convert_element_type3A = arith.fptosi %div3A_321 : vector<16xf32> to vector<16xi32>
      %div3A_322 = arith.constant 0.00999999977 : f32
      %div3A_323 = vector.broadcast %div3A_322 : f32 to vector<16xf32>
      %div3A_324 = arith.divf %gather3A_316, %div3A_323 : vector<16xf32>
      %convert_element_type3A_325 = arith.fptosi %div3A_324 : vector<16xf32> to vector<16xi32>
      %div3A_326 = arith.constant 1.000000e+00 : f32
      %div3A_327 = vector.broadcast %div3A_326 : f32 to vector<16xf32>
      %div3A_328 = arith.divf %gather3A_319, %div3A_327 : vector<16xf32>
      %convert_element_type3A_329 = arith.fptosi %div3A_328 : vector<16xf32> to vector<16xi32>
      %ge3A = arith.constant 0 : i32
      %ge3A_330 = vector.broadcast %ge3A : i32 to vector<16xi32>
      %ge3A_331 = arith.cmpi sge, %convert_element_type3A, %ge3A_330 : vector<16xi32>
      %lt3A_332 = arith.constant 100 : i32
      %lt3A_333 = vector.broadcast %lt3A_332 : i32 to vector<16xi32>
      %lt3A_334 = arith.cmpi slt, %convert_element_type3A, %lt3A_333 : vector<16xi32>
      %and3A = arith.andi %ge3A_331, %lt3A_334 : vector<16xi1>
      %ge3A_335 = arith.constant 0 : i32
      %ge3A_336 = vector.broadcast %ge3A_335 : i32 to vector<16xi32>
      %ge3A_337 = arith.cmpi sge, %convert_element_type3A_325, %ge3A_336 : vector<16xi32>
      %and3A_338 = arith.andi %and3A, %ge3A_337 : vector<16xi1>
      %lt3A_339 = arith.constant 100 : i32
      %lt3A_340 = vector.broadcast %lt3A_339 : i32 to vector<16xi32>
      %lt3A_341 = arith.cmpi slt, %convert_element_type3A_325, %lt3A_340 : vector<16xi32>
      %and3A_342 = arith.andi %and3A_338, %lt3A_341 : vector<16xi1>
      %ge3A_343 = arith.constant 0 : i32
      %ge3A_344 = vector.broadcast %ge3A_343 : i32 to vector<16xi32>
      %ge3A_345 = arith.cmpi sge, %convert_element_type3A_329, %ge3A_344 : vector<16xi32>
      %and3A_346 = arith.andi %and3A_342, %ge3A_345 : vector<16xi1>
      %lt3A_347 = arith.constant 1 : i32
      %lt3A_348 = vector.broadcast %lt3A_347 : i32 to vector<16xi32>
      %lt3A_349 = arith.cmpi slt, %convert_element_type3A_329, %lt3A_348 : vector<16xi32>
      %and3A_350 = arith.andi %and3A_346, %lt3A_349 : vector<16xi1>
      %mul3A_351 = arith.constant 10000 : i32
      %mul3A_352 = vector.broadcast %mul3A_351 : i32 to vector<16xi32>
      %mul3A_353 = arith.muli %convert_element_type3A_329, %mul3A_352 : vector<16xi32>
      %mul3A_354 = arith.constant 100 : i32
      %mul3A_355 = vector.broadcast %mul3A_354 : i32 to vector<16xi32>
      %mul3A_356 = arith.muli %convert_element_type3A_325, %mul3A_355 : vector<16xi32>
      %add3A_357 = arith.addi %mul3A_353, %mul3A_356 : vector<16xi32>
      %add3A_358 = arith.addi %add3A_357, %convert_element_type3A : vector<16xi32>
      %jit3A_359 = arith.constant 10000 : i32
      %broadcast_in_dim3A_360 = vector.broadcast %jit3A_359 : i32 to vector<16xi32>
      %select_n3A_361 = arith.select %and3A_350, %add3A_358, %broadcast_in_dim3A_360 : vector<16xi1>, vector<16xi32>
      %gather3A_362 = tpu.vector_load_idx %arg11[%select_n3A_361] : memref<10240xi32, #tpu.memory_space<vmem>>[vector<16xi32>], vector<16xi32>,
      %broadcast_in_dim3A_363 = arith.constant true
      %broadcast_in_dim3A_364 = vector.broadcast %broadcast_in_dim3A_363 : i1 to vector<16xi1>
      %unique3A, %unique3A_365 = tpu.scan_count mask(%broadcast_in_dim3A_364 : vector<16xi1>) value(%select_n3A_361 : vector<16xi32>) : vector<16xi1>, vector<16xi32>
      %add3A_366 = arith.addi %gather3A_362, %unique3A_365 : vector<16xi32>
      %sub3A = arith.constant 1 : i32
      %sub3A_367 = vector.broadcast %sub3A : i32 to vector<16xi32>
      %sub3A_368 = arith.subi %add3A_366, %sub3A_367 : vector<16xi32>
      %min3A = arith.constant 33 : i32
      %min3A_369 = vector.broadcast %min3A : i32 to vector<16xi32>
      %min3A_370 = arith.minsi %sub3A_368, %min3A_369 : vector<16xi32>
      %mul3A_371 = arith.constant 64 : i32
      %mul3A_372 = vector.broadcast %mul3A_371 : i32 to vector<16xi32>
      %mul3A_373 = arith.muli %select_n3A_361, %mul3A_372 : vector<16xi32>
      %add3A_374 = arith.addi %mul3A_373, %min3A_370 : vector<16xi32>
      %mul3A_375 = arith.constant 16 : i32
      %mul3A_376 = arith.muli %scan3A_305, %mul3A_375 : i32
      %add3A_377 = arith.constant 0 : i32
      %add3A_378 = arith.addi %add3A_377, %mul3A_376 : i32
      %swap3A_379 = arith.index_cast %add3A_378 : i32 to index
      %swap3A_380 = tpu.vector_load %arg10[%swap3A_379] {strides = array<i32>} : memref<12544xi32, #tpu.memory_space<vmem>>, vector<16xi32>,
      tpu.vector_store %arg10[%swap3A_379], %add3A_374 {strides = array<i32>} : memref<12544xi32, #tpu.memory_space<vmem>>, vector<16xi32>,
      %add3A_381 = arith.addi %gather3A_362, %unique3A_365 : vector<16xi32>
      tpu.vector_store_idx %arg11[%select_n3A_361], %add3A_381 masked %unique3A : memref<10240xi32, #tpu.memory_space<vmem>>[vector<16xi32>], vector<16xi32>, vector<16xi1>
      %scan3A_382 = arith.constant 0 : i32
      scf.yield %scan3A_382 : i32
    }
    %scan3A_37 = arith.constant 392 : i32
    %mul3A_38 = arith.constant 2 : i32
    %mul3A_39 = arith.muli %arg1, %mul3A_38 : i32
    %add3A_40 = arith.constant 1 : i32
    %add3A_41 = arith.addi %mul3A_39, %add3A_40 : i32
    %mul3A_42 = arith.constant 6272 : i32
    %mul3A_43 = arith.muli %add3A_41, %mul3A_42 : i32
    "tpu.region"() ({
      %run_scoped3A = tpu.sem_alloc : memref<!tpu.dma_semaphore, #tpu.memory_space<semaphore_mem>>
      %dma_start3A_305 = arith.constant 0 : i32
      %dma_start3A_306 = tpu.memref_slice %arg2[%mul3A_43, %dma_start3A_305] : memref<200704x8xf32, #tpu.memory_space<hbm>> -> memref<6272x8xf32, #tpu.memory_space<hbm>>
      %dma_start3A_307 = arith.constant 0 : i32
      %dma_start3A_308 = tpu.memref_slice %arg2[%mul3A_43, %dma_start3A_307] : memref<200704x8xf32, #tpu.memory_space<hbm>> -> memref<6272x8xf32, #tpu.memory_space<hbm>>
      tpu.enqueue_dma source(%dma_start3A_308 : memref<6272x8xf32, #tpu.memory_space<hbm>>) target(%arg9 : memref<6272x8xf32, #tpu.memory_space<vmem>>) target_semaphore(%run_scoped3A : memref<!tpu.dma_semaphore, #tpu.memory_space<semaphore_mem>>)
      %dma_wait3A_309 = arith.constant 0 : i32
      %dma_wait3A_310 = tpu.memref_slice %arg2[%mul3A_43, %dma_wait3A_309] : memref<200704x8xf32, #tpu.memory_space<hbm>> -> memref<6272x8xf32, #tpu.memory_space<hbm>>
      %dma_wait3A_311 = arith.constant 0 : i32
      %dma_wait3A_312 = tpu.memref_slice %arg2[%mul3A_43, %dma_wait3A_311] : memref<200704x8xf32, #tpu.memory_space<hbm>> -> memref<6272x8xf32, #tpu.memory_space<hbm>>
      tpu.wait_dma2 semaphore(%run_scoped3A : memref<!tpu.dma_semaphore, #tpu.memory_space<semaphore_mem>>) src(%dma_wait3A_312 : memref<6272x8xf32, #tpu.memory_space<hbm>>) dst(%arg9 : memref<6272x8xf32, #tpu.memory_space<vmem>>)
      tpu.yield
    }) : () -> ()
    %scan3A_44 = arith.constant 0 : i32
    %scan3A_45 = arith.constant 0 : i32
    %scan3A_46 = arith.constant 392 : i32
    %scan3A_47 = arith.addi %scan3A_45, %scan3A_46 : i32
    %scan3A_48 = arith.constant 1 : i32
    %scan3A_49 = scf.for %scan3A_305 = %scan3A_45 to %scan3A_47 step %scan3A_48 iter_args(%scan3A_306 = %scan3A_44) -> (i32)  : i32 {
      %mul3A_307 = arith.constant 16 : i32
      %mul3A_308 = arith.muli %scan3A_305, %mul3A_307 : i32
      %add3A_309 = vector.broadcast %mul3A_308 : i32 to vector<16xi32>
      %add3A_310 = arith.addi %add3A_309, %iota3A : vector<16xi32>
      %broadcast_in_dim3A_311 = arith.constant 0 : i32
      %broadcast_in_dim3A_312 = vector.broadcast %broadcast_in_dim3A_311 : i32 to vector<16xi32>
      %gather3A_313 = tpu.vector_load_idx %arg9[%add3A_310, %broadcast_in_dim3A_312] : memref<6272x8xf32, #tpu.memory_space<vmem>>[vector<16xi32>, vector<16xi32>], vector<16xf32>,
      %broadcast_in_dim3A_314 = arith.constant 1 : i32
      %broadcast_in_dim3A_315 = vector.broadcast %broadcast_in_dim3A_314 : i32 to vector<16xi32>
      %gather3A_316 = tpu.vector_load_idx %arg9[%add3A_310, %broadcast_in_dim3A_315] : memref<6272x8xf32, #tpu.memory_space<vmem>>[vector<16xi32>, vector<16xi32>], vector<16xf32>,
      %broadcast_in_dim3A_317 = arith.constant 2 : i32
      %broadcast_in_dim3A_318 = vector.broadcast %broadcast_in_dim3A_317 : i32 to vector<16xi32>
      %gather3A_319 = tpu.vector_load_idx %arg9[%add3A_310, %broadcast_in_dim3A_318] : memref<6272x8xf32, #tpu.memory_space<vmem>>[vector<16xi32>, vector<16xi32>], vector<16xf32>,
      %div3A = arith.constant 0.00999999977 : f32
      %div3A_320 = vector.broadcast %div3A : f32 to vector<16xf32>
      %div3A_321 = arith.divf %gather3A_313, %div3A_320 : vector<16xf32>
      %convert_element_type3A = arith.fptosi %div3A_321 : vector<16xf32> to vector<16xi32>
      %div3A_322 = arith.constant 0.00999999977 : f32
      %div3A_323 = vector.broadcast %div3A_322 : f32 to vector<16xf32>
      %div3A_324 = arith.divf %gather3A_316, %div3A_323 : vector<16xf32>
      %convert_element_type3A_325 = arith.fptosi %div3A_324 : vector<16xf32> to vector<16xi32>
      %div3A_326 = arith.constant 1.000000e+00 : f32
      %div3A_327 = vector.broadcast %div3A_326 : f32 to vector<16xf32>
      %div3A_328 = arith.divf %gather3A_319, %div3A_327 : vector<16xf32>
      %convert_element_type3A_329 = arith.fptosi %div3A_328 : vector<16xf32> to vector<16xi32>
      %ge3A = arith.constant 0 : i32
      %ge3A_330 = vector.broadcast %ge3A : i32 to vector<16xi32>
      %ge3A_331 = arith.cmpi sge, %convert_element_type3A, %ge3A_330 : vector<16xi32>
      %lt3A_332 = arith.constant 100 : i32
      %lt3A_333 = vector.broadcast %lt3A_332 : i32 to vector<16xi32>
      %lt3A_334 = arith.cmpi slt, %convert_element_type3A, %lt3A_333 : vector<16xi32>
      %and3A = arith.andi %ge3A_331, %lt3A_334 : vector<16xi1>
      %ge3A_335 = arith.constant 0 : i32
      %ge3A_336 = vector.broadcast %ge3A_335 : i32 to vector<16xi32>
      %ge3A_337 = arith.cmpi sge, %convert_element_type3A_325, %ge3A_336 : vector<16xi32>
      %and3A_338 = arith.andi %and3A, %ge3A_337 : vector<16xi1>
      %lt3A_339 = arith.constant 100 : i32
      %lt3A_340 = vector.broadcast %lt3A_339 : i32 to vector<16xi32>
      %lt3A_341 = arith.cmpi slt, %convert_element_type3A_325, %lt3A_340 : vector<16xi32>
      %and3A_342 = arith.andi %and3A_338, %lt3A_341 : vector<16xi1>
      %ge3A_343 = arith.constant 0 : i32
      %ge3A_344 = vector.broadcast %ge3A_343 : i32 to vector<16xi32>
      %ge3A_345 = arith.cmpi sge, %convert_element_type3A_329, %ge3A_344 : vector<16xi32>
      %and3A_346 = arith.andi %and3A_342, %ge3A_345 : vector<16xi1>
      %lt3A_347 = arith.constant 1 : i32
      %lt3A_348 = vector.broadcast %lt3A_347 : i32 to vector<16xi32>
      %lt3A_349 = arith.cmpi slt, %convert_element_type3A_329, %lt3A_348 : vector<16xi32>
      %and3A_350 = arith.andi %and3A_346, %lt3A_349 : vector<16xi1>
      %mul3A_351 = arith.constant 10000 : i32
      %mul3A_352 = vector.broadcast %mul3A_351 : i32 to vector<16xi32>
      %mul3A_353 = arith.muli %convert_element_type3A_329, %mul3A_352 : vector<16xi32>
      %mul3A_354 = arith.constant 100 : i32
      %mul3A_355 = vector.broadcast %mul3A_354 : i32 to vector<16xi32>
      %mul3A_356 = arith.muli %convert_element_type3A_325, %mul3A_355 : vector<16xi32>
      %add3A_357 = arith.addi %mul3A_353, %mul3A_356 : vector<16xi32>
      %add3A_358 = arith.addi %add3A_357, %convert_element_type3A : vector<16xi32>
      %jit3A_359 = arith.constant 10000 : i32
      %broadcast_in_dim3A_360 = vector.broadcast %jit3A_359 : i32 to vector<16xi32>
      %select_n3A_361 = arith.select %and3A_350, %add3A_358, %broadcast_in_dim3A_360 : vector<16xi1>, vector<16xi32>
      %gather3A_362 = tpu.vector_load_idx %arg11[%select_n3A_361] : memref<10240xi32, #tpu.memory_space<vmem>>[vector<16xi32>], vector<16xi32>,
      %broadcast_in_dim3A_363 = arith.constant true
      %broadcast_in_dim3A_364 = vector.broadcast %broadcast_in_dim3A_363 : i1 to vector<16xi1>
      %unique3A, %unique3A_365 = tpu.scan_count mask(%broadcast_in_dim3A_364 : vector<16xi1>) value(%select_n3A_361 : vector<16xi32>) : vector<16xi1>, vector<16xi32>
      %add3A_366 = arith.addi %gather3A_362, %unique3A_365 : vector<16xi32>
      %sub3A = arith.constant 1 : i32
      %sub3A_367 = vector.broadcast %sub3A : i32 to vector<16xi32>
      %sub3A_368 = arith.subi %add3A_366, %sub3A_367 : vector<16xi32>
      %min3A = arith.constant 33 : i32
      %min3A_369 = vector.broadcast %min3A : i32 to vector<16xi32>
      %min3A_370 = arith.minsi %sub3A_368, %min3A_369 : vector<16xi32>
      %mul3A_371 = arith.constant 64 : i32
      %mul3A_372 = vector.broadcast %mul3A_371 : i32 to vector<16xi32>
      %mul3A_373 = arith.muli %select_n3A_361, %mul3A_372 : vector<16xi32>
      %add3A_374 = arith.addi %mul3A_373, %min3A_370 : vector<16xi32>
      %mul3A_375 = arith.constant 16 : i32
      %mul3A_376 = arith.muli %scan3A_305, %mul3A_375 : i32
      %add3A_377 = arith.constant 6272 : i32
      %add3A_378 = arith.addi %add3A_377, %mul3A_376 : i32
      %swap3A_379 = arith.index_cast %add3A_378 : i32 to index
      %swap3A_380 = tpu.vector_load %arg10[%swap3A_379] {strides = array<i32>} : memref<12544xi32, #tpu.memory_space<vmem>>, vector<16xi32>,
      tpu.vector_store %arg10[%swap3A_379], %add3A_374 {strides = array<i32>} : memref<12544xi32, #tpu.memory_space<vmem>>, vector<16xi32>,
      %add3A_381 = arith.addi %gather3A_362, %unique3A_365 : vector<16xi32>
      tpu.vector_store_idx %arg11[%select_n3A_361], %add3A_381 masked %unique3A : memref<10240xi32, #tpu.memory_space<vmem>>[vector<16xi32>], vector<16xi32>, vector<16xi1>
      %scan3A_382 = arith.constant 0 : i32
      scf.yield %scan3A_382 : i32
    }
    %scan3A_50 = arith.constant 392 : i32
    %mul3A_51 = arith.constant 10240 : i32
    %mul3A_52 = arith.muli %arg1, %mul3A_51 : i32
    "tpu.region"() ({
      %run_scoped3A = tpu.sem_alloc : memref<!tpu.dma_semaphore, #tpu.memory_space<semaphore_mem>>
      %dma_start3A_305 = tpu.memref_slice %arg5[%mul3A_52] : memref<163840xi32, #tpu.memory_space<hbm>> -> memref<10240xi32, #tpu.memory_space<hbm>>
      %dma_start3A_306 = tpu.memref_slice %arg5[%mul3A_52] : memref<163840xi32, #tpu.memory_space<hbm>> -> memref<10240xi32, #tpu.memory_space<hbm>>
      tpu.enqueue_dma source(%arg11 : memref<10240xi32, #tpu.memory_space<vmem>>) target(%dma_start3A_306 : memref<10240xi32, #tpu.memory_space<hbm>>) target_semaphore(%run_scoped3A : memref<!tpu.dma_semaphore, #tpu.memory_space<semaphore_mem>>)
      %dma_wait3A_307 = tpu.memref_slice %arg5[%mul3A_52] : memref<163840xi32, #tpu.memory_space<hbm>> -> memref<10240xi32, #tpu.memory_space<hbm>>
      %dma_wait3A_308 = tpu.memref_slice %arg5[%mul3A_52] : memref<163840xi32, #tpu.memory_space<hbm>> -> memref<10240xi32, #tpu.memory_space<hbm>>
      tpu.wait_dma2 semaphore(%run_scoped3A : memref<!tpu.dma_semaphore, #tpu.memory_space<semaphore_mem>>) src(%arg11 : memref<10240xi32, #tpu.memory_space<vmem>>) dst(%dma_wait3A_308 : memref<10240xi32, #tpu.memory_space<hbm>>)
      tpu.yield
    }) : () -> ()
    %barrier3A = arith.constant 0 : index
    tpu.barrier barrier_id(%barrier3A)
    %mul3A_53 = arith.constant 640 : i32
    %mul3A_54 = arith.muli %arg1, %mul3A_53 : i32
    %add3A_55 = arith.constant 0 : i32
    %add3A_56 = arith.addi %add3A_55, %mul3A_54 : i32
    "tpu.region"() ({
      %run_scoped3A = tpu.sem_alloc : memref<!tpu.dma_semaphore, #tpu.memory_space<semaphore_mem>>
      %dma_start3A_305 = arith.constant 0 : i32
      %dma_start3A_306 = tpu.memref_slice %arg12[%dma_start3A_305] : memref<10240xi32, #tpu.memory_space<vmem>> -> memref<640xi32, #tpu.memory_space<vmem>>
      %dma_start3A_307 = tpu.memref_slice %arg5[%add3A_56] : memref<163840xi32, #tpu.memory_space<hbm>> -> memref<640xi32, #tpu.memory_space<hbm>>
      %dma_start3A_308 = arith.constant 0 : i32
      %dma_start3A_309 = tpu.memref_slice %arg12[%dma_start3A_308] : memref<10240xi32, #tpu.memory_space<vmem>> -> memref<640xi32, #tpu.memory_space<vmem>>
      %dma_start3A_310 = tpu.memref_slice %arg5[%add3A_56] : memref<163840xi32, #tpu.memory_space<hbm>> -> memref<640xi32, #tpu.memory_space<hbm>>
      tpu.enqueue_dma source(%dma_start3A_310 : memref<640xi32, #tpu.memory_space<hbm>>) target(%dma_start3A_309 : memref<640xi32, #tpu.memory_space<vmem>>) target_semaphore(%run_scoped3A : memref<!tpu.dma_semaphore, #tpu.memory_space<semaphore_mem>>)
      %dma_wait3A_311 = arith.constant 0 : i32
      %dma_wait3A_312 = tpu.memref_slice %arg12[%dma_wait3A_311] : memref<10240xi32, #tpu.memory_space<vmem>> -> memref<640xi32, #tpu.memory_space<vmem>>
      %dma_wait3A_313 = tpu.memref_slice %arg5[%add3A_56] : memref<163840xi32, #tpu.memory_space<hbm>> -> memref<640xi32, #tpu.memory_space<hbm>>
      %dma_wait3A_314 = arith.constant 0 : i32
      %dma_wait3A_315 = tpu.memref_slice %arg12[%dma_wait3A_314] : memref<10240xi32, #tpu.memory_space<vmem>> -> memref<640xi32, #tpu.memory_space<vmem>>
      %dma_wait3A_316 = tpu.memref_slice %arg5[%add3A_56] : memref<163840xi32, #tpu.memory_space<hbm>> -> memref<640xi32, #tpu.memory_space<hbm>>
      tpu.wait_dma2 semaphore(%run_scoped3A : memref<!tpu.dma_semaphore, #tpu.memory_space<semaphore_mem>>) src(%dma_wait3A_316 : memref<640xi32, #tpu.memory_space<hbm>>) dst(%dma_wait3A_315 : memref<640xi32, #tpu.memory_space<vmem>>)
      tpu.yield
    }) : () -> ()
    %add3A_57 = arith.constant 10240 : i32
    %add3A_58 = arith.addi %add3A_57, %mul3A_54 : i32
    "tpu.region"() ({
      %run_scoped3A = tpu.sem_alloc : memref<!tpu.dma_semaphore, #tpu.memory_space<semaphore_mem>>
      %dma_start3A_305 = arith.constant 640 : i32
      %dma_start3A_306 = tpu.memref_slice %arg12[%dma_start3A_305] : memref<10240xi32, #tpu.memory_space<vmem>> -> memref<640xi32, #tpu.memory_space<vmem>>
      %dma_start3A_307 = tpu.memref_slice %arg5[%add3A_58] : memref<163840xi32, #tpu.memory_space<hbm>> -> memref<640xi32, #tpu.memory_space<hbm>>
      %dma_start3A_308 = arith.constant 640 : i32
      %dma_start3A_309 = tpu.memref_slice %arg12[%dma_start3A_308] : memref<10240xi32, #tpu.memory_space<vmem>> -> memref<640xi32, #tpu.memory_space<vmem>>
      %dma_start3A_310 = tpu.memref_slice %arg5[%add3A_58] : memref<163840xi32, #tpu.memory_space<hbm>> -> memref<640xi32, #tpu.memory_space<hbm>>
      tpu.enqueue_dma source(%dma_start3A_310 : memref<640xi32, #tpu.memory_space<hbm>>) target(%dma_start3A_309 : memref<640xi32, #tpu.memory_space<vmem>>) target_semaphore(%run_scoped3A : memref<!tpu.dma_semaphore, #tpu.memory_space<semaphore_mem>>)
      %dma_wait3A_311 = arith.constant 640 : i32
      %dma_wait3A_312 = tpu.memref_slice %arg12[%dma_wait3A_311] : memref<10240xi32, #tpu.memory_space<vmem>> -> memref<640xi32, #tpu.memory_space<vmem>>
      %dma_wait3A_313 = tpu.memref_slice %arg5[%add3A_58] : memref<163840xi32, #tpu.memory_space<hbm>> -> memref<640xi32, #tpu.memory_space<hbm>>
      %dma_wait3A_314 = arith.constant 640 : i32
      %dma_wait3A_315 = tpu.memref_slice %arg12[%dma_wait3A_314] : memref<10240xi32, #tpu.memory_space<vmem>> -> memref<640xi32, #tpu.memory_space<vmem>>
      %dma_wait3A_316 = tpu.memref_slice %arg5[%add3A_58] : memref<163840xi32, #tpu.memory_space<hbm>> -> memref<640xi32, #tpu.memory_space<hbm>>
      tpu.wait_dma2 semaphore(%run_scoped3A : memref<!tpu.dma_semaphore, #tpu.memory_space<semaphore_mem>>) src(%dma_wait3A_316 : memref<640xi32, #tpu.memory_space<hbm>>) dst(%dma_wait3A_315 : memref<640xi32, #tpu.memory_space<vmem>>)
      tpu.yield
    }) : () -> ()
    %add3A_59 = arith.constant 20480 : i32
    %add3A_60 = arith.addi %add3A_59, %mul3A_54 : i32
    "tpu.region"() ({
      %run_scoped3A = tpu.sem_alloc : memref<!tpu.dma_semaphore, #tpu.memory_space<semaphore_mem>>
      %dma_start3A_305 = arith.constant 1280 : i32
      %dma_start3A_306 = tpu.memref_slice %arg12[%dma_start3A_305] : memref<10240xi32, #tpu.memory_space<vmem>> -> memref<640xi32, #tpu.memory_space<vmem>>
      %dma_start3A_307 = tpu.memref_slice %arg5[%add3A_60] : memref<163840xi32, #tpu.memory_space<hbm>> -> memref<640xi32, #tpu.memory_space<hbm>>
      %dma_start3A_308 = arith.constant 1280 : i32
      %dma_start3A_309 = tpu.memref_slice %arg12[%dma_start3A_308] : memref<10240xi32, #tpu.memory_space<vmem>> -> memref<640xi32, #tpu.memory_space<vmem>>
      %dma_start3A_310 = tpu.memref_slice %arg5[%add3A_60] : memref<163840xi32, #tpu.memory_space<hbm>> -> memref<640xi32, #tpu.memory_space<hbm>>
      tpu.enqueue_dma source(%dma_start3A_310 : memref<640xi32, #tpu.memory_space<hbm>>) target(%dma_start3A_309 : memref<640xi32, #tpu.memory_space<vmem>>) target_semaphore(%run_scoped3A : memref<!tpu.dma_semaphore, #tpu.memory_space<semaphore_mem>>)
      %dma_wait3A_311 = arith.constant 1280 : i32
      %dma_wait3A_312 = tpu.memref_slice %arg12[%dma_wait3A_311] : memref<10240xi32, #tpu.memory_space<vmem>> -> memref<640xi32, #tpu.memory_space<vmem>>
      %dma_wait3A_313 = tpu.memref_slice %arg5[%add3A_60] : memref<163840xi32, #tpu.memory_space<hbm>> -> memref<640xi32, #tpu.memory_space<hbm>>
      %dma_wait3A_314 = arith.constant 1280 : i32
      %dma_wait3A_315 = tpu.memref_slice %arg12[%dma_wait3A_314] : memref<10240xi32, #tpu.memory_space<vmem>> -> memref<640xi32, #tpu.memory_space<vmem>>
      %dma_wait3A_316 = tpu.memref_slice %arg5[%add3A_60] : memref<163840xi32, #tpu.memory_space<hbm>> -> memref<640xi32, #tpu.memory_space<hbm>>
      tpu.wait_dma2 semaphore(%run_scoped3A : memref<!tpu.dma_semaphore, #tpu.memory_space<semaphore_mem>>) src(%dma_wait3A_316 : memref<640xi32, #tpu.memory_space<hbm>>) dst(%dma_wait3A_315 : memref<640xi32, #tpu.memory_space<vmem>>)
      tpu.yield
    }) : () -> ()
    %add3A_61 = arith.constant 30720 : i32
    %add3A_62 = arith.addi %add3A_61, %mul3A_54 : i32
    "tpu.region"() ({
      %run_scoped3A = tpu.sem_alloc : memref<!tpu.dma_semaphore, #tpu.memory_space<semaphore_mem>>
      %dma_start3A_305 = arith.constant 1920 : i32
      %dma_start3A_306 = tpu.memref_slice %arg12[%dma_start3A_305] : memref<10240xi32, #tpu.memory_space<vmem>> -> memref<640xi32, #tpu.memory_space<vmem>>
      %dma_start3A_307 = tpu.memref_slice %arg5[%add3A_62] : memref<163840xi32, #tpu.memory_space<hbm>> -> memref<640xi32, #tpu.memory_space<hbm>>
      %dma_start3A_308 = arith.constant 1920 : i32
      %dma_start3A_309 = tpu.memref_slice %arg12[%dma_start3A_308] : memref<10240xi32, #tpu.memory_space<vmem>> -> memref<640xi32, #tpu.memory_space<vmem>>
      %dma_start3A_310 = tpu.memref_slice %arg5[%add3A_62] : memref<163840xi32, #tpu.memory_space<hbm>> -> memref<640xi32, #tpu.memory_space<hbm>>
      tpu.enqueue_dma source(%dma_start3A_310 : memref<640xi32, #tpu.memory_space<hbm>>) target(%dma_start3A_309 : memref<640xi32, #tpu.memory_space<vmem>>) target_semaphore(%run_scoped3A : memref<!tpu.dma_semaphore, #tpu.memory_space<semaphore_mem>>)
      %dma_wait3A_311 = arith.constant 1920 : i32
      %dma_wait3A_312 = tpu.memref_slice %arg12[%dma_wait3A_311] : memref<10240xi32, #tpu.memory_space<vmem>> -> memref<640xi32, #tpu.memory_space<vmem>>
      %dma_wait3A_313 = tpu.memref_slice %arg5[%add3A_62] : memref<163840xi32, #tpu.memory_space<hbm>> -> memref<640xi32, #tpu.memory_space<hbm>>
      %dma_wait3A_314 = arith.constant 1920 : i32
      %dma_wait3A_315 = tpu.memref_slice %arg12[%dma_wait3A_314] : memref<10240xi32, #tpu.memory_space<vmem>> -> memref<640xi32, #tpu.memory_space<vmem>>
      %dma_wait3A_316 = tpu.memref_slice %arg5[%add3A_62] : memref<163840xi32, #tpu.memory_space<hbm>> -> memref<640xi32, #tpu.memory_space<hbm>>
      tpu.wait_dma2 semaphore(%run_scoped3A : memref<!tpu.dma_semaphore, #tpu.memory_space<semaphore_mem>>) src(%dma_wait3A_316 : memref<640xi32, #tpu.memory_space<hbm>>) dst(%dma_wait3A_315 : memref<640xi32, #tpu.memory_space<vmem>>)
      tpu.yield
    }) : () -> ()
    %add3A_63 = arith.constant 40960 : i32
    %add3A_64 = arith.addi %add3A_63, %mul3A_54 : i32
    "tpu.region"() ({
      %run_scoped3A = tpu.sem_alloc : memref<!tpu.dma_semaphore, #tpu.memory_space<semaphore_mem>>
      %dma_start3A_305 = arith.constant 2560 : i32
      %dma_start3A_306 = tpu.memref_slice %arg12[%dma_start3A_305] : memref<10240xi32, #tpu.memory_space<vmem>> -> memref<640xi32, #tpu.memory_space<vmem>>
      %dma_start3A_307 = tpu.memref_slice %arg5[%add3A_64] : memref<163840xi32, #tpu.memory_space<hbm>> -> memref<640xi32, #tpu.memory_space<hbm>>
      %dma_start3A_308 = arith.constant 2560 : i32
      %dma_start3A_309 = tpu.memref_slice %arg12[%dma_start3A_308] : memref<10240xi32, #tpu.memory_space<vmem>> -> memref<640xi32, #tpu.memory_space<vmem>>
      %dma_start3A_310 = tpu.memref_slice %arg5[%add3A_64] : memref<163840xi32, #tpu.memory_space<hbm>> -> memref<640xi32, #tpu.memory_space<hbm>>
      tpu.enqueue_dma source(%dma_start3A_310 : memref<640xi32, #tpu.memory_space<hbm>>) target(%dma_start3A_309 : memref<640xi32, #tpu.memory_space<vmem>>) target_semaphore(%run_scoped3A : memref<!tpu.dma_semaphore, #tpu.memory_space<semaphore_mem>>)
      %dma_wait3A_311 = arith.constant 2560 : i32
      %dma_wait3A_312 = tpu.memref_slice %arg12[%dma_wait3A_311] : memref<10240xi32, #tpu.memory_space<vmem>> -> memref<640xi32, #tpu.memory_space<vmem>>
      %dma_wait3A_313 = tpu.memref_slice %arg5[%add3A_64] : memref<163840xi32, #tpu.memory_space<hbm>> -> memref<640xi32, #tpu.memory_space<hbm>>
      %dma_wait3A_314 = arith.constant 2560 : i32
      %dma_wait3A_315 = tpu.memref_slice %arg12[%dma_wait3A_314] : memref<10240xi32, #tpu.memory_space<vmem>> -> memref<640xi32, #tpu.memory_space<vmem>>
      %dma_wait3A_316 = tpu.memref_slice %arg5[%add3A_64] : memref<163840xi32, #tpu.memory_space<hbm>> -> memref<640xi32, #tpu.memory_space<hbm>>
      tpu.wait_dma2 semaphore(%run_scoped3A : memref<!tpu.dma_semaphore, #tpu.memory_space<semaphore_mem>>) src(%dma_wait3A_316 : memref<640xi32, #tpu.memory_space<hbm>>) dst(%dma_wait3A_315 : memref<640xi32, #tpu.memory_space<vmem>>)
      tpu.yield
    }) : () -> ()
    %add3A_65 = arith.constant 51200 : i32
    %add3A_66 = arith.addi %add3A_65, %mul3A_54 : i32
    "tpu.region"() ({
      %run_scoped3A = tpu.sem_alloc : memref<!tpu.dma_semaphore, #tpu.memory_space<semaphore_mem>>
      %dma_start3A_305 = arith.constant 3200 : i32
      %dma_start3A_306 = tpu.memref_slice %arg12[%dma_start3A_305] : memref<10240xi32, #tpu.memory_space<vmem>> -> memref<640xi32, #tpu.memory_space<vmem>>
      %dma_start3A_307 = tpu.memref_slice %arg5[%add3A_66] : memref<163840xi32, #tpu.memory_space<hbm>> -> memref<640xi32, #tpu.memory_space<hbm>>
      %dma_start3A_308 = arith.constant 3200 : i32
      %dma_start3A_309 = tpu.memref_slice %arg12[%dma_start3A_308] : memref<10240xi32, #tpu.memory_space<vmem>> -> memref<640xi32, #tpu.memory_space<vmem>>
      %dma_start3A_310 = tpu.memref_slice %arg5[%add3A_66] : memref<163840xi32, #tpu.memory_space<hbm>> -> memref<640xi32, #tpu.memory_space<hbm>>
      tpu.enqueue_dma source(%dma_start3A_310 : memref<640xi32, #tpu.memory_space<hbm>>) target(%dma_start3A_309 : memref<640xi32, #tpu.memory_space<vmem>>) target_semaphore(%run_scoped3A : memref<!tpu.dma_semaphore, #tpu.memory_space<semaphore_mem>>)
      %dma_wait3A_311 = arith.constant 3200 : i32
      %dma_wait3A_312 = tpu.memref_slice %arg12[%dma_wait3A_311] : memref<10240xi32, #tpu.memory_space<vmem>> -> memref<640xi32, #tpu.memory_space<vmem>>
      %dma_wait3A_313 = tpu.memref_slice %arg5[%add3A_66] : memref<163840xi32, #tpu.memory_space<hbm>> -> memref<640xi32, #tpu.memory_space<hbm>>
      %dma_wait3A_314 = arith.constant 3200 : i32
      %dma_wait3A_315 = tpu.memref_slice %arg12[%dma_wait3A_314] : memref<10240xi32, #tpu.memory_space<vmem>> -> memref<640xi32, #tpu.memory_space<vmem>>
      %dma_wait3A_316 = tpu.memref_slice %arg5[%add3A_66] : memref<163840xi32, #tpu.memory_space<hbm>> -> memref<640xi32, #tpu.memory_space<hbm>>
      tpu.wait_dma2 semaphore(%run_scoped3A : memref<!tpu.dma_semaphore, #tpu.memory_space<semaphore_mem>>) src(%dma_wait3A_316 : memref<640xi32, #tpu.memory_space<hbm>>) dst(%dma_wait3A_315 : memref<640xi32, #tpu.memory_space<vmem>>)
      tpu.yield
    }) : () -> ()
    %add3A_67 = arith.constant 61440 : i32
    %add3A_68 = arith.addi %add3A_67, %mul3A_54 : i32
    "tpu.region"() ({
      %run_scoped3A = tpu.sem_alloc : memref<!tpu.dma_semaphore, #tpu.memory_space<semaphore_mem>>
      %dma_start3A_305 = arith.constant 3840 : i32
      %dma_start3A_306 = tpu.memref_slice %arg12[%dma_start3A_305] : memref<10240xi32, #tpu.memory_space<vmem>> -> memref<640xi32, #tpu.memory_space<vmem>>
      %dma_start3A_307 = tpu.memref_slice %arg5[%add3A_68] : memref<163840xi32, #tpu.memory_space<hbm>> -> memref<640xi32, #tpu.memory_space<hbm>>
      %dma_start3A_308 = arith.constant 3840 : i32
      %dma_start3A_309 = tpu.memref_slice %arg12[%dma_start3A_308] : memref<10240xi32, #tpu.memory_space<vmem>> -> memref<640xi32, #tpu.memory_space<vmem>>
      %dma_start3A_310 = tpu.memref_slice %arg5[%add3A_68] : memref<163840xi32, #tpu.memory_space<hbm>> -> memref<640xi32, #tpu.memory_space<hbm>>
      tpu.enqueue_dma source(%dma_start3A_310 : memref<640xi32, #tpu.memory_space<hbm>>) target(%dma_start3A_309 : memref<640xi32, #tpu.memory_space<vmem>>) target_semaphore(%run_scoped3A : memref<!tpu.dma_semaphore, #tpu.memory_space<semaphore_mem>>)
      %dma_wait3A_311 = arith.constant 3840 : i32
      %dma_wait3A_312 = tpu.memref_slice %arg12[%dma_wait3A_311] : memref<10240xi32, #tpu.memory_space<vmem>> -> memref<640xi32, #tpu.memory_space<vmem>>
      %dma_wait3A_313 = tpu.memref_slice %arg5[%add3A_68] : memref<163840xi32, #tpu.memory_space<hbm>> -> memref<640xi32, #tpu.memory_space<hbm>>
      %dma_wait3A_314 = arith.constant 3840 : i32
      %dma_wait3A_315 = tpu.memref_slice %arg12[%dma_wait3A_314] : memref<10240xi32, #tpu.memory_space<vmem>> -> memref<640xi32, #tpu.memory_space<vmem>>
      %dma_wait3A_316 = tpu.memref_slice %arg5[%add3A_68] : memref<163840xi32, #tpu.memory_space<hbm>> -> memref<640xi32, #tpu.memory_space<hbm>>
      tpu.wait_dma2 semaphore(%run_scoped3A : memref<!tpu.dma_semaphore, #tpu.memory_space<semaphore_mem>>) src(%dma_wait3A_316 : memref<640xi32, #tpu.memory_space<hbm>>) dst(%dma_wait3A_315 : memref<640xi32, #tpu.memory_space<vmem>>)
      tpu.yield
    }) : () -> ()
    %add3A_69 = arith.constant 71680 : i32
    %add3A_70 = arith.addi %add3A_69, %mul3A_54 : i32
    "tpu.region"() ({
      %run_scoped3A = tpu.sem_alloc : memref<!tpu.dma_semaphore, #tpu.memory_space<semaphore_mem>>
      %dma_start3A_305 = arith.constant 4480 : i32
      %dma_start3A_306 = tpu.memref_slice %arg12[%dma_start3A_305] : memref<10240xi32, #tpu.memory_space<vmem>> -> memref<640xi32, #tpu.memory_space<vmem>>
      %dma_start3A_307 = tpu.memref_slice %arg5[%add3A_70] : memref<163840xi32, #tpu.memory_space<hbm>> -> memref<640xi32, #tpu.memory_space<hbm>>
      %dma_start3A_308 = arith.constant 4480 : i32
      %dma_start3A_309 = tpu.memref_slice %arg12[%dma_start3A_308] : memref<10240xi32, #tpu.memory_space<vmem>> -> memref<640xi32, #tpu.memory_space<vmem>>
      %dma_start3A_310 = tpu.memref_slice %arg5[%add3A_70] : memref<163840xi32, #tpu.memory_space<hbm>> -> memref<640xi32, #tpu.memory_space<hbm>>
      tpu.enqueue_dma source(%dma_start3A_310 : memref<640xi32, #tpu.memory_space<hbm>>) target(%dma_start3A_309 : memref<640xi32, #tpu.memory_space<vmem>>) target_semaphore(%run_scoped3A : memref<!tpu.dma_semaphore, #tpu.memory_space<semaphore_mem>>)
      %dma_wait3A_311 = arith.constant 4480 : i32
      %dma_wait3A_312 = tpu.memref_slice %arg12[%dma_wait3A_311] : memref<10240xi32, #tpu.memory_space<vmem>> -> memref<640xi32, #tpu.memory_space<vmem>>
      %dma_wait3A_313 = tpu.memref_slice %arg5[%add3A_70] : memref<163840xi32, #tpu.memory_space<hbm>> -> memref<640xi32, #tpu.memory_space<hbm>>
      %dma_wait3A_314 = arith.constant 4480 : i32
      %dma_wait3A_315 = tpu.memref_slice %arg12[%dma_wait3A_314] : memref<10240xi32, #tpu.memory_space<vmem>> -> memref<640xi32, #tpu.memory_space<vmem>>
      %dma_wait3A_316 = tpu.memref_slice %arg5[%add3A_70] : memref<163840xi32, #tpu.memory_space<hbm>> -> memref<640xi32, #tpu.memory_space<hbm>>
      tpu.wait_dma2 semaphore(%run_scoped3A : memref<!tpu.dma_semaphore, #tpu.memory_space<semaphore_mem>>) src(%dma_wait3A_316 : memref<640xi32, #tpu.memory_space<hbm>>) dst(%dma_wait3A_315 : memref<640xi32, #tpu.memory_space<vmem>>)
      tpu.yield
    }) : () -> ()
    %add3A_71 = arith.constant 81920 : i32
    %add3A_72 = arith.addi %add3A_71, %mul3A_54 : i32
    "tpu.region"() ({
      %run_scoped3A = tpu.sem_alloc : memref<!tpu.dma_semaphore, #tpu.memory_space<semaphore_mem>>
      %dma_start3A_305 = arith.constant 5120 : i32
      %dma_start3A_306 = tpu.memref_slice %arg12[%dma_start3A_305] : memref<10240xi32, #tpu.memory_space<vmem>> -> memref<640xi32, #tpu.memory_space<vmem>>
      %dma_start3A_307 = tpu.memref_slice %arg5[%add3A_72] : memref<163840xi32, #tpu.memory_space<hbm>> -> memref<640xi32, #tpu.memory_space<hbm>>
      %dma_start3A_308 = arith.constant 5120 : i32
      %dma_start3A_309 = tpu.memref_slice %arg12[%dma_start3A_308] : memref<10240xi32, #tpu.memory_space<vmem>> -> memref<640xi32, #tpu.memory_space<vmem>>
      %dma_start3A_310 = tpu.memref_slice %arg5[%add3A_72] : memref<163840xi32, #tpu.memory_space<hbm>> -> memref<640xi32, #tpu.memory_space<hbm>>
      tpu.enqueue_dma source(%dma_start3A_310 : memref<640xi32, #tpu.memory_space<hbm>>) target(%dma_start3A_309 : memref<640xi32, #tpu.memory_space<vmem>>) target_semaphore(%run_scoped3A : memref<!tpu.dma_semaphore, #tpu.memory_space<semaphore_mem>>)
      %dma_wait3A_311 = arith.constant 5120 : i32
      %dma_wait3A_312 = tpu.memref_slice %arg12[%dma_wait3A_311] : memref<10240xi32, #tpu.memory_space<vmem>> -> memref<640xi32, #tpu.memory_space<vmem>>
      %dma_wait3A_313 = tpu.memref_slice %arg5[%add3A_72] : memref<163840xi32, #tpu.memory_space<hbm>> -> memref<640xi32, #tpu.memory_space<hbm>>
      %dma_wait3A_314 = arith.constant 5120 : i32
      %dma_wait3A_315 = tpu.memref_slice %arg12[%dma_wait3A_314] : memref<10240xi32, #tpu.memory_space<vmem>> -> memref<640xi32, #tpu.memory_space<vmem>>
      %dma_wait3A_316 = tpu.memref_slice %arg5[%add3A_72] : memref<163840xi32, #tpu.memory_space<hbm>> -> memref<640xi32, #tpu.memory_space<hbm>>
      tpu.wait_dma2 semaphore(%run_scoped3A : memref<!tpu.dma_semaphore, #tpu.memory_space<semaphore_mem>>) src(%dma_wait3A_316 : memref<640xi32, #tpu.memory_space<hbm>>) dst(%dma_wait3A_315 : memref<640xi32, #tpu.memory_space<vmem>>)
      tpu.yield
    }) : () -> ()
    %add3A_73 = arith.constant 92160 : i32
    %add3A_74 = arith.addi %add3A_73, %mul3A_54 : i32
    "tpu.region"() ({
      %run_scoped3A = tpu.sem_alloc : memref<!tpu.dma_semaphore, #tpu.memory_space<semaphore_mem>>
      %dma_start3A_305 = arith.constant 5760 : i32
      %dma_start3A_306 = tpu.memref_slice %arg12[%dma_start3A_305] : memref<10240xi32, #tpu.memory_space<vmem>> -> memref<640xi32, #tpu.memory_space<vmem>>
      %dma_start3A_307 = tpu.memref_slice %arg5[%add3A_74] : memref<163840xi32, #tpu.memory_space<hbm>> -> memref<640xi32, #tpu.memory_space<hbm>>
      %dma_start3A_308 = arith.constant 5760 : i32
      %dma_start3A_309 = tpu.memref_slice %arg12[%dma_start3A_308] : memref<10240xi32, #tpu.memory_space<vmem>> -> memref<640xi32, #tpu.memory_space<vmem>>
      %dma_start3A_310 = tpu.memref_slice %arg5[%add3A_74] : memref<163840xi32, #tpu.memory_space<hbm>> -> memref<640xi32, #tpu.memory_space<hbm>>
      tpu.enqueue_dma source(%dma_start3A_310 : memref<640xi32, #tpu.memory_space<hbm>>) target(%dma_start3A_309 : memref<640xi32, #tpu.memory_space<vmem>>) target_semaphore(%run_scoped3A : memref<!tpu.dma_semaphore, #tpu.memory_space<semaphore_mem>>)
      %dma_wait3A_311 = arith.constant 5760 : i32
      %dma_wait3A_312 = tpu.memref_slice %arg12[%dma_wait3A_311] : memref<10240xi32, #tpu.memory_space<vmem>> -> memref<640xi32, #tpu.memory_space<vmem>>
      %dma_wait3A_313 = tpu.memref_slice %arg5[%add3A_74] : memref<163840xi32, #tpu.memory_space<hbm>> -> memref<640xi32, #tpu.memory_space<hbm>>
      %dma_wait3A_314 = arith.constant 5760 : i32
      %dma_wait3A_315 = tpu.memref_slice %arg12[%dma_wait3A_314] : memref<10240xi32, #tpu.memory_space<vmem>> -> memref<640xi32, #tpu.memory_space<vmem>>
      %dma_wait3A_316 = tpu.memref_slice %arg5[%add3A_74] : memref<163840xi32, #tpu.memory_space<hbm>> -> memref<640xi32, #tpu.memory_space<hbm>>
      tpu.wait_dma2 semaphore(%run_scoped3A : memref<!tpu.dma_semaphore, #tpu.memory_space<semaphore_mem>>) src(%dma_wait3A_316 : memref<640xi32, #tpu.memory_space<hbm>>) dst(%dma_wait3A_315 : memref<640xi32, #tpu.memory_space<vmem>>)
      tpu.yield
    }) : () -> ()
    %add3A_75 = arith.constant 102400 : i32
    %add3A_76 = arith.addi %add3A_75, %mul3A_54 : i32
    "tpu.region"() ({
      %run_scoped3A = tpu.sem_alloc : memref<!tpu.dma_semaphore, #tpu.memory_space<semaphore_mem>>
      %dma_start3A_305 = arith.constant 6400 : i32
      %dma_start3A_306 = tpu.memref_slice %arg12[%dma_start3A_305] : memref<10240xi32, #tpu.memory_space<vmem>> -> memref<640xi32, #tpu.memory_space<vmem>>
      %dma_start3A_307 = tpu.memref_slice %arg5[%add3A_76] : memref<163840xi32, #tpu.memory_space<hbm>> -> memref<640xi32, #tpu.memory_space<hbm>>
      %dma_start3A_308 = arith.constant 6400 : i32
      %dma_start3A_309 = tpu.memref_slice %arg12[%dma_start3A_308] : memref<10240xi32, #tpu.memory_space<vmem>> -> memref<640xi32, #tpu.memory_space<vmem>>
      %dma_start3A_310 = tpu.memref_slice %arg5[%add3A_76] : memref<163840xi32, #tpu.memory_space<hbm>> -> memref<640xi32, #tpu.memory_space<hbm>>
      tpu.enqueue_dma source(%dma_start3A_310 : memref<640xi32, #tpu.memory_space<hbm>>) target(%dma_start3A_309 : memref<640xi32, #tpu.memory_space<vmem>>) target_semaphore(%run_scoped3A : memref<!tpu.dma_semaphore, #tpu.memory_space<semaphore_mem>>)
      %dma_wait3A_311 = arith.constant 6400 : i32
      %dma_wait3A_312 = tpu.memref_slice %arg12[%dma_wait3A_311] : memref<10240xi32, #tpu.memory_space<vmem>> -> memref<640xi32, #tpu.memory_space<vmem>>
      %dma_wait3A_313 = tpu.memref_slice %arg5[%add3A_76] : memref<163840xi32, #tpu.memory_space<hbm>> -> memref<640xi32, #tpu.memory_space<hbm>>
      %dma_wait3A_314 = arith.constant 6400 : i32
      %dma_wait3A_315 = tpu.memref_slice %arg12[%dma_wait3A_314] : memref<10240xi32, #tpu.memory_space<vmem>> -> memref<640xi32, #tpu.memory_space<vmem>>
      %dma_wait3A_316 = tpu.memref_slice %arg5[%add3A_76] : memref<163840xi32, #tpu.memory_space<hbm>> -> memref<640xi32, #tpu.memory_space<hbm>>
      tpu.wait_dma2 semaphore(%run_scoped3A : memref<!tpu.dma_semaphore, #tpu.memory_space<semaphore_mem>>) src(%dma_wait3A_316 : memref<640xi32, #tpu.memory_space<hbm>>) dst(%dma_wait3A_315 : memref<640xi32, #tpu.memory_space<vmem>>)
      tpu.yield
    }) : () -> ()
    %add3A_77 = arith.constant 112640 : i32
    %add3A_78 = arith.addi %add3A_77, %mul3A_54 : i32
    "tpu.region"() ({
      %run_scoped3A = tpu.sem_alloc : memref<!tpu.dma_semaphore, #tpu.memory_space<semaphore_mem>>
      %dma_start3A_305 = arith.constant 7040 : i32
      %dma_start3A_306 = tpu.memref_slice %arg12[%dma_start3A_305] : memref<10240xi32, #tpu.memory_space<vmem>> -> memref<640xi32, #tpu.memory_space<vmem>>
      %dma_start3A_307 = tpu.memref_slice %arg5[%add3A_78] : memref<163840xi32, #tpu.memory_space<hbm>> -> memref<640xi32, #tpu.memory_space<hbm>>
      %dma_start3A_308 = arith.constant 7040 : i32
      %dma_start3A_309 = tpu.memref_slice %arg12[%dma_start3A_308] : memref<10240xi32, #tpu.memory_space<vmem>> -> memref<640xi32, #tpu.memory_space<vmem>>
      %dma_start3A_310 = tpu.memref_slice %arg5[%add3A_78] : memref<163840xi32, #tpu.memory_space<hbm>> -> memref<640xi32, #tpu.memory_space<hbm>>
      tpu.enqueue_dma source(%dma_start3A_310 : memref<640xi32, #tpu.memory_space<hbm>>) target(%dma_start3A_309 : memref<640xi32, #tpu.memory_space<vmem>>) target_semaphore(%run_scoped3A : memref<!tpu.dma_semaphore, #tpu.memory_space<semaphore_mem>>)
      %dma_wait3A_311 = arith.constant 7040 : i32
      %dma_wait3A_312 = tpu.memref_slice %arg12[%dma_wait3A_311] : memref<10240xi32, #tpu.memory_space<vmem>> -> memref<640xi32, #tpu.memory_space<vmem>>
      %dma_wait3A_313 = tpu.memref_slice %arg5[%add3A_78] : memref<163840xi32, #tpu.memory_space<hbm>> -> memref<640xi32, #tpu.memory_space<hbm>>
      %dma_wait3A_314 = arith.constant 7040 : i32
      %dma_wait3A_315 = tpu.memref_slice %arg12[%dma_wait3A_314] : memref<10240xi32, #tpu.memory_space<vmem>> -> memref<640xi32, #tpu.memory_space<vmem>>
      %dma_wait3A_316 = tpu.memref_slice %arg5[%add3A_78] : memref<163840xi32, #tpu.memory_space<hbm>> -> memref<640xi32, #tpu.memory_space<hbm>>
      tpu.wait_dma2 semaphore(%run_scoped3A : memref<!tpu.dma_semaphore, #tpu.memory_space<semaphore_mem>>) src(%dma_wait3A_316 : memref<640xi32, #tpu.memory_space<hbm>>) dst(%dma_wait3A_315 : memref<640xi32, #tpu.memory_space<vmem>>)
      tpu.yield
    }) : () -> ()
    %add3A_79 = arith.constant 122880 : i32
    %add3A_80 = arith.addi %add3A_79, %mul3A_54 : i32
    "tpu.region"() ({
      %run_scoped3A = tpu.sem_alloc : memref<!tpu.dma_semaphore, #tpu.memory_space<semaphore_mem>>
      %dma_start3A_305 = arith.constant 7680 : i32
      %dma_start3A_306 = tpu.memref_slice %arg12[%dma_start3A_305] : memref<10240xi32, #tpu.memory_space<vmem>> -> memref<640xi32, #tpu.memory_space<vmem>>
      %dma_start3A_307 = tpu.memref_slice %arg5[%add3A_80] : memref<163840xi32, #tpu.memory_space<hbm>> -> memref<640xi32, #tpu.memory_space<hbm>>
      %dma_start3A_308 = arith.constant 7680 : i32
      %dma_start3A_309 = tpu.memref_slice %arg12[%dma_start3A_308] : memref<10240xi32, #tpu.memory_space<vmem>> -> memref<640xi32, #tpu.memory_space<vmem>>
      %dma_start3A_310 = tpu.memref_slice %arg5[%add3A_80] : memref<163840xi32, #tpu.memory_space<hbm>> -> memref<640xi32, #tpu.memory_space<hbm>>
      tpu.enqueue_dma source(%dma_start3A_310 : memref<640xi32, #tpu.memory_space<hbm>>) target(%dma_start3A_309 : memref<640xi32, #tpu.memory_space<vmem>>) target_semaphore(%run_scoped3A : memref<!tpu.dma_semaphore, #tpu.memory_space<semaphore_mem>>)
      %dma_wait3A_311 = arith.constant 7680 : i32
      %dma_wait3A_312 = tpu.memref_slice %arg12[%dma_wait3A_311] : memref<10240xi32, #tpu.memory_space<vmem>> -> memref<640xi32, #tpu.memory_space<vmem>>
      %dma_wait3A_313 = tpu.memref_slice %arg5[%add3A_80] : memref<163840xi32, #tpu.memory_space<hbm>> -> memref<640xi32, #tpu.memory_space<hbm>>
      %dma_wait3A_314 = arith.constant 7680 : i32
      %dma_wait3A_315 = tpu.memref_slice %arg12[%dma_wait3A_314] : memref<10240xi32, #tpu.memory_space<vmem>> -> memref<640xi32, #tpu.memory_space<vmem>>
      %dma_wait3A_316 = tpu.memref_slice %arg5[%add3A_80] : memref<163840xi32, #tpu.memory_space<hbm>> -> memref<640xi32, #tpu.memory_space<hbm>>
      tpu.wait_dma2 semaphore(%run_scoped3A : memref<!tpu.dma_semaphore, #tpu.memory_space<semaphore_mem>>) src(%dma_wait3A_316 : memref<640xi32, #tpu.memory_space<hbm>>) dst(%dma_wait3A_315 : memref<640xi32, #tpu.memory_space<vmem>>)
      tpu.yield
    }) : () -> ()
    %add3A_81 = arith.constant 133120 : i32
    %add3A_82 = arith.addi %add3A_81, %mul3A_54 : i32
    "tpu.region"() ({
      %run_scoped3A = tpu.sem_alloc : memref<!tpu.dma_semaphore, #tpu.memory_space<semaphore_mem>>
      %dma_start3A_305 = arith.constant 8320 : i32
      %dma_start3A_306 = tpu.memref_slice %arg12[%dma_start3A_305] : memref<10240xi32, #tpu.memory_space<vmem>> -> memref<640xi32, #tpu.memory_space<vmem>>
      %dma_start3A_307 = tpu.memref_slice %arg5[%add3A_82] : memref<163840xi32, #tpu.memory_space<hbm>> -> memref<640xi32, #tpu.memory_space<hbm>>
      %dma_start3A_308 = arith.constant 8320 : i32
      %dma_start3A_309 = tpu.memref_slice %arg12[%dma_start3A_308] : memref<10240xi32, #tpu.memory_space<vmem>> -> memref<640xi32, #tpu.memory_space<vmem>>
      %dma_start3A_310 = tpu.memref_slice %arg5[%add3A_82] : memref<163840xi32, #tpu.memory_space<hbm>> -> memref<640xi32, #tpu.memory_space<hbm>>
      tpu.enqueue_dma source(%dma_start3A_310 : memref<640xi32, #tpu.memory_space<hbm>>) target(%dma_start3A_309 : memref<640xi32, #tpu.memory_space<vmem>>) target_semaphore(%run_scoped3A : memref<!tpu.dma_semaphore, #tpu.memory_space<semaphore_mem>>)
      %dma_wait3A_311 = arith.constant 8320 : i32
      %dma_wait3A_312 = tpu.memref_slice %arg12[%dma_wait3A_311] : memref<10240xi32, #tpu.memory_space<vmem>> -> memref<640xi32, #tpu.memory_space<vmem>>
      %dma_wait3A_313 = tpu.memref_slice %arg5[%add3A_82] : memref<163840xi32, #tpu.memory_space<hbm>> -> memref<640xi32, #tpu.memory_space<hbm>>
      %dma_wait3A_314 = arith.constant 8320 : i32
      %dma_wait3A_315 = tpu.memref_slice %arg12[%dma_wait3A_314] : memref<10240xi32, #tpu.memory_space<vmem>> -> memref<640xi32, #tpu.memory_space<vmem>>
      %dma_wait3A_316 = tpu.memref_slice %arg5[%add3A_82] : memref<163840xi32, #tpu.memory_space<hbm>> -> memref<640xi32, #tpu.memory_space<hbm>>
      tpu.wait_dma2 semaphore(%run_scoped3A : memref<!tpu.dma_semaphore, #tpu.memory_space<semaphore_mem>>) src(%dma_wait3A_316 : memref<640xi32, #tpu.memory_space<hbm>>) dst(%dma_wait3A_315 : memref<640xi32, #tpu.memory_space<vmem>>)
      tpu.yield
    }) : () -> ()
    %add3A_83 = arith.constant 143360 : i32
    %add3A_84 = arith.addi %add3A_83, %mul3A_54 : i32
    "tpu.region"() ({
      %run_scoped3A = tpu.sem_alloc : memref<!tpu.dma_semaphore, #tpu.memory_space<semaphore_mem>>
      %dma_start3A_305 = arith.constant 8960 : i32
      %dma_start3A_306 = tpu.memref_slice %arg12[%dma_start3A_305] : memref<10240xi32, #tpu.memory_space<vmem>> -> memref<640xi32, #tpu.memory_space<vmem>>
      %dma_start3A_307 = tpu.memref_slice %arg5[%add3A_84] : memref<163840xi32, #tpu.memory_space<hbm>> -> memref<640xi32, #tpu.memory_space<hbm>>
      %dma_start3A_308 = arith.constant 8960 : i32
      %dma_start3A_309 = tpu.memref_slice %arg12[%dma_start3A_308] : memref<10240xi32, #tpu.memory_space<vmem>> -> memref<640xi32, #tpu.memory_space<vmem>>
      %dma_start3A_310 = tpu.memref_slice %arg5[%add3A_84] : memref<163840xi32, #tpu.memory_space<hbm>> -> memref<640xi32, #tpu.memory_space<hbm>>
      tpu.enqueue_dma source(%dma_start3A_310 : memref<640xi32, #tpu.memory_space<hbm>>) target(%dma_start3A_309 : memref<640xi32, #tpu.memory_space<vmem>>) target_semaphore(%run_scoped3A : memref<!tpu.dma_semaphore, #tpu.memory_space<semaphore_mem>>)
      %dma_wait3A_311 = arith.constant 8960 : i32
      %dma_wait3A_312 = tpu.memref_slice %arg12[%dma_wait3A_311] : memref<10240xi32, #tpu.memory_space<vmem>> -> memref<640xi32, #tpu.memory_space<vmem>>
      %dma_wait3A_313 = tpu.memref_slice %arg5[%add3A_84] : memref<163840xi32, #tpu.memory_space<hbm>> -> memref<640xi32, #tpu.memory_space<hbm>>
      %dma_wait3A_314 = arith.constant 8960 : i32
      %dma_wait3A_315 = tpu.memref_slice %arg12[%dma_wait3A_314] : memref<10240xi32, #tpu.memory_space<vmem>> -> memref<640xi32, #tpu.memory_space<vmem>>
      %dma_wait3A_316 = tpu.memref_slice %arg5[%add3A_84] : memref<163840xi32, #tpu.memory_space<hbm>> -> memref<640xi32, #tpu.memory_space<hbm>>
      tpu.wait_dma2 semaphore(%run_scoped3A : memref<!tpu.dma_semaphore, #tpu.memory_space<semaphore_mem>>) src(%dma_wait3A_316 : memref<640xi32, #tpu.memory_space<hbm>>) dst(%dma_wait3A_315 : memref<640xi32, #tpu.memory_space<vmem>>)
      tpu.yield
    }) : () -> ()
    %add3A_85 = arith.constant 153600 : i32
    %add3A_86 = arith.addi %add3A_85, %mul3A_54 : i32
    "tpu.region"() ({
      %run_scoped3A = tpu.sem_alloc : memref<!tpu.dma_semaphore, #tpu.memory_space<semaphore_mem>>
      %dma_start3A_305 = arith.constant 9600 : i32
      %dma_start3A_306 = tpu.memref_slice %arg12[%dma_start3A_305] : memref<10240xi32, #tpu.memory_space<vmem>> -> memref<640xi32, #tpu.memory_space<vmem>>
      %dma_start3A_307 = tpu.memref_slice %arg5[%add3A_86] : memref<163840xi32, #tpu.memory_space<hbm>> -> memref<640xi32, #tpu.memory_space<hbm>>
      %dma_start3A_308 = arith.constant 9600 : i32
      %dma_start3A_309 = tpu.memref_slice %arg12[%dma_start3A_308] : memref<10240xi32, #tpu.memory_space<vmem>> -> memref<640xi32, #tpu.memory_space<vmem>>
      %dma_start3A_310 = tpu.memref_slice %arg5[%add3A_86] : memref<163840xi32, #tpu.memory_space<hbm>> -> memref<640xi32, #tpu.memory_space<hbm>>
      tpu.enqueue_dma source(%dma_start3A_310 : memref<640xi32, #tpu.memory_space<hbm>>) target(%dma_start3A_309 : memref<640xi32, #tpu.memory_space<vmem>>) target_semaphore(%run_scoped3A : memref<!tpu.dma_semaphore, #tpu.memory_space<semaphore_mem>>)
      %dma_wait3A_311 = arith.constant 9600 : i32
      %dma_wait3A_312 = tpu.memref_slice %arg12[%dma_wait3A_311] : memref<10240xi32, #tpu.memory_space<vmem>> -> memref<640xi32, #tpu.memory_space<vmem>>
      %dma_wait3A_313 = tpu.memref_slice %arg5[%add3A_86] : memref<163840xi32, #tpu.memory_space<hbm>> -> memref<640xi32, #tpu.memory_space<hbm>>
      %dma_wait3A_314 = arith.constant 9600 : i32
      %dma_wait3A_315 = tpu.memref_slice %arg12[%dma_wait3A_314] : memref<10240xi32, #tpu.memory_space<vmem>> -> memref<640xi32, #tpu.memory_space<vmem>>
      %dma_wait3A_316 = tpu.memref_slice %arg5[%add3A_86] : memref<163840xi32, #tpu.memory_space<hbm>> -> memref<640xi32, #tpu.memory_space<hbm>>
      tpu.wait_dma2 semaphore(%run_scoped3A : memref<!tpu.dma_semaphore, #tpu.memory_space<semaphore_mem>>) src(%dma_wait3A_316 : memref<640xi32, #tpu.memory_space<hbm>>) dst(%dma_wait3A_315 : memref<640xi32, #tpu.memory_space<vmem>>)
      tpu.yield
    }) : () -> ()
    %scan3A_87 = arith.constant 0 : i32
    %scan3A_88 = arith.constant 0 : i32
    %scan3A_89 = arith.constant 40 : i32
    %scan3A_90 = arith.addi %scan3A_88, %scan3A_89 : i32
    %scan3A_91 = arith.constant 1 : i32
    %scan3A_92 = scf.for %scan3A_305 = %scan3A_88 to %scan3A_90 step %scan3A_91 iter_args(%scan3A_306 = %scan3A_87) -> (i32)  : i32 {
      %broadcast_in_dim3A_307 = arith.constant 0 : i32
      %broadcast_in_dim3A_308 = vector.broadcast %broadcast_in_dim3A_307 : i32 to vector<16xi32>
      %mul3A_309 = arith.constant 16 : i32
      %mul3A_310 = arith.muli %scan3A_305, %mul3A_309 : i32
      %add3A_311 = arith.constant 0 : i32
      %add3A_312 = arith.addi %add3A_311, %mul3A_310 : i32
      %get3A = arith.index_cast %add3A_312 : i32 to index
      %get3A_313 = tpu.vector_load %arg12[%get3A] {strides = array<i32>} : memref<10240xi32, #tpu.memory_space<vmem>>, vector<16xi32>,
      %mul3A_314 = arith.constant 16 : i32
      %mul3A_315 = arith.muli %scan3A_305, %mul3A_314 : i32
      %add3A_316 = arith.constant 0 : i32
      %add3A_317 = arith.addi %add3A_316, %mul3A_315 : i32
      %swap3A_318 = arith.index_cast %add3A_317 : i32 to index
      %swap3A_319 = tpu.vector_load %arg12[%swap3A_318] {strides = array<i32>} : memref<10240xi32, #tpu.memory_space<vmem>>, vector<16xi32>,
      tpu.vector_store %arg12[%swap3A_318], %broadcast_in_dim3A_308 {strides = array<i32>} : memref<10240xi32, #tpu.memory_space<vmem>>, vector<16xi32>,
      %add3A_320 = arith.addi %broadcast_in_dim3A_308, %get3A_313 : vector<16xi32>
      %mul3A_321 = arith.constant 16 : i32
      %mul3A_322 = arith.muli %scan3A_305, %mul3A_321 : i32
      %add3A_323 = arith.constant 640 : i32
      %add3A_324 = arith.addi %add3A_323, %mul3A_322 : i32
      %get3A_325 = arith.index_cast %add3A_324 : i32 to index
      %get3A_326 = tpu.vector_load %arg12[%get3A_325] {strides = array<i32>} : memref<10240xi32, #tpu.memory_space<vmem>>, vector<16xi32>,
      %mul3A_327 = arith.constant 16 : i32
      %mul3A_328 = arith.muli %scan3A_305, %mul3A_327 : i32
      %add3A_329 = arith.constant 640 : i32
      %add3A_330 = arith.addi %add3A_329, %mul3A_328 : i32
      %swap3A_331 = arith.index_cast %add3A_330 : i32 to index
      %swap3A_332 = tpu.vector_load %arg12[%swap3A_331] {strides = array<i32>} : memref<10240xi32, #tpu.memory_space<vmem>>, vector<16xi32>,
      tpu.vector_store %arg12[%swap3A_331], %add3A_320 {strides = array<i32>} : memref<10240xi32, #tpu.memory_space<vmem>>, vector<16xi32>,
      %add3A_333 = arith.addi %add3A_320, %get3A_326 : vector<16xi32>
      %mul3A_334 = arith.constant 16 : i32
      %mul3A_335 = arith.muli %scan3A_305, %mul3A_334 : i32
      %add3A_336 = arith.constant 1280 : i32
      %add3A_337 = arith.addi %add3A_336, %mul3A_335 : i32
      %get3A_338 = arith.index_cast %add3A_337 : i32 to index
      %get3A_339 = tpu.vector_load %arg12[%get3A_338] {strides = array<i32>} : memref<10240xi32, #tpu.memory_space<vmem>>, vector<16xi32>,
      %mul3A_340 = arith.constant 16 : i32
      %mul3A_341 = arith.muli %scan3A_305, %mul3A_340 : i32
      %add3A_342 = arith.constant 1280 : i32
      %add3A_343 = arith.addi %add3A_342, %mul3A_341 : i32
      %swap3A_344 = arith.index_cast %add3A_343 : i32 to index
      %swap3A_345 = tpu.vector_load %arg12[%swap3A_344] {strides = array<i32>} : memref<10240xi32, #tpu.memory_space<vmem>>, vector<16xi32>,
      tpu.vector_store %arg12[%swap3A_344], %add3A_333 {strides = array<i32>} : memref<10240xi32, #tpu.memory_space<vmem>>, vector<16xi32>,
      %add3A_346 = arith.addi %add3A_333, %get3A_339 : vector<16xi32>
      %mul3A_347 = arith.constant 16 : i32
      %mul3A_348 = arith.muli %scan3A_305, %mul3A_347 : i32
      %add3A_349 = arith.constant 1920 : i32
      %add3A_350 = arith.addi %add3A_349, %mul3A_348 : i32
      %get3A_351 = arith.index_cast %add3A_350 : i32 to index
      %get3A_352 = tpu.vector_load %arg12[%get3A_351] {strides = array<i32>} : memref<10240xi32, #tpu.memory_space<vmem>>, vector<16xi32>,
      %mul3A_353 = arith.constant 16 : i32
      %mul3A_354 = arith.muli %scan3A_305, %mul3A_353 : i32
      %add3A_355 = arith.constant 1920 : i32
      %add3A_356 = arith.addi %add3A_355, %mul3A_354 : i32
      %swap3A_357 = arith.index_cast %add3A_356 : i32 to index
      %swap3A_358 = tpu.vector_load %arg12[%swap3A_357] {strides = array<i32>} : memref<10240xi32, #tpu.memory_space<vmem>>, vector<16xi32>,
      tpu.vector_store %arg12[%swap3A_357], %add3A_346 {strides = array<i32>} : memref<10240xi32, #tpu.memory_space<vmem>>, vector<16xi32>,
      %add3A_359 = arith.addi %add3A_346, %get3A_352 : vector<16xi32>
      %mul3A_360 = arith.constant 16 : i32
      %mul3A_361 = arith.muli %scan3A_305, %mul3A_360 : i32
      %add3A_362 = arith.constant 2560 : i32
      %add3A_363 = arith.addi %add3A_362, %mul3A_361 : i32
      %get3A_364 = arith.index_cast %add3A_363 : i32 to index
      %get3A_365 = tpu.vector_load %arg12[%get3A_364] {strides = array<i32>} : memref<10240xi32, #tpu.memory_space<vmem>>, vector<16xi32>,
      %mul3A_366 = arith.constant 16 : i32
      %mul3A_367 = arith.muli %scan3A_305, %mul3A_366 : i32
      %add3A_368 = arith.constant 2560 : i32
      %add3A_369 = arith.addi %add3A_368, %mul3A_367 : i32
      %swap3A_370 = arith.index_cast %add3A_369 : i32 to index
      %swap3A_371 = tpu.vector_load %arg12[%swap3A_370] {strides = array<i32>} : memref<10240xi32, #tpu.memory_space<vmem>>, vector<16xi32>,
      tpu.vector_store %arg12[%swap3A_370], %add3A_359 {strides = array<i32>} : memref<10240xi32, #tpu.memory_space<vmem>>, vector<16xi32>,
      %add3A_372 = arith.addi %add3A_359, %get3A_365 : vector<16xi32>
      %mul3A_373 = arith.constant 16 : i32
      %mul3A_374 = arith.muli %scan3A_305, %mul3A_373 : i32
      %add3A_375 = arith.constant 3200 : i32
      %add3A_376 = arith.addi %add3A_375, %mul3A_374 : i32
      %get3A_377 = arith.index_cast %add3A_376 : i32 to index
      %get3A_378 = tpu.vector_load %arg12[%get3A_377] {strides = array<i32>} : memref<10240xi32, #tpu.memory_space<vmem>>, vector<16xi32>,
      %mul3A_379 = arith.constant 16 : i32
      %mul3A_380 = arith.muli %scan3A_305, %mul3A_379 : i32
      %add3A_381 = arith.constant 3200 : i32
      %add3A_382 = arith.addi %add3A_381, %mul3A_380 : i32
      %swap3A_383 = arith.index_cast %add3A_382 : i32 to index
      %swap3A_384 = tpu.vector_load %arg12[%swap3A_383] {strides = array<i32>} : memref<10240xi32, #tpu.memory_space<vmem>>, vector<16xi32>,
      tpu.vector_store %arg12[%swap3A_383], %add3A_372 {strides = array<i32>} : memref<10240xi32, #tpu.memory_space<vmem>>, vector<16xi32>,
      %add3A_385 = arith.addi %add3A_372, %get3A_378 : vector<16xi32>
      %mul3A_386 = arith.constant 16 : i32
      %mul3A_387 = arith.muli %scan3A_305, %mul3A_386 : i32
      %add3A_388 = arith.constant 3840 : i32
      %add3A_389 = arith.addi %add3A_388, %mul3A_387 : i32
      %get3A_390 = arith.index_cast %add3A_389 : i32 to index
      %get3A_391 = tpu.vector_load %arg12[%get3A_390] {strides = array<i32>} : memref<10240xi32, #tpu.memory_space<vmem>>, vector<16xi32>,
      %mul3A_392 = arith.constant 16 : i32
      %mul3A_393 = arith.muli %scan3A_305, %mul3A_392 : i32
      %add3A_394 = arith.constant 3840 : i32
      %add3A_395 = arith.addi %add3A_394, %mul3A_393 : i32
      %swap3A_396 = arith.index_cast %add3A_395 : i32 to index
      %swap3A_397 = tpu.vector_load %arg12[%swap3A_396] {strides = array<i32>} : memref<10240xi32, #tpu.memory_space<vmem>>, vector<16xi32>,
      tpu.vector_store %arg12[%swap3A_396], %add3A_385 {strides = array<i32>} : memref<10240xi32, #tpu.memory_space<vmem>>, vector<16xi32>,
      %add3A_398 = arith.addi %add3A_385, %get3A_391 : vector<16xi32>
      %mul3A_399 = arith.constant 16 : i32
      %mul3A_400 = arith.muli %scan3A_305, %mul3A_399 : i32
      %add3A_401 = arith.constant 4480 : i32
      %add3A_402 = arith.addi %add3A_401, %mul3A_400 : i32
      %get3A_403 = arith.index_cast %add3A_402 : i32 to index
      %get3A_404 = tpu.vector_load %arg12[%get3A_403] {strides = array<i32>} : memref<10240xi32, #tpu.memory_space<vmem>>, vector<16xi32>,
      %mul3A_405 = arith.constant 16 : i32
      %mul3A_406 = arith.muli %scan3A_305, %mul3A_405 : i32
      %add3A_407 = arith.constant 4480 : i32
      %add3A_408 = arith.addi %add3A_407, %mul3A_406 : i32
      %swap3A_409 = arith.index_cast %add3A_408 : i32 to index
      %swap3A_410 = tpu.vector_load %arg12[%swap3A_409] {strides = array<i32>} : memref<10240xi32, #tpu.memory_space<vmem>>, vector<16xi32>,
      tpu.vector_store %arg12[%swap3A_409], %add3A_398 {strides = array<i32>} : memref<10240xi32, #tpu.memory_space<vmem>>, vector<16xi32>,
      %add3A_411 = arith.addi %add3A_398, %get3A_404 : vector<16xi32>
      %mul3A_412 = arith.constant 16 : i32
      %mul3A_413 = arith.muli %scan3A_305, %mul3A_412 : i32
      %add3A_414 = arith.constant 5120 : i32
      %add3A_415 = arith.addi %add3A_414, %mul3A_413 : i32
      %get3A_416 = arith.index_cast %add3A_415 : i32 to index
      %get3A_417 = tpu.vector_load %arg12[%get3A_416] {strides = array<i32>} : memref<10240xi32, #tpu.memory_space<vmem>>, vector<16xi32>,
      %mul3A_418 = arith.constant 16 : i32
      %mul3A_419 = arith.muli %scan3A_305, %mul3A_418 : i32
      %add3A_420 = arith.constant 5120 : i32
      %add3A_421 = arith.addi %add3A_420, %mul3A_419 : i32
      %swap3A_422 = arith.index_cast %add3A_421 : i32 to index
      %swap3A_423 = tpu.vector_load %arg12[%swap3A_422] {strides = array<i32>} : memref<10240xi32, #tpu.memory_space<vmem>>, vector<16xi32>,
      tpu.vector_store %arg12[%swap3A_422], %add3A_411 {strides = array<i32>} : memref<10240xi32, #tpu.memory_space<vmem>>, vector<16xi32>,
      %add3A_424 = arith.addi %add3A_411, %get3A_417 : vector<16xi32>
      %mul3A_425 = arith.constant 16 : i32
      %mul3A_426 = arith.muli %scan3A_305, %mul3A_425 : i32
      %add3A_427 = arith.constant 5760 : i32
      %add3A_428 = arith.addi %add3A_427, %mul3A_426 : i32
      %get3A_429 = arith.index_cast %add3A_428 : i32 to index
      %get3A_430 = tpu.vector_load %arg12[%get3A_429] {strides = array<i32>} : memref<10240xi32, #tpu.memory_space<vmem>>, vector<16xi32>,
      %mul3A_431 = arith.constant 16 : i32
      %mul3A_432 = arith.muli %scan3A_305, %mul3A_431 : i32
      %add3A_433 = arith.constant 5760 : i32
      %add3A_434 = arith.addi %add3A_433, %mul3A_432 : i32
      %swap3A_435 = arith.index_cast %add3A_434 : i32 to index
      %swap3A_436 = tpu.vector_load %arg12[%swap3A_435] {strides = array<i32>} : memref<10240xi32, #tpu.memory_space<vmem>>, vector<16xi32>,
      tpu.vector_store %arg12[%swap3A_435], %add3A_424 {strides = array<i32>} : memref<10240xi32, #tpu.memory_space<vmem>>, vector<16xi32>,
      %add3A_437 = arith.addi %add3A_424, %get3A_430 : vector<16xi32>
      %mul3A_438 = arith.constant 16 : i32
      %mul3A_439 = arith.muli %scan3A_305, %mul3A_438 : i32
      %add3A_440 = arith.constant 6400 : i32
      %add3A_441 = arith.addi %add3A_440, %mul3A_439 : i32
      %get3A_442 = arith.index_cast %add3A_441 : i32 to index
      %get3A_443 = tpu.vector_load %arg12[%get3A_442] {strides = array<i32>} : memref<10240xi32, #tpu.memory_space<vmem>>, vector<16xi32>,
      %mul3A_444 = arith.constant 16 : i32
      %mul3A_445 = arith.muli %scan3A_305, %mul3A_444 : i32
      %add3A_446 = arith.constant 6400 : i32
      %add3A_447 = arith.addi %add3A_446, %mul3A_445 : i32
      %swap3A_448 = arith.index_cast %add3A_447 : i32 to index
      %swap3A_449 = tpu.vector_load %arg12[%swap3A_448] {strides = array<i32>} : memref<10240xi32, #tpu.memory_space<vmem>>, vector<16xi32>,
      tpu.vector_store %arg12[%swap3A_448], %add3A_437 {strides = array<i32>} : memref<10240xi32, #tpu.memory_space<vmem>>, vector<16xi32>,
      %add3A_450 = arith.addi %add3A_437, %get3A_443 : vector<16xi32>
      %mul3A_451 = arith.constant 16 : i32
      %mul3A_452 = arith.muli %scan3A_305, %mul3A_451 : i32
      %add3A_453 = arith.constant 7040 : i32
      %add3A_454 = arith.addi %add3A_453, %mul3A_452 : i32
      %get3A_455 = arith.index_cast %add3A_454 : i32 to index
      %get3A_456 = tpu.vector_load %arg12[%get3A_455] {strides = array<i32>} : memref<10240xi32, #tpu.memory_space<vmem>>, vector<16xi32>,
      %mul3A_457 = arith.constant 16 : i32
      %mul3A_458 = arith.muli %scan3A_305, %mul3A_457 : i32
      %add3A_459 = arith.constant 7040 : i32
      %add3A_460 = arith.addi %add3A_459, %mul3A_458 : i32
      %swap3A_461 = arith.index_cast %add3A_460 : i32 to index
      %swap3A_462 = tpu.vector_load %arg12[%swap3A_461] {strides = array<i32>} : memref<10240xi32, #tpu.memory_space<vmem>>, vector<16xi32>,
      tpu.vector_store %arg12[%swap3A_461], %add3A_450 {strides = array<i32>} : memref<10240xi32, #tpu.memory_space<vmem>>, vector<16xi32>,
      %add3A_463 = arith.addi %add3A_450, %get3A_456 : vector<16xi32>
      %mul3A_464 = arith.constant 16 : i32
      %mul3A_465 = arith.muli %scan3A_305, %mul3A_464 : i32
      %add3A_466 = arith.constant 7680 : i32
      %add3A_467 = arith.addi %add3A_466, %mul3A_465 : i32
      %get3A_468 = arith.index_cast %add3A_467 : i32 to index
      %get3A_469 = tpu.vector_load %arg12[%get3A_468] {strides = array<i32>} : memref<10240xi32, #tpu.memory_space<vmem>>, vector<16xi32>,
      %mul3A_470 = arith.constant 16 : i32
      %mul3A_471 = arith.muli %scan3A_305, %mul3A_470 : i32
      %add3A_472 = arith.constant 7680 : i32
      %add3A_473 = arith.addi %add3A_472, %mul3A_471 : i32
      %swap3A_474 = arith.index_cast %add3A_473 : i32 to index
      %swap3A_475 = tpu.vector_load %arg12[%swap3A_474] {strides = array<i32>} : memref<10240xi32, #tpu.memory_space<vmem>>, vector<16xi32>,
      tpu.vector_store %arg12[%swap3A_474], %add3A_463 {strides = array<i32>} : memref<10240xi32, #tpu.memory_space<vmem>>, vector<16xi32>,
      %add3A_476 = arith.addi %add3A_463, %get3A_469 : vector<16xi32>
      %mul3A_477 = arith.constant 16 : i32
      %mul3A_478 = arith.muli %scan3A_305, %mul3A_477 : i32
      %add3A_479 = arith.constant 8320 : i32
      %add3A_480 = arith.addi %add3A_479, %mul3A_478 : i32
      %get3A_481 = arith.index_cast %add3A_480 : i32 to index
      %get3A_482 = tpu.vector_load %arg12[%get3A_481] {strides = array<i32>} : memref<10240xi32, #tpu.memory_space<vmem>>, vector<16xi32>,
      %mul3A_483 = arith.constant 16 : i32
      %mul3A_484 = arith.muli %scan3A_305, %mul3A_483 : i32
      %add3A_485 = arith.constant 8320 : i32
      %add3A_486 = arith.addi %add3A_485, %mul3A_484 : i32
      %swap3A_487 = arith.index_cast %add3A_486 : i32 to index
      %swap3A_488 = tpu.vector_load %arg12[%swap3A_487] {strides = array<i32>} : memref<10240xi32, #tpu.memory_space<vmem>>, vector<16xi32>,
      tpu.vector_store %arg12[%swap3A_487], %add3A_476 {strides = array<i32>} : memref<10240xi32, #tpu.memory_space<vmem>>, vector<16xi32>,
      %add3A_489 = arith.addi %add3A_476, %get3A_482 : vector<16xi32>
      %mul3A_490 = arith.constant 16 : i32
      %mul3A_491 = arith.muli %scan3A_305, %mul3A_490 : i32
      %add3A_492 = arith.constant 8960 : i32
      %add3A_493 = arith.addi %add3A_492, %mul3A_491 : i32
      %get3A_494 = arith.index_cast %add3A_493 : i32 to index
      %get3A_495 = tpu.vector_load %arg12[%get3A_494] {strides = array<i32>} : memref<10240xi32, #tpu.memory_space<vmem>>, vector<16xi32>,
      %mul3A_496 = arith.constant 16 : i32
      %mul3A_497 = arith.muli %scan3A_305, %mul3A_496 : i32
      %add3A_498 = arith.constant 8960 : i32
      %add3A_499 = arith.addi %add3A_498, %mul3A_497 : i32
      %swap3A_500 = arith.index_cast %add3A_499 : i32 to index
      %swap3A_501 = tpu.vector_load %arg12[%swap3A_500] {strides = array<i32>} : memref<10240xi32, #tpu.memory_space<vmem>>, vector<16xi32>,
      tpu.vector_store %arg12[%swap3A_500], %add3A_489 {strides = array<i32>} : memref<10240xi32, #tpu.memory_space<vmem>>, vector<16xi32>,
      %add3A_502 = arith.addi %add3A_489, %get3A_495 : vector<16xi32>
      %mul3A_503 = arith.constant 16 : i32
      %mul3A_504 = arith.muli %scan3A_305, %mul3A_503 : i32
      %add3A_505 = arith.constant 9600 : i32
      %add3A_506 = arith.addi %add3A_505, %mul3A_504 : i32
      %get3A_507 = arith.index_cast %add3A_506 : i32 to index
      %get3A_508 = tpu.vector_load %arg12[%get3A_507] {strides = array<i32>} : memref<10240xi32, #tpu.memory_space<vmem>>, vector<16xi32>,
      %mul3A_509 = arith.constant 16 : i32
      %mul3A_510 = arith.muli %scan3A_305, %mul3A_509 : i32
      %add3A_511 = arith.constant 9600 : i32
      %add3A_512 = arith.addi %add3A_511, %mul3A_510 : i32
      %swap3A_513 = arith.index_cast %add3A_512 : i32 to index
      %swap3A_514 = tpu.vector_load %arg12[%swap3A_513] {strides = array<i32>} : memref<10240xi32, #tpu.memory_space<vmem>>, vector<16xi32>,
      tpu.vector_store %arg12[%swap3A_513], %add3A_502 {strides = array<i32>} : memref<10240xi32, #tpu.memory_space<vmem>>, vector<16xi32>,
      %add3A_515 = arith.addi %add3A_502, %get3A_508 : vector<16xi32>
      %mul3A_516 = arith.constant 16 : i32
      %mul3A_517 = arith.muli %scan3A_305, %mul3A_516 : i32
      %swap3A_518 = arith.index_cast %mul3A_517 : i32 to index
      %swap3A_519 = tpu.vector_load %arg13[%swap3A_518] {strides = array<i32>} : memref<640xi32, #tpu.memory_space<vmem>>, vector<16xi32>,
      tpu.vector_store %arg13[%swap3A_518], %add3A_515 {strides = array<i32>} : memref<640xi32, #tpu.memory_space<vmem>>, vector<16xi32>,
      %scan3A_520 = arith.constant 0 : i32
      scf.yield %scan3A_520 : i32
    }
    %scan3A_93 = arith.constant 40 : i32
    %add3A_94 = arith.constant 0 : i32
    %add3A_95 = arith.addi %add3A_94, %mul3A_54 : i32
    "tpu.region"() ({
      %run_scoped3A = tpu.sem_alloc : memref<!tpu.dma_semaphore, #tpu.memory_space<semaphore_mem>>
      %dma_start3A_305 = arith.constant 0 : i32
      %dma_start3A_306 = tpu.memref_slice %arg12[%dma_start3A_305] : memref<10240xi32, #tpu.memory_space<vmem>> -> memref<640xi32, #tpu.memory_space<vmem>>
      %dma_start3A_307 = tpu.memref_slice %arg6[%add3A_95] : memref<163840xi32, #tpu.memory_space<hbm>> -> memref<640xi32, #tpu.memory_space<hbm>>
      %dma_start3A_308 = tpu.memref_slice %arg6[%add3A_95] : memref<163840xi32, #tpu.memory_space<hbm>> -> memref<640xi32, #tpu.memory_space<hbm>>
      %dma_start3A_309 = arith.constant 0 : i32
      %dma_start3A_310 = tpu.memref_slice %arg12[%dma_start3A_309] : memref<10240xi32, #tpu.memory_space<vmem>> -> memref<640xi32, #tpu.memory_space<vmem>>
      tpu.enqueue_dma source(%dma_start3A_310 : memref<640xi32, #tpu.memory_space<vmem>>) target(%dma_start3A_308 : memref<640xi32, #tpu.memory_space<hbm>>) target_semaphore(%run_scoped3A : memref<!tpu.dma_semaphore, #tpu.memory_space<semaphore_mem>>)
      %dma_wait3A_311 = arith.constant 0 : i32
      %dma_wait3A_312 = tpu.memref_slice %arg12[%dma_wait3A_311] : memref<10240xi32, #tpu.memory_space<vmem>> -> memref<640xi32, #tpu.memory_space<vmem>>
      %dma_wait3A_313 = tpu.memref_slice %arg6[%add3A_95] : memref<163840xi32, #tpu.memory_space<hbm>> -> memref<640xi32, #tpu.memory_space<hbm>>
      %dma_wait3A_314 = tpu.memref_slice %arg6[%add3A_95] : memref<163840xi32, #tpu.memory_space<hbm>> -> memref<640xi32, #tpu.memory_space<hbm>>
      %dma_wait3A_315 = arith.constant 0 : i32
      %dma_wait3A_316 = tpu.memref_slice %arg12[%dma_wait3A_315] : memref<10240xi32, #tpu.memory_space<vmem>> -> memref<640xi32, #tpu.memory_space<vmem>>
      tpu.wait_dma2 semaphore(%run_scoped3A : memref<!tpu.dma_semaphore, #tpu.memory_space<semaphore_mem>>) src(%dma_wait3A_316 : memref<640xi32, #tpu.memory_space<vmem>>) dst(%dma_wait3A_314 : memref<640xi32, #tpu.memory_space<hbm>>)
      tpu.yield
    }) : () -> ()
    %add3A_96 = arith.constant 10240 : i32
    %add3A_97 = arith.addi %add3A_96, %mul3A_54 : i32
    "tpu.region"() ({
      %run_scoped3A = tpu.sem_alloc : memref<!tpu.dma_semaphore, #tpu.memory_space<semaphore_mem>>
      %dma_start3A_305 = arith.constant 640 : i32
      %dma_start3A_306 = tpu.memref_slice %arg12[%dma_start3A_305] : memref<10240xi32, #tpu.memory_space<vmem>> -> memref<640xi32, #tpu.memory_space<vmem>>
      %dma_start3A_307 = tpu.memref_slice %arg6[%add3A_97] : memref<163840xi32, #tpu.memory_space<hbm>> -> memref<640xi32, #tpu.memory_space<hbm>>
      %dma_start3A_308 = tpu.memref_slice %arg6[%add3A_97] : memref<163840xi32, #tpu.memory_space<hbm>> -> memref<640xi32, #tpu.memory_space<hbm>>
      %dma_start3A_309 = arith.constant 640 : i32
      %dma_start3A_310 = tpu.memref_slice %arg12[%dma_start3A_309] : memref<10240xi32, #tpu.memory_space<vmem>> -> memref<640xi32, #tpu.memory_space<vmem>>
      tpu.enqueue_dma source(%dma_start3A_310 : memref<640xi32, #tpu.memory_space<vmem>>) target(%dma_start3A_308 : memref<640xi32, #tpu.memory_space<hbm>>) target_semaphore(%run_scoped3A : memref<!tpu.dma_semaphore, #tpu.memory_space<semaphore_mem>>)
      %dma_wait3A_311 = arith.constant 640 : i32
      %dma_wait3A_312 = tpu.memref_slice %arg12[%dma_wait3A_311] : memref<10240xi32, #tpu.memory_space<vmem>> -> memref<640xi32, #tpu.memory_space<vmem>>
      %dma_wait3A_313 = tpu.memref_slice %arg6[%add3A_97] : memref<163840xi32, #tpu.memory_space<hbm>> -> memref<640xi32, #tpu.memory_space<hbm>>
      %dma_wait3A_314 = tpu.memref_slice %arg6[%add3A_97] : memref<163840xi32, #tpu.memory_space<hbm>> -> memref<640xi32, #tpu.memory_space<hbm>>
      %dma_wait3A_315 = arith.constant 640 : i32
      %dma_wait3A_316 = tpu.memref_slice %arg12[%dma_wait3A_315] : memref<10240xi32, #tpu.memory_space<vmem>> -> memref<640xi32, #tpu.memory_space<vmem>>
      tpu.wait_dma2 semaphore(%run_scoped3A : memref<!tpu.dma_semaphore, #tpu.memory_space<semaphore_mem>>) src(%dma_wait3A_316 : memref<640xi32, #tpu.memory_space<vmem>>) dst(%dma_wait3A_314 : memref<640xi32, #tpu.memory_space<hbm>>)
      tpu.yield
    }) : () -> ()
    %add3A_98 = arith.constant 20480 : i32
    %add3A_99 = arith.addi %add3A_98, %mul3A_54 : i32
    "tpu.region"() ({
      %run_scoped3A = tpu.sem_alloc : memref<!tpu.dma_semaphore, #tpu.memory_space<semaphore_mem>>
      %dma_start3A_305 = arith.constant 1280 : i32
      %dma_start3A_306 = tpu.memref_slice %arg12[%dma_start3A_305] : memref<10240xi32, #tpu.memory_space<vmem>> -> memref<640xi32, #tpu.memory_space<vmem>>
      %dma_start3A_307 = tpu.memref_slice %arg6[%add3A_99] : memref<163840xi32, #tpu.memory_space<hbm>> -> memref<640xi32, #tpu.memory_space<hbm>>
      %dma_start3A_308 = tpu.memref_slice %arg6[%add3A_99] : memref<163840xi32, #tpu.memory_space<hbm>> -> memref<640xi32, #tpu.memory_space<hbm>>
      %dma_start3A_309 = arith.constant 1280 : i32
      %dma_start3A_310 = tpu.memref_slice %arg12[%dma_start3A_309] : memref<10240xi32, #tpu.memory_space<vmem>> -> memref<640xi32, #tpu.memory_space<vmem>>
      tpu.enqueue_dma source(%dma_start3A_310 : memref<640xi32, #tpu.memory_space<vmem>>) target(%dma_start3A_308 : memref<640xi32, #tpu.memory_space<hbm>>) target_semaphore(%run_scoped3A : memref<!tpu.dma_semaphore, #tpu.memory_space<semaphore_mem>>)
      %dma_wait3A_311 = arith.constant 1280 : i32
      %dma_wait3A_312 = tpu.memref_slice %arg12[%dma_wait3A_311] : memref<10240xi32, #tpu.memory_space<vmem>> -> memref<640xi32, #tpu.memory_space<vmem>>
      %dma_wait3A_313 = tpu.memref_slice %arg6[%add3A_99] : memref<163840xi32, #tpu.memory_space<hbm>> -> memref<640xi32, #tpu.memory_space<hbm>>
      %dma_wait3A_314 = tpu.memref_slice %arg6[%add3A_99] : memref<163840xi32, #tpu.memory_space<hbm>> -> memref<640xi32, #tpu.memory_space<hbm>>
      %dma_wait3A_315 = arith.constant 1280 : i32
      %dma_wait3A_316 = tpu.memref_slice %arg12[%dma_wait3A_315] : memref<10240xi32, #tpu.memory_space<vmem>> -> memref<640xi32, #tpu.memory_space<vmem>>
      tpu.wait_dma2 semaphore(%run_scoped3A : memref<!tpu.dma_semaphore, #tpu.memory_space<semaphore_mem>>) src(%dma_wait3A_316 : memref<640xi32, #tpu.memory_space<vmem>>) dst(%dma_wait3A_314 : memref<640xi32, #tpu.memory_space<hbm>>)
      tpu.yield
    }) : () -> ()
    %add3A_100 = arith.constant 30720 : i32
    %add3A_101 = arith.addi %add3A_100, %mul3A_54 : i32
    "tpu.region"() ({
      %run_scoped3A = tpu.sem_alloc : memref<!tpu.dma_semaphore, #tpu.memory_space<semaphore_mem>>
      %dma_start3A_305 = arith.constant 1920 : i32
      %dma_start3A_306 = tpu.memref_slice %arg12[%dma_start3A_305] : memref<10240xi32, #tpu.memory_space<vmem>> -> memref<640xi32, #tpu.memory_space<vmem>>
      %dma_start3A_307 = tpu.memref_slice %arg6[%add3A_101] : memref<163840xi32, #tpu.memory_space<hbm>> -> memref<640xi32, #tpu.memory_space<hbm>>
      %dma_start3A_308 = tpu.memref_slice %arg6[%add3A_101] : memref<163840xi32, #tpu.memory_space<hbm>> -> memref<640xi32, #tpu.memory_space<hbm>>
      %dma_start3A_309 = arith.constant 1920 : i32
      %dma_start3A_310 = tpu.memref_slice %arg12[%dma_start3A_309] : memref<10240xi32, #tpu.memory_space<vmem>> -> memref<640xi32, #tpu.memory_space<vmem>>
      tpu.enqueue_dma source(%dma_start3A_310 : memref<640xi32, #tpu.memory_space<vmem>>) target(%dma_start3A_308 : memref<640xi32, #tpu.memory_space<hbm>>) target_semaphore(%run_scoped3A : memref<!tpu.dma_semaphore, #tpu.memory_space<semaphore_mem>>)
      %dma_wait3A_311 = arith.constant 1920 : i32
      %dma_wait3A_312 = tpu.memref_slice %arg12[%dma_wait3A_311] : memref<10240xi32, #tpu.memory_space<vmem>> -> memref<640xi32, #tpu.memory_space<vmem>>
      %dma_wait3A_313 = tpu.memref_slice %arg6[%add3A_101] : memref<163840xi32, #tpu.memory_space<hbm>> -> memref<640xi32, #tpu.memory_space<hbm>>
      %dma_wait3A_314 = tpu.memref_slice %arg6[%add3A_101] : memref<163840xi32, #tpu.memory_space<hbm>> -> memref<640xi32, #tpu.memory_space<hbm>>
      %dma_wait3A_315 = arith.constant 1920 : i32
      %dma_wait3A_316 = tpu.memref_slice %arg12[%dma_wait3A_315] : memref<10240xi32, #tpu.memory_space<vmem>> -> memref<640xi32, #tpu.memory_space<vmem>>
      tpu.wait_dma2 semaphore(%run_scoped3A : memref<!tpu.dma_semaphore, #tpu.memory_space<semaphore_mem>>) src(%dma_wait3A_316 : memref<640xi32, #tpu.memory_space<vmem>>) dst(%dma_wait3A_314 : memref<640xi32, #tpu.memory_space<hbm>>)
      tpu.yield
    }) : () -> ()
    %add3A_102 = arith.constant 40960 : i32
    %add3A_103 = arith.addi %add3A_102, %mul3A_54 : i32
    "tpu.region"() ({
      %run_scoped3A = tpu.sem_alloc : memref<!tpu.dma_semaphore, #tpu.memory_space<semaphore_mem>>
      %dma_start3A_305 = arith.constant 2560 : i32
      %dma_start3A_306 = tpu.memref_slice %arg12[%dma_start3A_305] : memref<10240xi32, #tpu.memory_space<vmem>> -> memref<640xi32, #tpu.memory_space<vmem>>
      %dma_start3A_307 = tpu.memref_slice %arg6[%add3A_103] : memref<163840xi32, #tpu.memory_space<hbm>> -> memref<640xi32, #tpu.memory_space<hbm>>
      %dma_start3A_308 = tpu.memref_slice %arg6[%add3A_103] : memref<163840xi32, #tpu.memory_space<hbm>> -> memref<640xi32, #tpu.memory_space<hbm>>
      %dma_start3A_309 = arith.constant 2560 : i32
      %dma_start3A_310 = tpu.memref_slice %arg12[%dma_start3A_309] : memref<10240xi32, #tpu.memory_space<vmem>> -> memref<640xi32, #tpu.memory_space<vmem>>
      tpu.enqueue_dma source(%dma_start3A_310 : memref<640xi32, #tpu.memory_space<vmem>>) target(%dma_start3A_308 : memref<640xi32, #tpu.memory_space<hbm>>) target_semaphore(%run_scoped3A : memref<!tpu.dma_semaphore, #tpu.memory_space<semaphore_mem>>)
      %dma_wait3A_311 = arith.constant 2560 : i32
      %dma_wait3A_312 = tpu.memref_slice %arg12[%dma_wait3A_311] : memref<10240xi32, #tpu.memory_space<vmem>> -> memref<640xi32, #tpu.memory_space<vmem>>
      %dma_wait3A_313 = tpu.memref_slice %arg6[%add3A_103] : memref<163840xi32, #tpu.memory_space<hbm>> -> memref<640xi32, #tpu.memory_space<hbm>>
      %dma_wait3A_314 = tpu.memref_slice %arg6[%add3A_103] : memref<163840xi32, #tpu.memory_space<hbm>> -> memref<640xi32, #tpu.memory_space<hbm>>
      %dma_wait3A_315 = arith.constant 2560 : i32
      %dma_wait3A_316 = tpu.memref_slice %arg12[%dma_wait3A_315] : memref<10240xi32, #tpu.memory_space<vmem>> -> memref<640xi32, #tpu.memory_space<vmem>>
      tpu.wait_dma2 semaphore(%run_scoped3A : memref<!tpu.dma_semaphore, #tpu.memory_space<semaphore_mem>>) src(%dma_wait3A_316 : memref<640xi32, #tpu.memory_space<vmem>>) dst(%dma_wait3A_314 : memref<640xi32, #tpu.memory_space<hbm>>)
      tpu.yield
    }) : () -> ()
    %add3A_104 = arith.constant 51200 : i32
    %add3A_105 = arith.addi %add3A_104, %mul3A_54 : i32
    "tpu.region"() ({
      %run_scoped3A = tpu.sem_alloc : memref<!tpu.dma_semaphore, #tpu.memory_space<semaphore_mem>>
      %dma_start3A_305 = arith.constant 3200 : i32
      %dma_start3A_306 = tpu.memref_slice %arg12[%dma_start3A_305] : memref<10240xi32, #tpu.memory_space<vmem>> -> memref<640xi32, #tpu.memory_space<vmem>>
      %dma_start3A_307 = tpu.memref_slice %arg6[%add3A_105] : memref<163840xi32, #tpu.memory_space<hbm>> -> memref<640xi32, #tpu.memory_space<hbm>>
      %dma_start3A_308 = tpu.memref_slice %arg6[%add3A_105] : memref<163840xi32, #tpu.memory_space<hbm>> -> memref<640xi32, #tpu.memory_space<hbm>>
      %dma_start3A_309 = arith.constant 3200 : i32
      %dma_start3A_310 = tpu.memref_slice %arg12[%dma_start3A_309] : memref<10240xi32, #tpu.memory_space<vmem>> -> memref<640xi32, #tpu.memory_space<vmem>>
      tpu.enqueue_dma source(%dma_start3A_310 : memref<640xi32, #tpu.memory_space<vmem>>) target(%dma_start3A_308 : memref<640xi32, #tpu.memory_space<hbm>>) target_semaphore(%run_scoped3A : memref<!tpu.dma_semaphore, #tpu.memory_space<semaphore_mem>>)
      %dma_wait3A_311 = arith.constant 3200 : i32
      %dma_wait3A_312 = tpu.memref_slice %arg12[%dma_wait3A_311] : memref<10240xi32, #tpu.memory_space<vmem>> -> memref<640xi32, #tpu.memory_space<vmem>>
      %dma_wait3A_313 = tpu.memref_slice %arg6[%add3A_105] : memref<163840xi32, #tpu.memory_space<hbm>> -> memref<640xi32, #tpu.memory_space<hbm>>
      %dma_wait3A_314 = tpu.memref_slice %arg6[%add3A_105] : memref<163840xi32, #tpu.memory_space<hbm>> -> memref<640xi32, #tpu.memory_space<hbm>>
      %dma_wait3A_315 = arith.constant 3200 : i32
      %dma_wait3A_316 = tpu.memref_slice %arg12[%dma_wait3A_315] : memref<10240xi32, #tpu.memory_space<vmem>> -> memref<640xi32, #tpu.memory_space<vmem>>
      tpu.wait_dma2 semaphore(%run_scoped3A : memref<!tpu.dma_semaphore, #tpu.memory_space<semaphore_mem>>) src(%dma_wait3A_316 : memref<640xi32, #tpu.memory_space<vmem>>) dst(%dma_wait3A_314 : memref<640xi32, #tpu.memory_space<hbm>>)
      tpu.yield
    }) : () -> ()
    %add3A_106 = arith.constant 61440 : i32
    %add3A_107 = arith.addi %add3A_106, %mul3A_54 : i32
    "tpu.region"() ({
      %run_scoped3A = tpu.sem_alloc : memref<!tpu.dma_semaphore, #tpu.memory_space<semaphore_mem>>
      %dma_start3A_305 = arith.constant 3840 : i32
      %dma_start3A_306 = tpu.memref_slice %arg12[%dma_start3A_305] : memref<10240xi32, #tpu.memory_space<vmem>> -> memref<640xi32, #tpu.memory_space<vmem>>
      %dma_start3A_307 = tpu.memref_slice %arg6[%add3A_107] : memref<163840xi32, #tpu.memory_space<hbm>> -> memref<640xi32, #tpu.memory_space<hbm>>
      %dma_start3A_308 = tpu.memref_slice %arg6[%add3A_107] : memref<163840xi32, #tpu.memory_space<hbm>> -> memref<640xi32, #tpu.memory_space<hbm>>
      %dma_start3A_309 = arith.constant 3840 : i32
      %dma_start3A_310 = tpu.memref_slice %arg12[%dma_start3A_309] : memref<10240xi32, #tpu.memory_space<vmem>> -> memref<640xi32, #tpu.memory_space<vmem>>
      tpu.enqueue_dma source(%dma_start3A_310 : memref<640xi32, #tpu.memory_space<vmem>>) target(%dma_start3A_308 : memref<640xi32, #tpu.memory_space<hbm>>) target_semaphore(%run_scoped3A : memref<!tpu.dma_semaphore, #tpu.memory_space<semaphore_mem>>)
      %dma_wait3A_311 = arith.constant 3840 : i32
      %dma_wait3A_312 = tpu.memref_slice %arg12[%dma_wait3A_311] : memref<10240xi32, #tpu.memory_space<vmem>> -> memref<640xi32, #tpu.memory_space<vmem>>
      %dma_wait3A_313 = tpu.memref_slice %arg6[%add3A_107] : memref<163840xi32, #tpu.memory_space<hbm>> -> memref<640xi32, #tpu.memory_space<hbm>>
      %dma_wait3A_314 = tpu.memref_slice %arg6[%add3A_107] : memref<163840xi32, #tpu.memory_space<hbm>> -> memref<640xi32, #tpu.memory_space<hbm>>
      %dma_wait3A_315 = arith.constant 3840 : i32
      %dma_wait3A_316 = tpu.memref_slice %arg12[%dma_wait3A_315] : memref<10240xi32, #tpu.memory_space<vmem>> -> memref<640xi32, #tpu.memory_space<vmem>>
      tpu.wait_dma2 semaphore(%run_scoped3A : memref<!tpu.dma_semaphore, #tpu.memory_space<semaphore_mem>>) src(%dma_wait3A_316 : memref<640xi32, #tpu.memory_space<vmem>>) dst(%dma_wait3A_314 : memref<640xi32, #tpu.memory_space<hbm>>)
      tpu.yield
    }) : () -> ()
    %add3A_108 = arith.constant 71680 : i32
    %add3A_109 = arith.addi %add3A_108, %mul3A_54 : i32
    "tpu.region"() ({
      %run_scoped3A = tpu.sem_alloc : memref<!tpu.dma_semaphore, #tpu.memory_space<semaphore_mem>>
      %dma_start3A_305 = arith.constant 4480 : i32
      %dma_start3A_306 = tpu.memref_slice %arg12[%dma_start3A_305] : memref<10240xi32, #tpu.memory_space<vmem>> -> memref<640xi32, #tpu.memory_space<vmem>>
      %dma_start3A_307 = tpu.memref_slice %arg6[%add3A_109] : memref<163840xi32, #tpu.memory_space<hbm>> -> memref<640xi32, #tpu.memory_space<hbm>>
      %dma_start3A_308 = tpu.memref_slice %arg6[%add3A_109] : memref<163840xi32, #tpu.memory_space<hbm>> -> memref<640xi32, #tpu.memory_space<hbm>>
      %dma_start3A_309 = arith.constant 4480 : i32
      %dma_start3A_310 = tpu.memref_slice %arg12[%dma_start3A_309] : memref<10240xi32, #tpu.memory_space<vmem>> -> memref<640xi32, #tpu.memory_space<vmem>>
      tpu.enqueue_dma source(%dma_start3A_310 : memref<640xi32, #tpu.memory_space<vmem>>) target(%dma_start3A_308 : memref<640xi32, #tpu.memory_space<hbm>>) target_semaphore(%run_scoped3A : memref<!tpu.dma_semaphore, #tpu.memory_space<semaphore_mem>>)
      %dma_wait3A_311 = arith.constant 4480 : i32
      %dma_wait3A_312 = tpu.memref_slice %arg12[%dma_wait3A_311] : memref<10240xi32, #tpu.memory_space<vmem>> -> memref<640xi32, #tpu.memory_space<vmem>>
      %dma_wait3A_313 = tpu.memref_slice %arg6[%add3A_109] : memref<163840xi32, #tpu.memory_space<hbm>> -> memref<640xi32, #tpu.memory_space<hbm>>
      %dma_wait3A_314 = tpu.memref_slice %arg6[%add3A_109] : memref<163840xi32, #tpu.memory_space<hbm>> -> memref<640xi32, #tpu.memory_space<hbm>>
      %dma_wait3A_315 = arith.constant 4480 : i32
      %dma_wait3A_316 = tpu.memref_slice %arg12[%dma_wait3A_315] : memref<10240xi32, #tpu.memory_space<vmem>> -> memref<640xi32, #tpu.memory_space<vmem>>
      tpu.wait_dma2 semaphore(%run_scoped3A : memref<!tpu.dma_semaphore, #tpu.memory_space<semaphore_mem>>) src(%dma_wait3A_316 : memref<640xi32, #tpu.memory_space<vmem>>) dst(%dma_wait3A_314 : memref<640xi32, #tpu.memory_space<hbm>>)
      tpu.yield
    }) : () -> ()
    %add3A_110 = arith.constant 81920 : i32
    %add3A_111 = arith.addi %add3A_110, %mul3A_54 : i32
    "tpu.region"() ({
      %run_scoped3A = tpu.sem_alloc : memref<!tpu.dma_semaphore, #tpu.memory_space<semaphore_mem>>
      %dma_start3A_305 = arith.constant 5120 : i32
      %dma_start3A_306 = tpu.memref_slice %arg12[%dma_start3A_305] : memref<10240xi32, #tpu.memory_space<vmem>> -> memref<640xi32, #tpu.memory_space<vmem>>
      %dma_start3A_307 = tpu.memref_slice %arg6[%add3A_111] : memref<163840xi32, #tpu.memory_space<hbm>> -> memref<640xi32, #tpu.memory_space<hbm>>
      %dma_start3A_308 = tpu.memref_slice %arg6[%add3A_111] : memref<163840xi32, #tpu.memory_space<hbm>> -> memref<640xi32, #tpu.memory_space<hbm>>
      %dma_start3A_309 = arith.constant 5120 : i32
      %dma_start3A_310 = tpu.memref_slice %arg12[%dma_start3A_309] : memref<10240xi32, #tpu.memory_space<vmem>> -> memref<640xi32, #tpu.memory_space<vmem>>
      tpu.enqueue_dma source(%dma_start3A_310 : memref<640xi32, #tpu.memory_space<vmem>>) target(%dma_start3A_308 : memref<640xi32, #tpu.memory_space<hbm>>) target_semaphore(%run_scoped3A : memref<!tpu.dma_semaphore, #tpu.memory_space<semaphore_mem>>)
      %dma_wait3A_311 = arith.constant 5120 : i32
      %dma_wait3A_312 = tpu.memref_slice %arg12[%dma_wait3A_311] : memref<10240xi32, #tpu.memory_space<vmem>> -> memref<640xi32, #tpu.memory_space<vmem>>
      %dma_wait3A_313 = tpu.memref_slice %arg6[%add3A_111] : memref<163840xi32, #tpu.memory_space<hbm>> -> memref<640xi32, #tpu.memory_space<hbm>>
      %dma_wait3A_314 = tpu.memref_slice %arg6[%add3A_111] : memref<163840xi32, #tpu.memory_space<hbm>> -> memref<640xi32, #tpu.memory_space<hbm>>
      %dma_wait3A_315 = arith.constant 5120 : i32
      %dma_wait3A_316 = tpu.memref_slice %arg12[%dma_wait3A_315] : memref<10240xi32, #tpu.memory_space<vmem>> -> memref<640xi32, #tpu.memory_space<vmem>>
      tpu.wait_dma2 semaphore(%run_scoped3A : memref<!tpu.dma_semaphore, #tpu.memory_space<semaphore_mem>>) src(%dma_wait3A_316 : memref<640xi32, #tpu.memory_space<vmem>>) dst(%dma_wait3A_314 : memref<640xi32, #tpu.memory_space<hbm>>)
      tpu.yield
    }) : () -> ()
    %add3A_112 = arith.constant 92160 : i32
    %add3A_113 = arith.addi %add3A_112, %mul3A_54 : i32
    "tpu.region"() ({
      %run_scoped3A = tpu.sem_alloc : memref<!tpu.dma_semaphore, #tpu.memory_space<semaphore_mem>>
      %dma_start3A_305 = arith.constant 5760 : i32
      %dma_start3A_306 = tpu.memref_slice %arg12[%dma_start3A_305] : memref<10240xi32, #tpu.memory_space<vmem>> -> memref<640xi32, #tpu.memory_space<vmem>>
      %dma_start3A_307 = tpu.memref_slice %arg6[%add3A_113] : memref<163840xi32, #tpu.memory_space<hbm>> -> memref<640xi32, #tpu.memory_space<hbm>>
      %dma_start3A_308 = tpu.memref_slice %arg6[%add3A_113] : memref<163840xi32, #tpu.memory_space<hbm>> -> memref<640xi32, #tpu.memory_space<hbm>>
      %dma_start3A_309 = arith.constant 5760 : i32
      %dma_start3A_310 = tpu.memref_slice %arg12[%dma_start3A_309] : memref<10240xi32, #tpu.memory_space<vmem>> -> memref<640xi32, #tpu.memory_space<vmem>>
      tpu.enqueue_dma source(%dma_start3A_310 : memref<640xi32, #tpu.memory_space<vmem>>) target(%dma_start3A_308 : memref<640xi32, #tpu.memory_space<hbm>>) target_semaphore(%run_scoped3A : memref<!tpu.dma_semaphore, #tpu.memory_space<semaphore_mem>>)
      %dma_wait3A_311 = arith.constant 5760 : i32
      %dma_wait3A_312 = tpu.memref_slice %arg12[%dma_wait3A_311] : memref<10240xi32, #tpu.memory_space<vmem>> -> memref<640xi32, #tpu.memory_space<vmem>>
      %dma_wait3A_313 = tpu.memref_slice %arg6[%add3A_113] : memref<163840xi32, #tpu.memory_space<hbm>> -> memref<640xi32, #tpu.memory_space<hbm>>
      %dma_wait3A_314 = tpu.memref_slice %arg6[%add3A_113] : memref<163840xi32, #tpu.memory_space<hbm>> -> memref<640xi32, #tpu.memory_space<hbm>>
      %dma_wait3A_315 = arith.constant 5760 : i32
      %dma_wait3A_316 = tpu.memref_slice %arg12[%dma_wait3A_315] : memref<10240xi32, #tpu.memory_space<vmem>> -> memref<640xi32, #tpu.memory_space<vmem>>
      tpu.wait_dma2 semaphore(%run_scoped3A : memref<!tpu.dma_semaphore, #tpu.memory_space<semaphore_mem>>) src(%dma_wait3A_316 : memref<640xi32, #tpu.memory_space<vmem>>) dst(%dma_wait3A_314 : memref<640xi32, #tpu.memory_space<hbm>>)
      tpu.yield
    }) : () -> ()
    %add3A_114 = arith.constant 102400 : i32
    %add3A_115 = arith.addi %add3A_114, %mul3A_54 : i32
    "tpu.region"() ({
      %run_scoped3A = tpu.sem_alloc : memref<!tpu.dma_semaphore, #tpu.memory_space<semaphore_mem>>
      %dma_start3A_305 = arith.constant 6400 : i32
      %dma_start3A_306 = tpu.memref_slice %arg12[%dma_start3A_305] : memref<10240xi32, #tpu.memory_space<vmem>> -> memref<640xi32, #tpu.memory_space<vmem>>
      %dma_start3A_307 = tpu.memref_slice %arg6[%add3A_115] : memref<163840xi32, #tpu.memory_space<hbm>> -> memref<640xi32, #tpu.memory_space<hbm>>
      %dma_start3A_308 = tpu.memref_slice %arg6[%add3A_115] : memref<163840xi32, #tpu.memory_space<hbm>> -> memref<640xi32, #tpu.memory_space<hbm>>
      %dma_start3A_309 = arith.constant 6400 : i32
      %dma_start3A_310 = tpu.memref_slice %arg12[%dma_start3A_309] : memref<10240xi32, #tpu.memory_space<vmem>> -> memref<640xi32, #tpu.memory_space<vmem>>
      tpu.enqueue_dma source(%dma_start3A_310 : memref<640xi32, #tpu.memory_space<vmem>>) target(%dma_start3A_308 : memref<640xi32, #tpu.memory_space<hbm>>) target_semaphore(%run_scoped3A : memref<!tpu.dma_semaphore, #tpu.memory_space<semaphore_mem>>)
      %dma_wait3A_311 = arith.constant 6400 : i32
      %dma_wait3A_312 = tpu.memref_slice %arg12[%dma_wait3A_311] : memref<10240xi32, #tpu.memory_space<vmem>> -> memref<640xi32, #tpu.memory_space<vmem>>
      %dma_wait3A_313 = tpu.memref_slice %arg6[%add3A_115] : memref<163840xi32, #tpu.memory_space<hbm>> -> memref<640xi32, #tpu.memory_space<hbm>>
      %dma_wait3A_314 = tpu.memref_slice %arg6[%add3A_115] : memref<163840xi32, #tpu.memory_space<hbm>> -> memref<640xi32, #tpu.memory_space<hbm>>
      %dma_wait3A_315 = arith.constant 6400 : i32
      %dma_wait3A_316 = tpu.memref_slice %arg12[%dma_wait3A_315] : memref<10240xi32, #tpu.memory_space<vmem>> -> memref<640xi32, #tpu.memory_space<vmem>>
      tpu.wait_dma2 semaphore(%run_scoped3A : memref<!tpu.dma_semaphore, #tpu.memory_space<semaphore_mem>>) src(%dma_wait3A_316 : memref<640xi32, #tpu.memory_space<vmem>>) dst(%dma_wait3A_314 : memref<640xi32, #tpu.memory_space<hbm>>)
      tpu.yield
    }) : () -> ()
    %add3A_116 = arith.constant 112640 : i32
    %add3A_117 = arith.addi %add3A_116, %mul3A_54 : i32
    "tpu.region"() ({
      %run_scoped3A = tpu.sem_alloc : memref<!tpu.dma_semaphore, #tpu.memory_space<semaphore_mem>>
      %dma_start3A_305 = arith.constant 7040 : i32
      %dma_start3A_306 = tpu.memref_slice %arg12[%dma_start3A_305] : memref<10240xi32, #tpu.memory_space<vmem>> -> memref<640xi32, #tpu.memory_space<vmem>>
      %dma_start3A_307 = tpu.memref_slice %arg6[%add3A_117] : memref<163840xi32, #tpu.memory_space<hbm>> -> memref<640xi32, #tpu.memory_space<hbm>>
      %dma_start3A_308 = tpu.memref_slice %arg6[%add3A_117] : memref<163840xi32, #tpu.memory_space<hbm>> -> memref<640xi32, #tpu.memory_space<hbm>>
      %dma_start3A_309 = arith.constant 7040 : i32
      %dma_start3A_310 = tpu.memref_slice %arg12[%dma_start3A_309] : memref<10240xi32, #tpu.memory_space<vmem>> -> memref<640xi32, #tpu.memory_space<vmem>>
      tpu.enqueue_dma source(%dma_start3A_310 : memref<640xi32, #tpu.memory_space<vmem>>) target(%dma_start3A_308 : memref<640xi32, #tpu.memory_space<hbm>>) target_semaphore(%run_scoped3A : memref<!tpu.dma_semaphore, #tpu.memory_space<semaphore_mem>>)
      %dma_wait3A_311 = arith.constant 7040 : i32
      %dma_wait3A_312 = tpu.memref_slice %arg12[%dma_wait3A_311] : memref<10240xi32, #tpu.memory_space<vmem>> -> memref<640xi32, #tpu.memory_space<vmem>>
      %dma_wait3A_313 = tpu.memref_slice %arg6[%add3A_117] : memref<163840xi32, #tpu.memory_space<hbm>> -> memref<640xi32, #tpu.memory_space<hbm>>
      %dma_wait3A_314 = tpu.memref_slice %arg6[%add3A_117] : memref<163840xi32, #tpu.memory_space<hbm>> -> memref<640xi32, #tpu.memory_space<hbm>>
      %dma_wait3A_315 = arith.constant 7040 : i32
      %dma_wait3A_316 = tpu.memref_slice %arg12[%dma_wait3A_315] : memref<10240xi32, #tpu.memory_space<vmem>> -> memref<640xi32, #tpu.memory_space<vmem>>
      tpu.wait_dma2 semaphore(%run_scoped3A : memref<!tpu.dma_semaphore, #tpu.memory_space<semaphore_mem>>) src(%dma_wait3A_316 : memref<640xi32, #tpu.memory_space<vmem>>) dst(%dma_wait3A_314 : memref<640xi32, #tpu.memory_space<hbm>>)
      tpu.yield
    }) : () -> ()
    %add3A_118 = arith.constant 122880 : i32
    %add3A_119 = arith.addi %add3A_118, %mul3A_54 : i32
    "tpu.region"() ({
      %run_scoped3A = tpu.sem_alloc : memref<!tpu.dma_semaphore, #tpu.memory_space<semaphore_mem>>
      %dma_start3A_305 = arith.constant 7680 : i32
      %dma_start3A_306 = tpu.memref_slice %arg12[%dma_start3A_305] : memref<10240xi32, #tpu.memory_space<vmem>> -> memref<640xi32, #tpu.memory_space<vmem>>
      %dma_start3A_307 = tpu.memref_slice %arg6[%add3A_119] : memref<163840xi32, #tpu.memory_space<hbm>> -> memref<640xi32, #tpu.memory_space<hbm>>
      %dma_start3A_308 = tpu.memref_slice %arg6[%add3A_119] : memref<163840xi32, #tpu.memory_space<hbm>> -> memref<640xi32, #tpu.memory_space<hbm>>
      %dma_start3A_309 = arith.constant 7680 : i32
      %dma_start3A_310 = tpu.memref_slice %arg12[%dma_start3A_309] : memref<10240xi32, #tpu.memory_space<vmem>> -> memref<640xi32, #tpu.memory_space<vmem>>
      tpu.enqueue_dma source(%dma_start3A_310 : memref<640xi32, #tpu.memory_space<vmem>>) target(%dma_start3A_308 : memref<640xi32, #tpu.memory_space<hbm>>) target_semaphore(%run_scoped3A : memref<!tpu.dma_semaphore, #tpu.memory_space<semaphore_mem>>)
      %dma_wait3A_311 = arith.constant 7680 : i32
      %dma_wait3A_312 = tpu.memref_slice %arg12[%dma_wait3A_311] : memref<10240xi32, #tpu.memory_space<vmem>> -> memref<640xi32, #tpu.memory_space<vmem>>
      %dma_wait3A_313 = tpu.memref_slice %arg6[%add3A_119] : memref<163840xi32, #tpu.memory_space<hbm>> -> memref<640xi32, #tpu.memory_space<hbm>>
      %dma_wait3A_314 = tpu.memref_slice %arg6[%add3A_119] : memref<163840xi32, #tpu.memory_space<hbm>> -> memref<640xi32, #tpu.memory_space<hbm>>
      %dma_wait3A_315 = arith.constant 7680 : i32
      %dma_wait3A_316 = tpu.memref_slice %arg12[%dma_wait3A_315] : memref<10240xi32, #tpu.memory_space<vmem>> -> memref<640xi32, #tpu.memory_space<vmem>>
      tpu.wait_dma2 semaphore(%run_scoped3A : memref<!tpu.dma_semaphore, #tpu.memory_space<semaphore_mem>>) src(%dma_wait3A_316 : memref<640xi32, #tpu.memory_space<vmem>>) dst(%dma_wait3A_314 : memref<640xi32, #tpu.memory_space<hbm>>)
      tpu.yield
    }) : () -> ()
    %add3A_120 = arith.constant 133120 : i32
    %add3A_121 = arith.addi %add3A_120, %mul3A_54 : i32
    "tpu.region"() ({
      %run_scoped3A = tpu.sem_alloc : memref<!tpu.dma_semaphore, #tpu.memory_space<semaphore_mem>>
      %dma_start3A_305 = arith.constant 8320 : i32
      %dma_start3A_306 = tpu.memref_slice %arg12[%dma_start3A_305] : memref<10240xi32, #tpu.memory_space<vmem>> -> memref<640xi32, #tpu.memory_space<vmem>>
      %dma_start3A_307 = tpu.memref_slice %arg6[%add3A_121] : memref<163840xi32, #tpu.memory_space<hbm>> -> memref<640xi32, #tpu.memory_space<hbm>>
      %dma_start3A_308 = tpu.memref_slice %arg6[%add3A_121] : memref<163840xi32, #tpu.memory_space<hbm>> -> memref<640xi32, #tpu.memory_space<hbm>>
      %dma_start3A_309 = arith.constant 8320 : i32
      %dma_start3A_310 = tpu.memref_slice %arg12[%dma_start3A_309] : memref<10240xi32, #tpu.memory_space<vmem>> -> memref<640xi32, #tpu.memory_space<vmem>>
      tpu.enqueue_dma source(%dma_start3A_310 : memref<640xi32, #tpu.memory_space<vmem>>) target(%dma_start3A_308 : memref<640xi32, #tpu.memory_space<hbm>>) target_semaphore(%run_scoped3A : memref<!tpu.dma_semaphore, #tpu.memory_space<semaphore_mem>>)
      %dma_wait3A_311 = arith.constant 8320 : i32
      %dma_wait3A_312 = tpu.memref_slice %arg12[%dma_wait3A_311] : memref<10240xi32, #tpu.memory_space<vmem>> -> memref<640xi32, #tpu.memory_space<vmem>>
      %dma_wait3A_313 = tpu.memref_slice %arg6[%add3A_121] : memref<163840xi32, #tpu.memory_space<hbm>> -> memref<640xi32, #tpu.memory_space<hbm>>
      %dma_wait3A_314 = tpu.memref_slice %arg6[%add3A_121] : memref<163840xi32, #tpu.memory_space<hbm>> -> memref<640xi32, #tpu.memory_space<hbm>>
      %dma_wait3A_315 = arith.constant 8320 : i32
      %dma_wait3A_316 = tpu.memref_slice %arg12[%dma_wait3A_315] : memref<10240xi32, #tpu.memory_space<vmem>> -> memref<640xi32, #tpu.memory_space<vmem>>
      tpu.wait_dma2 semaphore(%run_scoped3A : memref<!tpu.dma_semaphore, #tpu.memory_space<semaphore_mem>>) src(%dma_wait3A_316 : memref<640xi32, #tpu.memory_space<vmem>>) dst(%dma_wait3A_314 : memref<640xi32, #tpu.memory_space<hbm>>)
      tpu.yield
    }) : () -> ()
    %add3A_122 = arith.constant 143360 : i32
    %add3A_123 = arith.addi %add3A_122, %mul3A_54 : i32
    "tpu.region"() ({
      %run_scoped3A = tpu.sem_alloc : memref<!tpu.dma_semaphore, #tpu.memory_space<semaphore_mem>>
      %dma_start3A_305 = arith.constant 8960 : i32
      %dma_start3A_306 = tpu.memref_slice %arg12[%dma_start3A_305] : memref<10240xi32, #tpu.memory_space<vmem>> -> memref<640xi32, #tpu.memory_space<vmem>>
      %dma_start3A_307 = tpu.memref_slice %arg6[%add3A_123] : memref<163840xi32, #tpu.memory_space<hbm>> -> memref<640xi32, #tpu.memory_space<hbm>>
      %dma_start3A_308 = tpu.memref_slice %arg6[%add3A_123] : memref<163840xi32, #tpu.memory_space<hbm>> -> memref<640xi32, #tpu.memory_space<hbm>>
      %dma_start3A_309 = arith.constant 8960 : i32
      %dma_start3A_310 = tpu.memref_slice %arg12[%dma_start3A_309] : memref<10240xi32, #tpu.memory_space<vmem>> -> memref<640xi32, #tpu.memory_space<vmem>>
      tpu.enqueue_dma source(%dma_start3A_310 : memref<640xi32, #tpu.memory_space<vmem>>) target(%dma_start3A_308 : memref<640xi32, #tpu.memory_space<hbm>>) target_semaphore(%run_scoped3A : memref<!tpu.dma_semaphore, #tpu.memory_space<semaphore_mem>>)
      %dma_wait3A_311 = arith.constant 8960 : i32
      %dma_wait3A_312 = tpu.memref_slice %arg12[%dma_wait3A_311] : memref<10240xi32, #tpu.memory_space<vmem>> -> memref<640xi32, #tpu.memory_space<vmem>>
      %dma_wait3A_313 = tpu.memref_slice %arg6[%add3A_123] : memref<163840xi32, #tpu.memory_space<hbm>> -> memref<640xi32, #tpu.memory_space<hbm>>
      %dma_wait3A_314 = tpu.memref_slice %arg6[%add3A_123] : memref<163840xi32, #tpu.memory_space<hbm>> -> memref<640xi32, #tpu.memory_space<hbm>>
      %dma_wait3A_315 = arith.constant 8960 : i32
      %dma_wait3A_316 = tpu.memref_slice %arg12[%dma_wait3A_315] : memref<10240xi32, #tpu.memory_space<vmem>> -> memref<640xi32, #tpu.memory_space<vmem>>
      tpu.wait_dma2 semaphore(%run_scoped3A : memref<!tpu.dma_semaphore, #tpu.memory_space<semaphore_mem>>) src(%dma_wait3A_316 : memref<640xi32, #tpu.memory_space<vmem>>) dst(%dma_wait3A_314 : memref<640xi32, #tpu.memory_space<hbm>>)
      tpu.yield
    }) : () -> ()
    %add3A_124 = arith.constant 153600 : i32
    %add3A_125 = arith.addi %add3A_124, %mul3A_54 : i32
    "tpu.region"() ({
      %run_scoped3A = tpu.sem_alloc : memref<!tpu.dma_semaphore, #tpu.memory_space<semaphore_mem>>
      %dma_start3A_305 = arith.constant 9600 : i32
      %dma_start3A_306 = tpu.memref_slice %arg12[%dma_start3A_305] : memref<10240xi32, #tpu.memory_space<vmem>> -> memref<640xi32, #tpu.memory_space<vmem>>
      %dma_start3A_307 = tpu.memref_slice %arg6[%add3A_125] : memref<163840xi32, #tpu.memory_space<hbm>> -> memref<640xi32, #tpu.memory_space<hbm>>
      %dma_start3A_308 = tpu.memref_slice %arg6[%add3A_125] : memref<163840xi32, #tpu.memory_space<hbm>> -> memref<640xi32, #tpu.memory_space<hbm>>
      %dma_start3A_309 = arith.constant 9600 : i32
      %dma_start3A_310 = tpu.memref_slice %arg12[%dma_start3A_309] : memref<10240xi32, #tpu.memory_space<vmem>> -> memref<640xi32, #tpu.memory_space<vmem>>
      tpu.enqueue_dma source(%dma_start3A_310 : memref<640xi32, #tpu.memory_space<vmem>>) target(%dma_start3A_308 : memref<640xi32, #tpu.memory_space<hbm>>) target_semaphore(%run_scoped3A : memref<!tpu.dma_semaphore, #tpu.memory_space<semaphore_mem>>)
      %dma_wait3A_311 = arith.constant 9600 : i32
      %dma_wait3A_312 = tpu.memref_slice %arg12[%dma_wait3A_311] : memref<10240xi32, #tpu.memory_space<vmem>> -> memref<640xi32, #tpu.memory_space<vmem>>
      %dma_wait3A_313 = tpu.memref_slice %arg6[%add3A_125] : memref<163840xi32, #tpu.memory_space<hbm>> -> memref<640xi32, #tpu.memory_space<hbm>>
      %dma_wait3A_314 = tpu.memref_slice %arg6[%add3A_125] : memref<163840xi32, #tpu.memory_space<hbm>> -> memref<640xi32, #tpu.memory_space<hbm>>
      %dma_wait3A_315 = arith.constant 9600 : i32
      %dma_wait3A_316 = tpu.memref_slice %arg12[%dma_wait3A_315] : memref<10240xi32, #tpu.memory_space<vmem>> -> memref<640xi32, #tpu.memory_space<vmem>>
      tpu.wait_dma2 semaphore(%run_scoped3A : memref<!tpu.dma_semaphore, #tpu.memory_space<semaphore_mem>>) src(%dma_wait3A_316 : memref<640xi32, #tpu.memory_space<vmem>>) dst(%dma_wait3A_314 : memref<640xi32, #tpu.memory_space<hbm>>)
      tpu.yield
    }) : () -> ()
    %broadcast_in_dim3A_126 = arith.constant 0 : i32
    %broadcast_in_dim3A_127 = vector.broadcast %broadcast_in_dim3A_126 : i32 to vector<16xi32>
    %scan3A_128 = arith.constant 0 : i32
    %scan3A_129 = arith.constant 40 : i32
    %scan3A_130 = arith.addi %scan3A_128, %scan3A_129 : i32
    %scan3A_131 = arith.constant 1 : i32
    %scan3A_132 = scf.for %scan3A_305 = %scan3A_128 to %scan3A_130 step %scan3A_131 iter_args(%scan3A_306 = %broadcast_in_dim3A_127) -> (vector<16xi32>)  : i32 {
      %mul3A_307 = arith.constant 16 : i32
      %mul3A_308 = arith.muli %scan3A_305, %mul3A_307 : i32
      %get3A = arith.index_cast %mul3A_308 : i32 to index
      %get3A_309 = tpu.vector_load %arg13[%get3A] {strides = array<i32>} : memref<640xi32, #tpu.memory_space<vmem>>, vector<16xi32>,
      %mul3A_310 = arith.constant 16 : i32
      %mul3A_311 = arith.muli %scan3A_305, %mul3A_310 : i32
      %add3A_312 = arith.addi %mul3A_54, %mul3A_311 : i32
      %add3A_313 = vector.broadcast %add3A_312 : i32 to vector<16xi32>
      %add3A_314 = arith.addi %add3A_313, %iota3A : vector<16xi32>
      %gt3A = arith.constant 0 : i32
      %gt3A_315 = vector.broadcast %gt3A : i32 to vector<16xi32>
      %gt3A_316 = arith.cmpi sgt, %get3A_309, %gt3A_315 : vector<16xi32>
      %lt3A_317 = arith.constant 10000 : i32
      %lt3A_318 = vector.broadcast %lt3A_317 : i32 to vector<16xi32>
      %lt3A_319 = arith.cmpi slt, %add3A_314, %lt3A_318 : vector<16xi32>
      %and3A = arith.andi %gt3A_316, %lt3A_319 : vector<16xi1>
      %convert_element_type3A = arith.extui %and3A : vector<16xi1> to vector<16xi32>
      %add3A_320 = arith.addi %scan3A_306, %convert_element_type3A : vector<16xi32>
      scf.yield %add3A_320 : vector<16xi32>
    }
    %scan3A_133 = arith.constant 40 : i32
    %reduce_sum3A = arith.constant true
    %reduce_sum3A_134 = vector.broadcast %reduce_sum3A : i1 to vector<16xi1>
    %reduce_sum3A_135 = tpu.scan <sum>, %scan3A_132 masked %reduce_sum3A_134 : vector<16xi32>, vector<16xi1> -> vector<16xi32>
    %reduce_sum3A_136 = vector.extract %reduce_sum3A_135[15] : i32 from vector<16xi32>
    %broadcast_in_dim3A_137 = vector.broadcast %reduce_sum3A_136 : i32 to vector<16xi32>
    %swap3A = arith.constant 0 : index
    %swap3A_138 = tpu.vector_load %arg20[%swap3A] {strides = array<i32>} : memref<16xi32, #tpu.memory_space<vmem>>, vector<16xi32>,
    tpu.vector_store %arg20[%swap3A], %broadcast_in_dim3A_137 {strides = array<i32>} : memref<16xi32, #tpu.memory_space<vmem>>, vector<16xi32>,
    %mul3A_139 = arith.constant 16 : i32
    %mul3A_140 = arith.muli %arg1, %mul3A_139 : i32
    "tpu.region"() ({
      %run_scoped3A = tpu.sem_alloc : memref<!tpu.dma_semaphore, #tpu.memory_space<semaphore_mem>>
      %dma_start3A_305 = tpu.memref_slice %arg7[%mul3A_140] : memref<256xi32, #tpu.memory_space<hbm>> -> memref<16xi32, #tpu.memory_space<hbm>>
      %dma_start3A_306 = tpu.memref_slice %arg7[%mul3A_140] : memref<256xi32, #tpu.memory_space<hbm>> -> memref<16xi32, #tpu.memory_space<hbm>>
      tpu.enqueue_dma source(%arg20 : memref<16xi32, #tpu.memory_space<vmem>>) target(%dma_start3A_306 : memref<16xi32, #tpu.memory_space<hbm>>) target_semaphore(%run_scoped3A : memref<!tpu.dma_semaphore, #tpu.memory_space<semaphore_mem>>)
      %dma_wait3A_307 = tpu.memref_slice %arg7[%mul3A_140] : memref<256xi32, #tpu.memory_space<hbm>> -> memref<16xi32, #tpu.memory_space<hbm>>
      %dma_wait3A_308 = tpu.memref_slice %arg7[%mul3A_140] : memref<256xi32, #tpu.memory_space<hbm>> -> memref<16xi32, #tpu.memory_space<hbm>>
      tpu.wait_dma2 semaphore(%run_scoped3A : memref<!tpu.dma_semaphore, #tpu.memory_space<semaphore_mem>>) src(%arg20 : memref<16xi32, #tpu.memory_space<vmem>>) dst(%dma_wait3A_308 : memref<16xi32, #tpu.memory_space<hbm>>)
      tpu.yield
    }) : () -> ()
    %barrier3A_141 = arith.constant 0 : index
    tpu.barrier barrier_id(%barrier3A_141)
    "tpu.region"() ({
      %run_scoped3A = tpu.sem_alloc : memref<!tpu.dma_semaphore, #tpu.memory_space<semaphore_mem>>
      tpu.enqueue_dma source(%arg7 : memref<256xi32, #tpu.memory_space<hbm>>) target(%arg19 : memref<256xi32, #tpu.memory_space<vmem>>) target_semaphore(%run_scoped3A : memref<!tpu.dma_semaphore, #tpu.memory_space<semaphore_mem>>)
      tpu.wait_dma2 semaphore(%run_scoped3A : memref<!tpu.dma_semaphore, #tpu.memory_space<semaphore_mem>>) src(%arg7 : memref<256xi32, #tpu.memory_space<hbm>>) dst(%arg19 : memref<256xi32, #tpu.memory_space<vmem>>)
      tpu.yield
    }) : () -> ()
    %mul3A_142 = arith.constant 17 : i32
    %mul3A_143 = vector.broadcast %mul3A_142 : i32 to vector<16xi32>
    %mul3A_144 = arith.muli %iota3A, %mul3A_143 : vector<16xi32>
    %gather3A = tpu.vector_load_idx %arg19[%mul3A_144] : memref<256xi32, #tpu.memory_space<vmem>>[vector<16xi32>], vector<16xi32>,
    %lt3A = vector.broadcast %arg1 : i32 to vector<16xi32>
    %lt3A_145 = arith.cmpi slt, %iota3A, %lt3A : vector<16xi32>
    %jit3A = arith.constant 0 : i32
    %broadcast_in_dim3A_146 = vector.broadcast %jit3A : i32 to vector<16xi32>
    %select_n3A = arith.select %lt3A_145, %gather3A, %broadcast_in_dim3A_146 : vector<16xi1>, vector<16xi32>
    %reduce_sum3A_147 = arith.constant true
    %reduce_sum3A_148 = vector.broadcast %reduce_sum3A_147 : i1 to vector<16xi1>
    %reduce_sum3A_149 = tpu.scan <sum>, %select_n3A masked %reduce_sum3A_148 : vector<16xi32>, vector<16xi1> -> vector<16xi32>
    %reduce_sum3A_150 = vector.extract %reduce_sum3A_149[15] : i32 from vector<16xi32>
    %scan3A_151 = arith.constant 0 : i32
    %scan3A_152 = arith.constant 40 : i32
    %scan3A_153 = arith.addi %scan3A_151, %scan3A_152 : i32
    %scan3A_154 = arith.constant 1 : i32
    %scan3A_155 = scf.for %scan3A_305 = %scan3A_151 to %scan3A_153 step %scan3A_154 iter_args(%scan3A_306 = %reduce_sum3A_150) -> (i32)  : i32 {
      %mul3A_307 = arith.constant 16 : i32
      %mul3A_308 = arith.muli %scan3A_305, %mul3A_307 : i32
      %get3A = arith.index_cast %mul3A_308 : i32 to index
      %get3A_309 = tpu.vector_load %arg13[%get3A] {strides = array<i32>} : memref<640xi32, #tpu.memory_space<vmem>>, vector<16xi32>,
      %mul3A_310 = arith.constant 16 : i32
      %mul3A_311 = arith.muli %scan3A_305, %mul3A_310 : i32
      %add3A_312 = arith.addi %mul3A_54, %mul3A_311 : i32
      %add3A_313 = vector.broadcast %add3A_312 : i32 to vector<16xi32>
      %add3A_314 = arith.addi %add3A_313, %iota3A : vector<16xi32>
      %gt3A = arith.constant 0 : i32
      %gt3A_315 = vector.broadcast %gt3A : i32 to vector<16xi32>
      %gt3A_316 = arith.cmpi sgt, %get3A_309, %gt3A_315 : vector<16xi32>
      %lt3A_317 = arith.constant 10000 : i32
      %lt3A_318 = vector.broadcast %lt3A_317 : i32 to vector<16xi32>
      %lt3A_319 = arith.cmpi slt, %add3A_314, %lt3A_318 : vector<16xi32>
      %and3A = arith.andi %gt3A_316, %lt3A_319 : vector<16xi1>
      %convert_element_type3A = arith.extui %and3A : vector<16xi1> to vector<16xi32>
      %broadcast_in_dim3A_320 = arith.constant true
      %broadcast_in_dim3A_321 = vector.broadcast %broadcast_in_dim3A_320 : i1 to vector<16xi1>
      %masked_cumsum3A = tpu.scan <sum>, %convert_element_type3A masked %broadcast_in_dim3A_321 : vector<16xi32>, vector<16xi1> -> vector<16xi32>
      %sub3A = arith.subi %masked_cumsum3A, %convert_element_type3A : vector<16xi32>
      %add3A_322 = vector.broadcast %scan3A_306 : i32 to vector<16xi32>
      %add3A_323 = arith.addi %add3A_322, %sub3A : vector<16xi32>
      %mul3A_324 = arith.constant 16 : i32
      %mul3A_325 = arith.muli %scan3A_305, %mul3A_324 : i32
      %swap3A_326 = arith.index_cast %mul3A_325 : i32 to index
      %swap3A_327 = tpu.vector_load %arg14[%swap3A_326] {strides = array<i32>} : memref<640xi32, #tpu.memory_space<vmem>>, vector<16xi32>,
      tpu.vector_store %arg14[%swap3A_326], %add3A_323 {strides = array<i32>} : memref<640xi32, #tpu.memory_space<vmem>>, vector<16xi32>,
      %mul3A_328 = arith.constant 16 : i32
      %mul3A_329 = arith.muli %scan3A_305, %mul3A_328 : i32
      %add3A_330 = vector.broadcast %mul3A_329 : i32 to vector<16xi32>
      %add3A_331 = arith.addi %add3A_330, %iota3A : vector<16xi32>
      %broadcast_in_dim3A_332 = arith.constant 0 : i32
      %broadcast_in_dim3A_333 = vector.broadcast %broadcast_in_dim3A_332 : i32 to vector<16xi32>
      %min3A = arith.constant 32 : i32
      %min3A_334 = vector.broadcast %min3A : i32 to vector<16xi32>
      %min3A_335 = arith.minsi %get3A_309, %min3A_334 : vector<16xi32>
      %convert_element_type3A_336 = arith.sitofp %min3A_335 : vector<16xi32> to vector<16xf32>
      tpu.vector_store_idx %arg17[%add3A_331, %broadcast_in_dim3A_333], %convert_element_type3A_336 : memref<640x8xf32, #tpu.memory_space<vmem>>[vector<16xi32>, vector<16xi32>], vector<16xf32>,
      %broadcast_in_dim3A_337 = arith.constant 1 : i32
      %broadcast_in_dim3A_338 = vector.broadcast %broadcast_in_dim3A_337 : i32 to vector<16xi32>
      %jit3A_339 = arith.constant 100 : i32
      %div3A = vector.broadcast %jit3A_339 : i32 to vector<16xi32>
      %div3A_340 = arith.divsi %add3A_314, %div3A : vector<16xi32>
      %sign3A = arith.constant 0 : i32
      %sign3A_341 = vector.broadcast %sign3A : i32 to vector<16xi32>
      %sign3A_342 = arith.cmpi sgt, %add3A_314, %sign3A_341 : vector<16xi32>
      %sign3A_343 = arith.extui %sign3A_342 : vector<16xi1> to vector<16xi32>
      %sign3A_344 = arith.constant 0 : i32
      %sign3A_345 = vector.broadcast %sign3A_344 : i32 to vector<16xi32>
      %sign3A_346 = arith.cmpi slt, %add3A_314, %sign3A_345 : vector<16xi32>
      %sign3A_347 = arith.extui %sign3A_346 : vector<16xi1> to vector<16xi32>
      %sign3A_348 = arith.subi %sign3A_343, %sign3A_347 : vector<16xi32>
      %sign3A_349 = arith.constant 0 : i32
      %sign3A_350 = arith.cmpi sgt, %jit3A_339, %sign3A_349 : i32
      %sign3A_351 = arith.extui %sign3A_350 : i1 to i32
      %sign3A_352 = arith.constant 0 : i32
      %sign3A_353 = arith.cmpi slt, %jit3A_339, %sign3A_352 : i32
      %sign3A_354 = arith.extui %sign3A_353 : i1 to i32
      %sign3A_355 = arith.subi %sign3A_351, %sign3A_354 : i32
      %ne3A = vector.broadcast %sign3A_355 : i32 to vector<16xi32>
      %ne3A_356 = arith.cmpi ne, %sign3A_348, %ne3A : vector<16xi32>
      %rem3A = vector.broadcast %jit3A_339 : i32 to vector<16xi32>
      %rem3A_357 = arith.remsi %add3A_314, %rem3A : vector<16xi32>
      %ne3A_358 = arith.constant 0 : i32
      %ne3A_359 = vector.broadcast %ne3A_358 : i32 to vector<16xi32>
      %ne3A_360 = arith.cmpi ne, %rem3A_357, %ne3A_359 : vector<16xi32>
      %and3A_361 = arith.andi %ne3A_356, %ne3A_360 : vector<16xi1>
      %sub3A_362 = arith.constant 1 : i32
      %sub3A_363 = vector.broadcast %sub3A_362 : i32 to vector<16xi32>
      %sub3A_364 = arith.subi %div3A_340, %sub3A_363 : vector<16xi32>
      %select_n3A_365 = arith.select %and3A_361, %sub3A_364, %div3A_340 : vector<16xi1>, vector<16xi32>
      %convert_element_type3A_366 = arith.sitofp %select_n3A_365 : vector<16xi32> to vector<16xf32>
      tpu.vector_store_idx %arg17[%add3A_331, %broadcast_in_dim3A_338], %convert_element_type3A_366 : memref<640x8xf32, #tpu.memory_space<vmem>>[vector<16xi32>, vector<16xi32>], vector<16xf32>,
      %broadcast_in_dim3A_367 = arith.constant 2 : i32
      %broadcast_in_dim3A_368 = vector.broadcast %broadcast_in_dim3A_367 : i32 to vector<16xi32>
      %jit3A_369 = arith.constant 100 : i32
      %eq3A = arith.constant 0 : i32
      %eq3A_370 = arith.cmpi eq, %jit3A_369, %eq3A : i32
      %jit3A_371 = arith.constant 1 : i32
      %select_n3A_372 = arith.select %eq3A_370, %jit3A_371, %jit3A_369 : i32
      %rem3A_373 = vector.broadcast %select_n3A_372 : i32 to vector<16xi32>
      %rem3A_374 = arith.remsi %add3A_314, %rem3A_373 : vector<16xi32>
      %ne3A_375 = arith.constant 0 : i32
      %ne3A_376 = vector.broadcast %ne3A_375 : i32 to vector<16xi32>
      %ne3A_377 = arith.cmpi ne, %rem3A_374, %ne3A_376 : vector<16xi32>
      %lt3A_378 = arith.constant 0 : i32
      %lt3A_379 = vector.broadcast %lt3A_378 : i32 to vector<16xi32>
      %lt3A_380 = arith.cmpi slt, %rem3A_374, %lt3A_379 : vector<16xi32>
      %lt3A_381 = arith.constant 0 : i32
      %lt3A_382 = arith.cmpi slt, %select_n3A_372, %lt3A_381 : i32
      %ne3A_383 = vector.broadcast %lt3A_382 : i1 to vector<16xi1>
      %ne3A_384 = vector.broadcast %ne3A_383 : vector<16xi1> to vector<16xi1>
      %ne3A_385 = arith.xori %lt3A_380, %ne3A_384 : vector<16xi1>
      %and3A_386 = arith.andi %ne3A_385, %ne3A_377 : vector<16xi1>
      %add3A_387 = vector.broadcast %select_n3A_372 : i32 to vector<16xi32>
      %add3A_388 = arith.addi %rem3A_374, %add3A_387 : vector<16xi32>
      %select_n3A_389 = arith.select %and3A_386, %add3A_388, %rem3A_374 : vector<16xi1>, vector<16xi32>
      %convert_element_type3A_390 = arith.sitofp %select_n3A_389 : vector<16xi32> to vector<16xf32>
      tpu.vector_store_idx %arg17[%add3A_331, %broadcast_in_dim3A_368], %convert_element_type3A_390 : memref<640x8xf32, #tpu.memory_space<vmem>>[vector<16xi32>, vector<16xi32>], vector<16xf32>,
      %mul3A_391 = arith.constant 16 : i32
      %mul3A_392 = arith.muli %scan3A_305, %mul3A_391 : i32
      %add3A_393 = vector.broadcast %mul3A_392 : i32 to vector<16xi32>
      %add3A_394 = arith.addi %add3A_393, %iota3A : vector<16xi32>
      %jit3A_395 = arith.constant 128 : i32
      %div3A_396 = vector.broadcast %jit3A_395 : i32 to vector<16xi32>
      %div3A_397 = arith.divsi %add3A_394, %div3A_396 : vector<16xi32>
      %sign3A_398 = arith.constant 0 : i32
      %sign3A_399 = vector.broadcast %sign3A_398 : i32 to vector<16xi32>
      %sign3A_400 = arith.cmpi sgt, %add3A_394, %sign3A_399 : vector<16xi32>
      %sign3A_401 = arith.extui %sign3A_400 : vector<16xi1> to vector<16xi32>
      %sign3A_402 = arith.constant 0 : i32
      %sign3A_403 = vector.broadcast %sign3A_402 : i32 to vector<16xi32>
      %sign3A_404 = arith.cmpi slt, %add3A_394, %sign3A_403 : vector<16xi32>
      %sign3A_405 = arith.extui %sign3A_404 : vector<16xi1> to vector<16xi32>
      %sign3A_406 = arith.subi %sign3A_401, %sign3A_405 : vector<16xi32>
      %sign3A_407 = arith.constant 0 : i32
      %sign3A_408 = arith.cmpi sgt, %jit3A_395, %sign3A_407 : i32
      %sign3A_409 = arith.extui %sign3A_408 : i1 to i32
      %sign3A_410 = arith.constant 0 : i32
      %sign3A_411 = arith.cmpi slt, %jit3A_395, %sign3A_410 : i32
      %sign3A_412 = arith.extui %sign3A_411 : i1 to i32
      %sign3A_413 = arith.subi %sign3A_409, %sign3A_412 : i32
      %ne3A_414 = vector.broadcast %sign3A_413 : i32 to vector<16xi32>
      %ne3A_415 = arith.cmpi ne, %sign3A_406, %ne3A_414 : vector<16xi32>
      %rem3A_416 = vector.broadcast %jit3A_395 : i32 to vector<16xi32>
      %rem3A_417 = arith.remsi %add3A_394, %rem3A_416 : vector<16xi32>
      %ne3A_418 = arith.constant 0 : i32
      %ne3A_419 = vector.broadcast %ne3A_418 : i32 to vector<16xi32>
      %ne3A_420 = arith.cmpi ne, %rem3A_417, %ne3A_419 : vector<16xi32>
      %and3A_421 = arith.andi %ne3A_415, %ne3A_420 : vector<16xi1>
      %sub3A_422 = arith.constant 1 : i32
      %sub3A_423 = vector.broadcast %sub3A_422 : i32 to vector<16xi32>
      %sub3A_424 = arith.subi %div3A_397, %sub3A_423 : vector<16xi32>
      %select_n3A_425 = arith.select %and3A_421, %sub3A_424, %div3A_397 : vector<16xi1>, vector<16xi32>
      %jit3A_426 = arith.constant 128 : i32
      %eq3A_427 = arith.constant 0 : i32
      %eq3A_428 = arith.cmpi eq, %jit3A_426, %eq3A_427 : i32
      %jit3A_429 = arith.constant 1 : i32
      %select_n3A_430 = arith.select %eq3A_428, %jit3A_429, %jit3A_426 : i32
      %rem3A_431 = vector.broadcast %select_n3A_430 : i32 to vector<16xi32>
      %rem3A_432 = arith.remsi %add3A_394, %rem3A_431 : vector<16xi32>
      %ne3A_433 = arith.constant 0 : i32
      %ne3A_434 = vector.broadcast %ne3A_433 : i32 to vector<16xi32>
      %ne3A_435 = arith.cmpi ne, %rem3A_432, %ne3A_434 : vector<16xi32>
      %lt3A_436 = arith.constant 0 : i32
      %lt3A_437 = vector.broadcast %lt3A_436 : i32 to vector<16xi32>
      %lt3A_438 = arith.cmpi slt, %rem3A_432, %lt3A_437 : vector<16xi32>
      %lt3A_439 = arith.constant 0 : i32
      %lt3A_440 = arith.cmpi slt, %select_n3A_430, %lt3A_439 : i32
      %ne3A_441 = vector.broadcast %lt3A_440 : i1 to vector<16xi1>
      %ne3A_442 = vector.broadcast %ne3A_441 : vector<16xi1> to vector<16xi1>
      %ne3A_443 = arith.xori %lt3A_438, %ne3A_442 : vector<16xi1>
      %and3A_444 = arith.andi %ne3A_443, %ne3A_435 : vector<16xi1>
      %add3A_445 = vector.broadcast %select_n3A_430 : i32 to vector<16xi32>
      %add3A_446 = arith.addi %rem3A_432, %add3A_445 : vector<16xi32>
      %select_n3A_447 = arith.select %and3A_444, %add3A_446, %rem3A_432 : vector<16xi1>, vector<16xi32>
      %mul3A_448 = arith.constant 16 : i32
      %mul3A_449 = arith.muli %arg1, %mul3A_448 : i32
      %add3A_450 = arith.constant 16000 : i32
      %add3A_451 = arith.addi %add3A_450, %mul3A_449 : i32
      %add3A_452 = vector.broadcast %add3A_451 : i32 to vector<16xi32>
      %add3A_453 = arith.addi %add3A_452, %iota3A : vector<16xi32>
      %select_n3A_454 = arith.select %and3A, %add3A_323, %add3A_453 : vector<16xi1>, vector<16xi32>
      tpu.vector_store_idx %arg18[%select_n3A_425, %select_n3A_447], %select_n3A_454 : memref<5x128xi32, #tpu.memory_space<vmem>>[vector<16xi32>, vector<16xi32>], vector<16xi32>,
      %reduce_sum3A_455 = arith.constant true
      %reduce_sum3A_456 = vector.broadcast %reduce_sum3A_455 : i1 to vector<16xi1>
      %reduce_sum3A_457 = tpu.scan <sum>, %convert_element_type3A masked %reduce_sum3A_456 : vector<16xi32>, vector<16xi1> -> vector<16xi32>
      %reduce_sum3A_458 = vector.extract %reduce_sum3A_457[15] : i32 from vector<16xi32>
      %add3A_459 = arith.addi %scan3A_306, %reduce_sum3A_458 : i32
      scf.yield %add3A_459 : i32
    }
    %scan3A_156 = arith.constant 40 : i32
    %dma_start3A = arith.constant 0 : i32
    %dma_start3A_157 = arith.constant 0 : i32
    %dma_start3A_158 = arith.constant 0 : i32
    %dma_start3A_159 = tpu.memref_slice %arg17[%dma_start3A_157, %dma_start3A_158] : memref<640x8xf32, #tpu.memory_space<vmem>> -> memref<128x8xf32, #tpu.memory_space<vmem>>
    %dma_start3A_160 = arith.constant 0 : i32
    %dma_start3A_161 = tpu.memref_slice %arg18[%dma_start3A, %dma_start3A_160] : memref<5x128xi32, #tpu.memory_space<vmem>> -> memref<1x128xi32, #tpu.memory_space<vmem>>
    %dma_start3A_162 = tpu.memref_squeeze %dma_start3A_161 : memref<1x128xi32, #tpu.memory_space<vmem>> -> memref<128xi32, #tpu.memory_space<vmem>>
    %dma_start3A_163 = arith.constant 0 : i32
    %dma_start3A_164 = arith.constant 0 : i32
    %dma_start3A_165 = tpu.memref_slice %arg4[%dma_start3A_163, %dma_start3A_164] : memref<16256x8xf32, #tpu.memory_space<hbm>> -> memref<16256x8xf32, #tpu.memory_space<hbm>>
    tpu.enqueue_indirect_dma source(%dma_start3A_159 : memref<128x8xf32, #tpu.memory_space<vmem>>) target(%dma_start3A_165 : memref<16256x8xf32, #tpu.memory_space<hbm>>) offsets(%dma_start3A_162 : memref<128xi32, #tpu.memory_space<vmem>>) semaphore(%arg21 : memref<!tpu.dma_semaphore, #tpu.memory_space<semaphore_mem>>)
    %dma_start3A_166 = arith.constant 1 : i32
    %dma_start3A_167 = arith.constant 128 : i32
    %dma_start3A_168 = arith.constant 0 : i32
    %dma_start3A_169 = tpu.memref_slice %arg17[%dma_start3A_167, %dma_start3A_168] : memref<640x8xf32, #tpu.memory_space<vmem>> -> memref<128x8xf32, #tpu.memory_space<vmem>>
    %dma_start3A_170 = arith.constant 0 : i32
    %dma_start3A_171 = tpu.memref_slice %arg18[%dma_start3A_166, %dma_start3A_170] : memref<5x128xi32, #tpu.memory_space<vmem>> -> memref<1x128xi32, #tpu.memory_space<vmem>>
    %dma_start3A_172 = tpu.memref_squeeze %dma_start3A_171 : memref<1x128xi32, #tpu.memory_space<vmem>> -> memref<128xi32, #tpu.memory_space<vmem>>
    %dma_start3A_173 = arith.constant 0 : i32
    %dma_start3A_174 = arith.constant 0 : i32
    %dma_start3A_175 = tpu.memref_slice %arg4[%dma_start3A_173, %dma_start3A_174] : memref<16256x8xf32, #tpu.memory_space<hbm>> -> memref<16256x8xf32, #tpu.memory_space<hbm>>
    tpu.enqueue_indirect_dma source(%dma_start3A_169 : memref<128x8xf32, #tpu.memory_space<vmem>>) target(%dma_start3A_175 : memref<16256x8xf32, #tpu.memory_space<hbm>>) offsets(%dma_start3A_172 : memref<128xi32, #tpu.memory_space<vmem>>) semaphore(%arg21 : memref<!tpu.dma_semaphore, #tpu.memory_space<semaphore_mem>>)
    %dma_start3A_176 = arith.constant 2 : i32
    %dma_start3A_177 = arith.constant 256 : i32
    %dma_start3A_178 = arith.constant 0 : i32
    %dma_start3A_179 = tpu.memref_slice %arg17[%dma_start3A_177, %dma_start3A_178] : memref<640x8xf32, #tpu.memory_space<vmem>> -> memref<128x8xf32, #tpu.memory_space<vmem>>
    %dma_start3A_180 = arith.constant 0 : i32
    %dma_start3A_181 = tpu.memref_slice %arg18[%dma_start3A_176, %dma_start3A_180] : memref<5x128xi32, #tpu.memory_space<vmem>> -> memref<1x128xi32, #tpu.memory_space<vmem>>
    %dma_start3A_182 = tpu.memref_squeeze %dma_start3A_181 : memref<1x128xi32, #tpu.memory_space<vmem>> -> memref<128xi32, #tpu.memory_space<vmem>>
    %dma_start3A_183 = arith.constant 0 : i32
    %dma_start3A_184 = arith.constant 0 : i32
    %dma_start3A_185 = tpu.memref_slice %arg4[%dma_start3A_183, %dma_start3A_184] : memref<16256x8xf32, #tpu.memory_space<hbm>> -> memref<16256x8xf32, #tpu.memory_space<hbm>>
    tpu.enqueue_indirect_dma source(%dma_start3A_179 : memref<128x8xf32, #tpu.memory_space<vmem>>) target(%dma_start3A_185 : memref<16256x8xf32, #tpu.memory_space<hbm>>) offsets(%dma_start3A_182 : memref<128xi32, #tpu.memory_space<vmem>>) semaphore(%arg21 : memref<!tpu.dma_semaphore, #tpu.memory_space<semaphore_mem>>)
    %dma_start3A_186 = arith.constant 3 : i32
    %dma_start3A_187 = arith.constant 384 : i32
    %dma_start3A_188 = arith.constant 0 : i32
    %dma_start3A_189 = tpu.memref_slice %arg17[%dma_start3A_187, %dma_start3A_188] : memref<640x8xf32, #tpu.memory_space<vmem>> -> memref<128x8xf32, #tpu.memory_space<vmem>>
    %dma_start3A_190 = arith.constant 0 : i32
    %dma_start3A_191 = tpu.memref_slice %arg18[%dma_start3A_186, %dma_start3A_190] : memref<5x128xi32, #tpu.memory_space<vmem>> -> memref<1x128xi32, #tpu.memory_space<vmem>>
    %dma_start3A_192 = tpu.memref_squeeze %dma_start3A_191 : memref<1x128xi32, #tpu.memory_space<vmem>> -> memref<128xi32, #tpu.memory_space<vmem>>
    %dma_start3A_193 = arith.constant 0 : i32
    %dma_start3A_194 = arith.constant 0 : i32
    %dma_start3A_195 = tpu.memref_slice %arg4[%dma_start3A_193, %dma_start3A_194] : memref<16256x8xf32, #tpu.memory_space<hbm>> -> memref<16256x8xf32, #tpu.memory_space<hbm>>
    tpu.enqueue_indirect_dma source(%dma_start3A_189 : memref<128x8xf32, #tpu.memory_space<vmem>>) target(%dma_start3A_195 : memref<16256x8xf32, #tpu.memory_space<hbm>>) offsets(%dma_start3A_192 : memref<128xi32, #tpu.memory_space<vmem>>) semaphore(%arg21 : memref<!tpu.dma_semaphore, #tpu.memory_space<semaphore_mem>>)
    %dma_start3A_196 = arith.constant 4 : i32
    %dma_start3A_197 = arith.constant 512 : i32
    %dma_start3A_198 = arith.constant 0 : i32
    %dma_start3A_199 = tpu.memref_slice %arg17[%dma_start3A_197, %dma_start3A_198] : memref<640x8xf32, #tpu.memory_space<vmem>> -> memref<128x8xf32, #tpu.memory_space<vmem>>
    %dma_start3A_200 = arith.constant 0 : i32
    %dma_start3A_201 = tpu.memref_slice %arg18[%dma_start3A_196, %dma_start3A_200] : memref<5x128xi32, #tpu.memory_space<vmem>> -> memref<1x128xi32, #tpu.memory_space<vmem>>
    %dma_start3A_202 = tpu.memref_squeeze %dma_start3A_201 : memref<1x128xi32, #tpu.memory_space<vmem>> -> memref<128xi32, #tpu.memory_space<vmem>>
    %dma_start3A_203 = arith.constant 0 : i32
    %dma_start3A_204 = arith.constant 0 : i32
    %dma_start3A_205 = tpu.memref_slice %arg4[%dma_start3A_203, %dma_start3A_204] : memref<16256x8xf32, #tpu.memory_space<hbm>> -> memref<16256x8xf32, #tpu.memory_space<hbm>>
    tpu.enqueue_indirect_dma source(%dma_start3A_199 : memref<128x8xf32, #tpu.memory_space<vmem>>) target(%dma_start3A_205 : memref<16256x8xf32, #tpu.memory_space<hbm>>) offsets(%dma_start3A_202 : memref<128xi32, #tpu.memory_space<vmem>>) semaphore(%arg21 : memref<!tpu.dma_semaphore, #tpu.memory_space<semaphore_mem>>)
    %dma_wait3A = arith.constant 0 : i32
    %dma_wait3A_206 = arith.constant 0 : i32
    %dma_wait3A_207 = arith.constant 0 : i32
    %dma_wait3A_208 = tpu.memref_slice %arg17[%dma_wait3A_206, %dma_wait3A_207] : memref<640x8xf32, #tpu.memory_space<vmem>> -> memref<128x8xf32, #tpu.memory_space<vmem>>
    %dma_wait3A_209 = arith.constant 0 : i32
    %dma_wait3A_210 = tpu.memref_slice %arg18[%dma_wait3A, %dma_wait3A_209] : memref<5x128xi32, #tpu.memory_space<vmem>> -> memref<1x128xi32, #tpu.memory_space<vmem>>
    %dma_wait3A_211 = tpu.memref_squeeze %dma_wait3A_210 : memref<1x128xi32, #tpu.memory_space<vmem>> -> memref<128xi32, #tpu.memory_space<vmem>>
    %dma_wait3A_212 = arith.constant 0 : i32
    %dma_wait3A_213 = arith.constant 0 : i32
    %dma_wait3A_214 = tpu.memref_slice %arg4[%dma_wait3A_212, %dma_wait3A_213] : memref<16256x8xf32, #tpu.memory_space<hbm>> -> memref<16256x8xf32, #tpu.memory_space<hbm>>
    tpu.wait_indirect_dma semaphore(%arg21 : memref<!tpu.dma_semaphore, #tpu.memory_space<semaphore_mem>>) src(%dma_wait3A_208 : memref<128x8xf32, #tpu.memory_space<vmem>>) dst(%dma_wait3A_214 : memref<16256x8xf32, #tpu.memory_space<hbm>>)
    %dma_wait3A_215 = arith.constant 1 : i32
    %dma_wait3A_216 = arith.constant 128 : i32
    %dma_wait3A_217 = arith.constant 0 : i32
    %dma_wait3A_218 = tpu.memref_slice %arg17[%dma_wait3A_216, %dma_wait3A_217] : memref<640x8xf32, #tpu.memory_space<vmem>> -> memref<128x8xf32, #tpu.memory_space<vmem>>
    %dma_wait3A_219 = arith.constant 0 : i32
    %dma_wait3A_220 = tpu.memref_slice %arg18[%dma_wait3A_215, %dma_wait3A_219] : memref<5x128xi32, #tpu.memory_space<vmem>> -> memref<1x128xi32, #tpu.memory_space<vmem>>
    %dma_wait3A_221 = tpu.memref_squeeze %dma_wait3A_220 : memref<1x128xi32, #tpu.memory_space<vmem>> -> memref<128xi32, #tpu.memory_space<vmem>>
    %dma_wait3A_222 = arith.constant 0 : i32
    %dma_wait3A_223 = arith.constant 0 : i32
    %dma_wait3A_224 = tpu.memref_slice %arg4[%dma_wait3A_222, %dma_wait3A_223] : memref<16256x8xf32, #tpu.memory_space<hbm>> -> memref<16256x8xf32, #tpu.memory_space<hbm>>
    tpu.wait_indirect_dma semaphore(%arg21 : memref<!tpu.dma_semaphore, #tpu.memory_space<semaphore_mem>>) src(%dma_wait3A_218 : memref<128x8xf32, #tpu.memory_space<vmem>>) dst(%dma_wait3A_224 : memref<16256x8xf32, #tpu.memory_space<hbm>>)
    %dma_wait3A_225 = arith.constant 2 : i32
    %dma_wait3A_226 = arith.constant 256 : i32
    %dma_wait3A_227 = arith.constant 0 : i32
    %dma_wait3A_228 = tpu.memref_slice %arg17[%dma_wait3A_226, %dma_wait3A_227] : memref<640x8xf32, #tpu.memory_space<vmem>> -> memref<128x8xf32, #tpu.memory_space<vmem>>
    %dma_wait3A_229 = arith.constant 0 : i32
    %dma_wait3A_230 = tpu.memref_slice %arg18[%dma_wait3A_225, %dma_wait3A_229] : memref<5x128xi32, #tpu.memory_space<vmem>> -> memref<1x128xi32, #tpu.memory_space<vmem>>
    %dma_wait3A_231 = tpu.memref_squeeze %dma_wait3A_230 : memref<1x128xi32, #tpu.memory_space<vmem>> -> memref<128xi32, #tpu.memory_space<vmem>>
    %dma_wait3A_232 = arith.constant 0 : i32
    %dma_wait3A_233 = arith.constant 0 : i32
    %dma_wait3A_234 = tpu.memref_slice %arg4[%dma_wait3A_232, %dma_wait3A_233] : memref<16256x8xf32, #tpu.memory_space<hbm>> -> memref<16256x8xf32, #tpu.memory_space<hbm>>
    tpu.wait_indirect_dma semaphore(%arg21 : memref<!tpu.dma_semaphore, #tpu.memory_space<semaphore_mem>>) src(%dma_wait3A_228 : memref<128x8xf32, #tpu.memory_space<vmem>>) dst(%dma_wait3A_234 : memref<16256x8xf32, #tpu.memory_space<hbm>>)
    %dma_wait3A_235 = arith.constant 3 : i32
    %dma_wait3A_236 = arith.constant 384 : i32
    %dma_wait3A_237 = arith.constant 0 : i32
    %dma_wait3A_238 = tpu.memref_slice %arg17[%dma_wait3A_236, %dma_wait3A_237] : memref<640x8xf32, #tpu.memory_space<vmem>> -> memref<128x8xf32, #tpu.memory_space<vmem>>
    %dma_wait3A_239 = arith.constant 0 : i32
    %dma_wait3A_240 = tpu.memref_slice %arg18[%dma_wait3A_235, %dma_wait3A_239] : memref<5x128xi32, #tpu.memory_space<vmem>> -> memref<1x128xi32, #tpu.memory_space<vmem>>
    %dma_wait3A_241 = tpu.memref_squeeze %dma_wait3A_240 : memref<1x128xi32, #tpu.memory_space<vmem>> -> memref<128xi32, #tpu.memory_space<vmem>>
    %dma_wait3A_242 = arith.constant 0 : i32
    %dma_wait3A_243 = arith.constant 0 : i32
    %dma_wait3A_244 = tpu.memref_slice %arg4[%dma_wait3A_242, %dma_wait3A_243] : memref<16256x8xf32, #tpu.memory_space<hbm>> -> memref<16256x8xf32, #tpu.memory_space<hbm>>
    tpu.wait_indirect_dma semaphore(%arg21 : memref<!tpu.dma_semaphore, #tpu.memory_space<semaphore_mem>>) src(%dma_wait3A_238 : memref<128x8xf32, #tpu.memory_space<vmem>>) dst(%dma_wait3A_244 : memref<16256x8xf32, #tpu.memory_space<hbm>>)
    %dma_wait3A_245 = arith.constant 4 : i32
    %dma_wait3A_246 = arith.constant 512 : i32
    %dma_wait3A_247 = arith.constant 0 : i32
    %dma_wait3A_248 = tpu.memref_slice %arg17[%dma_wait3A_246, %dma_wait3A_247] : memref<640x8xf32, #tpu.memory_space<vmem>> -> memref<128x8xf32, #tpu.memory_space<vmem>>
    %dma_wait3A_249 = arith.constant 0 : i32
    %dma_wait3A_250 = tpu.memref_slice %arg18[%dma_wait3A_245, %dma_wait3A_249] : memref<5x128xi32, #tpu.memory_space<vmem>> -> memref<1x128xi32, #tpu.memory_space<vmem>>
    %dma_wait3A_251 = tpu.memref_squeeze %dma_wait3A_250 : memref<1x128xi32, #tpu.memory_space<vmem>> -> memref<128xi32, #tpu.memory_space<vmem>>
    %dma_wait3A_252 = arith.constant 0 : i32
    %dma_wait3A_253 = arith.constant 0 : i32
    %dma_wait3A_254 = tpu.memref_slice %arg4[%dma_wait3A_252, %dma_wait3A_253] : memref<16256x8xf32, #tpu.memory_space<hbm>> -> memref<16256x8xf32, #tpu.memory_space<hbm>>
    tpu.wait_indirect_dma semaphore(%arg21 : memref<!tpu.dma_semaphore, #tpu.memory_space<semaphore_mem>>) src(%dma_wait3A_248 : memref<128x8xf32, #tpu.memory_space<vmem>>) dst(%dma_wait3A_254 : memref<16256x8xf32, #tpu.memory_space<hbm>>)
    "tpu.region"() ({
      %run_scoped3A = tpu.sem_alloc : memref<!tpu.dma_semaphore, #tpu.memory_space<semaphore_mem>>
      %dma_start3A_305 = tpu.memref_slice %arg8[%mul3A_54] : memref<10240xi32, #tpu.memory_space<hbm>> -> memref<640xi32, #tpu.memory_space<hbm>>
      %dma_start3A_306 = tpu.memref_slice %arg8[%mul3A_54] : memref<10240xi32, #tpu.memory_space<hbm>> -> memref<640xi32, #tpu.memory_space<hbm>>
      tpu.enqueue_dma source(%arg14 : memref<640xi32, #tpu.memory_space<vmem>>) target(%dma_start3A_306 : memref<640xi32, #tpu.memory_space<hbm>>) target_semaphore(%run_scoped3A : memref<!tpu.dma_semaphore, #tpu.memory_space<semaphore_mem>>)
      %dma_wait3A_307 = tpu.memref_slice %arg8[%mul3A_54] : memref<10240xi32, #tpu.memory_space<hbm>> -> memref<640xi32, #tpu.memory_space<hbm>>
      %dma_wait3A_308 = tpu.memref_slice %arg8[%mul3A_54] : memref<10240xi32, #tpu.memory_space<hbm>> -> memref<640xi32, #tpu.memory_space<hbm>>
      tpu.wait_dma2 semaphore(%run_scoped3A : memref<!tpu.dma_semaphore, #tpu.memory_space<semaphore_mem>>) src(%arg14 : memref<640xi32, #tpu.memory_space<vmem>>) dst(%dma_wait3A_308 : memref<640xi32, #tpu.memory_space<hbm>>)
      tpu.yield
    }) : () -> ()
    %barrier3A_255 = arith.constant 0 : index
    tpu.barrier barrier_id(%barrier3A_255)
    %mul3A_256 = arith.constant 10240 : i32
    %mul3A_257 = arith.muli %arg1, %mul3A_256 : i32
    "tpu.region"() ({
      %run_scoped3A = tpu.sem_alloc : memref<!tpu.dma_semaphore, #tpu.memory_space<semaphore_mem>>
      %dma_start3A_305 = tpu.memref_slice %arg6[%mul3A_257] : memref<163840xi32, #tpu.memory_space<hbm>> -> memref<10240xi32, #tpu.memory_space<hbm>>
      %dma_start3A_306 = tpu.memref_slice %arg6[%mul3A_257] : memref<163840xi32, #tpu.memory_space<hbm>> -> memref<10240xi32, #tpu.memory_space<hbm>>
      tpu.enqueue_dma source(%dma_start3A_306 : memref<10240xi32, #tpu.memory_space<hbm>>) target(%arg11 : memref<10240xi32, #tpu.memory_space<vmem>>) target_semaphore(%run_scoped3A : memref<!tpu.dma_semaphore, #tpu.memory_space<semaphore_mem>>)
      %dma_wait3A_307 = tpu.memref_slice %arg6[%mul3A_257] : memref<163840xi32, #tpu.memory_space<hbm>> -> memref<10240xi32, #tpu.memory_space<hbm>>
      %dma_wait3A_308 = tpu.memref_slice %arg6[%mul3A_257] : memref<163840xi32, #tpu.memory_space<hbm>> -> memref<10240xi32, #tpu.memory_space<hbm>>
      tpu.wait_dma2 semaphore(%run_scoped3A : memref<!tpu.dma_semaphore, #tpu.memory_space<semaphore_mem>>) src(%dma_wait3A_308 : memref<10240xi32, #tpu.memory_space<hbm>>) dst(%arg11 : memref<10240xi32, #tpu.memory_space<vmem>>)
      tpu.yield
    }) : () -> ()
    "tpu.region"() ({
      %run_scoped3A = tpu.sem_alloc : memref<!tpu.dma_semaphore, #tpu.memory_space<semaphore_mem>>
      tpu.enqueue_dma source(%arg8 : memref<10240xi32, #tpu.memory_space<hbm>>) target(%arg12 : memref<10240xi32, #tpu.memory_space<vmem>>) target_semaphore(%run_scoped3A : memref<!tpu.dma_semaphore, #tpu.memory_space<semaphore_mem>>)
      tpu.wait_dma2 semaphore(%run_scoped3A : memref<!tpu.dma_semaphore, #tpu.memory_space<semaphore_mem>>) src(%arg8 : memref<10240xi32, #tpu.memory_space<hbm>>) dst(%arg12 : memref<10240xi32, #tpu.memory_space<vmem>>)
      tpu.yield
    }) : () -> ()
    %scan3A_258 = arith.constant 0 : i32
    %scan3A_259 = arith.constant 0 : i32
    %scan3A_260 = arith.constant 640 : i32
    %scan3A_261 = arith.addi %scan3A_259, %scan3A_260 : i32
    %scan3A_262 = arith.constant 1 : i32
    %scan3A_263 = scf.for %scan3A_305 = %scan3A_259 to %scan3A_261 step %scan3A_262 iter_args(%scan3A_306 = %scan3A_258) -> (i32)  : i32 {
      %mul3A_307 = arith.constant 16 : i32
      %mul3A_308 = arith.muli %scan3A_305, %mul3A_307 : i32
      %get3A = arith.index_cast %mul3A_308 : i32 to index
      %get3A_309 = tpu.vector_load %arg12[%get3A] {strides = array<i32>} : memref<10240xi32, #tpu.memory_space<vmem>>, vector<16xi32>,
      %mul3A_310 = arith.constant 32 : i32
      %mul3A_311 = vector.broadcast %mul3A_310 : i32 to vector<16xi32>
      %mul3A_312 = arith.muli %get3A_309, %mul3A_311 : vector<16xi32>
      %mul3A_313 = arith.constant 16 : i32
      %mul3A_314 = arith.muli %scan3A_305, %mul3A_313 : i32
      %swap3A_315 = arith.index_cast %mul3A_314 : i32 to index
      %swap3A_316 = tpu.vector_load %arg12[%swap3A_315] {strides = array<i32>} : memref<10240xi32, #tpu.memory_space<vmem>>, vector<16xi32>,
      tpu.vector_store %arg12[%swap3A_315], %mul3A_312 {strides = array<i32>} : memref<10240xi32, #tpu.memory_space<vmem>>, vector<16xi32>,
      %scan3A_317 = arith.constant 0 : i32
      scf.yield %scan3A_317 : i32
    }
    %scan3A_264 = arith.constant 640 : i32
    %mul3A_265 = arith.constant 2 : i32
    %mul3A_266 = arith.muli %arg1, %mul3A_265 : i32
    %add3A_267 = arith.constant 0 : i32
    %add3A_268 = arith.addi %mul3A_266, %add3A_267 : i32
    %mul3A_269 = arith.constant 6272 : i32
    %mul3A_270 = arith.muli %add3A_268, %mul3A_269 : i32
    "tpu.region"() ({
      %run_scoped3A = tpu.sem_alloc : memref<!tpu.dma_semaphore, #tpu.memory_space<semaphore_mem>>
      %dma_start3A_305 = arith.constant 0 : i32
      %dma_start3A_306 = tpu.memref_slice %arg2[%mul3A_270, %dma_start3A_305] : memref<200704x8xf32, #tpu.memory_space<hbm>> -> memref<6272x8xf32, #tpu.memory_space<hbm>>
      %dma_start3A_307 = arith.constant 0 : i32
      %dma_start3A_308 = tpu.memref_slice %arg2[%mul3A_270, %dma_start3A_307] : memref<200704x8xf32, #tpu.memory_space<hbm>> -> memref<6272x8xf32, #tpu.memory_space<hbm>>
      tpu.enqueue_dma source(%dma_start3A_308 : memref<6272x8xf32, #tpu.memory_space<hbm>>) target(%arg9 : memref<6272x8xf32, #tpu.memory_space<vmem>>) target_semaphore(%run_scoped3A : memref<!tpu.dma_semaphore, #tpu.memory_space<semaphore_mem>>)
      %dma_wait3A_309 = arith.constant 0 : i32
      %dma_wait3A_310 = tpu.memref_slice %arg2[%mul3A_270, %dma_wait3A_309] : memref<200704x8xf32, #tpu.memory_space<hbm>> -> memref<6272x8xf32, #tpu.memory_space<hbm>>
      %dma_wait3A_311 = arith.constant 0 : i32
      %dma_wait3A_312 = tpu.memref_slice %arg2[%mul3A_270, %dma_wait3A_311] : memref<200704x8xf32, #tpu.memory_space<hbm>> -> memref<6272x8xf32, #tpu.memory_space<hbm>>
      tpu.wait_dma2 semaphore(%run_scoped3A : memref<!tpu.dma_semaphore, #tpu.memory_space<semaphore_mem>>) src(%dma_wait3A_312 : memref<6272x8xf32, #tpu.memory_space<hbm>>) dst(%arg9 : memref<6272x8xf32, #tpu.memory_space<vmem>>)
      tpu.yield
    }) : () -> ()
    %scan3A_271 = arith.constant 0 : i32
    %scan3A_272 = arith.constant 0 : i32
    %scan3A_273 = arith.constant 392 : i32
    %scan3A_274 = arith.addi %scan3A_272, %scan3A_273 : i32
    %scan3A_275 = arith.constant 1 : i32
    %scan3A_276 = scf.for %scan3A_305 = %scan3A_272 to %scan3A_274 step %scan3A_275 iter_args(%scan3A_306 = %scan3A_271) -> (i32)  : i32 {
      %mul3A_307 = arith.constant 16 : i32
      %mul3A_308 = arith.muli %scan3A_305, %mul3A_307 : i32
      %add3A_309 = arith.constant 0 : i32
      %add3A_310 = arith.addi %add3A_309, %mul3A_308 : i32
      %get3A = arith.index_cast %add3A_310 : i32 to index
      %get3A_311 = tpu.vector_load %arg10[%get3A] {strides = array<i32>} : memref<12544xi32, #tpu.memory_space<vmem>>, vector<16xi32>,
      %shift_right_arithmetic3A = arith.constant 6 : i32
      %shift_right_arithmetic3A_312 = vector.broadcast %shift_right_arithmetic3A : i32 to vector<16xi32>
      %shift_right_arithmetic3A_313 = arith.shrsi %get3A_311, %shift_right_arithmetic3A_312 : vector<16xi32>
      %and3A = arith.constant 63 : i32
      %and3A_314 = vector.broadcast %and3A : i32 to vector<16xi32>
      %and3A_315 = arith.andi %get3A_311, %and3A_314 : vector<16xi32>
      %gather3A_316 = tpu.vector_load_idx %arg11[%shift_right_arithmetic3A_313] : memref<10240xi32, #tpu.memory_space<vmem>>[vector<16xi32>], vector<16xi32>,
      %gather3A_317 = tpu.vector_load_idx %arg12[%shift_right_arithmetic3A_313] : memref<10240xi32, #tpu.memory_space<vmem>>[vector<16xi32>], vector<16xi32>,
      %add3A_318 = arith.addi %gather3A_316, %and3A_315 : vector<16xi32>
      %lt3A_319 = arith.constant 10000 : i32
      %lt3A_320 = vector.broadcast %lt3A_319 : i32 to vector<16xi32>
      %lt3A_321 = arith.cmpi slt, %shift_right_arithmetic3A_313, %lt3A_320 : vector<16xi32>
      %lt3A_322 = arith.constant 32 : i32
      %lt3A_323 = vector.broadcast %lt3A_322 : i32 to vector<16xi32>
      %lt3A_324 = arith.cmpi slt, %add3A_318, %lt3A_323 : vector<16xi32>
      %and3A_325 = arith.andi %lt3A_321, %lt3A_324 : vector<16xi1>
      %add3A_326 = arith.addi %gather3A_317, %add3A_318 : vector<16xi32>
      %mul3A_327 = arith.constant 16 : i32
      %mul3A_328 = arith.muli %arg1, %mul3A_327 : i32
      %add3A_329 = arith.constant 512000 : i32
      %add3A_330 = arith.addi %add3A_329, %mul3A_328 : i32
      %add3A_331 = vector.broadcast %add3A_330 : i32 to vector<16xi32>
      %add3A_332 = arith.addi %add3A_331, %iota3A : vector<16xi32>
      %select_n3A_333 = arith.select %and3A_325, %add3A_326, %add3A_332 : vector<16xi1>, vector<16xi32>
      %mul3A_334 = arith.constant 16 : i32
      %mul3A_335 = arith.muli %scan3A_305, %mul3A_334 : i32
      %add3A_336 = arith.constant 0 : i32
      %add3A_337 = arith.addi %add3A_336, %mul3A_335 : i32
      %add3A_338 = vector.broadcast %add3A_337 : i32 to vector<16xi32>
      %add3A_339 = arith.addi %add3A_338, %iota3A : vector<16xi32>
      %jit3A_340 = arith.constant 128 : i32
      %div3A = vector.broadcast %jit3A_340 : i32 to vector<16xi32>
      %div3A_341 = arith.divsi %add3A_339, %div3A : vector<16xi32>
      %sign3A = arith.constant 0 : i32
      %sign3A_342 = vector.broadcast %sign3A : i32 to vector<16xi32>
      %sign3A_343 = arith.cmpi sgt, %add3A_339, %sign3A_342 : vector<16xi32>
      %sign3A_344 = arith.extui %sign3A_343 : vector<16xi1> to vector<16xi32>
      %sign3A_345 = arith.constant 0 : i32
      %sign3A_346 = vector.broadcast %sign3A_345 : i32 to vector<16xi32>
      %sign3A_347 = arith.cmpi slt, %add3A_339, %sign3A_346 : vector<16xi32>
      %sign3A_348 = arith.extui %sign3A_347 : vector<16xi1> to vector<16xi32>
      %sign3A_349 = arith.subi %sign3A_344, %sign3A_348 : vector<16xi32>
      %sign3A_350 = arith.constant 0 : i32
      %sign3A_351 = arith.cmpi sgt, %jit3A_340, %sign3A_350 : i32
      %sign3A_352 = arith.extui %sign3A_351 : i1 to i32
      %sign3A_353 = arith.constant 0 : i32
      %sign3A_354 = arith.cmpi slt, %jit3A_340, %sign3A_353 : i32
      %sign3A_355 = arith.extui %sign3A_354 : i1 to i32
      %sign3A_356 = arith.subi %sign3A_352, %sign3A_355 : i32
      %ne3A = vector.broadcast %sign3A_356 : i32 to vector<16xi32>
      %ne3A_357 = arith.cmpi ne, %sign3A_349, %ne3A : vector<16xi32>
      %rem3A = vector.broadcast %jit3A_340 : i32 to vector<16xi32>
      %rem3A_358 = arith.remsi %add3A_339, %rem3A : vector<16xi32>
      %ne3A_359 = arith.constant 0 : i32
      %ne3A_360 = vector.broadcast %ne3A_359 : i32 to vector<16xi32>
      %ne3A_361 = arith.cmpi ne, %rem3A_358, %ne3A_360 : vector<16xi32>
      %and3A_362 = arith.andi %ne3A_357, %ne3A_361 : vector<16xi1>
      %sub3A = arith.constant 1 : i32
      %sub3A_363 = vector.broadcast %sub3A : i32 to vector<16xi32>
      %sub3A_364 = arith.subi %div3A_341, %sub3A_363 : vector<16xi32>
      %select_n3A_365 = arith.select %and3A_362, %sub3A_364, %div3A_341 : vector<16xi1>, vector<16xi32>
      %jit3A_366 = arith.constant 128 : i32
      %eq3A = arith.constant 0 : i32
      %eq3A_367 = arith.cmpi eq, %jit3A_366, %eq3A : i32
      %jit3A_368 = arith.constant 1 : i32
      %select_n3A_369 = arith.select %eq3A_367, %jit3A_368, %jit3A_366 : i32
      %rem3A_370 = vector.broadcast %select_n3A_369 : i32 to vector<16xi32>
      %rem3A_371 = arith.remsi %add3A_339, %rem3A_370 : vector<16xi32>
      %ne3A_372 = arith.constant 0 : i32
      %ne3A_373 = vector.broadcast %ne3A_372 : i32 to vector<16xi32>
      %ne3A_374 = arith.cmpi ne, %rem3A_371, %ne3A_373 : vector<16xi32>
      %lt3A_375 = arith.constant 0 : i32
      %lt3A_376 = vector.broadcast %lt3A_375 : i32 to vector<16xi32>
      %lt3A_377 = arith.cmpi slt, %rem3A_371, %lt3A_376 : vector<16xi32>
      %lt3A_378 = arith.constant 0 : i32
      %lt3A_379 = arith.cmpi slt, %select_n3A_369, %lt3A_378 : i32
      %ne3A_380 = vector.broadcast %lt3A_379 : i1 to vector<16xi1>
      %ne3A_381 = vector.broadcast %ne3A_380 : vector<16xi1> to vector<16xi1>
      %ne3A_382 = arith.xori %lt3A_377, %ne3A_381 : vector<16xi1>
      %and3A_383 = arith.andi %ne3A_382, %ne3A_374 : vector<16xi1>
      %add3A_384 = vector.broadcast %select_n3A_369 : i32 to vector<16xi32>
      %add3A_385 = arith.addi %rem3A_371, %add3A_384 : vector<16xi32>
      %select_n3A_386 = arith.select %and3A_383, %add3A_385, %rem3A_371 : vector<16xi1>, vector<16xi32>
      tpu.vector_store_idx %arg15[%select_n3A_365, %select_n3A_386], %select_n3A_333 : memref<98x128xi32, #tpu.memory_space<vmem>>[vector<16xi32>, vector<16xi32>], vector<16xi32>,
      %scan3A_387 = arith.constant 0 : i32
      scf.yield %scan3A_387 : i32
    }
    %scan3A_277 = arith.constant 392 : i32
    %scan3A_278 = arith.constant 0 : i32
    %scan3A_279 = arith.constant 0 : i32
    %scan3A_280 = arith.constant 7 : i32
    %scan3A_281 = arith.addi %scan3A_279, %scan3A_280 : i32
    %scan3A_282 = arith.constant 1 : i32
    %scan3A_283 = scf.for %scan3A_305 = %scan3A_279 to %scan3A_281 step %scan3A_282 iter_args(%scan3A_306 = %scan3A_278) -> (i32)  : i32 {
      %mul3A_307 = arith.constant 7 : i32
      %mul3A_308 = arith.muli %scan3A_305, %mul3A_307 : i32
      %add3A_309 = arith.constant 0 : i32
      %add3A_310 = arith.addi %mul3A_308, %add3A_309 : i32
      %mul3A_311 = arith.constant 128 : i32
      %mul3A_312 = arith.muli %add3A_310, %mul3A_311 : i32
      %mul3A_313 = arith.constant 7 : i32
      %mul3A_314 = arith.muli %scan3A_305, %mul3A_313 : i32
      %add3A_315 = arith.constant 0 : i32
      %add3A_316 = arith.addi %add3A_315, %mul3A_314 : i32
      %add3A_317 = arith.constant 0 : i32
      %add3A_318 = arith.addi %add3A_316, %add3A_317 : i32
      %dma_start3A_319 = arith.constant 0 : i32
      %dma_start3A_320 = tpu.memref_slice %arg9[%mul3A_312, %dma_start3A_319] : memref<6272x8xf32, #tpu.memory_space<vmem>> -> memref<128x8xf32, #tpu.memory_space<vmem>>
      %dma_start3A_321 = arith.constant 0 : i32
      %dma_start3A_322 = tpu.memref_slice %arg15[%add3A_318, %dma_start3A_321] : memref<98x128xi32, #tpu.memory_space<vmem>> -> memref<1x128xi32, #tpu.memory_space<vmem>>
      %dma_start3A_323 = tpu.memref_squeeze %dma_start3A_322 : memref<1x128xi32, #tpu.memory_space<vmem>> -> memref<128xi32, #tpu.memory_space<vmem>>
      %dma_start3A_324 = arith.constant 0 : i32
      %dma_start3A_325 = arith.constant 0 : i32
      %dma_start3A_326 = tpu.memref_slice %arg3[%dma_start3A_324, %dma_start3A_325] : memref<512256x8xf32, #tpu.memory_space<hbm>> -> memref<512256x8xf32, #tpu.memory_space<hbm>>
      tpu.enqueue_indirect_dma source(%dma_start3A_320 : memref<128x8xf32, #tpu.memory_space<vmem>>) target(%dma_start3A_326 : memref<512256x8xf32, #tpu.memory_space<hbm>>) offsets(%dma_start3A_323 : memref<128xi32, #tpu.memory_space<vmem>>) semaphore(%arg22 : memref<!tpu.dma_semaphore, #tpu.memory_space<semaphore_mem>>)
      %dma_wait3A_327 = arith.constant 0 : i32
      %dma_wait3A_328 = tpu.memref_slice %arg9[%mul3A_312, %dma_wait3A_327] : memref<6272x8xf32, #tpu.memory_space<vmem>> -> memref<128x8xf32, #tpu.memory_space<vmem>>
      %dma_wait3A_329 = arith.constant 0 : i32
      %dma_wait3A_330 = tpu.memref_slice %arg15[%add3A_318, %dma_wait3A_329] : memref<98x128xi32, #tpu.memory_space<vmem>> -> memref<1x128xi32, #tpu.memory_space<vmem>>
      %dma_wait3A_331 = tpu.memref_squeeze %dma_wait3A_330 : memref<1x128xi32, #tpu.memory_space<vmem>> -> memref<128xi32, #tpu.memory_space<vmem>>
      %dma_wait3A_332 = arith.constant 0 : i32
      %dma_wait3A_333 = arith.constant 0 : i32
      %dma_wait3A_334 = tpu.memref_slice %arg3[%dma_wait3A_332, %dma_wait3A_333] : memref<512256x8xf32, #tpu.memory_space<hbm>> -> memref<512256x8xf32, #tpu.memory_space<hbm>>
      tpu.wait_indirect_dma semaphore(%arg22 : memref<!tpu.dma_semaphore, #tpu.memory_space<semaphore_mem>>) src(%dma_wait3A_328 : memref<128x8xf32, #tpu.memory_space<vmem>>) dst(%dma_wait3A_334 : memref<512256x8xf32, #tpu.memory_space<hbm>>)
      %mul3A_335 = arith.constant 7 : i32
      %mul3A_336 = arith.muli %scan3A_305, %mul3A_335 : i32
      %add3A_337 = arith.constant 1 : i32
      %add3A_338 = arith.addi %mul3A_336, %add3A_337 : i32
      %mul3A_339 = arith.constant 128 : i32
      %mul3A_340 = arith.muli %add3A_338, %mul3A_339 : i32
      %mul3A_341 = arith.constant 7 : i32
      %mul3A_342 = arith.muli %scan3A_305, %mul3A_341 : i32
      %add3A_343 = arith.constant 0 : i32
      %add3A_344 = arith.addi %add3A_343, %mul3A_342 : i32
      %add3A_345 = arith.constant 1 : i32
      %add3A_346 = arith.addi %add3A_344, %add3A_345 : i32
      %dma_start3A_347 = arith.constant 0 : i32
      %dma_start3A_348 = tpu.memref_slice %arg9[%mul3A_340, %dma_start3A_347] : memref<6272x8xf32, #tpu.memory_space<vmem>> -> memref<128x8xf32, #tpu.memory_space<vmem>>
      %dma_start3A_349 = arith.constant 0 : i32
      %dma_start3A_350 = tpu.memref_slice %arg15[%add3A_346, %dma_start3A_349] : memref<98x128xi32, #tpu.memory_space<vmem>> -> memref<1x128xi32, #tpu.memory_space<vmem>>
      %dma_start3A_351 = tpu.memref_squeeze %dma_start3A_350 : memref<1x128xi32, #tpu.memory_space<vmem>> -> memref<128xi32, #tpu.memory_space<vmem>>
      %dma_start3A_352 = arith.constant 0 : i32
      %dma_start3A_353 = arith.constant 0 : i32
      %dma_start3A_354 = tpu.memref_slice %arg3[%dma_start3A_352, %dma_start3A_353] : memref<512256x8xf32, #tpu.memory_space<hbm>> -> memref<512256x8xf32, #tpu.memory_space<hbm>>
      tpu.enqueue_indirect_dma source(%dma_start3A_348 : memref<128x8xf32, #tpu.memory_space<vmem>>) target(%dma_start3A_354 : memref<512256x8xf32, #tpu.memory_space<hbm>>) offsets(%dma_start3A_351 : memref<128xi32, #tpu.memory_space<vmem>>) semaphore(%arg22 : memref<!tpu.dma_semaphore, #tpu.memory_space<semaphore_mem>>)
      %dma_wait3A_355 = arith.constant 0 : i32
      %dma_wait3A_356 = tpu.memref_slice %arg9[%mul3A_340, %dma_wait3A_355] : memref<6272x8xf32, #tpu.memory_space<vmem>> -> memref<128x8xf32, #tpu.memory_space<vmem>>
      %dma_wait3A_357 = arith.constant 0 : i32
      %dma_wait3A_358 = tpu.memref_slice %arg15[%add3A_346, %dma_wait3A_357] : memref<98x128xi32, #tpu.memory_space<vmem>> -> memref<1x128xi32, #tpu.memory_space<vmem>>
      %dma_wait3A_359 = tpu.memref_squeeze %dma_wait3A_358 : memref<1x128xi32, #tpu.memory_space<vmem>> -> memref<128xi32, #tpu.memory_space<vmem>>
      %dma_wait3A_360 = arith.constant 0 : i32
      %dma_wait3A_361 = arith.constant 0 : i32
      %dma_wait3A_362 = tpu.memref_slice %arg3[%dma_wait3A_360, %dma_wait3A_361] : memref<512256x8xf32, #tpu.memory_space<hbm>> -> memref<512256x8xf32, #tpu.memory_space<hbm>>
      tpu.wait_indirect_dma semaphore(%arg22 : memref<!tpu.dma_semaphore, #tpu.memory_space<semaphore_mem>>) src(%dma_wait3A_356 : memref<128x8xf32, #tpu.memory_space<vmem>>) dst(%dma_wait3A_362 : memref<512256x8xf32, #tpu.memory_space<hbm>>)
      %mul3A_363 = arith.constant 7 : i32
      %mul3A_364 = arith.muli %scan3A_305, %mul3A_363 : i32
      %add3A_365 = arith.constant 2 : i32
      %add3A_366 = arith.addi %mul3A_364, %add3A_365 : i32
      %mul3A_367 = arith.constant 128 : i32
      %mul3A_368 = arith.muli %add3A_366, %mul3A_367 : i32
      %mul3A_369 = arith.constant 7 : i32
      %mul3A_370 = arith.muli %scan3A_305, %mul3A_369 : i32
      %add3A_371 = arith.constant 0 : i32
      %add3A_372 = arith.addi %add3A_371, %mul3A_370 : i32
      %add3A_373 = arith.constant 2 : i32
      %add3A_374 = arith.addi %add3A_372, %add3A_373 : i32
      %dma_start3A_375 = arith.constant 0 : i32
      %dma_start3A_376 = tpu.memref_slice %arg9[%mul3A_368, %dma_start3A_375] : memref<6272x8xf32, #tpu.memory_space<vmem>> -> memref<128x8xf32, #tpu.memory_space<vmem>>
      %dma_start3A_377 = arith.constant 0 : i32
      %dma_start3A_378 = tpu.memref_slice %arg15[%add3A_374, %dma_start3A_377] : memref<98x128xi32, #tpu.memory_space<vmem>> -> memref<1x128xi32, #tpu.memory_space<vmem>>
      %dma_start3A_379 = tpu.memref_squeeze %dma_start3A_378 : memref<1x128xi32, #tpu.memory_space<vmem>> -> memref<128xi32, #tpu.memory_space<vmem>>
      %dma_start3A_380 = arith.constant 0 : i32
      %dma_start3A_381 = arith.constant 0 : i32
      %dma_start3A_382 = tpu.memref_slice %arg3[%dma_start3A_380, %dma_start3A_381] : memref<512256x8xf32, #tpu.memory_space<hbm>> -> memref<512256x8xf32, #tpu.memory_space<hbm>>
      tpu.enqueue_indirect_dma source(%dma_start3A_376 : memref<128x8xf32, #tpu.memory_space<vmem>>) target(%dma_start3A_382 : memref<512256x8xf32, #tpu.memory_space<hbm>>) offsets(%dma_start3A_379 : memref<128xi32, #tpu.memory_space<vmem>>) semaphore(%arg22 : memref<!tpu.dma_semaphore, #tpu.memory_space<semaphore_mem>>)
      %dma_wait3A_383 = arith.constant 0 : i32
      %dma_wait3A_384 = tpu.memref_slice %arg9[%mul3A_368, %dma_wait3A_383] : memref<6272x8xf32, #tpu.memory_space<vmem>> -> memref<128x8xf32, #tpu.memory_space<vmem>>
      %dma_wait3A_385 = arith.constant 0 : i32
      %dma_wait3A_386 = tpu.memref_slice %arg15[%add3A_374, %dma_wait3A_385] : memref<98x128xi32, #tpu.memory_space<vmem>> -> memref<1x128xi32, #tpu.memory_space<vmem>>
      %dma_wait3A_387 = tpu.memref_squeeze %dma_wait3A_386 : memref<1x128xi32, #tpu.memory_space<vmem>> -> memref<128xi32, #tpu.memory_space<vmem>>
      %dma_wait3A_388 = arith.constant 0 : i32
      %dma_wait3A_389 = arith.constant 0 : i32
      %dma_wait3A_390 = tpu.memref_slice %arg3[%dma_wait3A_388, %dma_wait3A_389] : memref<512256x8xf32, #tpu.memory_space<hbm>> -> memref<512256x8xf32, #tpu.memory_space<hbm>>
      tpu.wait_indirect_dma semaphore(%arg22 : memref<!tpu.dma_semaphore, #tpu.memory_space<semaphore_mem>>) src(%dma_wait3A_384 : memref<128x8xf32, #tpu.memory_space<vmem>>) dst(%dma_wait3A_390 : memref<512256x8xf32, #tpu.memory_space<hbm>>)
      %mul3A_391 = arith.constant 7 : i32
      %mul3A_392 = arith.muli %scan3A_305, %mul3A_391 : i32
      %add3A_393 = arith.constant 3 : i32
      %add3A_394 = arith.addi %mul3A_392, %add3A_393 : i32
      %mul3A_395 = arith.constant 128 : i32
      %mul3A_396 = arith.muli %add3A_394, %mul3A_395 : i32
      %mul3A_397 = arith.constant 7 : i32
      %mul3A_398 = arith.muli %scan3A_305, %mul3A_397 : i32
      %add3A_399 = arith.constant 0 : i32
      %add3A_400 = arith.addi %add3A_399, %mul3A_398 : i32
      %add3A_401 = arith.constant 3 : i32
      %add3A_402 = arith.addi %add3A_400, %add3A_401 : i32
      %dma_start3A_403 = arith.constant 0 : i32
      %dma_start3A_404 = tpu.memref_slice %arg9[%mul3A_396, %dma_start3A_403] : memref<6272x8xf32, #tpu.memory_space<vmem>> -> memref<128x8xf32, #tpu.memory_space<vmem>>
      %dma_start3A_405 = arith.constant 0 : i32
      %dma_start3A_406 = tpu.memref_slice %arg15[%add3A_402, %dma_start3A_405] : memref<98x128xi32, #tpu.memory_space<vmem>> -> memref<1x128xi32, #tpu.memory_space<vmem>>
      %dma_start3A_407 = tpu.memref_squeeze %dma_start3A_406 : memref<1x128xi32, #tpu.memory_space<vmem>> -> memref<128xi32, #tpu.memory_space<vmem>>
      %dma_start3A_408 = arith.constant 0 : i32
      %dma_start3A_409 = arith.constant 0 : i32
      %dma_start3A_410 = tpu.memref_slice %arg3[%dma_start3A_408, %dma_start3A_409] : memref<512256x8xf32, #tpu.memory_space<hbm>> -> memref<512256x8xf32, #tpu.memory_space<hbm>>
      tpu.enqueue_indirect_dma source(%dma_start3A_404 : memref<128x8xf32, #tpu.memory_space<vmem>>) target(%dma_start3A_410 : memref<512256x8xf32, #tpu.memory_space<hbm>>) offsets(%dma_start3A_407 : memref<128xi32, #tpu.memory_space<vmem>>) semaphore(%arg22 : memref<!tpu.dma_semaphore, #tpu.memory_space<semaphore_mem>>)
      %dma_wait3A_411 = arith.constant 0 : i32
      %dma_wait3A_412 = tpu.memref_slice %arg9[%mul3A_396, %dma_wait3A_411] : memref<6272x8xf32, #tpu.memory_space<vmem>> -> memref<128x8xf32, #tpu.memory_space<vmem>>
      %dma_wait3A_413 = arith.constant 0 : i32
      %dma_wait3A_414 = tpu.memref_slice %arg15[%add3A_402, %dma_wait3A_413] : memref<98x128xi32, #tpu.memory_space<vmem>> -> memref<1x128xi32, #tpu.memory_space<vmem>>
      %dma_wait3A_415 = tpu.memref_squeeze %dma_wait3A_414 : memref<1x128xi32, #tpu.memory_space<vmem>> -> memref<128xi32, #tpu.memory_space<vmem>>
      %dma_wait3A_416 = arith.constant 0 : i32
      %dma_wait3A_417 = arith.constant 0 : i32
      %dma_wait3A_418 = tpu.memref_slice %arg3[%dma_wait3A_416, %dma_wait3A_417] : memref<512256x8xf32, #tpu.memory_space<hbm>> -> memref<512256x8xf32, #tpu.memory_space<hbm>>
      tpu.wait_indirect_dma semaphore(%arg22 : memref<!tpu.dma_semaphore, #tpu.memory_space<semaphore_mem>>) src(%dma_wait3A_412 : memref<128x8xf32, #tpu.memory_space<vmem>>) dst(%dma_wait3A_418 : memref<512256x8xf32, #tpu.memory_space<hbm>>)
      %mul3A_419 = arith.constant 7 : i32
      %mul3A_420 = arith.muli %scan3A_305, %mul3A_419 : i32
      %add3A_421 = arith.constant 4 : i32
      %add3A_422 = arith.addi %mul3A_420, %add3A_421 : i32
      %mul3A_423 = arith.constant 128 : i32
      %mul3A_424 = arith.muli %add3A_422, %mul3A_423 : i32
      %mul3A_425 = arith.constant 7 : i32
      %mul3A_426 = arith.muli %scan3A_305, %mul3A_425 : i32
      %add3A_427 = arith.constant 0 : i32
      %add3A_428 = arith.addi %add3A_427, %mul3A_426 : i32
      %add3A_429 = arith.constant 4 : i32
      %add3A_430 = arith.addi %add3A_428, %add3A_429 : i32
      %dma_start3A_431 = arith.constant 0 : i32
      %dma_start3A_432 = tpu.memref_slice %arg9[%mul3A_424, %dma_start3A_431] : memref<6272x8xf32, #tpu.memory_space<vmem>> -> memref<128x8xf32, #tpu.memory_space<vmem>>
      %dma_start3A_433 = arith.constant 0 : i32
      %dma_start3A_434 = tpu.memref_slice %arg15[%add3A_430, %dma_start3A_433] : memref<98x128xi32, #tpu.memory_space<vmem>> -> memref<1x128xi32, #tpu.memory_space<vmem>>
      %dma_start3A_435 = tpu.memref_squeeze %dma_start3A_434 : memref<1x128xi32, #tpu.memory_space<vmem>> -> memref<128xi32, #tpu.memory_space<vmem>>
      %dma_start3A_436 = arith.constant 0 : i32
      %dma_start3A_437 = arith.constant 0 : i32
      %dma_start3A_438 = tpu.memref_slice %arg3[%dma_start3A_436, %dma_start3A_437] : memref<512256x8xf32, #tpu.memory_space<hbm>> -> memref<512256x8xf32, #tpu.memory_space<hbm>>
      tpu.enqueue_indirect_dma source(%dma_start3A_432 : memref<128x8xf32, #tpu.memory_space<vmem>>) target(%dma_start3A_438 : memref<512256x8xf32, #tpu.memory_space<hbm>>) offsets(%dma_start3A_435 : memref<128xi32, #tpu.memory_space<vmem>>) semaphore(%arg22 : memref<!tpu.dma_semaphore, #tpu.memory_space<semaphore_mem>>)
      %dma_wait3A_439 = arith.constant 0 : i32
      %dma_wait3A_440 = tpu.memref_slice %arg9[%mul3A_424, %dma_wait3A_439] : memref<6272x8xf32, #tpu.memory_space<vmem>> -> memref<128x8xf32, #tpu.memory_space<vmem>>
      %dma_wait3A_441 = arith.constant 0 : i32
      %dma_wait3A_442 = tpu.memref_slice %arg15[%add3A_430, %dma_wait3A_441] : memref<98x128xi32, #tpu.memory_space<vmem>> -> memref<1x128xi32, #tpu.memory_space<vmem>>
      %dma_wait3A_443 = tpu.memref_squeeze %dma_wait3A_442 : memref<1x128xi32, #tpu.memory_space<vmem>> -> memref<128xi32, #tpu.memory_space<vmem>>
      %dma_wait3A_444 = arith.constant 0 : i32
      %dma_wait3A_445 = arith.constant 0 : i32
      %dma_wait3A_446 = tpu.memref_slice %arg3[%dma_wait3A_444, %dma_wait3A_445] : memref<512256x8xf32, #tpu.memory_space<hbm>> -> memref<512256x8xf32, #tpu.memory_space<hbm>>
      tpu.wait_indirect_dma semaphore(%arg22 : memref<!tpu.dma_semaphore, #tpu.memory_space<semaphore_mem>>) src(%dma_wait3A_440 : memref<128x8xf32, #tpu.memory_space<vmem>>) dst(%dma_wait3A_446 : memref<512256x8xf32, #tpu.memory_space<hbm>>)
      %mul3A_447 = arith.constant 7 : i32
      %mul3A_448 = arith.muli %scan3A_305, %mul3A_447 : i32
      %add3A_449 = arith.constant 5 : i32
      %add3A_450 = arith.addi %mul3A_448, %add3A_449 : i32
      %mul3A_451 = arith.constant 128 : i32
      %mul3A_452 = arith.muli %add3A_450, %mul3A_451 : i32
      %mul3A_453 = arith.constant 7 : i32
      %mul3A_454 = arith.muli %scan3A_305, %mul3A_453 : i32
      %add3A_455 = arith.constant 0 : i32
      %add3A_456 = arith.addi %add3A_455, %mul3A_454 : i32
      %add3A_457 = arith.constant 5 : i32
      %add3A_458 = arith.addi %add3A_456, %add3A_457 : i32
      %dma_start3A_459 = arith.constant 0 : i32
      %dma_start3A_460 = tpu.memref_slice %arg9[%mul3A_452, %dma_start3A_459] : memref<6272x8xf32, #tpu.memory_space<vmem>> -> memref<128x8xf32, #tpu.memory_space<vmem>>
      %dma_start3A_461 = arith.constant 0 : i32
      %dma_start3A_462 = tpu.memref_slice %arg15[%add3A_458, %dma_start3A_461] : memref<98x128xi32, #tpu.memory_space<vmem>> -> memref<1x128xi32, #tpu.memory_space<vmem>>
      %dma_start3A_463 = tpu.memref_squeeze %dma_start3A_462 : memref<1x128xi32, #tpu.memory_space<vmem>> -> memref<128xi32, #tpu.memory_space<vmem>>
      %dma_start3A_464 = arith.constant 0 : i32
      %dma_start3A_465 = arith.constant 0 : i32
      %dma_start3A_466 = tpu.memref_slice %arg3[%dma_start3A_464, %dma_start3A_465] : memref<512256x8xf32, #tpu.memory_space<hbm>> -> memref<512256x8xf32, #tpu.memory_space<hbm>>
      tpu.enqueue_indirect_dma source(%dma_start3A_460 : memref<128x8xf32, #tpu.memory_space<vmem>>) target(%dma_start3A_466 : memref<512256x8xf32, #tpu.memory_space<hbm>>) offsets(%dma_start3A_463 : memref<128xi32, #tpu.memory_space<vmem>>) semaphore(%arg22 : memref<!tpu.dma_semaphore, #tpu.memory_space<semaphore_mem>>)
      %dma_wait3A_467 = arith.constant 0 : i32
      %dma_wait3A_468 = tpu.memref_slice %arg9[%mul3A_452, %dma_wait3A_467] : memref<6272x8xf32, #tpu.memory_space<vmem>> -> memref<128x8xf32, #tpu.memory_space<vmem>>
      %dma_wait3A_469 = arith.constant 0 : i32
      %dma_wait3A_470 = tpu.memref_slice %arg15[%add3A_458, %dma_wait3A_469] : memref<98x128xi32, #tpu.memory_space<vmem>> -> memref<1x128xi32, #tpu.memory_space<vmem>>
      %dma_wait3A_471 = tpu.memref_squeeze %dma_wait3A_470 : memref<1x128xi32, #tpu.memory_space<vmem>> -> memref<128xi32, #tpu.memory_space<vmem>>
      %dma_wait3A_472 = arith.constant 0 : i32
      %dma_wait3A_473 = arith.constant 0 : i32
      %dma_wait3A_474 = tpu.memref_slice %arg3[%dma_wait3A_472, %dma_wait3A_473] : memref<512256x8xf32, #tpu.memory_space<hbm>> -> memref<512256x8xf32, #tpu.memory_space<hbm>>
      tpu.wait_indirect_dma semaphore(%arg22 : memref<!tpu.dma_semaphore, #tpu.memory_space<semaphore_mem>>) src(%dma_wait3A_468 : memref<128x8xf32, #tpu.memory_space<vmem>>) dst(%dma_wait3A_474 : memref<512256x8xf32, #tpu.memory_space<hbm>>)
      %mul3A_475 = arith.constant 7 : i32
      %mul3A_476 = arith.muli %scan3A_305, %mul3A_475 : i32
      %add3A_477 = arith.constant 6 : i32
      %add3A_478 = arith.addi %mul3A_476, %add3A_477 : i32
      %mul3A_479 = arith.constant 128 : i32
      %mul3A_480 = arith.muli %add3A_478, %mul3A_479 : i32
      %mul3A_481 = arith.constant 7 : i32
      %mul3A_482 = arith.muli %scan3A_305, %mul3A_481 : i32
      %add3A_483 = arith.constant 0 : i32
      %add3A_484 = arith.addi %add3A_483, %mul3A_482 : i32
      %add3A_485 = arith.constant 6 : i32
      %add3A_486 = arith.addi %add3A_484, %add3A_485 : i32
      %dma_start3A_487 = arith.constant 0 : i32
      %dma_start3A_488 = tpu.memref_slice %arg9[%mul3A_480, %dma_start3A_487] : memref<6272x8xf32, #tpu.memory_space<vmem>> -> memref<128x8xf32, #tpu.memory_space<vmem>>
      %dma_start3A_489 = arith.constant 0 : i32
      %dma_start3A_490 = tpu.memref_slice %arg15[%add3A_486, %dma_start3A_489] : memref<98x128xi32, #tpu.memory_space<vmem>> -> memref<1x128xi32, #tpu.memory_space<vmem>>
      %dma_start3A_491 = tpu.memref_squeeze %dma_start3A_490 : memref<1x128xi32, #tpu.memory_space<vmem>> -> memref<128xi32, #tpu.memory_space<vmem>>
      %dma_start3A_492 = arith.constant 0 : i32
      %dma_start3A_493 = arith.constant 0 : i32
      %dma_start3A_494 = tpu.memref_slice %arg3[%dma_start3A_492, %dma_start3A_493] : memref<512256x8xf32, #tpu.memory_space<hbm>> -> memref<512256x8xf32, #tpu.memory_space<hbm>>
      tpu.enqueue_indirect_dma source(%dma_start3A_488 : memref<128x8xf32, #tpu.memory_space<vmem>>) target(%dma_start3A_494 : memref<512256x8xf32, #tpu.memory_space<hbm>>) offsets(%dma_start3A_491 : memref<128xi32, #tpu.memory_space<vmem>>) semaphore(%arg22 : memref<!tpu.dma_semaphore, #tpu.memory_space<semaphore_mem>>)
      %dma_wait3A_495 = arith.constant 0 : i32
      %dma_wait3A_496 = tpu.memref_slice %arg9[%mul3A_480, %dma_wait3A_495] : memref<6272x8xf32, #tpu.memory_space<vmem>> -> memref<128x8xf32, #tpu.memory_space<vmem>>
      %dma_wait3A_497 = arith.constant 0 : i32
      %dma_wait3A_498 = tpu.memref_slice %arg15[%add3A_486, %dma_wait3A_497] : memref<98x128xi32, #tpu.memory_space<vmem>> -> memref<1x128xi32, #tpu.memory_space<vmem>>
      %dma_wait3A_499 = tpu.memref_squeeze %dma_wait3A_498 : memref<1x128xi32, #tpu.memory_space<vmem>> -> memref<128xi32, #tpu.memory_space<vmem>>
      %dma_wait3A_500 = arith.constant 0 : i32
      %dma_wait3A_501 = arith.constant 0 : i32
      %dma_wait3A_502 = tpu.memref_slice %arg3[%dma_wait3A_500, %dma_wait3A_501] : memref<512256x8xf32, #tpu.memory_space<hbm>> -> memref<512256x8xf32, #tpu.memory_space<hbm>>
      tpu.wait_indirect_dma semaphore(%arg22 : memref<!tpu.dma_semaphore, #tpu.memory_space<semaphore_mem>>) src(%dma_wait3A_496 : memref<128x8xf32, #tpu.memory_space<vmem>>) dst(%dma_wait3A_502 : memref<512256x8xf32, #tpu.memory_space<hbm>>)
      %scan3A_503 = arith.constant 0 : i32
      scf.yield %scan3A_503 : i32
    }
    %scan3A_284 = arith.constant 7 : i32
    %mul3A_285 = arith.constant 2 : i32
    %mul3A_286 = arith.muli %arg1, %mul3A_285 : i32
    %add3A_287 = arith.constant 1 : i32
    %add3A_288 = arith.addi %mul3A_286, %add3A_287 : i32
    %mul3A_289 = arith.constant 6272 : i32
    %mul3A_290 = arith.muli %add3A_288, %mul3A_289 : i32
    "tpu.region"() ({
      %run_scoped3A = tpu.sem_alloc : memref<!tpu.dma_semaphore, #tpu.memory_space<semaphore_mem>>
      %dma_start3A_305 = arith.constant 0 : i32
      %dma_start3A_306 = tpu.memref_slice %arg2[%mul3A_290, %dma_start3A_305] : memref<200704x8xf32, #tpu.memory_space<hbm>> -> memref<6272x8xf32, #tpu.memory_space<hbm>>
      %dma_start3A_307 = arith.constant 0 : i32
      %dma_start3A_308 = tpu.memref_slice %arg2[%mul3A_290, %dma_start3A_307] : memref<200704x8xf32, #tpu.memory_space<hbm>> -> memref<6272x8xf32, #tpu.memory_space<hbm>>
      tpu.enqueue_dma source(%dma_start3A_308 : memref<6272x8xf32, #tpu.memory_space<hbm>>) target(%arg9 : memref<6272x8xf32, #tpu.memory_space<vmem>>) target_semaphore(%run_scoped3A : memref<!tpu.dma_semaphore, #tpu.memory_space<semaphore_mem>>)
      %dma_wait3A_309 = arith.constant 0 : i32
      %dma_wait3A_310 = tpu.memref_slice %arg2[%mul3A_290, %dma_wait3A_309] : memref<200704x8xf32, #tpu.memory_space<hbm>> -> memref<6272x8xf32, #tpu.memory_space<hbm>>
      %dma_wait3A_311 = arith.constant 0 : i32
      %dma_wait3A_312 = tpu.memref_slice %arg2[%mul3A_290, %dma_wait3A_311] : memref<200704x8xf32, #tpu.memory_space<hbm>> -> memref<6272x8xf32, #tpu.memory_space<hbm>>
      tpu.wait_dma2 semaphore(%run_scoped3A : memref<!tpu.dma_semaphore, #tpu.memory_space<semaphore_mem>>) src(%dma_wait3A_312 : memref<6272x8xf32, #tpu.memory_space<hbm>>) dst(%arg9 : memref<6272x8xf32, #tpu.memory_space<vmem>>)
      tpu.yield
    }) : () -> ()
    %scan3A_291 = arith.constant 0 : i32
    %scan3A_292 = arith.constant 0 : i32
    %scan3A_293 = arith.constant 392 : i32
    %scan3A_294 = arith.addi %scan3A_292, %scan3A_293 : i32
    %scan3A_295 = arith.constant 1 : i32
    %scan3A_296 = scf.for %scan3A_305 = %scan3A_292 to %scan3A_294 step %scan3A_295 iter_args(%scan3A_306 = %scan3A_291) -> (i32)  : i32 {
      %mul3A_307 = arith.constant 16 : i32
      %mul3A_308 = arith.muli %scan3A_305, %mul3A_307 : i32
      %add3A_309 = arith.constant 6272 : i32
      %add3A_310 = arith.addi %add3A_309, %mul3A_308 : i32
      %get3A = arith.index_cast %add3A_310 : i32 to index
      %get3A_311 = tpu.vector_load %arg10[%get3A] {strides = array<i32>} : memref<12544xi32, #tpu.memory_space<vmem>>, vector<16xi32>,
      %shift_right_arithmetic3A = arith.constant 6 : i32
      %shift_right_arithmetic3A_312 = vector.broadcast %shift_right_arithmetic3A : i32 to vector<16xi32>
      %shift_right_arithmetic3A_313 = arith.shrsi %get3A_311, %shift_right_arithmetic3A_312 : vector<16xi32>
      %and3A = arith.constant 63 : i32
      %and3A_314 = vector.broadcast %and3A : i32 to vector<16xi32>
      %and3A_315 = arith.andi %get3A_311, %and3A_314 : vector<16xi32>
      %gather3A_316 = tpu.vector_load_idx %arg11[%shift_right_arithmetic3A_313] : memref<10240xi32, #tpu.memory_space<vmem>>[vector<16xi32>], vector<16xi32>,
      %gather3A_317 = tpu.vector_load_idx %arg12[%shift_right_arithmetic3A_313] : memref<10240xi32, #tpu.memory_space<vmem>>[vector<16xi32>], vector<16xi32>,
      %add3A_318 = arith.addi %gather3A_316, %and3A_315 : vector<16xi32>
      %lt3A_319 = arith.constant 10000 : i32
      %lt3A_320 = vector.broadcast %lt3A_319 : i32 to vector<16xi32>
      %lt3A_321 = arith.cmpi slt, %shift_right_arithmetic3A_313, %lt3A_320 : vector<16xi32>
      %lt3A_322 = arith.constant 32 : i32
      %lt3A_323 = vector.broadcast %lt3A_322 : i32 to vector<16xi32>
      %lt3A_324 = arith.cmpi slt, %add3A_318, %lt3A_323 : vector<16xi32>
      %and3A_325 = arith.andi %lt3A_321, %lt3A_324 : vector<16xi1>
      %add3A_326 = arith.addi %gather3A_317, %add3A_318 : vector<16xi32>
      %mul3A_327 = arith.constant 16 : i32
      %mul3A_328 = arith.muli %arg1, %mul3A_327 : i32
      %add3A_329 = arith.constant 512000 : i32
      %add3A_330 = arith.addi %add3A_329, %mul3A_328 : i32
      %add3A_331 = vector.broadcast %add3A_330 : i32 to vector<16xi32>
      %add3A_332 = arith.addi %add3A_331, %iota3A : vector<16xi32>
      %select_n3A_333 = arith.select %and3A_325, %add3A_326, %add3A_332 : vector<16xi1>, vector<16xi32>
      %mul3A_334 = arith.constant 16 : i32
      %mul3A_335 = arith.muli %scan3A_305, %mul3A_334 : i32
      %add3A_336 = arith.constant 6272 : i32
      %add3A_337 = arith.addi %add3A_336, %mul3A_335 : i32
      %add3A_338 = vector.broadcast %add3A_337 : i32 to vector<16xi32>
      %add3A_339 = arith.addi %add3A_338, %iota3A : vector<16xi32>
      %jit3A_340 = arith.constant 128 : i32
      %div3A = vector.broadcast %jit3A_340 : i32 to vector<16xi32>
      %div3A_341 = arith.divsi %add3A_339, %div3A : vector<16xi32>
      %sign3A = arith.constant 0 : i32
      %sign3A_342 = vector.broadcast %sign3A : i32 to vector<16xi32>
      %sign3A_343 = arith.cmpi sgt, %add3A_339, %sign3A_342 : vector<16xi32>
      %sign3A_344 = arith.extui %sign3A_343 : vector<16xi1> to vector<16xi32>
      %sign3A_345 = arith.constant 0 : i32
      %sign3A_346 = vector.broadcast %sign3A_345 : i32 to vector<16xi32>
      %sign3A_347 = arith.cmpi slt, %add3A_339, %sign3A_346 : vector<16xi32>
      %sign3A_348 = arith.extui %sign3A_347 : vector<16xi1> to vector<16xi32>
      %sign3A_349 = arith.subi %sign3A_344, %sign3A_348 : vector<16xi32>
      %sign3A_350 = arith.constant 0 : i32
      %sign3A_351 = arith.cmpi sgt, %jit3A_340, %sign3A_350 : i32
      %sign3A_352 = arith.extui %sign3A_351 : i1 to i32
      %sign3A_353 = arith.constant 0 : i32
      %sign3A_354 = arith.cmpi slt, %jit3A_340, %sign3A_353 : i32
      %sign3A_355 = arith.extui %sign3A_354 : i1 to i32
      %sign3A_356 = arith.subi %sign3A_352, %sign3A_355 : i32
      %ne3A = vector.broadcast %sign3A_356 : i32 to vector<16xi32>
      %ne3A_357 = arith.cmpi ne, %sign3A_349, %ne3A : vector<16xi32>
      %rem3A = vector.broadcast %jit3A_340 : i32 to vector<16xi32>
      %rem3A_358 = arith.remsi %add3A_339, %rem3A : vector<16xi32>
      %ne3A_359 = arith.constant 0 : i32
      %ne3A_360 = vector.broadcast %ne3A_359 : i32 to vector<16xi32>
      %ne3A_361 = arith.cmpi ne, %rem3A_358, %ne3A_360 : vector<16xi32>
      %and3A_362 = arith.andi %ne3A_357, %ne3A_361 : vector<16xi1>
      %sub3A = arith.constant 1 : i32
      %sub3A_363 = vector.broadcast %sub3A : i32 to vector<16xi32>
      %sub3A_364 = arith.subi %div3A_341, %sub3A_363 : vector<16xi32>
      %select_n3A_365 = arith.select %and3A_362, %sub3A_364, %div3A_341 : vector<16xi1>, vector<16xi32>
      %jit3A_366 = arith.constant 128 : i32
      %eq3A = arith.constant 0 : i32
      %eq3A_367 = arith.cmpi eq, %jit3A_366, %eq3A : i32
      %jit3A_368 = arith.constant 1 : i32
      %select_n3A_369 = arith.select %eq3A_367, %jit3A_368, %jit3A_366 : i32
      %rem3A_370 = vector.broadcast %select_n3A_369 : i32 to vector<16xi32>
      %rem3A_371 = arith.remsi %add3A_339, %rem3A_370 : vector<16xi32>
      %ne3A_372 = arith.constant 0 : i32
      %ne3A_373 = vector.broadcast %ne3A_372 : i32 to vector<16xi32>
      %ne3A_374 = arith.cmpi ne, %rem3A_371, %ne3A_373 : vector<16xi32>
      %lt3A_375 = arith.constant 0 : i32
      %lt3A_376 = vector.broadcast %lt3A_375 : i32 to vector<16xi32>
      %lt3A_377 = arith.cmpi slt, %rem3A_371, %lt3A_376 : vector<16xi32>
      %lt3A_378 = arith.constant 0 : i32
      %lt3A_379 = arith.cmpi slt, %select_n3A_369, %lt3A_378 : i32
      %ne3A_380 = vector.broadcast %lt3A_379 : i1 to vector<16xi1>
      %ne3A_381 = vector.broadcast %ne3A_380 : vector<16xi1> to vector<16xi1>
      %ne3A_382 = arith.xori %lt3A_377, %ne3A_381 : vector<16xi1>
      %and3A_383 = arith.andi %ne3A_382, %ne3A_374 : vector<16xi1>
      %add3A_384 = vector.broadcast %select_n3A_369 : i32 to vector<16xi32>
      %add3A_385 = arith.addi %rem3A_371, %add3A_384 : vector<16xi32>
      %select_n3A_386 = arith.select %and3A_383, %add3A_385, %rem3A_371 : vector<16xi1>, vector<16xi32>
      tpu.vector_store_idx %arg15[%select_n3A_365, %select_n3A_386], %select_n3A_333 : memref<98x128xi32, #tpu.memory_space<vmem>>[vector<16xi32>, vector<16xi32>], vector<16xi32>,
      %scan3A_387 = arith.constant 0 : i32
      scf.yield %scan3A_387 : i32
    }
    %scan3A_297 = arith.constant 392 : i32
    %scan3A_298 = arith.constant 0 : i32
    %scan3A_299 = arith.constant 0 : i32
    %scan3A_300 = arith.constant 7 : i32
    %scan3A_301 = arith.addi %scan3A_299, %scan3A_300 : i32
    %scan3A_302 = arith.constant 1 : i32
    %scan3A_303 = scf.for %scan3A_305 = %scan3A_299 to %scan3A_301 step %scan3A_302 iter_args(%scan3A_306 = %scan3A_298) -> (i32)  : i32 {
      %mul3A_307 = arith.constant 7 : i32
      %mul3A_308 = arith.muli %scan3A_305, %mul3A_307 : i32
      %add3A_309 = arith.constant 0 : i32
      %add3A_310 = arith.addi %mul3A_308, %add3A_309 : i32
      %mul3A_311 = arith.constant 128 : i32
      %mul3A_312 = arith.muli %add3A_310, %mul3A_311 : i32
      %mul3A_313 = arith.constant 7 : i32
      %mul3A_314 = arith.muli %scan3A_305, %mul3A_313 : i32
      %add3A_315 = arith.constant 49 : i32
      %add3A_316 = arith.addi %add3A_315, %mul3A_314 : i32
      %add3A_317 = arith.constant 0 : i32
      %add3A_318 = arith.addi %add3A_316, %add3A_317 : i32
      %dma_start3A_319 = arith.constant 0 : i32
      %dma_start3A_320 = tpu.memref_slice %arg9[%mul3A_312, %dma_start3A_319] : memref<6272x8xf32, #tpu.memory_space<vmem>> -> memref<128x8xf32, #tpu.memory_space<vmem>>
      %dma_start3A_321 = arith.constant 0 : i32
      %dma_start3A_322 = tpu.memref_slice %arg15[%add3A_318, %dma_start3A_321] : memref<98x128xi32, #tpu.memory_space<vmem>> -> memref<1x128xi32, #tpu.memory_space<vmem>>
      %dma_start3A_323 = tpu.memref_squeeze %dma_start3A_322 : memref<1x128xi32, #tpu.memory_space<vmem>> -> memref<128xi32, #tpu.memory_space<vmem>>
      %dma_start3A_324 = arith.constant 0 : i32
      %dma_start3A_325 = arith.constant 0 : i32
      %dma_start3A_326 = tpu.memref_slice %arg3[%dma_start3A_324, %dma_start3A_325] : memref<512256x8xf32, #tpu.memory_space<hbm>> -> memref<512256x8xf32, #tpu.memory_space<hbm>>
      tpu.enqueue_indirect_dma source(%dma_start3A_320 : memref<128x8xf32, #tpu.memory_space<vmem>>) target(%dma_start3A_326 : memref<512256x8xf32, #tpu.memory_space<hbm>>) offsets(%dma_start3A_323 : memref<128xi32, #tpu.memory_space<vmem>>) semaphore(%arg22 : memref<!tpu.dma_semaphore, #tpu.memory_space<semaphore_mem>>)
      %dma_wait3A_327 = arith.constant 0 : i32
      %dma_wait3A_328 = tpu.memref_slice %arg9[%mul3A_312, %dma_wait3A_327] : memref<6272x8xf32, #tpu.memory_space<vmem>> -> memref<128x8xf32, #tpu.memory_space<vmem>>
      %dma_wait3A_329 = arith.constant 0 : i32
      %dma_wait3A_330 = tpu.memref_slice %arg15[%add3A_318, %dma_wait3A_329] : memref<98x128xi32, #tpu.memory_space<vmem>> -> memref<1x128xi32, #tpu.memory_space<vmem>>
      %dma_wait3A_331 = tpu.memref_squeeze %dma_wait3A_330 : memref<1x128xi32, #tpu.memory_space<vmem>> -> memref<128xi32, #tpu.memory_space<vmem>>
      %dma_wait3A_332 = arith.constant 0 : i32
      %dma_wait3A_333 = arith.constant 0 : i32
      %dma_wait3A_334 = tpu.memref_slice %arg3[%dma_wait3A_332, %dma_wait3A_333] : memref<512256x8xf32, #tpu.memory_space<hbm>> -> memref<512256x8xf32, #tpu.memory_space<hbm>>
      tpu.wait_indirect_dma semaphore(%arg22 : memref<!tpu.dma_semaphore, #tpu.memory_space<semaphore_mem>>) src(%dma_wait3A_328 : memref<128x8xf32, #tpu.memory_space<vmem>>) dst(%dma_wait3A_334 : memref<512256x8xf32, #tpu.memory_space<hbm>>)
      %mul3A_335 = arith.constant 7 : i32
      %mul3A_336 = arith.muli %scan3A_305, %mul3A_335 : i32
      %add3A_337 = arith.constant 1 : i32
      %add3A_338 = arith.addi %mul3A_336, %add3A_337 : i32
      %mul3A_339 = arith.constant 128 : i32
      %mul3A_340 = arith.muli %add3A_338, %mul3A_339 : i32
      %mul3A_341 = arith.constant 7 : i32
      %mul3A_342 = arith.muli %scan3A_305, %mul3A_341 : i32
      %add3A_343 = arith.constant 49 : i32
      %add3A_344 = arith.addi %add3A_343, %mul3A_342 : i32
      %add3A_345 = arith.constant 1 : i32
      %add3A_346 = arith.addi %add3A_344, %add3A_345 : i32
      %dma_start3A_347 = arith.constant 0 : i32
      %dma_start3A_348 = tpu.memref_slice %arg9[%mul3A_340, %dma_start3A_347] : memref<6272x8xf32, #tpu.memory_space<vmem>> -> memref<128x8xf32, #tpu.memory_space<vmem>>
      %dma_start3A_349 = arith.constant 0 : i32
      %dma_start3A_350 = tpu.memref_slice %arg15[%add3A_346, %dma_start3A_349] : memref<98x128xi32, #tpu.memory_space<vmem>> -> memref<1x128xi32, #tpu.memory_space<vmem>>
      %dma_start3A_351 = tpu.memref_squeeze %dma_start3A_350 : memref<1x128xi32, #tpu.memory_space<vmem>> -> memref<128xi32, #tpu.memory_space<vmem>>
      %dma_start3A_352 = arith.constant 0 : i32
      %dma_start3A_353 = arith.constant 0 : i32
      %dma_start3A_354 = tpu.memref_slice %arg3[%dma_start3A_352, %dma_start3A_353] : memref<512256x8xf32, #tpu.memory_space<hbm>> -> memref<512256x8xf32, #tpu.memory_space<hbm>>
      tpu.enqueue_indirect_dma source(%dma_start3A_348 : memref<128x8xf32, #tpu.memory_space<vmem>>) target(%dma_start3A_354 : memref<512256x8xf32, #tpu.memory_space<hbm>>) offsets(%dma_start3A_351 : memref<128xi32, #tpu.memory_space<vmem>>) semaphore(%arg22 : memref<!tpu.dma_semaphore, #tpu.memory_space<semaphore_mem>>)
      %dma_wait3A_355 = arith.constant 0 : i32
      %dma_wait3A_356 = tpu.memref_slice %arg9[%mul3A_340, %dma_wait3A_355] : memref<6272x8xf32, #tpu.memory_space<vmem>> -> memref<128x8xf32, #tpu.memory_space<vmem>>
      %dma_wait3A_357 = arith.constant 0 : i32
      %dma_wait3A_358 = tpu.memref_slice %arg15[%add3A_346, %dma_wait3A_357] : memref<98x128xi32, #tpu.memory_space<vmem>> -> memref<1x128xi32, #tpu.memory_space<vmem>>
      %dma_wait3A_359 = tpu.memref_squeeze %dma_wait3A_358 : memref<1x128xi32, #tpu.memory_space<vmem>> -> memref<128xi32, #tpu.memory_space<vmem>>
      %dma_wait3A_360 = arith.constant 0 : i32
      %dma_wait3A_361 = arith.constant 0 : i32
      %dma_wait3A_362 = tpu.memref_slice %arg3[%dma_wait3A_360, %dma_wait3A_361] : memref<512256x8xf32, #tpu.memory_space<hbm>> -> memref<512256x8xf32, #tpu.memory_space<hbm>>
      tpu.wait_indirect_dma semaphore(%arg22 : memref<!tpu.dma_semaphore, #tpu.memory_space<semaphore_mem>>) src(%dma_wait3A_356 : memref<128x8xf32, #tpu.memory_space<vmem>>) dst(%dma_wait3A_362 : memref<512256x8xf32, #tpu.memory_space<hbm>>)
      %mul3A_363 = arith.constant 7 : i32
      %mul3A_364 = arith.muli %scan3A_305, %mul3A_363 : i32
      %add3A_365 = arith.constant 2 : i32
      %add3A_366 = arith.addi %mul3A_364, %add3A_365 : i32
      %mul3A_367 = arith.constant 128 : i32
      %mul3A_368 = arith.muli %add3A_366, %mul3A_367 : i32
      %mul3A_369 = arith.constant 7 : i32
      %mul3A_370 = arith.muli %scan3A_305, %mul3A_369 : i32
      %add3A_371 = arith.constant 49 : i32
      %add3A_372 = arith.addi %add3A_371, %mul3A_370 : i32
      %add3A_373 = arith.constant 2 : i32
      %add3A_374 = arith.addi %add3A_372, %add3A_373 : i32
      %dma_start3A_375 = arith.constant 0 : i32
      %dma_start3A_376 = tpu.memref_slice %arg9[%mul3A_368, %dma_start3A_375] : memref<6272x8xf32, #tpu.memory_space<vmem>> -> memref<128x8xf32, #tpu.memory_space<vmem>>
      %dma_start3A_377 = arith.constant 0 : i32
      %dma_start3A_378 = tpu.memref_slice %arg15[%add3A_374, %dma_start3A_377] : memref<98x128xi32, #tpu.memory_space<vmem>> -> memref<1x128xi32, #tpu.memory_space<vmem>>
      %dma_start3A_379 = tpu.memref_squeeze %dma_start3A_378 : memref<1x128xi32, #tpu.memory_space<vmem>> -> memref<128xi32, #tpu.memory_space<vmem>>
      %dma_start3A_380 = arith.constant 0 : i32
      %dma_start3A_381 = arith.constant 0 : i32
      %dma_start3A_382 = tpu.memref_slice %arg3[%dma_start3A_380, %dma_start3A_381] : memref<512256x8xf32, #tpu.memory_space<hbm>> -> memref<512256x8xf32, #tpu.memory_space<hbm>>
      tpu.enqueue_indirect_dma source(%dma_start3A_376 : memref<128x8xf32, #tpu.memory_space<vmem>>) target(%dma_start3A_382 : memref<512256x8xf32, #tpu.memory_space<hbm>>) offsets(%dma_start3A_379 : memref<128xi32, #tpu.memory_space<vmem>>) semaphore(%arg22 : memref<!tpu.dma_semaphore, #tpu.memory_space<semaphore_mem>>)
      %dma_wait3A_383 = arith.constant 0 : i32
      %dma_wait3A_384 = tpu.memref_slice %arg9[%mul3A_368, %dma_wait3A_383] : memref<6272x8xf32, #tpu.memory_space<vmem>> -> memref<128x8xf32, #tpu.memory_space<vmem>>
      %dma_wait3A_385 = arith.constant 0 : i32
      %dma_wait3A_386 = tpu.memref_slice %arg15[%add3A_374, %dma_wait3A_385] : memref<98x128xi32, #tpu.memory_space<vmem>> -> memref<1x128xi32, #tpu.memory_space<vmem>>
      %dma_wait3A_387 = tpu.memref_squeeze %dma_wait3A_386 : memref<1x128xi32, #tpu.memory_space<vmem>> -> memref<128xi32, #tpu.memory_space<vmem>>
      %dma_wait3A_388 = arith.constant 0 : i32
      %dma_wait3A_389 = arith.constant 0 : i32
      %dma_wait3A_390 = tpu.memref_slice %arg3[%dma_wait3A_388, %dma_wait3A_389] : memref<512256x8xf32, #tpu.memory_space<hbm>> -> memref<512256x8xf32, #tpu.memory_space<hbm>>
      tpu.wait_indirect_dma semaphore(%arg22 : memref<!tpu.dma_semaphore, #tpu.memory_space<semaphore_mem>>) src(%dma_wait3A_384 : memref<128x8xf32, #tpu.memory_space<vmem>>) dst(%dma_wait3A_390 : memref<512256x8xf32, #tpu.memory_space<hbm>>)
      %mul3A_391 = arith.constant 7 : i32
      %mul3A_392 = arith.muli %scan3A_305, %mul3A_391 : i32
      %add3A_393 = arith.constant 3 : i32
      %add3A_394 = arith.addi %mul3A_392, %add3A_393 : i32
      %mul3A_395 = arith.constant 128 : i32
      %mul3A_396 = arith.muli %add3A_394, %mul3A_395 : i32
      %mul3A_397 = arith.constant 7 : i32
      %mul3A_398 = arith.muli %scan3A_305, %mul3A_397 : i32
      %add3A_399 = arith.constant 49 : i32
      %add3A_400 = arith.addi %add3A_399, %mul3A_398 : i32
      %add3A_401 = arith.constant 3 : i32
      %add3A_402 = arith.addi %add3A_400, %add3A_401 : i32
      %dma_start3A_403 = arith.constant 0 : i32
      %dma_start3A_404 = tpu.memref_slice %arg9[%mul3A_396, %dma_start3A_403] : memref<6272x8xf32, #tpu.memory_space<vmem>> -> memref<128x8xf32, #tpu.memory_space<vmem>>
      %dma_start3A_405 = arith.constant 0 : i32
      %dma_start3A_406 = tpu.memref_slice %arg15[%add3A_402, %dma_start3A_405] : memref<98x128xi32, #tpu.memory_space<vmem>> -> memref<1x128xi32, #tpu.memory_space<vmem>>
      %dma_start3A_407 = tpu.memref_squeeze %dma_start3A_406 : memref<1x128xi32, #tpu.memory_space<vmem>> -> memref<128xi32, #tpu.memory_space<vmem>>
      %dma_start3A_408 = arith.constant 0 : i32
      %dma_start3A_409 = arith.constant 0 : i32
      %dma_start3A_410 = tpu.memref_slice %arg3[%dma_start3A_408, %dma_start3A_409] : memref<512256x8xf32, #tpu.memory_space<hbm>> -> memref<512256x8xf32, #tpu.memory_space<hbm>>
      tpu.enqueue_indirect_dma source(%dma_start3A_404 : memref<128x8xf32, #tpu.memory_space<vmem>>) target(%dma_start3A_410 : memref<512256x8xf32, #tpu.memory_space<hbm>>) offsets(%dma_start3A_407 : memref<128xi32, #tpu.memory_space<vmem>>) semaphore(%arg22 : memref<!tpu.dma_semaphore, #tpu.memory_space<semaphore_mem>>)
      %dma_wait3A_411 = arith.constant 0 : i32
      %dma_wait3A_412 = tpu.memref_slice %arg9[%mul3A_396, %dma_wait3A_411] : memref<6272x8xf32, #tpu.memory_space<vmem>> -> memref<128x8xf32, #tpu.memory_space<vmem>>
      %dma_wait3A_413 = arith.constant 0 : i32
      %dma_wait3A_414 = tpu.memref_slice %arg15[%add3A_402, %dma_wait3A_413] : memref<98x128xi32, #tpu.memory_space<vmem>> -> memref<1x128xi32, #tpu.memory_space<vmem>>
      %dma_wait3A_415 = tpu.memref_squeeze %dma_wait3A_414 : memref<1x128xi32, #tpu.memory_space<vmem>> -> memref<128xi32, #tpu.memory_space<vmem>>
      %dma_wait3A_416 = arith.constant 0 : i32
      %dma_wait3A_417 = arith.constant 0 : i32
      %dma_wait3A_418 = tpu.memref_slice %arg3[%dma_wait3A_416, %dma_wait3A_417] : memref<512256x8xf32, #tpu.memory_space<hbm>> -> memref<512256x8xf32, #tpu.memory_space<hbm>>
      tpu.wait_indirect_dma semaphore(%arg22 : memref<!tpu.dma_semaphore, #tpu.memory_space<semaphore_mem>>) src(%dma_wait3A_412 : memref<128x8xf32, #tpu.memory_space<vmem>>) dst(%dma_wait3A_418 : memref<512256x8xf32, #tpu.memory_space<hbm>>)
      %mul3A_419 = arith.constant 7 : i32
      %mul3A_420 = arith.muli %scan3A_305, %mul3A_419 : i32
      %add3A_421 = arith.constant 4 : i32
      %add3A_422 = arith.addi %mul3A_420, %add3A_421 : i32
      %mul3A_423 = arith.constant 128 : i32
      %mul3A_424 = arith.muli %add3A_422, %mul3A_423 : i32
      %mul3A_425 = arith.constant 7 : i32
      %mul3A_426 = arith.muli %scan3A_305, %mul3A_425 : i32
      %add3A_427 = arith.constant 49 : i32
      %add3A_428 = arith.addi %add3A_427, %mul3A_426 : i32
      %add3A_429 = arith.constant 4 : i32
      %add3A_430 = arith.addi %add3A_428, %add3A_429 : i32
      %dma_start3A_431 = arith.constant 0 : i32
      %dma_start3A_432 = tpu.memref_slice %arg9[%mul3A_424, %dma_start3A_431] : memref<6272x8xf32, #tpu.memory_space<vmem>> -> memref<128x8xf32, #tpu.memory_space<vmem>>
      %dma_start3A_433 = arith.constant 0 : i32
      %dma_start3A_434 = tpu.memref_slice %arg15[%add3A_430, %dma_start3A_433] : memref<98x128xi32, #tpu.memory_space<vmem>> -> memref<1x128xi32, #tpu.memory_space<vmem>>
      %dma_start3A_435 = tpu.memref_squeeze %dma_start3A_434 : memref<1x128xi32, #tpu.memory_space<vmem>> -> memref<128xi32, #tpu.memory_space<vmem>>
      %dma_start3A_436 = arith.constant 0 : i32
      %dma_start3A_437 = arith.constant 0 : i32
      %dma_start3A_438 = tpu.memref_slice %arg3[%dma_start3A_436, %dma_start3A_437] : memref<512256x8xf32, #tpu.memory_space<hbm>> -> memref<512256x8xf32, #tpu.memory_space<hbm>>
      tpu.enqueue_indirect_dma source(%dma_start3A_432 : memref<128x8xf32, #tpu.memory_space<vmem>>) target(%dma_start3A_438 : memref<512256x8xf32, #tpu.memory_space<hbm>>) offsets(%dma_start3A_435 : memref<128xi32, #tpu.memory_space<vmem>>) semaphore(%arg22 : memref<!tpu.dma_semaphore, #tpu.memory_space<semaphore_mem>>)
      %dma_wait3A_439 = arith.constant 0 : i32
      %dma_wait3A_440 = tpu.memref_slice %arg9[%mul3A_424, %dma_wait3A_439] : memref<6272x8xf32, #tpu.memory_space<vmem>> -> memref<128x8xf32, #tpu.memory_space<vmem>>
      %dma_wait3A_441 = arith.constant 0 : i32
      %dma_wait3A_442 = tpu.memref_slice %arg15[%add3A_430, %dma_wait3A_441] : memref<98x128xi32, #tpu.memory_space<vmem>> -> memref<1x128xi32, #tpu.memory_space<vmem>>
      %dma_wait3A_443 = tpu.memref_squeeze %dma_wait3A_442 : memref<1x128xi32, #tpu.memory_space<vmem>> -> memref<128xi32, #tpu.memory_space<vmem>>
      %dma_wait3A_444 = arith.constant 0 : i32
      %dma_wait3A_445 = arith.constant 0 : i32
      %dma_wait3A_446 = tpu.memref_slice %arg3[%dma_wait3A_444, %dma_wait3A_445] : memref<512256x8xf32, #tpu.memory_space<hbm>> -> memref<512256x8xf32, #tpu.memory_space<hbm>>
      tpu.wait_indirect_dma semaphore(%arg22 : memref<!tpu.dma_semaphore, #tpu.memory_space<semaphore_mem>>) src(%dma_wait3A_440 : memref<128x8xf32, #tpu.memory_space<vmem>>) dst(%dma_wait3A_446 : memref<512256x8xf32, #tpu.memory_space<hbm>>)
      %mul3A_447 = arith.constant 7 : i32
      %mul3A_448 = arith.muli %scan3A_305, %mul3A_447 : i32
      %add3A_449 = arith.constant 5 : i32
      %add3A_450 = arith.addi %mul3A_448, %add3A_449 : i32
      %mul3A_451 = arith.constant 128 : i32
      %mul3A_452 = arith.muli %add3A_450, %mul3A_451 : i32
      %mul3A_453 = arith.constant 7 : i32
      %mul3A_454 = arith.muli %scan3A_305, %mul3A_453 : i32
      %add3A_455 = arith.constant 49 : i32
      %add3A_456 = arith.addi %add3A_455, %mul3A_454 : i32
      %add3A_457 = arith.constant 5 : i32
      %add3A_458 = arith.addi %add3A_456, %add3A_457 : i32
      %dma_start3A_459 = arith.constant 0 : i32
      %dma_start3A_460 = tpu.memref_slice %arg9[%mul3A_452, %dma_start3A_459] : memref<6272x8xf32, #tpu.memory_space<vmem>> -> memref<128x8xf32, #tpu.memory_space<vmem>>
      %dma_start3A_461 = arith.constant 0 : i32
      %dma_start3A_462 = tpu.memref_slice %arg15[%add3A_458, %dma_start3A_461] : memref<98x128xi32, #tpu.memory_space<vmem>> -> memref<1x128xi32, #tpu.memory_space<vmem>>
      %dma_start3A_463 = tpu.memref_squeeze %dma_start3A_462 : memref<1x128xi32, #tpu.memory_space<vmem>> -> memref<128xi32, #tpu.memory_space<vmem>>
      %dma_start3A_464 = arith.constant 0 : i32
      %dma_start3A_465 = arith.constant 0 : i32
      %dma_start3A_466 = tpu.memref_slice %arg3[%dma_start3A_464, %dma_start3A_465] : memref<512256x8xf32, #tpu.memory_space<hbm>> -> memref<512256x8xf32, #tpu.memory_space<hbm>>
      tpu.enqueue_indirect_dma source(%dma_start3A_460 : memref<128x8xf32, #tpu.memory_space<vmem>>) target(%dma_start3A_466 : memref<512256x8xf32, #tpu.memory_space<hbm>>) offsets(%dma_start3A_463 : memref<128xi32, #tpu.memory_space<vmem>>) semaphore(%arg22 : memref<!tpu.dma_semaphore, #tpu.memory_space<semaphore_mem>>)
      %dma_wait3A_467 = arith.constant 0 : i32
      %dma_wait3A_468 = tpu.memref_slice %arg9[%mul3A_452, %dma_wait3A_467] : memref<6272x8xf32, #tpu.memory_space<vmem>> -> memref<128x8xf32, #tpu.memory_space<vmem>>
      %dma_wait3A_469 = arith.constant 0 : i32
      %dma_wait3A_470 = tpu.memref_slice %arg15[%add3A_458, %dma_wait3A_469] : memref<98x128xi32, #tpu.memory_space<vmem>> -> memref<1x128xi32, #tpu.memory_space<vmem>>
      %dma_wait3A_471 = tpu.memref_squeeze %dma_wait3A_470 : memref<1x128xi32, #tpu.memory_space<vmem>> -> memref<128xi32, #tpu.memory_space<vmem>>
      %dma_wait3A_472 = arith.constant 0 : i32
      %dma_wait3A_473 = arith.constant 0 : i32
      %dma_wait3A_474 = tpu.memref_slice %arg3[%dma_wait3A_472, %dma_wait3A_473] : memref<512256x8xf32, #tpu.memory_space<hbm>> -> memref<512256x8xf32, #tpu.memory_space<hbm>>
      tpu.wait_indirect_dma semaphore(%arg22 : memref<!tpu.dma_semaphore, #tpu.memory_space<semaphore_mem>>) src(%dma_wait3A_468 : memref<128x8xf32, #tpu.memory_space<vmem>>) dst(%dma_wait3A_474 : memref<512256x8xf32, #tpu.memory_space<hbm>>)
      %mul3A_475 = arith.constant 7 : i32
      %mul3A_476 = arith.muli %scan3A_305, %mul3A_475 : i32
      %add3A_477 = arith.constant 6 : i32
      %add3A_478 = arith.addi %mul3A_476, %add3A_477 : i32
      %mul3A_479 = arith.constant 128 : i32
      %mul3A_480 = arith.muli %add3A_478, %mul3A_479 : i32
      %mul3A_481 = arith.constant 7 : i32
      %mul3A_482 = arith.muli %scan3A_305, %mul3A_481 : i32
      %add3A_483 = arith.constant 49 : i32
      %add3A_484 = arith.addi %add3A_483, %mul3A_482 : i32
      %add3A_485 = arith.constant 6 : i32
      %add3A_486 = arith.addi %add3A_484, %add3A_485 : i32
      %dma_start3A_487 = arith.constant 0 : i32
      %dma_start3A_488 = tpu.memref_slice %arg9[%mul3A_480, %dma_start3A_487] : memref<6272x8xf32, #tpu.memory_space<vmem>> -> memref<128x8xf32, #tpu.memory_space<vmem>>
      %dma_start3A_489 = arith.constant 0 : i32
      %dma_start3A_490 = tpu.memref_slice %arg15[%add3A_486, %dma_start3A_489] : memref<98x128xi32, #tpu.memory_space<vmem>> -> memref<1x128xi32, #tpu.memory_space<vmem>>
      %dma_start3A_491 = tpu.memref_squeeze %dma_start3A_490 : memref<1x128xi32, #tpu.memory_space<vmem>> -> memref<128xi32, #tpu.memory_space<vmem>>
      %dma_start3A_492 = arith.constant 0 : i32
      %dma_start3A_493 = arith.constant 0 : i32
      %dma_start3A_494 = tpu.memref_slice %arg3[%dma_start3A_492, %dma_start3A_493] : memref<512256x8xf32, #tpu.memory_space<hbm>> -> memref<512256x8xf32, #tpu.memory_space<hbm>>
      tpu.enqueue_indirect_dma source(%dma_start3A_488 : memref<128x8xf32, #tpu.memory_space<vmem>>) target(%dma_start3A_494 : memref<512256x8xf32, #tpu.memory_space<hbm>>) offsets(%dma_start3A_491 : memref<128xi32, #tpu.memory_space<vmem>>) semaphore(%arg22 : memref<!tpu.dma_semaphore, #tpu.memory_space<semaphore_mem>>)
      %dma_wait3A_495 = arith.constant 0 : i32
      %dma_wait3A_496 = tpu.memref_slice %arg9[%mul3A_480, %dma_wait3A_495] : memref<6272x8xf32, #tpu.memory_space<vmem>> -> memref<128x8xf32, #tpu.memory_space<vmem>>
      %dma_wait3A_497 = arith.constant 0 : i32
      %dma_wait3A_498 = tpu.memref_slice %arg15[%add3A_486, %dma_wait3A_497] : memref<98x128xi32, #tpu.memory_space<vmem>> -> memref<1x128xi32, #tpu.memory_space<vmem>>
      %dma_wait3A_499 = tpu.memref_squeeze %dma_wait3A_498 : memref<1x128xi32, #tpu.memory_space<vmem>> -> memref<128xi32, #tpu.memory_space<vmem>>
      %dma_wait3A_500 = arith.constant 0 : i32
      %dma_wait3A_501 = arith.constant 0 : i32
      %dma_wait3A_502 = tpu.memref_slice %arg3[%dma_wait3A_500, %dma_wait3A_501] : memref<512256x8xf32, #tpu.memory_space<hbm>> -> memref<512256x8xf32, #tpu.memory_space<hbm>>
      tpu.wait_indirect_dma semaphore(%arg22 : memref<!tpu.dma_semaphore, #tpu.memory_space<semaphore_mem>>) src(%dma_wait3A_496 : memref<128x8xf32, #tpu.memory_space<vmem>>) dst(%dma_wait3A_502 : memref<512256x8xf32, #tpu.memory_space<hbm>>)
      %scan3A_503 = arith.constant 0 : i32
      scf.yield %scan3A_503 : i32
    }
    %scan3A_304 = arith.constant 7 : i32
    return
  }
}

</mosaic_0001>

<sc_bundles>
// kernel: kernel.3.cloned.1.call-start
scs
__scs_entry_jumppad:
0x0: {  	(pc) =	sbr.rel $0x88, $3  }
0x1: {  	(tag) =	ssettag $0x0;
	lr =	simm.s32 $0x1  }
0x2: {  	[smem:$0x3FA0] =	sst lr;
	_ =	strace $0xD0000000  }
0x3: {  	_ = 	snop  }
0x4: {  	_ = 	snop  }
0x5: {  	_ = 	snop  }
0x6: {  	_ = 	snop  }
0x7: {  	_ = 	snop  }
__scs_overlays_trampoline_lowered:
0x8: {  	[smem:$0x3FAF] =	sst s0  }
0x9: {  	[smem:$0x3FB0] =	sst s1  }
0xa: {  	[smem:$0x3FB1] =	sst s2  }
0xb: {  	[smem:$0x3FB2] =	sst s3  }
0xc: {  	[smem:$0x3FB3] =	sst s4  }
0xd: {  	[smem:$0x3FB4] =	sst s5  }
0xe: {  	[smem:$0x3FB5] =	sst s6  }
0xf: {  	[smem:$0x3FB6] =	sst s7  }
0x10: {  	[smem:$0x3FB7] =	sst s8  }
0x11: {  	[smem:$0x3FB8] =	sst s9;
	s0 =	simm.s32 @!p0 $0x0  }
0x12: {  	s1 =	sld [smem:$0x3F9E];
	s0 =	simm.s32 @p0 $0x1  }
0x13: {  	[smem:$0x3FB9] =	sst s0;
	s0 =	simm.s32 @!p1 $0x0  }
0x14: {  	s2 =	sld [smem:$0x3F9D];
	s0 =	simm.s32 @p1 $0x1  }
0x15: {  	[smem:$0x3FBA] =	sst s0;
	s0 =	simm.s32 @!p2 $0x0  }
0x16: {  	s3 =	sld [smem:$0x3FDB];
	s0 =	simm.s32 @p2 $0x1  }
0x17: {  	s4 =	simm.s32 $0x1BF5;
	[smem:$0x3FBC] =	sst s0  }
0x18: {  	s0 =	sld [smem:$0x3F9F];
	_ =	swait.ge [sflag:s4], $0x0  }
0x19: {  	s7 =	sld [smem:$0x3FA0]  }
0x1a: {  	s8 =	sadd.s32 $0xFFFFE003, lr  }
0x1b: {  	s9 =	sadd.s32 $0xFFFFFEF7, lr;
	s5 =	simm.s32 $0xFFFFFFFF;
	p2 =	slt.u32 s8, $0xFFFFF086  }
0x1c: {  	p1 =	slt.u32 s9, $0xF7A;
	s5 =	simm.s32 @!p2 $0x0  }
0x1d: {  	s5 =	simm.s32 @p1 $0x1;
	p0 =	seq.s32 s7, s2  }
0x1e: {  	s7 =	smul.u32 @!p0 $0xF7A, s2;
	p2 =	seq.s32 @!p0 s5, $0x0  }
0x1f: {  	s9 =	smul.u32 $0xF7A, s1;
	s8 =	simm.s32 @!p0 $0x1BF5;
	p2 =	por !p2, p0  }
0x20: {  	[sflag:s8] =	ssyncset.s32 @!p0 $0xFFFFF086;
	s6 =	sadd.s32 @!p0 s3, s7;
	s7 =	simm.s32 @!p0 $0x108  }
0x21: {  	s3 =	sadd.s32 s3, s9;
	s6 =	sadd.s32 @!p0 $0x88, s6;
	s7 =	simm.s32 @p2 $0x1082  }
0x22: {  	[simem:s7], [sflag:s8] =	dma.local @!p0 [hbm:s6], $0xF7A  }
0x23: {  	s9 =	sor.u32 $0xD0000000, s2;
	s6 =	simm.s32 $0x108;
	_ =	swait.ge @!p0 [sflag:s8], $0x0  }
0x24: {  	s3 =	sadd.s32 $0x88, s3;
	s6 =	simm.s32 @!p1 $0x1082;
	[sflag:s4] =	ssyncset.s32 $0xFFFFF086  }
0x25: {  	[simem:s6], [sflag:s4] =	dma.local [hbm:s3], $0xF7A  }
0x26: {  	[smem:$0x3FA0] =	sst s1;
	(tag) =	ssettag s2;
	_ =	strace s9  }
0x27: {  	s1 =	sld [smem:$0x3FB0]  }
0x28: {  	s2 =	sld [smem:$0x3FB1]  }
0x29: {  	s4 =	sld [smem:$0x3FB3]  }
0x2a: {  	p0 =	seq.s32 s5, $0x0;
	s5 =	sld [smem:$0x3FB4]  }
0x2b: {  	s6 =	sld [smem:$0x3FB5]  }
0x2c: {  	s7 =	sld [smem:$0x3FB6]  }
0x2d: {  	s3 =	simm.s32 $0x108;
	s8 =	sld [smem:$0x3FB7]  }
0x2e: {  	s3 =	simm.s32 @!p0 $0x1082;
	s9 =	sld [smem:$0x3FB8]  }
0x2f: {  	lr =	sadd.s32 s0, s3;
	s0 =	sld [smem:$0x3FAF]  }
0x30: {  	s3 =	sld [smem:$0x3FB2]  }
0x31: {  	[smem:$0x3FBB] =	sst s10  }
0x32: {  	s10 =	sld [smem:$0x3FB9];
	_ =	sdelay $0x3  }
0x33: {  	p0 =	seq.s32 s10, $0x1;
	s10 =	sld [smem:$0x3FBB];
	_ =	sdelay $0x3  }
0x34: {  	[smem:$0x3FBB] =	sst s10  }
0x35: {  	s10 =	sld [smem:$0x3FBA];
	_ =	sdelay $0x3  }
0x36: {  	p1 =	seq.s32 s10, $0x1;
	s10 =	sld [smem:$0x3FBB];
	_ =	sdelay $0x3  }
0x37: {  	[smem:$0x3FBB] =	sst s10  }
0x38: {  	s10 =	sld [smem:$0x3FBC]  }
0x39: {  	_ = 	snop;
	(pc) =	sbr.ind lr, $3  }
0x3a: {  	_ = 	snop  }
0x3b: {  	_ = 	snop  }
0x3c: {  	p2 =	seq.s32 s10, $0x1;
	s10 =	sld [smem:$0x3FBB]  }
0x3d: {  	_ =	shalt  }
0x3e: {  	_ =	shalt  }
0x3f: {  	_ =	shalt  }
0x40: {  	_ =	shalt  }
0x41: {  	_ =	shalt  }
0x42: {  	_ =	shalt  }
0x43: {  	_ =	shalt  }
0x44: {  	_ =	shalt  }
0x45: {  	_ =	shalt  }
0x46: {  	_ =	shalt  }
0x47: {  	_ =	shalt  }
0x48: {  	_ =	shalt  }
0x49: {  	_ =	shalt  }
0x4a: {  	_ =	shalt  }
0x4b: {  	_ =	shalt  }
0x4c: {  	_ =	shalt  }
0x4d: {  	_ =	shalt  }
0x4e: {  	_ =	shalt  }
0x4f: {  	_ =	shalt  }
0x50: {  	_ =	shalt  }
0x51: {  	_ =	shalt  }
0x52: {  	_ =	shalt  }
0x53: {  	_ =	shalt  }
0x54: {  	_ =	shalt  }
0x55: {  	_ =	shalt  }
0x56: {  	_ =	shalt  }
0x57: {  	_ =	shalt  }
0x58: {  	_ =	shalt  }
0x59: {  	_ =	shalt  }
0x5a: {  	_ =	shalt  }
0x5b: {  	_ =	shalt  }
0x5c: {  	_ =	shalt  }
0x5d: {  	_ =	shalt  }
0x5e: {  	_ =	shalt  }
0x5f: {  	_ =	shalt  }
0x60: {  	_ =	shalt  }
0x61: {  	_ =	shalt  }
0x62: {  	_ =	shalt  }
0x63: {  	_ =	shalt  }
0x64: {  	_ =	shalt  }
0x65: {  	_ =	shalt  }
0x66: {  	_ =	shalt  }
0x67: {  	_ =	shalt  }
0x68: {  	_ =	shalt  }
0x69: {  	_ =	shalt  }
0x6a: {  	_ =	shalt  }
0x6b: {  	_ =	shalt  }
0x6c: {  	_ =	shalt  }
0x6d: {  	_ =	shalt  }
0x6e: {  	_ =	shalt  }
0x6f: {  	_ =	shalt  }
0x70: {  	_ =	shalt  }
0x71: {  	_ =	shalt  }
0x72: {  	_ =	shalt  }
0x73: {  	_ =	shalt  }
0x74: {  	_ =	shalt  }
0x75: {  	_ =	shalt  }
0x76: {  	_ =	shalt  }
0x77: {  	_ =	shalt  }
0x78: {  	_ =	shalt  }
0x79: {  	_ =	shalt  }
0x7a: {  	_ =	shalt  }
0x7b: {  	_ =	shalt  }
0x7c: {  	_ =	shalt  }
0x7d: {  	_ =	shalt  }
0x7e: {  	_ =	shalt  }
0x7f: {  	_ =	shalt  }
0x80: {  	_ =	shalt  }
0x81: {  	_ =	shalt  }
0x82: {  	_ =	shalt  }
0x83: {  	_ =	shalt  }
0x84: {  	_ =	shalt  }
0x85: {  	_ =	shalt  }
0x86: {  	_ =	shalt  }
0x87: {  	_ =	shalt  }
.Lfunc_end0:
.L_simem_size_0:
called_computation_lowered:
.L_overlay_start_0:
0x88: {  	s0 =	sld [smem:$0x3FD9]  }
0x89: {  	s1 =	sld [smem:$0x3FFE];
	_ =	sdelay $0x3  }
0x8a: {  	s0 =	sadd.s32 s1, s0  }
0x8b: {  	[smem:$0x3FC7] =	sst s0  }
0x8c: {  	_ = 	snop  }
0x8d: {  	s0 =	sld [smem:$0x3FD0];
	_ =	sdelay $0x2  }
0x8e: {  	s13 =	simm.s32 $0xA;
	s2 =	simm.s32 $0x10  }
0x8f: {  	[smem:s2], [sflag:s13] =	dma.local [hbm:s0], $0x1  }
0x90: {  	_ =	swait.eq [sflag:s13], $0x1  }
0x91: {  	s14 =	sld [smem:$0x10];
	[sflag:s13] =	ssyncset.done $0x0  }
0x92: {  	s15 =	sld [smem:$0x11];
	[sflag:s13] =	ssyncadd.s32 $0xFFFFFFFF  }
0x93: {  	s16 =	sld [smem:$0x12];
	(tm) =	ssettm $0x1  }
0x94: {  	s3 =	sld [smem:$0x3FFB];
	_ =	sdelay $0x3  }
0x95: {  	_ =	strace s3  }
0x96: {  	s3 =	sld [smem:$0x3FFC];
	_ =	sdelay $0x3  }
0x97: {  	_ =	strace s3  }
0x98: {  	s3 =	sld [smem:$0x3FFD];
	_ =	sdelay $0x3  }
0x99: {  	_ =	strace s3  }
0x9a: {  	_ =	strace $0x8FFFFFFF  }
0x9b: {  	s17 =	sld [smem:$0x3FDB];
	_ =	sdelay $0x1  }
0x9c: {  	s4 =	simm.s32 $_scs_section_size  }
0x9d: {  	s5 =	simm.s32 $_size__tile_overlayer_lowered;
	s6 =	simm.s32 $_tile_overlayer_lowered  }
0x9e: {  	s20 =	simm.s32 $0x1BFF;
	s19 =	sshll.u32 s6, $0x1;
	s3 =	sadd.s32 s4, s17  }
0x9f: {  	s7 =	simm.s32 $0x0;
	s18 =	sshll.u32 s5, $0x1;
	s5 =	sadd.s32 s19, s3  }
0xa0: {  	[timem:s7], [sflag:s20] =	dma.local [hbm:s5], s18  }
0xa1: {  	_ =	swait.ge [sflag:s20], s18  }
0xa2: {  	s4 =	ssub.s32 $0x0, s18;
	[sflag:s20] =	ssyncset.done $0x0  }
0xa3: {  	[sflag:s20] =	ssyncadd.s32 s4;
	_ =	sdelay $0x1  }
0xa4: {  	s21 =	simm.s32 $0x1B8B  }
0xa5: {  	_ =	swait.ge [sflag:s21], $0x1  }
0xa6: {  	[sflag:s21] =	ssyncset.done $0x0  }
0xa7: {  	s23 =	simm.s32 $0x1B8E;
	s22 =	sld [smem:$0x3FFE];
	[sflag:s21] =	ssyncadd.s32 $0xFFFFFFFF  }
0xa8: {  	s24 =	simm.s32 $execute0_lowered;
	[smem:$0x3FD2] =	sst s23  }
0xa9: {  	s5 =	sshll.u32 s24, $0x1;
	_ =	strace $0x80000046;
	[dreg:$0x1] =	wrdreg $0xFFFFFFFF  }
0xaa: {  	s25 =	simm.s32 $_size_execute0_lowered;
	s3 =	sadd.s32 s3, s5;
	[dreg:$0x0] =	wrdreg $0x0  }
0xab: {  	s5 =	sshll.u32 s25, $0x1;
	[dreg:$0x2] =	wrdreg s3  }
0xac: {  	[dreg:$0x3] =	wrdreg s5  }
0xad: {  	[dreg:$0x4] =	wrdreg $0xC0  }
0xae: {  	_ =	task [dreg:s7], $0x5FFFF  }
0xaf: {  	[dreg:$0x1] =	wrdreg $0xFFFFFFFF  }
0xb0: {  	[dreg:$0x0] =	wrdreg $0x60  }
0xb1: {  	[dreg:$0x2] =	wrdreg s14  }
0xb2: {  	[dreg:$0x3] =	wrdreg s22  }
0xb3: {  	[dreg:$0x4] =	wrdreg s15  }
0xb4: {  	[dreg:$0x5] =	wrdreg s16  }
0xb5: {  	[dreg:$0x6] =	wrdreg $0x9  }
0xb6: {  	_ =	task.clear_ibuf [dreg:s7], $0x7FFFF;
	_ =	strace $0x90000046  }
0xb7: {  	s26 =	simm.s32 $0x9;
	_ =	strace $0x80000048  }
0xb8: {  	_ =	swait.ge [sflag:s26], $0x1  }
0xb9: {  	[sflag:s26] =	ssyncadd.s32 $0xFFFFFFFF  }
0xba: {  	_ =	strace $0x90000048  }
0xbb: {  	_ =	sfence  }
0xbc: {  	s28 =	sld [smem:$0x0];
	_ =	sdelay $0x1  }
0xbd: {  	s29 =	srdreg.scid  }
0xbe: {  	s30 =	sshll.u32 s29, $0xD;
	s31 =	sshrl.u32 s29, $0x2  }
0xbf: {  	s1 =	sand.u32 $0x1, s29;
	s2 =	sand.u32 $0x4000, s30;
	s0 =	sadd.s32 s31, s28  }
0xc0: {  	s1 =	sor.u32 s2, s1;
	s0 =	sshll.u32 s0, $0x11  }
0xc1: {  	s0 =	sor.u32 s0, s1  }
0xc2: {  	s0 =	sadd.s32 $0x8F2B, s0  }
0xc3: {  	[sflag:s0] =	ssyncadd.remote.s32 $0x1  }
0xc4: {  	_ =	sfence.sel $0xFFFF  }
0xc5: {  	[dreg:$0x0] =	wrdreg $0xFFFFFFFF;
	(pc) =	sbr.abs _section_cstart, $3  }
0xc6: {  	[dreg:$0x1] =	wrdreg $0xFFFFFFFF  }
0xc7: {  	_ =	task.clear_ibuf [dreg:s7], $0x2FFFF;
	_ =	strace $0x9FFFFFFF  }
0xc8: {  	(tm) =	ssettm $0x7FFFFFFF  }
0xc9: {  	_ =	shalt  }
tec
execute0_lowered:
.L_overlay_start_1:
0x0: {  	(tag) =	ssettag $0x1  }
0x1: {  	s10 =	simm.s32 $0x0;
	v0 =	vlaneseq.u32  }
0x2: {  	s3 =	rddreg [dreg:$0x0];
	v1 =	vmul.u32 $0x8, v0;
	v2 =	vmov s10  }
0x3: {  	s1 =	rddreg [dreg:$0x1];
	v2 =	vshll.u32 v2, $0x3  }
0x4: {  	s8 =	rddreg [dreg:$0x2];
	v3 =	vor.u32 v1, v2  }
0x5: {  	s4 =	rddreg [dreg:$0x3];
	v4 =	vor.u32 $0x1, v3  }
0x6: {  	s0 =	rddreg [dreg:$0x4];
	v7 =	vor.u32 $0x2, v3  }
0x7: {  	s7 =	simm.s32 $0x17B00;
	[smem:$0x7FF] =	sst s10;
	s2 =	sadd.s32 $0xEC00, s1;
	v5 =	vor.u32 $0x3, v3  }
0x8: {  	s6 =	sadd.s32 $0xAC00, s1;
	s9 =	sadd.s32 $0xC00, s1;
	s5 =	sadd.s32 $0x5C00, s1;
	v0 =	vimm.f32 $0.0e+00;
	v6 =	vor.u32 $0x4, v3  }
0x9: {  	s1 =	stileid.u32;
	s10 =	simm.s32 $0x10;
	_ =	strace $0x80000047;
	v2 =	vor.u32 $0x6, v3;
	v8 =	vor.u32 $0x5, v3;
	[tilespmem:v3+s7+$0x0] =	vst.idx.msk $0xffff, v0  }
.LBB2_1:
0xa: {  	v9 =	vmov s10;
	p0 =	seq.s32 s10, $0x3F0;
	s10 =	sadd.s32 $0x10, s10;
	[tilespmem:v4+s7+$0x0] =	vst.idx.msk $0xffff, v0  }
0xb: {  	v4 =	vshll.u32 v9, $0x3;
	[tilespmem:v7+s7+$0x0] =	vst.idx.msk $0xffff, v0;
	v9 =	vor.u32 $0x7, v3  }
0xc: {  	v3 =	vor.u32 v1, v4;
	[tilespmem:v5+s7+$0x0] =	vst.idx.msk $0xffff, v0  }
.Ltmp0:
0xd: {  	v4 =	vor.u32 $0x1, v3;
	v10 =	vor.u32 $0x6, v3;
	[tilespmem:v6+s7+$0x0] =	vst.idx.msk $0xffff, v0;
	(pc) =	sbr.rel @!p0 .LBB2_1-.Ltmp0, $4  }
0xe: {  	v7 =	vor.u32 $0x2, v3;
	[tilespmem:v8+s7+$0x0] =	vst.idx.msk $0xffff, v0  }
0xf: {  	v5 =	vor.u32 $0x3, v3;
	[tilespmem:v2+s7+$0x0] =	vst.idx.msk $0xffff, v0;
	v2 =	vmov v10  }
0x10: {  	v6 =	vor.u32 $0x4, v3;
	[tilespmem:v9+s7+$0x0] =	vst.idx.msk $0xffff, v0  }
0x11: {  	v8 =	vor.u32 $0x5, v3;
	[tilespmem:v3+s7+$0x0] =	vst.idx.msk $0xffff, v0  }
0x12: {  	_ =	sdelay $0x3  }
0x13: {  	[tilespmem:v4+s7+$0x0] =	vst.idx.msk $0xffff, v0  }
0x14: {  	v1 =	vor.u32 $0x7, v3;
	[tilespmem:v7+s7+$0x0] =	vst.idx.msk $0xffff, v0  }
0x15: {  	[tilespmem:v5+s7+$0x0] =	vst.idx.msk $0xffff, v0  }
0x16: {  	s10 =	smul.u32 $0x7D10, s1;
	[tilespmem:v6+s7+$0x0] =	vst.idx.msk $0xffff, v0  }
0x17: {  	[tilespmem:v8+s7+$0x0] =	vst.idx.msk $0xffff, v0  }
0x18: {  	s12 =	simm.s32 $0x0;
	s10 =	sadd.s32 s10, s2;
	[tilespmem:v2+s7+$0x0] =	vst.idx.msk $0xffff, v0  }
0x19: {  	s13 =	simm.s32 $0x17B00;
	s11 =	simm.s32 $0x3;
	s14 =	sadd.s32 $0x0, s10;
	[tilespmem:v1+s7+$0x0] =	vst.idx.msk $0xffff, v0  }
0x1a: {  	[hbm4b:s14+s12] =	stream.linear.scatter [tilespmem:s13], [sflag:$0x3], $0x2000, $0x38;
	[tilespmem:$0x1B290] =	vst v63  }
0x1b: {  	_ =	swait.ge [sflag:s11], $0x2000  }
0x1c: {  	s7 =	smul.u32 $0x3E880, s1;
	s14 =	simm.s32 $0x400;
	[sflag:s11] =	ssyncset.done $0x0  }
.LBB2_3:
0x1d: {  	s15 =	sadd.s32 s14, s10;
	[sflag:s11] =	ssyncadd.s32 $0xFFFFE000;
	p0 =	sne.s32 s14, $0x7800  }
0x1e: {  	[hbm4b:s15+s12] =	stream.linear.scatter [tilespmem:s13], [sflag:$0x3], $0x2000, $0x38;
	[tilespmem:$0x1B290] =	vst v63  }
.Ltmp1:
0x1f: {  	_ = 	snop;
	(pc) =	sbr.rel @p0 .LBB2_3-.Ltmp1, $4  }
0x20: {  	_ = 	snop  }
0x21: {  	s14 =	sadd.s32 $0x400, s14  }
0x22: {  	_ =	swait.ge [sflag:s11], $0x2000  }
0x23: {  	[sflag:s11] =	ssyncset.done $0x0  }
0x24: {  	s7 =	sshrl.u32 s7, $0x3  }
0x25: {  	[sflag:s11] =	ssyncadd.s32 $0xFFFFE000;
	s10 =	simm.s32 $0x0;
	s7 =	sadd.s32 s2, s7  }
0x26: {  	s30 =	simm.s32 $0x17B00;
	s31 =	simm.s32 $0x3;
	s7 =	sadd.s32 $0x7C00, s7  }
0x27: {  	[hbm4b:s7+s10] =	stream.linear.scatter [tilespmem:s30], [sflag:$0x3], $0x880, $0x38;
	[tilespmem:$0x1B290] =	vst v63  }
0x28: {  	s12 =	smul.u32 $0x3F8, s1;
	_ =	swait.ge [sflag:s31], $0x880  }
0x29: {  	[sflag:s31] =	ssyncset.done $0x0  }
0x2a: {  	s12 =	sadd.s32 s6, s12;
	[sflag:s31] =	ssyncadd.s32 $0xFFFFF780  }
0x2b: {  	[hbm4b:s12+s10] =	stream.linear.scatter [tilespmem:s30], [sflag:$0x3], $0x1FC0, $0x38;
	[tilespmem:$0x1B290] =	vst v63  }
0x2c: {  	_ =	swait.ge [sflag:s31], $0x1FC0  }
0x2d: {  	[sflag:s31] =	ssyncset.done $0x0  }
0x2e: {  	v0 =	vimm.s32 $0x0;
	s7 =	simm.s32 $0x0;
	s10 =	simm.s32 $0x40;
	[sflag:s31] =	ssyncadd.s32 $0xFFFFE040  }
.LBB2_5:
0x2f: {  	p0 =	sne.s32 s10, $0x9FC0;
	[tilespmem:s7+$0xF500] =	vst v0;
	s7 =	smov.u32 s10;
	s10 =	sadd.s32 $0x40, s10  }
.Ltmp2:
0x30: {  	(pc) =	sbr.rel @p0 .LBB2_5-.Ltmp2, $2  }
0x31: {  	_ =	sdelay $0x2  }
0x32: {  	s7 =	sshra.s32 s7, $0x2  }
0x33: {  	v1 =	vimm.f32 $9.999999770e-03  }
0x34: {  	(erf) = vrcp.f32 v1;
	_ =	sdelay $0x3  }
0x35: {  	s10 =	simm.s32 $0x0;
	v1 =	vlaneseq.u32  }
0x36: {  	v2 =	vmov s10;
	v1 =	vmul.u32 $0x8, v1  }
0x37: {  	s11 =	smul.u32 $0x3100, s1;
	v2 =	vshll.u32 v2, $0x3  }
0x38: {  	v2 =	vor.u32 v1, v2  }
0x39: {  	[tilespmem:s7+$0xF500] =	vst v0;
	s31 =	simm.s32 $0x3;
	s7 =	sadd.s32 s3, s11;
	v3 =	vor.u32 $0x1, v2  }
0x3a: {  	[tilespmem:s10], [sflag:$0x3] =	stream.linear.gather [hbm4b:s7+s10], $0xC400, $0x38;
	v0 =	vpop (erf);
	[tilespmem:$0x1B290] =	vst v63  }
0x3b: {  	v4 =	vor.u32 $0x2, v2;
	_ =	swait.ge [sflag:s31], $0xC400  }
0x3c: {  	[sflag:s31] =	ssyncset.done $0x0  }
0x3d: {  	[sflag:s31] =	ssyncadd.s32 $0xFFFF3C00  }
0x3e: {  	v3 =	vld.idx.msk [tilespmem:v3+s10+$0x0], $0xffff  }
0x3f: {  	v2 =	vld.idx.msk [tilespmem:v2+s10+$0x0], $0xffff  }
0x40: {  	v4 =	vld.idx.msk [tilespmem:v4+s10+$0x0], $0xffff;
	_ =	sdelay $0x2  }
0x41: {  	v3 =	vmul.f32 v3, v0  }
0x42: {  	v2 =	vmul.f32 v2, v0  }
0x43: {  	v4 =	vtrunc.f32 v4;
	v3 =	vtrunc.f32 v3  }
0x44: {  	v2 =	vtrunc.f32 v2;
	v3 =	vcvt.f32.s32 v3  }
0x45: {  	v4 =	vcvt.f32.s32 v4;
	v2 =	vcvt.f32.s32 v2  }
0x46: {  	v5 =	vmul.u32 $0x64, v3  }
0x47: {  	vm0 =	vlt.u32 v2, $0x64;
	vm1 =	vlt.u32 v3, $0x64;
	v3 =	vmul.u32 $0x2710, v4  }
0x48: {  	vm0 =	vmand vm0, vm1;
	vm1 =	veq.s32 v4, $0x0;
	v2 =	vadd.s32 v2, v5  }
0x49: {  	vm0 =	vmand vm1, vm0;
	v2 =	vadd.s32 v3, v2  }
0x4a: {  	v2 =	vnsel vm0, $0x2710, v2  }
0x4b: {  	(xrf1) =	vunique.msk.u32 $0xffff, v2;
	_ =	sdelay $0x8  }
0x4c: {  	s11 =	simm.s32 $0xF500  }
0x4d: {  	v3 =	vld.idx.msk [tilespmem:v2+s11+$0x0], $0xffff;
	_ =	sdelay $0x2  }
0x4e: {  	s12 =	simm.s32 $0x10  }
0x4f: {  	v4 =	vmov s12;
	_, v5, vm0 =	vpop (xrf1)  }
0x50: {  	v4 =	vshll.u32 v4, $0x3;
	v3 =	vadd.s32 v3, v5  }
0x51: {  	v4 =	vor.u32 v1, v4;
	v5 =	vadd.s32 $0xFFFFFFFF, v3  }
0x52: {  	v6 =	vor.u32 $0x1, v4;
	vm1 =	vlt.s32 v5, $0x21  }
0x53: {  	v7 =	vshll.u32 v2, $0x6;
	v5 =	vnsel vm1, $0x21, v5  }
0x54: {  	s12 =	simm.s32 $0xC400;
	v8 =	vor.u32 $0x2, v4;
	v5 =	vadd.s32 v7, v5  }
0x55: {  	[tilespmem:s12+$0x0] =	vst v5  }
0x56: {  	[tilespmem:v2+s11+$0x0] =	vst.idx.msk vm0, v3  }
0x57: {  	v2 =	vld.idx.msk [tilespmem:v6+s10+$0x0], $0xffff  }
0x58: {  	v3 =	vld.idx.msk [tilespmem:v4+s10+$0x0], $0xffff  }
0x59: {  	v4 =	vld.idx.msk [tilespmem:v8+s10+$0x0], $0xffff;
	_ =	sdelay $0x2  }
0x5a: {  	v2 =	vmul.f32 v2, v0  }
0x5b: {  	v3 =	vmul.f32 v3, v0  }
0x5c: {  	v4 =	vtrunc.f32 v4;
	v2 =	vtrunc.f32 v2  }
0x5d: {  	v3 =	vtrunc.f32 v3;
	v2 =	vcvt.f32.s32 v2  }
0x5e: {  	v4 =	vcvt.f32.s32 v4;
	v3 =	vcvt.f32.s32 v3  }
0x5f: {  	v5 =	vmul.u32 $0x64, v2  }
0x60: {  	vm0 =	vlt.u32 v3, $0x64;
	vm1 =	vlt.u32 v2, $0x64;
	v2 =	vmul.u32 $0x2710, v4  }
0x61: {  	vm0 =	vmand vm0, vm1;
	vm1 =	veq.s32 v4, $0x0;
	v3 =	vadd.s32 v3, v5  }
0x62: {  	vm0 =	vmand vm1, vm0;
	v2 =	vadd.s32 v2, v3  }
0x63: {  	v2 =	vnsel vm0, $0x2710, v2  }
0x64: {  	(xrf1) =	vunique.msk.u32 $0xffff, v2;
	_ =	sdelay $0x9  }
0x65: {  	v3 =	vld.idx.msk [tilespmem:v2+s11+$0x0], $0xffff;
	_ =	sdelay $0x2  }
0x66: {  	s13 =	simm.s32 $0x20  }
0x67: {  	v4 =	vmov s13;
	_, v5, vm0 =	vpop (xrf1)  }
0x68: {  	s13 =	simm.s32 $0x30;
	v4 =	vshll.u32 v4, $0x3;
	v3 =	vadd.s32 v3, v5  }
.LBB2_7:
0x69: {  	p0 =	sne.s32 s13, $0x1870;
	v4 =	vor.u32 v1, v4;
	v5 =	vadd.s32 $0xFFFFFFFF, v3  }
0x6a: {  	v6 =	vor.u32 $0x1, v4;
	vm1 =	vlt.s32 v5, $0x21  }
0x6b: {  	v7 =	vshll.u32 v2, $0x6;
	v5 =	vnsel vm1, $0x21, v5  }
0x6c: {  	s12 =	sadd.s32 $0x10, s12;
	v8 =	vor.u32 $0x2, v4;
	v5 =	vadd.s32 v7, v5  }
0x6d: {  	[tilespmem:s12+$0x0] =	vst v5  }
0x6e: {  	[tilespmem:v2+s11+$0x0] =	vst.idx.msk vm0, v3  }
0x6f: {  	v2 =	vld.idx.msk [tilespmem:v6+s10+$0x0], $0xffff  }
0x70: {  	v3 =	vld.idx.msk [tilespmem:v4+s10+$0x0], $0xffff  }
0x71: {  	v4 =	vld.idx.msk [tilespmem:v8+s10+$0x0], $0xffff;
	_ =	sdelay $0x3  }
0x72: {  	v2 =	vmul.f32 v2, v0  }
0x73: {  	v3 =	vmul.f32 v3, v0  }
0x74: {  	v2 =	vtrunc.f32 v2;
	v4 =	vtrunc.f32 v4  }
0x75: {  	v3 =	vtrunc.f32 v3;
	v2 =	vcvt.f32.s32 v2  }
0x76: {  	v4 =	vcvt.f32.s32 v4;
	v3 =	vcvt.f32.s32 v3  }
0x77: {  	v5 =	vmul.u32 $0x64, v2  }
0x78: {  	vm1 =	vlt.u32 v2, $0x64;
	v2 =	vmul.u32 $0x2710, v4;
	vm0 =	vlt.u32 v3, $0x64  }
0x79: {  	vm0 =	vmand vm0, vm1;
	vm1 =	veq.s32 v4, $0x0;
	v3 =	vadd.s32 v3, v5  }
0x7a: {  	vm0 =	vmand vm1, vm0;
	v2 =	vadd.s32 v2, v3  }
0x7b: {  	v2 =	vnsel vm0, $0x2710, v2  }
0x7c: {  	(xrf1) =	vunique.msk.u32 $0xffff, v2;
	_ =	sdelay $0x8  }
0x7d: {  	v3 =	vld.idx.msk [tilespmem:v2+s11+$0x0], $0xffff;
	_ =	sdelay $0x1  }
.Ltmp3:
0x7e: {  	(pc) =	sbr.rel @p0 .LBB2_7-.Ltmp3, $3  }
0x7f: {  	_ =	sdelay $0x1  }
0x80: {  	v4 =	vmov s13;
	_, v5, vm0 =	vpop (xrf1)  }
0x81: {  	s13 =	sadd.s32 $0x10, s13;
	v4 =	vshll.u32 v4, $0x3;
	v3 =	vadd.s32 v3, v5  }
0x82: {  	v1 =	vor.u32 v1, v4;
	v4 =	vadd.s32 $0xFFFFFFFF, v3  }
0x83: {  	v5 =	vor.u32 $0x1, v1;
	vm1 =	vlt.s32 v4, $0x21  }
0x84: {  	v6 =	vshll.u32 v2, $0x6;
	v4 =	vnsel vm1, $0x21, v4  }
0x85: {  	s12 =	sadd.s32 $0x10, s12;
	v7 =	vor.u32 $0x2, v1;
	v4 =	vadd.s32 v6, v4  }
0x86: {  	[tilespmem:s12+$0x0] =	vst v4  }
0x87: {  	[tilespmem:v2+s11+$0x0] =	vst.idx.msk vm0, v3  }
0x88: {  	v2 =	vld.idx.msk [tilespmem:v5+s10+$0x0], $0xffff  }
0x89: {  	v1 =	vld.idx.msk [tilespmem:v1+s10+$0x0], $0xffff  }
0x8a: {  	v3 =	vld.idx.msk [tilespmem:v7+s10+$0x0], $0xffff;
	_ =	sdelay $0x2  }
0x8b: {  	v2 =	vmul.f32 v2, v0  }
0x8c: {  	v1 =	vmul.f32 v1, v0  }
0x8d: {  	v3 =	vtrunc.f32 v3;
	v2 =	vtrunc.f32 v2  }
0x8e: {  	v1 =	vtrunc.f32 v1;
	v2 =	vcvt.f32.s32 v2  }
0x8f: {  	v3 =	vcvt.f32.s32 v3;
	v1 =	vcvt.f32.s32 v1  }
0x90: {  	v4 =	vmul.u32 $0x64, v2  }
0x91: {  	vm0 =	vlt.u32 v1, $0x64;
	vm1 =	vlt.u32 v2, $0x64;
	v2 =	vmul.u32 $0x2710, v3  }
0x92: {  	vm0 =	vmand vm0, vm1;
	vm1 =	veq.s32 v3, $0x0;
	v1 =	vadd.s32 v1, v4  }
0x93: {  	vm0 =	vmand vm1, vm0;
	v1 =	vadd.s32 v2, v1  }
0x94: {  	v2 =	vnsel vm0, $0x2710, v1  }
0x95: {  	(xrf1) =	vunique.msk.u32 $0xffff, v2;
	_ =	sdelay $0x9  }
0x96: {  	v1 =	vld.idx.msk [tilespmem:v2+s11+$0x0], $0xffff;
	_ =	sdelay $0x3  }
0x97: {  	_, v3, vm0 =	vpop (xrf1)  }
0x98: {  	v3 =	vadd.s32 v1, v3  }
0x99: {  	v1 =	vadd.s32 $0xFFFFFFFF, v3  }
0x9a: {  	vm1 =	vlt.s32 v1, $0x21  }
0x9b: {  	s13 =	smul.u32 $0x18800, s1;
	s10 =	simm.s32 $0x0;
	v5 =	vlaneseq.u32;
	v4 =	vshll.u32 v2, $0x6;
	v1 =	vnsel vm1, $0x21, v1  }
0x9c: {  	s12 =	sadd.s32 $0x10, s12;
	v4 =	vadd.s32 v4, v1;
	v1 =	vmul.u32 $0x8, v5;
	v5 =	vmov s10  }
0x9d: {  	s13 =	sshrl.u32 s13, $0x3;
	[tilespmem:s12+$0x0] =	vst v4;
	v4 =	vshll.u32 v5, $0x3  }
0x9e: {  	s3 =	sadd.s32 s3, s13;
	[tilespmem:v2+s11+$0x0] =	vst.idx.msk vm0, v3;
	v2 =	vor.u32 v1, v4  }
0x9f: {  	s29 =	simm.s32 $0x3;
	s3 =	sadd.s32 $0x1880, s3;
	v3 =	vor.u32 $0x1, v2  }
0xa0: {  	[tilespmem:s10], [sflag:$0x3] =	stream.linear.gather [hbm4b:s3+s10], $0xC400, $0x38;
	[tilespmem:$0x1B290] =	vst v63  }
0xa1: {  	v4 =	vor.u32 $0x2, v2;
	_ =	swait.ge [sflag:s29], $0xC400  }
0xa2: {  	[sflag:s29] =	ssyncset.done $0x0  }
0xa3: {  	[sflag:s29] =	ssyncadd.s32 $0xFFFF3C00  }
0xa4: {  	v3 =	vld.idx.msk [tilespmem:v3+s10+$0x0], $0xffff  }
0xa5: {  	v2 =	vld.idx.msk [tilespmem:v2+s10+$0x0], $0xffff  }
0xa6: {  	v4 =	vld.idx.msk [tilespmem:v4+s10+$0x0], $0xffff;
	_ =	sdelay $0x2  }
0xa7: {  	v3 =	vmul.f32 v3, v0  }
0xa8: {  	v2 =	vmul.f32 v2, v0  }
0xa9: {  	v4 =	vtrunc.f32 v4;
	v3 =	vtrunc.f32 v3  }
0xaa: {  	v2 =	vtrunc.f32 v2;
	v3 =	vcvt.f32.s32 v3  }
0xab: {  	v4 =	vcvt.f32.s32 v4;
	v2 =	vcvt.f32.s32 v2  }
0xac: {  	v5 =	vmul.u32 $0x64, v3  }
0xad: {  	vm0 =	vlt.u32 v2, $0x64;
	vm1 =	vlt.u32 v3, $0x64;
	v3 =	vmul.u32 $0x2710, v4  }
0xae: {  	vm0 =	vmand vm0, vm1;
	vm1 =	veq.s32 v4, $0x0;
	v2 =	vadd.s32 v2, v5  }
0xaf: {  	vm0 =	vmand vm1, vm0;
	v2 =	vadd.s32 v3, v2  }
0xb0: {  	v2 =	vnsel vm0, $0x2710, v2  }
0xb1: {  	(xrf1) =	vunique.msk.u32 $0xffff, v2;
	_ =	sdelay $0x8  }
0xb2: {  	s11 =	simm.s32 $0xF500  }
0xb3: {  	v3 =	vld.idx.msk [tilespmem:v2+s11+$0x0], $0xffff;
	_ =	sdelay $0x2  }
0xb4: {  	s30 =	simm.s32 $0x10  }
0xb5: {  	v4 =	vmov s30;
	_, v5, vm0 =	vpop (xrf1)  }
0xb6: {  	v4 =	vshll.u32 v4, $0x3;
	v3 =	vadd.s32 v3, v5  }
0xb7: {  	v4 =	vor.u32 v1, v4;
	v5 =	vadd.s32 $0xFFFFFFFF, v3  }
0xb8: {  	v6 =	vor.u32 $0x1, v4;
	vm1 =	vlt.s32 v5, $0x21  }
0xb9: {  	v7 =	vshll.u32 v2, $0x6;
	v5 =	vnsel vm1, $0x21, v5  }
0xba: {  	s12 =	simm.s32 $0xDC80;
	v8 =	vor.u32 $0x2, v4;
	v5 =	vadd.s32 v7, v5  }
0xbb: {  	[tilespmem:s12+$0x0] =	vst v5  }
0xbc: {  	[tilespmem:v2+s11+$0x0] =	vst.idx.msk vm0, v3  }
0xbd: {  	v2 =	vld.idx.msk [tilespmem:v6+s10+$0x0], $0xffff  }
0xbe: {  	v3 =	vld.idx.msk [tilespmem:v4+s10+$0x0], $0xffff  }
0xbf: {  	v4 =	vld.idx.msk [tilespmem:v8+s10+$0x0], $0xffff;
	_ =	sdelay $0x2  }
0xc0: {  	v2 =	vmul.f32 v2, v0  }
0xc1: {  	v3 =	vmul.f32 v3, v0  }
0xc2: {  	v4 =	vtrunc.f32 v4;
	v2 =	vtrunc.f32 v2  }
0xc3: {  	v3 =	vtrunc.f32 v3;
	v2 =	vcvt.f32.s32 v2  }
0xc4: {  	v4 =	vcvt.f32.s32 v4;
	v3 =	vcvt.f32.s32 v3  }
0xc5: {  	v5 =	vmul.u32 $0x64, v2  }
0xc6: {  	vm0 =	vlt.u32 v3, $0x64;
	vm1 =	vlt.u32 v2, $0x64;
	v2 =	vmul.u32 $0x2710, v4  }
0xc7: {  	vm0 =	vmand vm0, vm1;
	vm1 =	veq.s32 v4, $0x0;
	v3 =	vadd.s32 v3, v5  }
0xc8: {  	vm0 =	vmand vm1, vm0;
	v2 =	vadd.s32 v2, v3  }
0xc9: {  	v2 =	vnsel vm0, $0x2710, v2  }
0xca: {  	(xrf1) =	vunique.msk.u32 $0xffff, v2;
	_ =	sdelay $0x9  }
0xcb: {  	v3 =	vld.idx.msk [tilespmem:v2+s11+$0x0], $0xffff;
	_ =	sdelay $0x2  }
0xcc: {  	s31 =	simm.s32 $0x20  }
0xcd: {  	v4 =	vmov s31;
	_, v5, vm0 =	vpop (xrf1)  }
0xce: {  	s13 =	simm.s32 $0x30;
	v4 =	vshll.u32 v4, $0x3;
	v3 =	vadd.s32 v3, v5  }
.LBB2_9:
0xcf: {  	p0 =	sne.s32 s13, $0x1870;
	v4 =	vor.u32 v1, v4;
	v5 =	vadd.s32 $0xFFFFFFFF, v3  }
0xd0: {  	v6 =	vor.u32 $0x1, v4;
	vm1 =	vlt.s32 v5, $0x21  }
0xd1: {  	v7 =	vshll.u32 v2, $0x6;
	v5 =	vnsel vm1, $0x21, v5  }
0xd2: {  	s12 =	sadd.s32 $0x10, s12;
	v8 =	vor.u32 $0x2, v4;
	v5 =	vadd.s32 v7, v5  }
0xd3: {  	[tilespmem:s12+$0x0] =	vst v5  }
0xd4: {  	[tilespmem:v2+s11+$0x0] =	vst.idx.msk vm0, v3  }
0xd5: {  	v2 =	vld.idx.msk [tilespmem:v6+s10+$0x0], $0xffff  }
0xd6: {  	v3 =	vld.idx.msk [tilespmem:v4+s10+$0x0], $0xffff  }
0xd7: {  	v4 =	vld.idx.msk [tilespmem:v8+s10+$0x0], $0xffff;
	_ =	sdelay $0x3  }
0xd8: {  	v2 =	vmul.f32 v2, v0  }
0xd9: {  	v3 =	vmul.f32 v3, v0  }
0xda: {  	v2 =	vtrunc.f32 v2;
	v4 =	vtrunc.f32 v4  }
0xdb: {  	v3 =	vtrunc.f32 v3;
	v2 =	vcvt.f32.s32 v2  }
0xdc: {  	v4 =	vcvt.f32.s32 v4;
	v3 =	vcvt.f32.s32 v3  }
0xdd: {  	v5 =	vmul.u32 $0x64, v2  }
0xde: {  	vm1 =	vlt.u32 v2, $0x64;
	v2 =	vmul.u32 $0x2710, v4;
	vm0 =	vlt.u32 v3, $0x64  }
0xdf: {  	vm0 =	vmand vm0, vm1;
	vm1 =	veq.s32 v4, $0x0;
	v3 =	vadd.s32 v3, v5  }
0xe0: {  	vm0 =	vmand vm1, vm0;
	v2 =	vadd.s32 v2, v3  }
0xe1: {  	v2 =	vnsel vm0, $0x2710, v2  }
0xe2: {  	(xrf1) =	vunique.msk.u32 $0xffff, v2;
	_ =	sdelay $0x8  }
0xe3: {  	v3 =	vld.idx.msk [tilespmem:v2+s11+$0x0], $0xffff;
	_ =	sdelay $0x1  }
.Ltmp4:
0xe4: {  	(pc) =	sbr.rel @p0 .LBB2_9-.Ltmp4, $3  }
0xe5: {  	_ =	sdelay $0x1  }
0xe6: {  	v4 =	vmov s13;
	_, v5, vm0 =	vpop (xrf1)  }
0xe7: {  	s13 =	sadd.s32 $0x10, s13;
	v4 =	vshll.u32 v4, $0x3;
	v3 =	vadd.s32 v3, v5  }
0xe8: {  	v1 =	vor.u32 v1, v4;
	v4 =	vadd.s32 $0xFFFFFFFF, v3  }
0xe9: {  	v5 =	vor.u32 $0x1, v1;
	vm1 =	vlt.s32 v4, $0x21  }
0xea: {  	v6 =	vshll.u32 v2, $0x6;
	v4 =	vnsel vm1, $0x21, v4  }
0xeb: {  	s12 =	sadd.s32 $0x10, s12;
	v7 =	vor.u32 $0x2, v1;
	v4 =	vadd.s32 v6, v4  }
0xec: {  	[tilespmem:s12+$0x0] =	vst v4  }
0xed: {  	[tilespmem:v2+s11+$0x0] =	vst.idx.msk vm0, v3  }
0xee: {  	v2 =	vld.idx.msk [tilespmem:v5+s10+$0x0], $0xffff  }
0xef: {  	v1 =	vld.idx.msk [tilespmem:v1+s10+$0x0], $0xffff  }
0xf0: {  	v3 =	vld.idx.msk [tilespmem:v7+s10+$0x0], $0xffff;
	_ =	sdelay $0x2  }
0xf1: {  	v2 =	vmul.f32 v2, v0  }
0xf2: {  	v0 =	vmul.f32 v1, v0  }
0xf3: {  	v1 =	vtrunc.f32 v2;
	v2 =	vtrunc.f32 v3  }
0xf4: {  	v0 =	vtrunc.f32 v0;
	v1 =	vcvt.f32.s32 v1  }
0xf5: {  	v0 =	vcvt.f32.s32 v0;
	v2 =	vcvt.f32.s32 v2  }
0xf6: {  	v3 =	vmul.u32 $0x64, v1  }
0xf7: {  	vm11 =	vlt.u32 v0, $0x64;
	vm12 =	vlt.u32 v1, $0x64;
	v1 =	vmul.u32 $0x2710, v2  }
0xf8: {  	vm13 =	veq.s32 v2, $0x0;
	vm0 =	vmand vm11, vm12;
	v0 =	vadd.s32 v0, v3  }
0xf9: {  	vm0 =	vmand vm13, vm0;
	v0 =	vadd.s32 v1, v0  }
0xfa: {  	v0 =	vnsel vm0, $0x2710, v0  }
0xfb: {  	(xrf1) =	vunique.msk.u32 $0xffff, v0;
	_ =	sdelay $0x9  }
0xfc: {  	v1 =	vld.idx.msk [tilespmem:v0+s11+$0x0], $0xffff;
	_ =	sdelay $0x3  }
0xfd: {  	_, v2, vm14 =	vpop (xrf1)  }
0xfe: {  	v1 =	vadd.s32 v1, v2  }
0xff: {  	v2 =	vadd.s32 $0xFFFFFFFF, v1  }
0x100: {  	vm15 =	vlt.s32 v2, $0x21  }
0x101: {  	v3 =	vshll.u32 v0, $0x6;
	v2 =	vnsel vm15, $0x21, v2  }
0x102: {  	s12 =	sadd.s32 $0x10, s12;
	s10 =	smul.u32 $0x500, s1;
	v2 =	vadd.s32 v3, v2  }
0x103: {  	s29 =	simm.s32 $0x0;
	[tilespmem:s12+$0x0] =	vst v2  }
0x104: {  	s15 =	simm.s32 $0xF500;
	s30 =	simm.s32 $0x3;
	s14 =	sadd.s32 s9, s10;
	[tilespmem:v0+s11+$0x0] =	vst.idx.msk vm14, v1  }
0x105: {  	[hbm4b:s14+s29] =	stream.linear.scatter [tilespmem:s15], [sflag:$0x3], $0x2800, $0x38;
	[tilespmem:$0x1B290] =	vst v63  }
0x106: {  	s12 =	smul.u32 $0x280, s1;
	_ =	swait.ge [sflag:s30], $0x2800  }
0x107: {  	[sflag:s30] =	ssyncset.done $0x0  }
0x108: {  	s11 =	sshrl.u32 s12, $0x3;
	[sflag:s30] =	ssyncadd.s32 $0xFFFFD800  }
0x109: {  	s14 =	simm.s32 $0x11D00;
	s13 =	sadd.s32 s9, s11;
	[bflag:$0x0] =	sbarrier.arrive $0xFFFF  }
0x10a: {  	[tilespmem:s14], [sflag:$0x3] =	stream.linear.gather [hbm4b:s13+s29], $0x280, $0x38;
	[tilespmem:$0x1B290] =	vst v63  }
0x10b: {  	_ =	swait.ge [sflag:s30], $0x280  }
0x10c: {  	s13 =	sadd.s32 $0x500, s11;
	[sflag:s30] =	ssyncset.done $0x0  }
0x10d: {  	s15 =	simm.s32 $0x11F80;
	s16 =	sadd.s32 s9, s13;
	[sflag:s30] =	ssyncadd.s32 $0xFFFFFD80  }
0x10e: {  	[tilespmem:s15], [sflag:$0x3] =	stream.linear.gather [hbm4b:s16+s29], $0x280, $0x38;
	[tilespmem:$0x1B290] =	vst v63  }
0x10f: {  	_ =	swait.ge [sflag:s30], $0x280  }
0x110: {  	s14 =	sadd.s32 $0xA00, s11;
	[sflag:s30] =	ssyncset.done $0x0  }
0x111: {  	s17 =	sadd.s32 s9, s14;
	s16 =	simm.s32 $0x12200;
	[sflag:s30] =	ssyncadd.s32 $0xFFFFFD80  }
0x112: {  	[tilespmem:s16], [sflag:$0x3] =	stream.linear.gather [hbm4b:s17+s29], $0x280, $0x38;
	[tilespmem:$0x1B290] =	vst v63  }
0x113: {  	_ =	swait.ge [sflag:s30], $0x280  }
0x114: {  	s15 =	sadd.s32 $0xF00, s11;
	[sflag:s30] =	ssyncset.done $0x0  }
0x115: {  	s18 =	sadd.s32 s9, s15;
	s17 =	simm.s32 $0x12480;
	[sflag:s30] =	ssyncadd.s32 $0xFFFFFD80  }
0x116: {  	[tilespmem:s17], [sflag:$0x3] =	stream.linear.gather [hbm4b:s18+s29], $0x280, $0x38;
	[tilespmem:$0x1B290] =	vst v63  }
0x117: {  	_ =	swait.ge [sflag:s30], $0x280  }
0x118: {  	s16 =	sadd.s32 $0x1400, s11;
	[sflag:s30] =	ssyncset.done $0x0  }
0x119: {  	s19 =	sadd.s32 s9, s16;
	s18 =	simm.s32 $0x12700;
	[sflag:s30] =	ssyncadd.s32 $0xFFFFFD80  }
0x11a: {  	[tilespmem:s18], [sflag:$0x3] =	stream.linear.gather [hbm4b:s19+s29], $0x280, $0x38;
	[tilespmem:$0x1B290] =	vst v63  }
0x11b: {  	_ =	swait.ge [sflag:s30], $0x280  }
0x11c: {  	s17 =	sadd.s32 $0x1900, s11;
	[sflag:s30] =	ssyncset.done $0x0  }
0x11d: {  	s20 =	sadd.s32 s9, s17;
	s19 =	simm.s32 $0x12980;
	[sflag:s30] =	ssyncadd.s32 $0xFFFFFD80  }
0x11e: {  	[tilespmem:s19], [sflag:$0x3] =	stream.linear.gather [hbm4b:s20+s29], $0x280, $0x38;
	[tilespmem:$0x1B290] =	vst v63  }
0x11f: {  	_ =	swait.ge [sflag:s30], $0x280  }
0x120: {  	s18 =	sadd.s32 $0x1E00, s11;
	[sflag:s30] =	ssyncset.done $0x0  }
0x121: {  	s21 =	sadd.s32 s9, s18;
	s20 =	simm.s32 $0x12C00;
	[sflag:s30] =	ssyncadd.s32 $0xFFFFFD80  }
0x122: {  	[tilespmem:s20], [sflag:$0x3] =	stream.linear.gather [hbm4b:s21+s29], $0x280, $0x38;
	[tilespmem:$0x1B290] =	vst v63  }
0x123: {  	_ =	swait.ge [sflag:s30], $0x280  }
0x124: {  	s19 =	sadd.s32 $0x2300, s11;
	[sflag:s30] =	ssyncset.done $0x0  }
0x125: {  	s22 =	sadd.s32 s9, s19;
	s21 =	simm.s32 $0x12E80;
	[sflag:s30] =	ssyncadd.s32 $0xFFFFFD80  }
0x126: {  	[tilespmem:s21], [sflag:$0x3] =	stream.linear.gather [hbm4b:s22+s29], $0x280, $0x38;
	[tilespmem:$0x1B290] =	vst v63  }
0x127: {  	_ =	swait.ge [sflag:s30], $0x280  }
0x128: {  	s20 =	sor.u32 $0x2800, s11;
	[sflag:s30] =	ssyncset.done $0x0  }
0x129: {  	s23 =	sadd.s32 s9, s20;
	s22 =	simm.s32 $0x13100;
	[sflag:s30] =	ssyncadd.s32 $0xFFFFFD80  }
0x12a: {  	[tilespmem:s22], [sflag:$0x3] =	stream.linear.gather [hbm4b:s23+s29], $0x280, $0x38;
	[tilespmem:$0x1B290] =	vst v63  }
0x12b: {  	_ =	swait.ge [sflag:s30], $0x280  }
0x12c: {  	s21 =	sadd.s32 $0x2D00, s11;
	[sflag:s30] =	ssyncset.done $0x0  }
0x12d: {  	s24 =	sadd.s32 s9, s21;
	s23 =	simm.s32 $0x13380;
	[sflag:s30] =	ssyncadd.s32 $0xFFFFFD80  }
0x12e: {  	[tilespmem:s23], [sflag:$0x3] =	stream.linear.gather [hbm4b:s24+s29], $0x280, $0x38;
	[tilespmem:$0x1B290] =	vst v63  }
0x12f: {  	_ =	swait.ge [sflag:s30], $0x280  }
0x130: {  	s22 =	sadd.s32 $0x3200, s11;
	[sflag:s30] =	ssyncset.done $0x0  }
0x131: {  	s25 =	sadd.s32 s9, s22;
	s24 =	simm.s32 $0x13600;
	[sflag:s30] =	ssyncadd.s32 $0xFFFFFD80  }
0x132: {  	[tilespmem:s24], [sflag:$0x3] =	stream.linear.gather [hbm4b:s25+s29], $0x280, $0x38;
	[tilespmem:$0x1B290] =	vst v63  }
0x133: {  	_ =	swait.ge [sflag:s30], $0x280  }
0x134: {  	s23 =	sadd.s32 $0x3700, s11;
	[sflag:s30] =	ssyncset.done $0x0  }
0x135: {  	s26 =	sadd.s32 s9, s23;
	s25 =	simm.s32 $0x13880;
	[sflag:s30] =	ssyncadd.s32 $0xFFFFFD80  }
0x136: {  	[tilespmem:s25], [sflag:$0x3] =	stream.linear.gather [hbm4b:s26+s29], $0x280, $0x38;
	[tilespmem:$0x1B290] =	vst v63  }
0x137: {  	_ =	swait.ge [sflag:s30], $0x280  }
0x138: {  	s24 =	sadd.s32 $0x3C00, s11;
	[sflag:s30] =	ssyncset.done $0x0  }
0x139: {  	s31 =	sadd.s32 s9, s24;
	s26 =	simm.s32 $0x13B00;
	[sflag:s30] =	ssyncadd.s32 $0xFFFFFD80  }
0x13a: {  	[tilespmem:s26], [sflag:$0x3] =	stream.linear.gather [hbm4b:s31+s29], $0x280, $0x38;
	[tilespmem:$0x1B290] =	vst v63  }
0x13b: {  	_ =	swait.ge [sflag:s30], $0x280  }
0x13c: {  	s25 =	sadd.s32 $0x4100, s11;
	[sflag:s30] =	ssyncset.done $0x0  }
0x13d: {  	s28 =	simm.s32 $0x13D80;
	s31 =	sadd.s32 s9, s25;
	[sflag:s30] =	ssyncadd.s32 $0xFFFFFD80  }
0x13e: {  	[tilespmem:s28], [sflag:$0x3] =	stream.linear.gather [hbm4b:s31+s29], $0x280, $0x38;
	[tilespmem:$0x1B290] =	vst v63  }
0x13f: {  	_ =	swait.ge [sflag:s30], $0x280  }
0x140: {  	s26 =	sadd.s32 $0x4600, s11;
	[sflag:s30] =	ssyncset.done $0x0  }
0x141: {  	s28 =	sadd.s32 s9, s26;
	s31 =	simm.s32 $0x14000;
	[sflag:s30] =	ssyncadd.s32 $0xFFFFFD80  }
0x142: {  	[tilespmem:s31], [sflag:$0x3] =	stream.linear.gather [hbm4b:s28+s29], $0x280, $0x38;
	[tilespmem:$0x1B290] =	vst v63  }
0x143: {  	_ =	swait.ge [sflag:s30], $0x280  }
0x144: {  	s28 =	sadd.s32 $0x4B00, s11;
	[sflag:s30] =	ssyncset.done $0x0  }
0x145: {  	s31 =	simm.s32 $0x14280;
	s9 =	sadd.s32 s9, s28;
	[sflag:s30] =	ssyncadd.s32 $0xFFFFFD80  }
0x146: {  	[tilespmem:s31], [sflag:$0x3] =	stream.linear.gather [hbm4b:s9+s29], $0x280, $0x38;
	[tilespmem:$0x1B290] =	vst v63  }
0x147: {  	_ =	swait.ge [sflag:s30], $0x280  }
0x148: {  	[sflag:s30] =	ssyncset.done $0x0  }
0x149: {  	s9 =	simm.s32 $0x0;
	[sflag:s30] =	ssyncadd.s32 $0xFFFFFD80  }
0x14a: {  	v5 =	vld [tilespmem:s9+$0x12980]  }
0x14b: {  	v4 =	vld [tilespmem:s9+$0x12700]  }
0x14c: {  	v7 =	vld [tilespmem:s9+$0x12480]  }
0x14d: {  	v8 =	vld [tilespmem:s9+$0x11F80]  }
0x14e: {  	v11 =	vld [tilespmem:s9+$0x11D00]  }
0x14f: {  	v6 =	vld [tilespmem:s9+$0x12200]  }
0x150: {  	v3 =	vld [tilespmem:s9+$0x13100]  }
0x151: {  	v2 =	vld [tilespmem:s9+$0x13380]  }
0x152: {  	v0 =	vimm.s32 $0x0;
	v1 =	vld [tilespmem:s9+$0x13600]  }
0x153: {  	[tilespmem:s9+$0x11D00] =	vst v0;
	v12 =	vld [tilespmem:s9+$0x12C00];
	v8 =	vadd.s32 v11, v8  }
0x154: {  	v9 =	vld [tilespmem:s9+$0x12E80];
	[tilespmem:s9+$0x12200] =	vst v8;
	v8 =	vadd.s32 v8, v6  }
0x155: {  	v6 =	vld [tilespmem:s9+$0x13880];
	[tilespmem:s9+$0x12480] =	vst v8;
	v8 =	vadd.s32 v8, v7  }
0x156: {  	v7 =	vld [tilespmem:s9+$0x13B00];
	[tilespmem:s9+$0x12700] =	vst v8;
	v8 =	vadd.s32 v8, v4  }
0x157: {  	[tilespmem:s9+$0x11F80] =	vst v11;
	v4 =	vld [tilespmem:s9+$0x14280];
	v10 =	vadd.s32 v8, v5  }
0x158: {  	s29 =	simm.s32 $0x40;
	[tilespmem:s9+$0x12980] =	vst v8;
	v8 =	vld [tilespmem:s9+$0x14000];
	v5 =	vadd.s32 v10, v12  }
.LBB2_11:
0x159: {  	s30 =	sshra.s32 s29, $0x2;
	p0 =	sne.s32 s29, $0x9C0;
	s29 =	sadd.s32 $0x40, s29;
	[tilespmem:s9+$0x12C00] =	vst v10;
	v9 =	vadd.s32 v5, v9;
	v10 =	vld [tilespmem:s9+$0x13D80]  }
0x15a: {  	v11 =	vld [tilespmem:s30+$0x12980];
	[tilespmem:s9+$0x13100] =	vst v9;
	v3 =	vadd.s32 v9, v3  }
0x15b: {  	v12 =	vld [tilespmem:s30+$0x12700];
	[tilespmem:s9+$0x13380] =	vst v3;
	v2 =	vadd.s32 v3, v2  }
0x15c: {  	v13 =	vld [tilespmem:s30+$0x12480];
	[tilespmem:s9+$0x13600] =	vst v2;
	v1 =	vadd.s32 v2, v1  }
0x15d: {  	v14 =	vld [tilespmem:s30+$0x12200];
	[tilespmem:s9+$0x13880] =	vst v1;
	v1 =	vadd.s32 v1, v6  }
0x15e: {  	v6 =	vld [tilespmem:s30+$0x11F80];
	[tilespmem:s9+$0x13B00] =	vst v1;
	v1 =	vadd.s32 v1, v7  }
0x15f: {  	v15 =	vld [tilespmem:s30+$0x11D00];
	[tilespmem:s9+$0x13D80] =	vst v1;
	v1 =	vadd.s32 v1, v10  }
0x160: {  	v3 =	vld [tilespmem:s30+$0x13100];
	[tilespmem:s9+$0x14000] =	vst v1;
	v7 =	vadd.s32 v1, v8  }
0x161: {  	v2 =	vld [tilespmem:s30+$0x13380];
	[tilespmem:s9+$0x14280] =	vst v7  }
0x162: {  	v4 =	vadd.s32 v7, v4;
	v1 =	vld [tilespmem:s30+$0x13600];
	[tilespmem:s9+$0x12E80] =	vst v5  }
0x163: {  	v9 =	vld [tilespmem:s30+$0x12E80];
	[tilespmem:s9+$0x14500] =	vst v4;
	s9 =	smov.u32 s30  }
0x164: {  	[tilespmem:s9+$0x11D00] =	vst v0;
	v4 =	vadd.s32 v15, v6;
	v5 =	vld [tilespmem:s9+$0x12C00]  }
.Ltmp5:
0x165: {  	[tilespmem:s9+$0x12200] =	vst v4;
	v4 =	vadd.s32 v4, v14;
	v6 =	vld [tilespmem:s9+$0x13880];
	(pc) =	sbr.rel @p0 .LBB2_11-.Ltmp5, $4  }
0x166: {  	[tilespmem:s9+$0x12480] =	vst v4;
	v4 =	vadd.s32 v4, v13;
	v7 =	vld [tilespmem:s9+$0x13B00]  }
0x167: {  	[tilespmem:s9+$0x12700] =	vst v4;
	v4 =	vadd.s32 v4, v12  }
0x168: {  	[tilespmem:s9+$0x12980] =	vst v4;
	v10 =	vadd.s32 v4, v11;
	v4 =	vld [tilespmem:s9+$0x14280]  }
0x169: {  	[tilespmem:s9+$0x11F80] =	vst v15;
	v5 =	vadd.s32 v10, v5;
	v8 =	vld [tilespmem:s9+$0x14000]  }
0x16a: {  	[tilespmem:s9+$0x12C00] =	vst v10  }
0x16b: {  	v0 =	vadd.s32 v5, v9;
	[tilespmem:s9+$0x12E80] =	vst v5  }
0x16c: {  	v63 =	vld [tilespmem:s9+$0x13D80];
	[tilespmem:s9+$0x13100] =	vst v0;
	v0 =	vadd.s32 v0, v3  }
0x16d: {  	[tilespmem:s9+$0x13380] =	vst v0;
	v0 =	vadd.s32 v0, v2  }
0x16e: {  	[tilespmem:s9+$0x13600] =	vst v0;
	v0 =	vadd.s32 v0, v1  }
0x16f: {  	[tilespmem:s9+$0x13880] =	vst v0;
	v0 =	vadd.s32 v0, v6  }
0x170: {  	[tilespmem:s9+$0x13B00] =	vst v0;
	v0 =	vadd.s32 v0, v7  }
0x171: {  	[tilespmem:s9+$0x13D80] =	vst v0;
	v0 =	vadd.s32 v0, v63  }
0x172: {  	[tilespmem:s9+$0x14000] =	vst v0;
	v0 =	vadd.s32 v0, v8  }
0x173: {  	[tilespmem:s9+$0x14280] =	vst v0;
	v0 =	vadd.s32 v0, v4  }
0x174: {  	s29 =	sadd.s32 s5, s11;
	s30 =	simm.s32 $0x11D00;
	[tilespmem:s9+$0x14500] =	vst v0;
	s9 =	simm.s32 $0x0  }
0x175: {  	[hbm4b:s29+s9] =	stream.linear.scatter [tilespmem:s30], [sflag:$0x3], $0x280, $0x38;
	[tilespmem:$0x1B290] =	vst v63  }
0x176: {  	s29 =	simm.s32 $0x3  }
0x177: {  	_ =	swait.ge [sflag:s29], $0x280  }
0x178: {  	[sflag:s29] =	ssyncset.done $0x0  }
0x179: {  	s13 =	sadd.s32 s5, s13;
	s31 =	simm.s32 $0x11F80;
	[sflag:s29] =	ssyncadd.s32 $0xFFFFFD80  }
0x17a: {  	[hbm4b:s13+s9] =	stream.linear.scatter [tilespmem:s31], [sflag:$0x3], $0x280, $0x38;
	[tilespmem:$0x1B290] =	vst v63  }
0x17b: {  	_ =	swait.ge [sflag:s29], $0x280  }
0x17c: {  	[sflag:s29] =	ssyncset.done $0x0  }
0x17d: {  	s30 =	sadd.s32 s5, s14;
	s31 =	simm.s32 $0x12200;
	[sflag:s29] =	ssyncadd.s32 $0xFFFFFD80  }
0x17e: {  	[hbm4b:s30+s9] =	stream.linear.scatter [tilespmem:s31], [sflag:$0x3], $0x280, $0x38;
	[tilespmem:$0x1B290] =	vst v63  }
0x17f: {  	_ =	swait.ge [sflag:s29], $0x280  }
0x180: {  	[sflag:s29] =	ssyncset.done $0x0  }
0x181: {  	s14 =	sadd.s32 s5, s15;
	s15 =	simm.s32 $0x12480;
	[sflag:s29] =	ssyncadd.s32 $0xFFFFFD80  }
0x182: {  	[hbm4b:s14+s9] =	stream.linear.scatter [tilespmem:s15], [sflag:$0x3], $0x280, $0x38;
	[tilespmem:$0x1B290] =	vst v63  }
0x183: {  	_ =	swait.ge [sflag:s29], $0x280  }
0x184: {  	[sflag:s29] =	ssyncset.done $0x0  }
0x185: {  	s30 =	sadd.s32 s5, s16;
	s31 =	simm.s32 $0x12700;
	[sflag:s29] =	ssyncadd.s32 $0xFFFFFD80  }
0x186: {  	[hbm4b:s30+s9] =	stream.linear.scatter [tilespmem:s31], [sflag:$0x3], $0x280, $0x38;
	[tilespmem:$0x1B290] =	vst v63  }
0x187: {  	_ =	swait.ge [sflag:s29], $0x280  }
0x188: {  	[sflag:s29] =	ssyncset.done $0x0  }
0x189: {  	s14 =	sadd.s32 s5, s17;
	s15 =	simm.s32 $0x12980;
	[sflag:s29] =	ssyncadd.s32 $0xFFFFFD80  }
0x18a: {  	[hbm4b:s14+s9] =	stream.linear.scatter [tilespmem:s15], [sflag:$0x3], $0x280, $0x38;
	[tilespmem:$0x1B290] =	vst v63  }
0x18b: {  	_ =	swait.ge [sflag:s29], $0x280  }
0x18c: {  	[sflag:s29] =	ssyncset.done $0x0  }
0x18d: {  	s16 =	sadd.s32 s5, s18;
	s17 =	simm.s32 $0x12C00;
	[sflag:s29] =	ssyncadd.s32 $0xFFFFFD80  }
0x18e: {  	[hbm4b:s16+s9] =	stream.linear.scatter [tilespmem:s17], [sflag:$0x3], $0x280, $0x38;
	[tilespmem:$0x1B290] =	vst v63  }
0x18f: {  	_ =	swait.ge [sflag:s29], $0x280  }
0x190: {  	[sflag:s29] =	ssyncset.done $0x0  }
0x191: {  	s18 =	sadd.s32 s5, s19;
	s19 =	simm.s32 $0x12E80;
	[sflag:s29] =	ssyncadd.s32 $0xFFFFFD80  }
0x192: {  	[hbm4b:s18+s9] =	stream.linear.scatter [tilespmem:s19], [sflag:$0x3], $0x280, $0x38;
	[tilespmem:$0x1B290] =	vst v63  }
0x193: {  	_ =	swait.ge [sflag:s29], $0x280  }
0x194: {  	[sflag:s29] =	ssyncset.done $0x0  }
0x195: {  	s30 =	sadd.s32 s5, s20;
	s31 =	simm.s32 $0x13100;
	[sflag:s29] =	ssyncadd.s32 $0xFFFFFD80  }
0x196: {  	[hbm4b:s30+s9] =	stream.linear.scatter [tilespmem:s31], [sflag:$0x3], $0x280, $0x38;
	[tilespmem:$0x1B290] =	vst v63  }
0x197: {  	_ =	swait.ge [sflag:s29], $0x280  }
0x198: {  	[sflag:s29] =	ssyncset.done $0x0  }
0x199: {  	s15 =	sadd.s32 s5, s21;
	s16 =	simm.s32 $0x13380;
	[sflag:s29] =	ssyncadd.s32 $0xFFFFFD80  }
0x19a: {  	[hbm4b:s15+s9] =	stream.linear.scatter [tilespmem:s16], [sflag:$0x3], $0x280, $0x38;
	[tilespmem:$0x1B290] =	vst v63  }
0x19b: {  	_ =	swait.ge [sflag:s29], $0x280  }
0x19c: {  	[sflag:s29] =	ssyncset.done $0x0  }
0x19d: {  	s17 =	sadd.s32 s5, s22;
	s18 =	simm.s32 $0x13600;
	[sflag:s29] =	ssyncadd.s32 $0xFFFFFD80  }
0x19e: {  	[hbm4b:s17+s9] =	stream.linear.scatter [tilespmem:s18], [sflag:$0x3], $0x280, $0x38;
	[tilespmem:$0x1B290] =	vst v63  }
0x19f: {  	_ =	swait.ge [sflag:s29], $0x280  }
0x1a0: {  	[sflag:s29] =	ssyncset.done $0x0  }
0x1a1: {  	s20 =	simm.s32 $0x13880;
	s19 =	sadd.s32 s5, s23;
	[sflag:s29] =	ssyncadd.s32 $0xFFFFFD80  }
0x1a2: {  	[hbm4b:s19+s9] =	stream.linear.scatter [tilespmem:s20], [sflag:$0x3], $0x280, $0x38;
	[tilespmem:$0x1B290] =	vst v63  }
0x1a3: {  	_ =	swait.ge [sflag:s29], $0x280  }
0x1a4: {  	[sflag:s29] =	ssyncset.done $0x0  }
0x1a5: {  	s21 =	sadd.s32 s5, s24;
	s22 =	simm.s32 $0x13B00;
	[sflag:s29] =	ssyncadd.s32 $0xFFFFFD80  }
0x1a6: {  	[hbm4b:s21+s9] =	stream.linear.scatter [tilespmem:s22], [sflag:$0x3], $0x280, $0x38;
	[tilespmem:$0x1B290] =	vst v63  }
0x1a7: {  	_ =	swait.ge [sflag:s29], $0x280  }
0x1a8: {  	[sflag:s29] =	ssyncset.done $0x0  }
0x1a9: {  	s24 =	simm.s32 $0x13D80;
	s23 =	sadd.s32 s5, s25;
	[sflag:s29] =	ssyncadd.s32 $0xFFFFFD80  }
0x1aa: {  	[hbm4b:s23+s9] =	stream.linear.scatter [tilespmem:s24], [sflag:$0x3], $0x280, $0x38;
	[tilespmem:$0x1B290] =	vst v63  }
0x1ab: {  	_ =	swait.ge [sflag:s29], $0x280  }
0x1ac: {  	[sflag:s29] =	ssyncset.done $0x0  }
0x1ad: {  	s25 =	sadd.s32 s5, s26;
	s26 =	simm.s32 $0x14000;
	[sflag:s29] =	ssyncadd.s32 $0xFFFFFD80  }
0x1ae: {  	[hbm4b:s25+s9] =	stream.linear.scatter [tilespmem:s26], [sflag:$0x3], $0x280, $0x38;
	[tilespmem:$0x1B290] =	vst v63  }
0x1af: {  	_ =	swait.ge [sflag:s29], $0x280  }
0x1b0: {  	[sflag:s29] =	ssyncset.done $0x0  }
0x1b1: {  	s28 =	sadd.s32 s5, s28;
	s30 =	simm.s32 $0x14280;
	[sflag:s29] =	ssyncadd.s32 $0xFFFFFD80  }
0x1b2: {  	[hbm4b:s28+s9] =	stream.linear.scatter [tilespmem:s30], [sflag:$0x3], $0x280, $0x38;
	[tilespmem:$0x1B290] =	vst v63  }
0x1b3: {  	_ =	swait.ge [sflag:s29], $0x280  }
0x1b4: {  	[sflag:s29] =	ssyncset.done $0x0  }
0x1b5: {  	s31 =	simm.s32 $0x0;
	[sflag:s29] =	ssyncadd.s32 $0xFFFFFD80  }
0x1b6: {  	v2 =	vld [tilespmem:s31+$0x14500];
	_ =	sdelay $0x2  }
0x1b7: {  	vm0 =	vmxor vm0, vm0;
	p1 =	slt.u32 s12, $0x2710;
	v1 =	vimm.s32 $0x0;
	v0 =	vimm.s32 $0x0;
	s13 =	smov.u32 s12;
	s9 =	simm.s32 $0x40  }
.LBB2_13:
0x1b8: {  	vm2 =	vmmov vm0  }
0x1b9: {  	s14 =	sshra.s32 s9, $0x2;
	p0 =	sne.s32 s9, $0x9C0;
	s9 =	sadd.s32 $0x40, s9;
	vm1 =	vgt.s32 v2, $0x0;
	vm2 =	vmneg @p1 vm2  }
.Ltmp6:
0x1ba: {  	v2 =	vld [tilespmem:s14+$0x14500];
	vm1 =	vmand vm2, vm1;
	(pc) =	sbr.rel @p0 .LBB2_13-.Ltmp6, $4  }
0x1bb: {  	v3 =	vsel vm1, $0x1, v0  }
0x1bc: {  	v1 =	vadd.s32 v3, v1  }
0x1bd: {  	s13 =	sadd.s32 $0x10, s13  }
0x1be: {  	p1 =	slt.u32 s13, $0x2710  }
0x1bf: {  	vm1 =	vgt.s32 v2, $0x0;
	vm0 =	vmneg @p1 vm0  }
0x1c0: {  	vm0 =	vmand vm0, vm1  }
0x1c1: {  	v0 =	vsel vm0, $0x1, v0  }
0x1c2: {  	v0 =	vadd.s32 v0, v1  }
0x1c3: {  	(xrf0) =	vadd.scan.msk.s32 $0xffff, v0;
	_ =	sdelay $0x5  }
0x1c4: {  	v0, _, _ =	vpop (xrf0)  }
0x1c5: {  	v0 =	vbroadcast v0, $0xF  }
0x1c6: {  	s9 =	sshll.u32 s1, $0x1;
	s13 =	simm.s32 $0x0  }
0x1c7: {  	s14 =	simm.s32 $0x1B280;
	s28 =	simm.s32 $0x3;
	s9 =	sadd.s32 s8, s9;
	[tilespmem:$0x1B280] =	vst v0  }
0x1c8: {  	[hbm4b:s9+s13] =	stream.linear.scatter [tilespmem:s14], [sflag:$0x3], $0x10, $0x38;
	[tilespmem:$0x1B290] =	vst v63  }
0x1c9: {  	_ =	swait.ge [sflag:s28], $0x10  }
0x1ca: {  	v0 =	vlaneseq.u32;
	[sflag:s28] =	ssyncset.done $0x0  }
0x1cb: {  	v1 =	vmul.u32 $0x11, v0;
	[sflag:s28] =	ssyncadd.s32 $0xFFFFFFF0  }
0x1cc: {  	s29 =	simm.s32 $0x1B180;
	[bflag:$0x0] =	sbarrier.arrive $0xFFFF  }
0x1cd: {  	[tilespmem:s29], [sflag:$0x3] =	stream.linear.gather [hbm4b:s8+s13], $0x100, $0x38;
	[tilespmem:$0x1B290] =	vst v63  }
0x1ce: {  	_ =	swait.ge [sflag:s28], $0x100  }
0x1cf: {  	[sflag:s28] =	ssyncset.done $0x0  }
0x1d0: {  	[sflag:s28] =	ssyncadd.s32 $0xFFFFFF00  }
0x1d1: {  	v1 =	vld.idx.msk [tilespmem:v1+s29+$0x0], $0xffff;
	_ =	sdelay $0x2  }
0x1d2: {  	v2 =	vmov s1  }
0x1d3: {  	vm0 =	vgt.u32 v2, v0  }
0x1d4: {  	v1 =	vnsel vm0, $0x0, v1  }
0x1d5: {  	(xrf0) =	vadd.scan.msk.s32 $0xffff, v1;
	_ =	sdelay $0x5  }
0x1d6: {  	s30 =	simm.s32 $0x14500;
	v1, _, _ =	vpop (xrf0)  }
0x1d7: {  	v2 =	vld [tilespmem:s30+$0x0];
	(v2sf) =	vpush v1, $0xF  }
0x1d8: {  	s31 =	sadd.s32 $0x0, s12  }
0x1d9: {  	v1 =	vmov s31  }
0x1da: {  	v3 =	vbroadcast v1, $0x0;
	_ =	sdelay $0x1  }
0x1db: {  	v8 =	vor.u32 s13, v0;
	vm1 =	vgt.s32 v2, $0x0;
	vm0 =	vlt.u32 v3, $0x2710  }
0x1dc: {  	v1 =	vimm.s32 $0x0;
	v4 =	vor.u32 v0, v3;
	vm0 =	vmand vm0, vm1  }
0x1dd: {  	v9 =	vand.u32 $0x7F, v8;
	v5 =	vmulhi.u32 $0x51EB851F, v4;
	v6 =	vsel vm0, $0x1, v1  }
0x1de: {  	v7 =	vmov s13;
	vm2 =	vne.s32 v9, $0x0;
	vm1 =	vlt.s32 v2, $0x20;
	(xrf0) =	vadd.scan.msk.s32 $0xffff, v6  }
0x1df: {  	v2 =	vnsel vm1, $0x20, v2;
	vm1 =	veq.s32 v7, v0;
	v5 =	vshrl.u32 v5, $0x5  }
0x1e0: {  	v7 =	vshll.u32 v8, $0x3;
	vm1 =	vmand vm1, vm2;
	v10 =	vmul.u32 $0xFFFFFF9C, v5  }
0x1e1: {  	v11 =	vor.u32 $0x2, v7;
	v8 =	vsel vm1, $0xFFFFFFFF, v1  }
0x1e2: {  	vm1 =	veq.s32 v3, v0;
	v3 =	vshll.u32 v8, $0x7;
	v4 =	vadd.s32 v4, v10  }
0x1e3: {  	v2 =	vcvt.s32.f32 v2;
	v3 =	vadd.s32 s13, v3;
	vm2 =	vne.s32 v4, $0x0  }
0x1e4: {  	v8 =	vor.u32 $0x1, v7;
	v3 =	vand.u32 $0xFFFFFF80, v3;
	vm1 =	vmand vm1, vm2;
	v12, _, _ =	vpop (xrf0)  }
0x1e5: {  	v3 =	vor.u32 v9, v3;
	v10 =	vsel vm1, $0xFFFFFFFF, v1;
	v6 =	vsub.s32 v12, v6;
	s14 =	spop (v2sf)  }
0x1e6: {  	s13 =	simm.s32 $0x14780;
	v5 =	vadd.s32 v10, v5;
	(v2sf) =	vpush v12, $0xF;
	v6 =	vadd.s32 s14, v6  }
0x1e7: {  	s9 =	simm.s32 $0x19B00;
	s8 =	sshll.u32 s1, $0x4;
	v5 =	vcvt.s32.f32 v5;
	[tilespmem:s13+$0x0] =	vst v6  }
0x1e8: {  	s15 =	sadd.s32 $0x3E80, s8;
	v4 =	vcvt.s32.f32 v4;
	[tilespmem:v7+s9+$0x0] =	vst.idx.msk $0xffff, v2  }
0x1e9: {  	v2 =	vor.u32 s15, v0;
	[tilespmem:v8+s9+$0x0] =	vst.idx.msk $0xffff, v5  }
0x1ea: {  	s15 =	simm.s32 $0x1AF00;
	v5 =	vsel vm0, v6, v2;
	[tilespmem:v11+s9+$0x0] =	vst.idx.msk $0xffff, v4  }
0x1eb: {  	s17 =	simm.s32 $0x14510;
	[tilespmem:v3+s15+$0x0] =	vst.idx.msk $0xffff, v5  }
0x1ec: {  	s16 =	sadd.s32 $0x10, s12;
	v4 =	vld [tilespmem:s17+$0x0]  }
0x1ed: {  	v3 =	vmov s16  }
0x1ee: {  	v3 =	vbroadcast v3, $0x0  }
0x1ef: {  	s16 =	simm.s32 $0x10  }
0x1f0: {  	v6 =	vmov s16;
	v7 =	vor.u32 s16, v0;
	vm0 =	vlt.u32 v3, $0x2710  }
0x1f1: {  	v5 =	vor.u32 v0, v3;
	vm1 =	vgt.s32 v4, $0x0;
	vm2 =	vlt.s32 v4, $0x20  }
0x1f2: {  	s18 =	simm.s32 $0x20;
	v8 =	vmulhi.u32 $0x51EB851F, v5;
	vm0 =	vmand vm0, vm1;
	v4 =	vnsel vm2, $0x20, v4  }
.LBB2_15:
0x1f3: {  	p0 =	sne.s32 s18, $0x270  }
0x1f4: {  	v9 =	vsel vm0, $0x1, v1;
	v8 =	vshrl.u32 v8, $0x5;
	v10 =	vand.u32 $0x7F, v7;
	s13 =	sadd.s32 $0x10, s13;
	s19 =	smov.u32 s18;
	s18 =	sadd.s32 $0x10, s18  }
0x1f5: {  	vm1 =	veq.s32 v6, v0;
	v11 =	vmul.u32 $0xFFFFFF9C, v8;
	vm2 =	vne.s32 v10, $0x0;
	(xrf0) =	vadd.scan.msk.s32 $0xffff, v9;
	s20 =	spop (v2sf)  }
0x1f6: {  	vm1 =	vmand vm1, vm2;
	s14 =	sadd.s32 s14, s20  }
0x1f7: {  	v6 =	vshll.u32 v7, $0x3;
	v5 =	vadd.s32 v5, v11;
	v7 =	vsel vm1, $0xFFFFFFFF, v1  }
0x1f8: {  	vm1 =	veq.s32 v3, v0;
	vm2 =	vne.s32 v5, $0x0;
	v3 =	vshll.u32 v7, $0x7  }
0x1f9: {  	v7 =	vor.u32 $0x1, v6;
	vm1 =	vmand vm1, vm2;
	v3 =	vadd.s32 s16, v3;
	s16 =	smov.u32 s19  }
0x1fa: {  	v12 =	vor.u32 $0x2, v6;
	v13 =	vsel vm1, $0xFFFFFFFF, v1  }
0x1fb: {  	v4 =	vcvt.s32.f32 v4;
	v3 =	vand.u32 $0xFFFFFF80, v3;
	v8 =	vadd.s32 v13, v8;
	v11, _, _ =	vpop (xrf0)  }
0x1fc: {  	v9 =	vsub.s32 v11, v9;
	v8 =	vcvt.s32.f32 v8;
	(v2sf) =	vpush v11, $0xF  }
0x1fd: {  	v5 =	vcvt.s32.f32 v5;
	v3 =	vor.u32 v10, v3;
	v9 =	vadd.s32 s14, v9  }
0x1fe: {  	[tilespmem:s13+$0x0] =	vst v9;
	v9 =	vsel vm0, v9, v2  }
0x1ff: {  	[tilespmem:v6+s9+$0x0] =	vst.idx.msk $0xffff, v4  }
0x200: {  	s17 =	sadd.s32 $0x10, s17;
	[tilespmem:v7+s9+$0x0] =	vst.idx.msk $0xffff, v8  }
0x201: {  	[tilespmem:v12+s9+$0x0] =	vst.idx.msk $0xffff, v5  }
0x202: {  	s19 =	sadd.s32 s16, s12;
	[tilespmem:v3+s15+$0x0] =	vst.idx.msk $0xffff, v9  }
0x203: {  	v3 =	vmov s19;
	v4 =	vld [tilespmem:s17+$0x0]  }
0x204: {  	v3 =	vbroadcast v3, $0x0  }
.Ltmp7:
0x205: {  	(pc) =	sbr.rel @p0 .LBB2_15-.Ltmp7, $4  }
0x206: {  	vm0 =	vlt.u32 v3, $0x2710  }
0x207: {  	v6 =	vmov s16;
	v5 =	vor.u32 v0, v3  }
0x208: {  	v8 =	vmulhi.u32 $0x51EB851F, v5;
	vm1 =	vgt.s32 v4, $0x0;
	vm2 =	vlt.s32 v4, $0x20  }
0x209: {  	v7 =	vor.u32 s16, v0;
	vm0 =	vmand vm0, vm1;
	v4 =	vnsel vm2, $0x20, v4  }
0x20a: {  	v9 =	vsel vm0, $0x1, v1  }
0x20b: {  	v8 =	vshrl.u32 v8, $0x5;
	(xrf0) =	vadd.scan.msk.s32 $0xffff, v9  }
0x20c: {  	v10 =	vand.u32 $0x7F, v7;
	v11 =	vmul.u32 $0xFFFFFF9C, v8  }
0x20d: {  	vm1 =	veq.s32 v6, v0;
	v55 =	vshll.u32 v7, $0x3;
	vm2 =	vne.s32 v10, $0x0  }
0x20e: {  	vm14 =	veq.s32 v3, v0;
	vm1 =	vmand vm1, vm2;
	v5 =	vadd.s32 v5, v11  }
0x20f: {  	v4 =	vcvt.s32.f32 v4;
	v56 =	vsel vm1, $0xFFFFFFFF, v1;
	vm15 =	vne.s32 v5, $0x0  }
0x210: {  	v58 =	vor.u32 $0x1, v55;
	v57 =	vshll.u32 v56, $0x7;
	vm1 =	vmand vm14, vm15  }
0x211: {  	s12 =	spop (v2sf);
	v60 =	vor.u32 $0x2, v55;
	v0 =	vadd.s32 s16, v57;
	v59 =	vsel vm1, $0xFFFFFFFF, v1;
	v61, _, _ =	vpop (xrf0)  }
0x212: {  	s12 =	sadd.s32 s14, s12;
	v0 =	vand.u32 $0xFFFFFF80, v0;
	v1 =	vadd.s32 v59, v8;
	v62 =	vsub.s32 v61, v9  }
0x213: {  	s13 =	sadd.s32 $0x10, s13;
	v0 =	vor.u32 v10, v0;
	(v2sf) =	vpush v61, $0xF;
	v8 =	vadd.s32 s12, v62  }
0x214: {  	v1 =	vcvt.s32.f32 v1;
	[tilespmem:s13+$0x0] =	vst v8  }
0x215: {  	v5 =	vcvt.s32.f32 v5;
	[tilespmem:v55+s9+$0x0] =	vst.idx.msk $0xffff, v4  }
0x216: {  	[tilespmem:v58+s9+$0x0] =	vst.idx.msk $0xffff, v1  }
0x217: {  	v63 =	vsel vm0, v8, v2;
	[tilespmem:v60+s9+$0x0] =	vst.idx.msk $0xffff, v5  }
0x218: {  	s31 =	simm.s32 $0x80;
	s14 =	simm.s32 $0x1AF00;
	[tilespmem:v0+s15+$0x0] =	vst.idx.msk $0xffff, v63;
	s15 =	simm.s32 $0x19B00  }
0x219: {  	[hbm4b:s6+s31] =	stream.indirect.scatter [tilespmem:s15], [sflag:$0x1], $0x8, s14, s31, $0xb8;
	[tilespmem:$0x1B290] =	vst v63  }
0x21a: {  	s17 =	simm.s32 $0x19F00;
	s16 =	simm.s32 $0x1AF80  }
0x21b: {  	[hbm4b:s6+s31] =	stream.indirect.scatter [tilespmem:s17], [sflag:$0x1], $0x8, s16, s31, $0xb8;
	[tilespmem:$0x1B290] =	vst v63  }
0x21c: {  	s18 =	simm.s32 $0x1B000;
	s19 =	simm.s32 $0x1A300  }
0x21d: {  	[hbm4b:s6+s31] =	stream.indirect.scatter [tilespmem:s19], [sflag:$0x1], $0x8, s18, s31, $0xb8;
	[tilespmem:$0x1B290] =	vst v63  }
0x21e: {  	s20 =	simm.s32 $0x1B080;
	s21 =	simm.s32 $0x1A700  }
0x21f: {  	[hbm4b:s6+s31] =	stream.indirect.scatter [tilespmem:s21], [sflag:$0x1], $0x8, s20, s31, $0xb8;
	[tilespmem:$0x1B290] =	vst v63  }
0x220: {  	s22 =	simm.s32 $0x1B100;
	s23 =	simm.s32 $0x1AB00  }
0x221: {  	[hbm4b:s6+s31] =	stream.indirect.scatter [tilespmem:s23], [sflag:$0x1], $0x8, s22, s31, $0xb8;
	[tilespmem:$0x1B290] =	vst v63  }
0x222: {  	s24 =	spop (v2sf);
	s6 =	simm.s32 $0x1  }
0x223: {  	_ =	swait.ge [sflag:s6], $0x400  }
0x224: {  	[sflag:s6] =	ssyncset.done $0x0  }
0x225: {  	[sflag:s6] =	ssyncadd.s32 $0xFFFFFC00  }
0x226: {  	_ =	swait.ge [sflag:s6], $0x400  }
0x227: {  	[sflag:s6] =	ssyncset.done $0x0  }
0x228: {  	[sflag:s6] =	ssyncadd.s32 $0xFFFFFC00  }
0x229: {  	_ =	swait.ge [sflag:s6], $0x400  }
0x22a: {  	[sflag:s6] =	ssyncset.done $0x0  }
0x22b: {  	[sflag:s6] =	ssyncadd.s32 $0xFFFFFC00  }
0x22c: {  	_ =	swait.ge [sflag:s6], $0x400  }
0x22d: {  	[sflag:s6] =	ssyncset.done $0x0  }
0x22e: {  	[sflag:s6] =	ssyncadd.s32 $0xFFFFFC00  }
0x22f: {  	_ =	swait.ge [sflag:s6], $0x400  }
0x230: {  	s25 =	sadd.s32 s4, s11;
	s26 =	simm.s32 $0x0;
	[sflag:s6] =	ssyncset.done $0x0  }
0x231: {  	s28 =	simm.s32 $0x14780;
	s29 =	simm.s32 $0x3;
	[sflag:s6] =	ssyncadd.s32 $0xFFFFFC00  }
0x232: {  	[hbm4b:s25+s26] =	stream.linear.scatter [tilespmem:s28], [sflag:$0x3], $0x280, $0x38;
	[tilespmem:$0x1B290] =	vst v63  }
0x233: {  	_ =	swait.ge [sflag:s29], $0x280  }
0x234: {  	[sflag:s29] =	ssyncset.done $0x0  }
0x235: {  	[sflag:s29] =	ssyncadd.s32 $0xFFFFFD80  }
0x236: {  	s5 =	sadd.s32 s5, s10;
	s30 =	simm.s32 $0xF500;
	[bflag:$0x0] =	sbarrier.arrive $0xFFFF  }
0x237: {  	[tilespmem:s30], [sflag:$0x3] =	stream.linear.gather [hbm4b:s5+s26], $0x2800, $0x38;
	[tilespmem:$0x1B290] =	vst v63  }
0x238: {  	_ =	swait.ge [sflag:s29], $0x2800  }
0x239: {  	[sflag:s29] =	ssyncset.done $0x0  }
0x23a: {  	s31 =	simm.s32 $0x11D00;
	[sflag:s29] =	ssyncadd.s32 $0xFFFFD800  }
0x23b: {  	[tilespmem:s31], [sflag:$0x3] =	stream.linear.gather [hbm4b:s4+s26], $0x2800, $0x38;
	[tilespmem:$0x1B290] =	vst v63  }
0x23c: {  	_ =	swait.ge [sflag:s29], $0x2800  }
0x23d: {  	[sflag:s29] =	ssyncset.done $0x0  }
0x23e: {  	s5 =	simm.s32 $0x40;
	s4 =	simm.s32 $0x0;
	[sflag:s29] =	ssyncadd.s32 $0xFFFFD800  }
.LBB2_17:
0x23f: {  	p0 =	sne.s32 s5, $0x9FC0;
	v0 =	vld [tilespmem:s4+$0x11D00];
	_ =	sdelay $0x1  }
.Ltmp8:
0x240: {  	(pc) =	sbr.rel @p0 .LBB2_17-.Ltmp8, $3  }
0x241: {  	_ =	sdelay $0x1  }
0x242: {  	v0 =	vshll.u32 v0, $0x5  }
0x243: {  	[tilespmem:s4+$0x11D00] =	vst v0;
	s4 =	sshra.s32 s5, $0x2;
	s5 =	sadd.s32 $0x40, s5  }
0x244: {  	v0 =	vld [tilespmem:s4+$0x11D00];
	_ =	sdelay $0x4  }
0x245: {  	v0 =	vshll.u32 v0, $0x5  }
0x246: {  	s5 =	simm.s32 $0x3;
	[tilespmem:s4+$0x11D00] =	vst v0;
	s4 =	simm.s32 $0x0  }
0x247: {  	[tilespmem:s4], [sflag:$0x3] =	stream.linear.gather [hbm4b:s7+s4], $0xC400, $0x38;
	[tilespmem:$0x1B290] =	vst v63  }
0x248: {  	_ =	swait.ge [sflag:s5], $0xC400  }
0x249: {  	s6 =	sor.u32 $0x7D000, s8;
	[sflag:s5] =	ssyncset.done $0x0  }
0x24a: {  	v1 =	vlaneseq.u32;
	s8 =	simm.s32 $0xC400;
	s9 =	simm.s32 $0x10;
	[sflag:s5] =	ssyncadd.s32 $0xFFFF3C00  }
0x24b: {  	v2 =	vimm.s32 $0x0;
	v0 =	vor.u32 s6, v1;
	s6 =	simm.s32 $0x11D00;
	s7 =	simm.s32 $0xF500;
	s5 =	simm.s32 $0x14A00;
	v3 =	vld [tilespmem:s8+$0x0]  }
.LBB2_19:
0x24c: {  	p0 =	sne.s32 s9, $0x1870;
	_ =	sdelay $0x3  }
0x24d: {  	v4 =	vshra.s32 v3, $0x6;
	_ =	sdelay $0x1  }
0x24e: {  	v5 =	vor.u32 s4, v1  }
0x24f: {  	v6 =	vmov s4;
	v5 =	vand.u32 $0x7F, v5  }
0x250: {  	vm0 =	veq.s32 v6, v1;
	vm1 =	vne.s32 v5, $0x0  }
0x251: {  	vm0 =	vmand vm0, vm1;
	v6 =	vld.idx.msk [tilespmem:v4+s7+$0x0], $0xffff  }
0x252: {  	v7 =	vsel vm0, $0xFFFFFFFF, v2  }
0x253: {  	v7 =	vshll.u32 v7, $0x7;
	v8 =	vld.idx.msk [tilespmem:v4+s6+$0x0], $0xffff  }
0x254: {  	v7 =	vadd.s32 s4, v7;
	s4 =	smov.u32 s9  }
0x255: {  	v7 =	vand.u32 $0xFFFFFF80, v7  }
0x256: {  	v3 =	vand.u32 $0x3F, v3;
	v5 =	vor.u32 v5, v7  }
0x257: {  	v3 =	vadd.s32 v3, v6  }
.Ltmp9:
0x258: {  	vm0 =	vlt.s32 v4, $0x2710;
	vm1 =	vlt.s32 v3, $0x20;
	(pc) =	sbr.rel @p0 .LBB2_19-.Ltmp9, $4  }
0x259: {  	vm0 =	vmand vm0, vm1;
	v3 =	vadd.s32 v3, v8  }
0x25a: {  	v3 =	vsel vm0, v3, v0  }
0x25b: {  	s8 =	sadd.s32 $0x10, s8;
	[tilespmem:v5+s5+$0x0] =	vst.idx.msk $0xffff, v3  }
0x25c: {  	s9 =	sadd.s32 $0x10, s9;
	v3 =	vld [tilespmem:s8+$0x0]  }
0x25d: {  	_ =	sdelay $0x3  }
0x25e: {  	v4 =	vshra.s32 v3, $0x6  }
0x25f: {  	v5 =	vor.u32 s4, v1  }
0x260: {  	v6 =	vmov s4;
	v5 =	vand.u32 $0x7F, v5  }
0x261: {  	vm0 =	veq.s32 v6, v1;
	vm1 =	vne.s32 v5, $0x0  }
0x262: {  	vm0 =	vmand vm0, vm1  }
0x263: {  	v2 =	vsel vm0, $0xFFFFFFFF, v2;
	v1 =	vld.idx.msk [tilespmem:v4+s7+$0x0], $0xffff  }
0x264: {  	v2 =	vshll.u32 v2, $0x7  }
0x265: {  	v2 =	vadd.s32 s4, v2;
	v63 =	vld.idx.msk [tilespmem:v4+s6+$0x0], $0xffff  }
0x266: {  	v2 =	vand.u32 $0xFFFFFF80, v2  }
0x267: {  	v3 =	vand.u32 $0x3F, v3;
	v2 =	vor.u32 v5, v2  }
0x268: {  	v1 =	vadd.s32 v3, v1  }
0x269: {  	vm14 =	vlt.s32 v4, $0x2710;
	vm15 =	vlt.s32 v1, $0x20  }
0x26a: {  	v1 =	vadd.s32 v1, v63;
	vm0 =	vmand vm14, vm15  }
0x26b: {  	s4 =	simm.s32 $0x14A00;
	v1 =	vsel vm0, v1, v0  }
0x26c: {  	s6 =	simm.s32 $0x80;
	s7 =	simm.s32 $0x2;
	[tilespmem:v2+s5+$0x0] =	vst.idx.msk $0xffff, v1;
	s5 =	simm.s32 $0x0  }
0x26d: {  	[hbm4b:s2+s6] =	stream.indirect.scatter [tilespmem:s5], [sflag:$0x2], $0x8, s4, s6, $0xb8;
	[tilespmem:$0x1B290] =	vst v63  }
0x26e: {  	_ =	swait.ge [sflag:s7], $0x400  }
0x26f: {  	[sflag:s7] =	ssyncset.done $0x0  }
0x270: {  	s8 =	simm.s32 $0x14A80;
	s9 =	simm.s32 $0x400;
	[sflag:s7] =	ssyncadd.s32 $0xFFFFFC00  }
0x271: {  	[hbm4b:s2+s6] =	stream.indirect.scatter [tilespmem:s9], [sflag:$0x2], $0x8, s8, s6, $0xb8;
	[tilespmem:$0x1B290] =	vst v63  }
0x272: {  	_ =	swait.ge [sflag:s7], $0x400  }
0x273: {  	[sflag:s7] =	ssyncset.done $0x0  }
0x274: {  	s23 =	simm.s32 $0x14B00;
	s24 =	simm.s32 $0x800;
	[sflag:s7] =	ssyncadd.s32 $0xFFFFFC00  }
0x275: {  	[hbm4b:s2+s6] =	stream.indirect.scatter [tilespmem:s24], [sflag:$0x2], $0x8, s23, s6, $0xb8;
	[tilespmem:$0x1B290] =	vst v63  }
0x276: {  	_ =	swait.ge [sflag:s7], $0x400  }
0x277: {  	[sflag:s7] =	ssyncset.done $0x0  }
0x278: {  	s25 =	simm.s32 $0x14B80;
	s26 =	simm.s32 $0xC00;
	[sflag:s7] =	ssyncadd.s32 $0xFFFFFC00  }
0x279: {  	[hbm4b:s2+s6] =	stream.indirect.scatter [tilespmem:s26], [sflag:$0x2], $0x8, s25, s6, $0xb8;
	[tilespmem:$0x1B290] =	vst v63  }
0x27a: {  	_ =	swait.ge [sflag:s7], $0x400  }
0x27b: {  	[sflag:s7] =	ssyncset.done $0x0  }
0x27c: {  	s28 =	simm.s32 $0x14C00;
	s29 =	simm.s32 $0x1000;
	[sflag:s7] =	ssyncadd.s32 $0xFFFFFC00  }
0x27d: {  	[hbm4b:s2+s6] =	stream.indirect.scatter [tilespmem:s29], [sflag:$0x2], $0x8, s28, s6, $0xb8;
	[tilespmem:$0x1B290] =	vst v63  }
0x27e: {  	_ =	swait.ge [sflag:s7], $0x400  }
0x27f: {  	[sflag:s7] =	ssyncset.done $0x0  }
0x280: {  	s30 =	simm.s32 $0x14C80;
	s31 =	simm.s32 $0x1400;
	[sflag:s7] =	ssyncadd.s32 $0xFFFFFC00  }
0x281: {  	[hbm4b:s2+s6] =	stream.indirect.scatter [tilespmem:s31], [sflag:$0x2], $0x8, s30, s6, $0xb8;
	[tilespmem:$0x1B290] =	vst v63  }
0x282: {  	_ =	swait.ge [sflag:s7], $0x400  }
0x283: {  	[sflag:s7] =	ssyncset.done $0x0  }
0x284: {  	s10 =	simm.s32 $0x1800;
	s9 =	simm.s32 $0x14D00;
	[sflag:s7] =	ssyncadd.s32 $0xFFFFFC00  }
0x285: {  	[hbm4b:s2+s6] =	stream.indirect.scatter [tilespmem:s10], [sflag:$0x2], $0x8, s9, s6, $0xb8;
	[tilespmem:$0x1B290] =	vst v63  }
0x286: {  	_ =	swait.ge [sflag:s7], $0x400  }
0x287: {  	[sflag:s7] =	ssyncset.done $0x0  }
0x288: {  	s11 =	simm.s32 $0x14D80;
	s12 =	simm.s32 $0x1C00;
	[sflag:s7] =	ssyncadd.s32 $0xFFFFFC00  }
0x289: {  	[hbm4b:s2+s6] =	stream.indirect.scatter [tilespmem:s12], [sflag:$0x2], $0x8, s11, s6, $0xb8;
	[tilespmem:$0x1B290] =	vst v63  }
0x28a: {  	_ =	swait.ge [sflag:s7], $0x400  }
0x28b: {  	[sflag:s7] =	ssyncset.done $0x0  }
0x28c: {  	s13 =	simm.s32 $0x14E00;
	s14 =	simm.s32 $0x2000;
	[sflag:s7] =	ssyncadd.s32 $0xFFFFFC00  }
0x28d: {  	[hbm4b:s2+s6] =	stream.indirect.scatter [tilespmem:s14], [sflag:$0x2], $0x8, s13, s6, $0xb8;
	[tilespmem:$0x1B290] =	vst v63  }
0x28e: {  	_ =	swait.ge [sflag:s7], $0x400  }
0x28f: {  	[sflag:s7] =	ssyncset.done $0x0  }
0x290: {  	s15 =	simm.s32 $0x14E80;
	s16 =	simm.s32 $0x2400;
	[sflag:s7] =	ssyncadd.s32 $0xFFFFFC00  }
0x291: {  	[hbm4b:s2+s6] =	stream.indirect.scatter [tilespmem:s16], [sflag:$0x2], $0x8, s15, s6, $0xb8;
	[tilespmem:$0x1B290] =	vst v63  }
0x292: {  	_ =	swait.ge [sflag:s7], $0x400  }
0x293: {  	[sflag:s7] =	ssyncset.done $0x0  }
0x294: {  	s17 =	simm.s32 $0x14F00;
	s18 =	simm.s32 $0x2800;
	[sflag:s7] =	ssyncadd.s32 $0xFFFFFC00  }
0x295: {  	[hbm4b:s2+s6] =	stream.indirect.scatter [tilespmem:s18], [sflag:$0x2], $0x8, s17, s6, $0xb8;
	[tilespmem:$0x1B290] =	vst v63  }
0x296: {  	_ =	swait.ge [sflag:s7], $0x400  }
0x297: {  	[sflag:s7] =	ssyncset.done $0x0  }
0x298: {  	s19 =	simm.s32 $0x14F80;
	s20 =	simm.s32 $0x2C00;
	[sflag:s7] =	ssyncadd.s32 $0xFFFFFC00  }
0x299: {  	[hbm4b:s2+s6] =	stream.indirect.scatter [tilespmem:s20], [sflag:$0x2], $0x8, s19, s6, $0xb8;
	[tilespmem:$0x1B290] =	vst v63  }
0x29a: {  	_ =	swait.ge [sflag:s7], $0x400  }
0x29b: {  	[sflag:s7] =	ssyncset.done $0x0  }
0x29c: {  	s21 =	simm.s32 $0x15000;
	s22 =	simm.s32 $0x3000;
	[sflag:s7] =	ssyncadd.s32 $0xFFFFFC00  }
0x29d: {  	[hbm4b:s2+s6] =	stream.indirect.scatter [tilespmem:s22], [sflag:$0x2], $0x8, s21, s6, $0xb8;
	[tilespmem:$0x1B290] =	vst v63  }
0x29e: {  	_ =	swait.ge [sflag:s7], $0x400  }
0x29f: {  	[sflag:s7] =	ssyncset.done $0x0  }
0x2a0: {  	s23 =	simm.s32 $0x15080;
	s24 =	simm.s32 $0x3400;
	[sflag:s7] =	ssyncadd.s32 $0xFFFFFC00  }
0x2a1: {  	[hbm4b:s2+s6] =	stream.indirect.scatter [tilespmem:s24], [sflag:$0x2], $0x8, s23, s6, $0xb8;
	[tilespmem:$0x1B290] =	vst v63  }
0x2a2: {  	_ =	swait.ge [sflag:s7], $0x400  }
0x2a3: {  	[sflag:s7] =	ssyncset.done $0x0  }
0x2a4: {  	s25 =	simm.s32 $0x15100;
	s26 =	simm.s32 $0x3800;
	[sflag:s7] =	ssyncadd.s32 $0xFFFFFC00  }
0x2a5: {  	[hbm4b:s2+s6] =	stream.indirect.scatter [tilespmem:s26], [sflag:$0x2], $0x8, s25, s6, $0xb8;
	[tilespmem:$0x1B290] =	vst v63  }
0x2a6: {  	_ =	swait.ge [sflag:s7], $0x400  }
0x2a7: {  	[sflag:s7] =	ssyncset.done $0x0  }
0x2a8: {  	s28 =	simm.s32 $0x15180;
	s29 =	simm.s32 $0x3C00;
	[sflag:s7] =	ssyncadd.s32 $0xFFFFFC00  }
0x2a9: {  	[hbm4b:s2+s6] =	stream.indirect.scatter [tilespmem:s29], [sflag:$0x2], $0x8, s28, s6, $0xb8;
	[tilespmem:$0x1B290] =	vst v63  }
0x2aa: {  	_ =	swait.ge [sflag:s7], $0x400  }
0x2ab: {  	[sflag:s7] =	ssyncset.done $0x0  }
0x2ac: {  	s30 =	simm.s32 $0x15200;
	s31 =	simm.s32 $0x4000;
	[sflag:s7] =	ssyncadd.s32 $0xFFFFFC00  }
0x2ad: {  	[hbm4b:s2+s6] =	stream.indirect.scatter [tilespmem:s31], [sflag:$0x2], $0x8, s30, s6, $0xb8;
	[tilespmem:$0x1B290] =	vst v63  }
0x2ae: {  	_ =	swait.ge [sflag:s7], $0x400  }
0x2af: {  	[sflag:s7] =	ssyncset.done $0x0  }
0x2b0: {  	s9 =	simm.s32 $0x15280;
	s10 =	simm.s32 $0x4400;
	[sflag:s7] =	ssyncadd.s32 $0xFFFFFC00  }
0x2b1: {  	[hbm4b:s2+s6] =	stream.indirect.scatter [tilespmem:s10], [sflag:$0x2], $0x8, s9, s6, $0xb8;
	[tilespmem:$0x1B290] =	vst v63  }
0x2b2: {  	_ =	swait.ge [sflag:s7], $0x400  }
0x2b3: {  	[sflag:s7] =	ssyncset.done $0x0  }
0x2b4: {  	s11 =	simm.s32 $0x15300;
	s12 =	simm.s32 $0x4800;
	[sflag:s7] =	ssyncadd.s32 $0xFFFFFC00  }
0x2b5: {  	[hbm4b:s2+s6] =	stream.indirect.scatter [tilespmem:s12], [sflag:$0x2], $0x8, s11, s6, $0xb8;
	[tilespmem:$0x1B290] =	vst v63  }
0x2b6: {  	_ =	swait.ge [sflag:s7], $0x400  }
0x2b7: {  	[sflag:s7] =	ssyncset.done $0x0  }
0x2b8: {  	s13 =	simm.s32 $0x15380;
	s14 =	simm.s32 $0x4C00;
	[sflag:s7] =	ssyncadd.s32 $0xFFFFFC00  }
0x2b9: {  	[hbm4b:s2+s6] =	stream.indirect.scatter [tilespmem:s14], [sflag:$0x2], $0x8, s13, s6, $0xb8;
	[tilespmem:$0x1B290] =	vst v63  }
0x2ba: {  	_ =	swait.ge [sflag:s7], $0x400  }
0x2bb: {  	[sflag:s7] =	ssyncset.done $0x0  }
0x2bc: {  	s15 =	simm.s32 $0x15400;
	s16 =	simm.s32 $0x5000;
	[sflag:s7] =	ssyncadd.s32 $0xFFFFFC00  }
0x2bd: {  	[hbm4b:s2+s6] =	stream.indirect.scatter [tilespmem:s16], [sflag:$0x2], $0x8, s15, s6, $0xb8;
	[tilespmem:$0x1B290] =	vst v63  }
0x2be: {  	_ =	swait.ge [sflag:s7], $0x400  }
0x2bf: {  	[sflag:s7] =	ssyncset.done $0x0  }
0x2c0: {  	s17 =	simm.s32 $0x15480;
	s18 =	simm.s32 $0x5400;
	[sflag:s7] =	ssyncadd.s32 $0xFFFFFC00  }
0x2c1: {  	[hbm4b:s2+s6] =	stream.indirect.scatter [tilespmem:s18], [sflag:$0x2], $0x8, s17, s6, $0xb8;
	[tilespmem:$0x1B290] =	vst v63  }
0x2c2: {  	_ =	swait.ge [sflag:s7], $0x400  }
0x2c3: {  	[sflag:s7] =	ssyncset.done $0x0  }
0x2c4: {  	s19 =	simm.s32 $0x15500;
	s20 =	simm.s32 $0x5800;
	[sflag:s7] =	ssyncadd.s32 $0xFFFFFC00  }
0x2c5: {  	[hbm4b:s2+s6] =	stream.indirect.scatter [tilespmem:s20], [sflag:$0x2], $0x8, s19, s6, $0xb8;
	[tilespmem:$0x1B290] =	vst v63  }
0x2c6: {  	_ =	swait.ge [sflag:s7], $0x400  }
0x2c7: {  	[sflag:s7] =	ssyncset.done $0x0  }
0x2c8: {  	s21 =	simm.s32 $0x15580;
	s22 =	simm.s32 $0x5C00;
	[sflag:s7] =	ssyncadd.s32 $0xFFFFFC00  }
0x2c9: {  	[hbm4b:s2+s6] =	stream.indirect.scatter [tilespmem:s22], [sflag:$0x2], $0x8, s21, s6, $0xb8;
	[tilespmem:$0x1B290] =	vst v63  }
0x2ca: {  	_ =	swait.ge [sflag:s7], $0x400  }
0x2cb: {  	[sflag:s7] =	ssyncset.done $0x0  }
0x2cc: {  	s23 =	simm.s32 $0x15600;
	s24 =	simm.s32 $0x6000;
	[sflag:s7] =	ssyncadd.s32 $0xFFFFFC00  }
0x2cd: {  	[hbm4b:s2+s6] =	stream.indirect.scatter [tilespmem:s24], [sflag:$0x2], $0x8, s23, s6, $0xb8;
	[tilespmem:$0x1B290] =	vst v63  }
0x2ce: {  	_ =	swait.ge [sflag:s7], $0x400  }
0x2cf: {  	[sflag:s7] =	ssyncset.done $0x0  }
0x2d0: {  	s25 =	simm.s32 $0x15680;
	s26 =	simm.s32 $0x6400;
	[sflag:s7] =	ssyncadd.s32 $0xFFFFFC00  }
0x2d1: {  	[hbm4b:s2+s6] =	stream.indirect.scatter [tilespmem:s26], [sflag:$0x2], $0x8, s25, s6, $0xb8;
	[tilespmem:$0x1B290] =	vst v63  }
0x2d2: {  	_ =	swait.ge [sflag:s7], $0x400  }
0x2d3: {  	[sflag:s7] =	ssyncset.done $0x0  }
0x2d4: {  	s28 =	simm.s32 $0x15700;
	s29 =	simm.s32 $0x6800;
	[sflag:s7] =	ssyncadd.s32 $0xFFFFFC00  }
0x2d5: {  	[hbm4b:s2+s6] =	stream.indirect.scatter [tilespmem:s29], [sflag:$0x2], $0x8, s28, s6, $0xb8;
	[tilespmem:$0x1B290] =	vst v63  }
0x2d6: {  	_ =	swait.ge [sflag:s7], $0x400  }
0x2d7: {  	[sflag:s7] =	ssyncset.done $0x0  }
0x2d8: {  	s30 =	simm.s32 $0x15780;
	s31 =	simm.s32 $0x6C00;
	[sflag:s7] =	ssyncadd.s32 $0xFFFFFC00  }
0x2d9: {  	[hbm4b:s2+s6] =	stream.indirect.scatter [tilespmem:s31], [sflag:$0x2], $0x8, s30, s6, $0xb8;
	[tilespmem:$0x1B290] =	vst v63  }
0x2da: {  	_ =	swait.ge [sflag:s7], $0x400  }
0x2db: {  	[sflag:s7] =	ssyncset.done $0x0  }
0x2dc: {  	s9 =	simm.s32 $0x15800;
	s10 =	simm.s32 $0x7000;
	[sflag:s7] =	ssyncadd.s32 $0xFFFFFC00  }
0x2dd: {  	[hbm4b:s2+s6] =	stream.indirect.scatter [tilespmem:s10], [sflag:$0x2], $0x8, s9, s6, $0xb8;
	[tilespmem:$0x1B290] =	vst v63  }
0x2de: {  	_ =	swait.ge [sflag:s7], $0x400  }
0x2df: {  	[sflag:s7] =	ssyncset.done $0x0  }
0x2e0: {  	s11 =	simm.s32 $0x15880;
	s12 =	simm.s32 $0x7400;
	[sflag:s7] =	ssyncadd.s32 $0xFFFFFC00  }
0x2e1: {  	[hbm4b:s2+s6] =	stream.indirect.scatter [tilespmem:s12], [sflag:$0x2], $0x8, s11, s6, $0xb8;
	[tilespmem:$0x1B290] =	vst v63  }
0x2e2: {  	_ =	swait.ge [sflag:s7], $0x400  }
0x2e3: {  	[sflag:s7] =	ssyncset.done $0x0  }
0x2e4: {  	s13 =	simm.s32 $0x15900;
	s14 =	simm.s32 $0x7800;
	[sflag:s7] =	ssyncadd.s32 $0xFFFFFC00  }
0x2e5: {  	[hbm4b:s2+s6] =	stream.indirect.scatter [tilespmem:s14], [sflag:$0x2], $0x8, s13, s6, $0xb8;
	[tilespmem:$0x1B290] =	vst v63  }
0x2e6: {  	_ =	swait.ge [sflag:s7], $0x400  }
0x2e7: {  	[sflag:s7] =	ssyncset.done $0x0  }
0x2e8: {  	s15 =	simm.s32 $0x15980;
	s16 =	simm.s32 $0x7C00;
	[sflag:s7] =	ssyncadd.s32 $0xFFFFFC00  }
0x2e9: {  	[hbm4b:s2+s6] =	stream.indirect.scatter [tilespmem:s16], [sflag:$0x2], $0x8, s15, s6, $0xb8;
	[tilespmem:$0x1B290] =	vst v63  }
0x2ea: {  	_ =	swait.ge [sflag:s7], $0x400  }
0x2eb: {  	[sflag:s7] =	ssyncset.done $0x0  }
0x2ec: {  	s17 =	simm.s32 $0x15A00;
	s18 =	simm.s32 $0x8000;
	[sflag:s7] =	ssyncadd.s32 $0xFFFFFC00  }
0x2ed: {  	[hbm4b:s2+s6] =	stream.indirect.scatter [tilespmem:s18], [sflag:$0x2], $0x8, s17, s6, $0xb8;
	[tilespmem:$0x1B290] =	vst v63  }
0x2ee: {  	_ =	swait.ge [sflag:s7], $0x400  }
0x2ef: {  	[sflag:s7] =	ssyncset.done $0x0  }
0x2f0: {  	s19 =	simm.s32 $0x15A80;
	s20 =	simm.s32 $0x8400;
	[sflag:s7] =	ssyncadd.s32 $0xFFFFFC00  }
0x2f1: {  	[hbm4b:s2+s6] =	stream.indirect.scatter [tilespmem:s20], [sflag:$0x2], $0x8, s19, s6, $0xb8;
	[tilespmem:$0x1B290] =	vst v63  }
0x2f2: {  	_ =	swait.ge [sflag:s7], $0x400  }
0x2f3: {  	[sflag:s7] =	ssyncset.done $0x0  }
0x2f4: {  	s21 =	simm.s32 $0x15B00;
	s22 =	simm.s32 $0x8800;
	[sflag:s7] =	ssyncadd.s32 $0xFFFFFC00  }
0x2f5: {  	[hbm4b:s2+s6] =	stream.indirect.scatter [tilespmem:s22], [sflag:$0x2], $0x8, s21, s6, $0xb8;
	[tilespmem:$0x1B290] =	vst v63  }
0x2f6: {  	_ =	swait.ge [sflag:s7], $0x400  }
0x2f7: {  	[sflag:s7] =	ssyncset.done $0x0  }
0x2f8: {  	s23 =	simm.s32 $0x15B80;
	s24 =	simm.s32 $0x8C00;
	[sflag:s7] =	ssyncadd.s32 $0xFFFFFC00  }
0x2f9: {  	[hbm4b:s2+s6] =	stream.indirect.scatter [tilespmem:s24], [sflag:$0x2], $0x8, s23, s6, $0xb8;
	[tilespmem:$0x1B290] =	vst v63  }
0x2fa: {  	_ =	swait.ge [sflag:s7], $0x400  }
0x2fb: {  	[sflag:s7] =	ssyncset.done $0x0  }
0x2fc: {  	s25 =	simm.s32 $0x15C00;
	s26 =	simm.s32 $0x9000;
	[sflag:s7] =	ssyncadd.s32 $0xFFFFFC00  }
0x2fd: {  	[hbm4b:s2+s6] =	stream.indirect.scatter [tilespmem:s26], [sflag:$0x2], $0x8, s25, s6, $0xb8;
	[tilespmem:$0x1B290] =	vst v63  }
0x2fe: {  	_ =	swait.ge [sflag:s7], $0x400  }
0x2ff: {  	[sflag:s7] =	ssyncset.done $0x0  }
0x300: {  	s28 =	simm.s32 $0x15C80;
	s29 =	simm.s32 $0x9400;
	[sflag:s7] =	ssyncadd.s32 $0xFFFFFC00  }
0x301: {  	[hbm4b:s2+s6] =	stream.indirect.scatter [tilespmem:s29], [sflag:$0x2], $0x8, s28, s6, $0xb8;
	[tilespmem:$0x1B290] =	vst v63  }
0x302: {  	_ =	swait.ge [sflag:s7], $0x400  }
0x303: {  	[sflag:s7] =	ssyncset.done $0x0  }
0x304: {  	s30 =	simm.s32 $0x15D00;
	s31 =	simm.s32 $0x9800;
	[sflag:s7] =	ssyncadd.s32 $0xFFFFFC00  }
0x305: {  	[hbm4b:s2+s6] =	stream.indirect.scatter [tilespmem:s31], [sflag:$0x2], $0x8, s30, s6, $0xb8;
	[tilespmem:$0x1B290] =	vst v63  }
0x306: {  	_ =	swait.ge [sflag:s7], $0x400  }
0x307: {  	[sflag:s7] =	ssyncset.done $0x0  }
0x308: {  	s10 =	simm.s32 $0x15D80;
	s11 =	simm.s32 $0x9C00;
	[sflag:s7] =	ssyncadd.s32 $0xFFFFFC00  }
0x309: {  	[hbm4b:s2+s6] =	stream.indirect.scatter [tilespmem:s11], [sflag:$0x2], $0x8, s10, s6, $0xb8;
	[tilespmem:$0x1B290] =	vst v63  }
0x30a: {  	_ =	swait.ge [sflag:s7], $0x400  }
0x30b: {  	[sflag:s7] =	ssyncset.done $0x0  }
0x30c: {  	s12 =	simm.s32 $0x15E00;
	s13 =	simm.s32 $0xA000;
	[sflag:s7] =	ssyncadd.s32 $0xFFFFFC00  }
0x30d: {  	[hbm4b:s2+s6] =	stream.indirect.scatter [tilespmem:s13], [sflag:$0x2], $0x8, s12, s6, $0xb8;
	[tilespmem:$0x1B290] =	vst v63  }
0x30e: {  	_ =	swait.ge [sflag:s7], $0x400  }
0x30f: {  	[sflag:s7] =	ssyncset.done $0x0  }
0x310: {  	s14 =	simm.s32 $0x15E80;
	s15 =	simm.s32 $0xA400;
	[sflag:s7] =	ssyncadd.s32 $0xFFFFFC00  }
0x311: {  	[hbm4b:s2+s6] =	stream.indirect.scatter [tilespmem:s15], [sflag:$0x2], $0x8, s14, s6, $0xb8;
	[tilespmem:$0x1B290] =	vst v63  }
0x312: {  	_ =	swait.ge [sflag:s7], $0x400  }
0x313: {  	[sflag:s7] =	ssyncset.done $0x0  }
0x314: {  	s16 =	simm.s32 $0x15F00;
	s17 =	simm.s32 $0xA800;
	[sflag:s7] =	ssyncadd.s32 $0xFFFFFC00  }
0x315: {  	[hbm4b:s2+s6] =	stream.indirect.scatter [tilespmem:s17], [sflag:$0x2], $0x8, s16, s6, $0xb8;
	[tilespmem:$0x1B290] =	vst v63  }
0x316: {  	_ =	swait.ge [sflag:s7], $0x400  }
0x317: {  	[sflag:s7] =	ssyncset.done $0x0  }
0x318: {  	s18 =	simm.s32 $0x15F80;
	s19 =	simm.s32 $0xAC00;
	[sflag:s7] =	ssyncadd.s32 $0xFFFFFC00  }
0x319: {  	[hbm4b:s2+s6] =	stream.indirect.scatter [tilespmem:s19], [sflag:$0x2], $0x8, s18, s6, $0xb8;
	[tilespmem:$0x1B290] =	vst v63  }
0x31a: {  	_ =	swait.ge [sflag:s7], $0x400  }
0x31b: {  	[sflag:s7] =	ssyncset.done $0x0  }
0x31c: {  	s20 =	simm.s32 $0x16000;
	s21 =	simm.s32 $0xB000;
	[sflag:s7] =	ssyncadd.s32 $0xFFFFFC00  }
0x31d: {  	[hbm4b:s2+s6] =	stream.indirect.scatter [tilespmem:s21], [sflag:$0x2], $0x8, s20, s6, $0xb8;
	[tilespmem:$0x1B290] =	vst v63  }
0x31e: {  	_ =	swait.ge [sflag:s7], $0x400  }
0x31f: {  	[sflag:s7] =	ssyncset.done $0x0  }
0x320: {  	s22 =	simm.s32 $0x16080;
	s23 =	simm.s32 $0xB400;
	[sflag:s7] =	ssyncadd.s32 $0xFFFFFC00  }
0x321: {  	[hbm4b:s2+s6] =	stream.indirect.scatter [tilespmem:s23], [sflag:$0x2], $0x8, s22, s6, $0xb8;
	[tilespmem:$0x1B290] =	vst v63  }
0x322: {  	_ =	swait.ge [sflag:s7], $0x400  }
0x323: {  	[sflag:s7] =	ssyncset.done $0x0  }
0x324: {  	s24 =	simm.s32 $0x16100;
	s25 =	simm.s32 $0xB800;
	[sflag:s7] =	ssyncadd.s32 $0xFFFFFC00  }
0x325: {  	[hbm4b:s2+s6] =	stream.indirect.scatter [tilespmem:s25], [sflag:$0x2], $0x8, s24, s6, $0xb8;
	[tilespmem:$0x1B290] =	vst v63  }
0x326: {  	_ =	swait.ge [sflag:s7], $0x400  }
0x327: {  	[sflag:s7] =	ssyncset.done $0x0  }
0x328: {  	s26 =	simm.s32 $0x16180;
	s28 =	simm.s32 $0xBC00;
	[sflag:s7] =	ssyncadd.s32 $0xFFFFFC00  }
0x329: {  	[hbm4b:s2+s6] =	stream.indirect.scatter [tilespmem:s28], [sflag:$0x2], $0x8, s26, s6, $0xb8;
	[tilespmem:$0x1B290] =	vst v63  }
0x32a: {  	_ =	swait.ge [sflag:s7], $0x400  }
0x32b: {  	[sflag:s7] =	ssyncset.done $0x0  }
0x32c: {  	s29 =	simm.s32 $0x16200;
	s30 =	simm.s32 $0xC000;
	[sflag:s7] =	ssyncadd.s32 $0xFFFFFC00  }
0x32d: {  	[hbm4b:s2+s6] =	stream.indirect.scatter [tilespmem:s30], [sflag:$0x2], $0x8, s29, s6, $0xb8;
	[tilespmem:$0x1B290] =	vst v63  }
0x32e: {  	_ =	swait.ge [sflag:s7], $0x400  }
0x32f: {  	[sflag:s7] =	ssyncset.done $0x0  }
0x330: {  	s31 =	simm.s32 $0x3;
	[sflag:s7] =	ssyncadd.s32 $0xFFFFFC00  }
0x331: {  	[tilespmem:s5], [sflag:$0x3] =	stream.linear.gather [hbm4b:s3+s5], $0xC400, $0x38;
	[tilespmem:$0x1B290] =	vst v63  }
0x332: {  	_ =	swait.ge [sflag:s31], $0xC400  }
0x333: {  	[sflag:s31] =	ssyncset.done $0x0  }
0x334: {  	s8 =	simm.s32 $0x1890;
	s7 =	simm.s32 $0xDC80;
	[sflag:s31] =	ssyncadd.s32 $0xFFFF3C00  }
0x335: {  	v1 =	vlaneseq.u32;
	s6 =	simm.s32 $0x11D00;
	s3 =	simm.s32 $0x1880;
	s5 =	simm.s32 $0xF500;
	v2 =	vld [tilespmem:s7+$0x0]  }
.LBB2_21:
0x336: {  	p0 =	sne.s32 s8, $0x30F0;
	_ =	sdelay $0x3  }
0x337: {  	v3 =	vshra.s32 v2, $0x6;
	_ =	sdelay $0x4  }
0x338: {  	v4 =	vld.idx.msk [tilespmem:v3+s5+$0x0], $0xffff;
	_ =	sdelay $0x1  }
0x339: {  	v5 =	vld.idx.msk [tilespmem:v3+s6+$0x0], $0xffff;
	_ =	sdelay $0x2  }
0x33a: {  	v6 =	vor.u32 s3, v1;
	s3 =	smov.u32 s8;
	v2 =	vand.u32 $0x3F, v2  }
0x33b: {  	v2 =	vadd.s32 v2, v4  }
.Ltmp10:
0x33c: {  	vm0 =	vlt.s32 v3, $0x2710;
	vm1 =	vlt.s32 v2, $0x20;
	(pc) =	sbr.rel @p0 .LBB2_21-.Ltmp10, $4  }
0x33d: {  	vm0 =	vmand vm0, vm1;
	v2 =	vadd.s32 v2, v5  }
0x33e: {  	v2 =	vsel vm0, v2, v0  }
0x33f: {  	s7 =	sadd.s32 $0x10, s7;
	[tilespmem:v6+s4+$0x0] =	vst.idx.msk $0xffff, v2  }
0x340: {  	s8 =	sadd.s32 $0x10, s8;
	v2 =	vld [tilespmem:s7+$0x0]  }
0x341: {  	_ =	sdelay $0x3  }
0x342: {  	v3 =	vshra.s32 v2, $0x6;
	_ =	sdelay $0x4  }
0x343: {  	v4 =	vld.idx.msk [tilespmem:v3+s5+$0x0], $0xffff;
	_ =	sdelay $0x1  }
0x344: {  	v5 =	vld.idx.msk [tilespmem:v3+s6+$0x0], $0xffff;
	_ =	sdelay $0x1  }
0x345: {  	v1 =	vor.u32 s3, v1;
	v63 =	vand.u32 $0x3F, v2  }
0x346: {  	v2 =	vadd.s32 v63, v4  }
0x347: {  	vm0 =	vlt.s32 v3, $0x2710;
	vm1 =	vlt.s32 v2, $0x20  }
0x348: {  	v2 =	vadd.s32 v2, v5;
	vm0 =	vmand vm0, vm1  }
0x349: {  	s3 =	simm.s32 $0x2;
	v0 =	vsel vm0, v2, v0  }
0x34a: {  	s18 =	simm.s32 $0x0;
	s19 =	simm.s32 $0x16280;
	s5 =	simm.s32 $0x80;
	[tilespmem:v1+s4+$0x0] =	vst.idx.msk $0xffff, v0  }
0x34b: {  	[hbm4b:s2+s5] =	stream.indirect.scatter [tilespmem:s18], [sflag:$0x2], $0x8, s19, s5, $0xb8;
	[tilespmem:$0x1B290] =	vst v63  }
0x34c: {  	_ =	swait.ge [sflag:s3], $0x400  }
0x34d: {  	[sflag:s3] =	ssyncset.done $0x0  }
0x34e: {  	s20 =	simm.s32 $0x400;
	s21 =	simm.s32 $0x16300;
	[sflag:s3] =	ssyncadd.s32 $0xFFFFFC00  }
0x34f: {  	[hbm4b:s2+s5] =	stream.indirect.scatter [tilespmem:s20], [sflag:$0x2], $0x8, s21, s5, $0xb8;
	[tilespmem:$0x1B290] =	vst v63  }
0x350: {  	_ =	swait.ge [sflag:s3], $0x400  }
0x351: {  	[sflag:s3] =	ssyncset.done $0x0  }
0x352: {  	s22 =	simm.s32 $0x800;
	s23 =	simm.s32 $0x16380;
	[sflag:s3] =	ssyncadd.s32 $0xFFFFFC00  }
0x353: {  	[hbm4b:s2+s5] =	stream.indirect.scatter [tilespmem:s22], [sflag:$0x2], $0x8, s23, s5, $0xb8;
	[tilespmem:$0x1B290] =	vst v63  }
0x354: {  	_ =	swait.ge [sflag:s3], $0x400  }
0x355: {  	[sflag:s3] =	ssyncset.done $0x0  }
0x356: {  	s24 =	simm.s32 $0xC00;
	s25 =	simm.s32 $0x16400;
	[sflag:s3] =	ssyncadd.s32 $0xFFFFFC00  }
0x357: {  	[hbm4b:s2+s5] =	stream.indirect.scatter [tilespmem:s24], [sflag:$0x2], $0x8, s25, s5, $0xb8;
	[tilespmem:$0x1B290] =	vst v63  }
0x358: {  	_ =	swait.ge [sflag:s3], $0x400  }
0x359: {  	[sflag:s3] =	ssyncset.done $0x0  }
0x35a: {  	s26 =	simm.s32 $0x1000;
	s28 =	simm.s32 $0x16480;
	[sflag:s3] =	ssyncadd.s32 $0xFFFFFC00  }
0x35b: {  	[hbm4b:s2+s5] =	stream.indirect.scatter [tilespmem:s26], [sflag:$0x2], $0x8, s28, s5, $0xb8;
	[tilespmem:$0x1B290] =	vst v63  }
0x35c: {  	_ =	swait.ge [sflag:s3], $0x400  }
0x35d: {  	[sflag:s3] =	ssyncset.done $0x0  }
0x35e: {  	s29 =	simm.s32 $0x1400;
	s30 =	simm.s32 $0x16500;
	[sflag:s3] =	ssyncadd.s32 $0xFFFFFC00  }
0x35f: {  	[hbm4b:s2+s5] =	stream.indirect.scatter [tilespmem:s29], [sflag:$0x2], $0x8, s30, s5, $0xb8;
	[tilespmem:$0x1B290] =	vst v63  }
0x360: {  	_ =	swait.ge [sflag:s3], $0x400  }
0x361: {  	s31 =	simm.s32 $0x1800;
	[sflag:s3] =	ssyncset.done $0x0  }
0x362: {  	s7 =	simm.s32 $0x16580;
	s8 =	simm.s32 $0x1C00;
	[sflag:s3] =	ssyncadd.s32 $0xFFFFFC00  }
0x363: {  	[hbm4b:s2+s5] =	stream.indirect.scatter [tilespmem:s31], [sflag:$0x2], $0x8, s7, s5, $0xb8;
	[tilespmem:$0x1B290] =	vst v63  }
0x364: {  	s9 =	simm.s32 $0x5000;
	s6 =	simm.s32 $0x380;
	_ =	swait.ge [sflag:s3], $0x400  }
0x365: {  	s4 =	simm.s32 $0x3400;
	s7 =	simm.s32 $0x1C00;
	[sflag:s3] =	ssyncset.done $0x0  }
.LBB2_23:
0x366: {  	s11 =	sadd.s32 $0xFFFFE800, s9  }
0x367: {  	s12 =	sadd.s32 $0x16280, s6;
	[sflag:s3] =	ssyncadd.s32 $0xFFFFFC00;
	s10 =	smov.u32 s7  }
0x368: {  	[hbm4b:s2+s5] =	stream.indirect.scatter [tilespmem:s8], [sflag:$0x2], $0x8, s12, s5, $0xb8;
	[tilespmem:$0x1B290] =	vst v63  }
0x369: {  	p0 =	sne.s32 s7, $0x5400;
	s7 =	sadd.s32 $0xE00, s7;
	_ =	swait.ge [sflag:s3], $0x400  }
0x36a: {  	s8 =	smov.u32 s11;
	[sflag:s3] =	ssyncset.done $0x0  }
0x36b: {  	s11 =	sadd.s32 $0xFFFFEC00, s4;
	s12 =	sadd.s32 $0x16300, s6;
	[sflag:s3] =	ssyncadd.s32 $0xFFFFFC00  }
0x36c: {  	[hbm4b:s2+s5] =	stream.indirect.scatter [tilespmem:s11], [sflag:$0x2], $0x8, s12, s5, $0xb8;
	[tilespmem:$0x1B290] =	vst v63  }
0x36d: {  	_ =	swait.ge [sflag:s3], $0x400  }
0x36e: {  	[sflag:s3] =	ssyncset.done $0x0  }
0x36f: {  	s11 =	sadd.s32 $0xFFFFF000, s4;
	s12 =	sadd.s32 $0x16380, s6;
	[sflag:s3] =	ssyncadd.s32 $0xFFFFFC00  }
0x370: {  	[hbm4b:s2+s5] =	stream.indirect.scatter [tilespmem:s11], [sflag:$0x2], $0x8, s12, s5, $0xb8;
	[tilespmem:$0x1B290] =	vst v63  }
0x371: {  	_ =	swait.ge [sflag:s3], $0x400  }
0x372: {  	[sflag:s3] =	ssyncset.done $0x0  }
0x373: {  	s11 =	sadd.s32 $0xFFFFF400, s4;
	s12 =	sadd.s32 $0x16400, s6;
	[sflag:s3] =	ssyncadd.s32 $0xFFFFFC00  }
0x374: {  	[hbm4b:s2+s5] =	stream.indirect.scatter [tilespmem:s11], [sflag:$0x2], $0x8, s12, s5, $0xb8;
	[tilespmem:$0x1B290] =	vst v63  }
0x375: {  	_ =	swait.ge [sflag:s3], $0x400  }
0x376: {  	[sflag:s3] =	ssyncset.done $0x0  }
0x377: {  	s11 =	sadd.s32 $0xFFFFF800, s4;
	s12 =	sadd.s32 $0x16480, s6;
	[sflag:s3] =	ssyncadd.s32 $0xFFFFFC00  }
0x378: {  	[hbm4b:s2+s5] =	stream.indirect.scatter [tilespmem:s11], [sflag:$0x2], $0x8, s12, s5, $0xb8;
	[tilespmem:$0x1B290] =	vst v63  }
0x379: {  	_ =	swait.ge [sflag:s3], $0x400  }
0x37a: {  	[sflag:s3] =	ssyncset.done $0x0  }
0x37b: {  	s11 =	sadd.s32 $0xFFFFFC00, s4;
	s12 =	sadd.s32 $0x16500, s6;
	[sflag:s3] =	ssyncadd.s32 $0xFFFFFC00  }
0x37c: {  	[hbm4b:s2+s5] =	stream.indirect.scatter [tilespmem:s11], [sflag:$0x2], $0x8, s12, s5, $0xb8;
	[tilespmem:$0x1B290] =	vst v63  }
0x37d: {  	_ =	swait.ge [sflag:s3], $0x400  }
.Ltmp11:
0x37e: {  	[sflag:s3] =	ssyncset.done $0x0;
	(pc) =	sbr.rel @p0 .LBB2_23-.Ltmp11, $4  }
0x37f: {  	s6 =	sadd.s32 $0x16580, s6;
	[sflag:s3] =	ssyncadd.s32 $0xFFFFFC00  }
0x380: {  	[hbm4b:s2+s5] =	stream.indirect.scatter [tilespmem:s4], [sflag:$0x2], $0x8, s6, s5, $0xb8;
	[tilespmem:$0x1B290] =	vst v63  }
0x381: {  	s4 =	smov.u32 s9;
	_ =	swait.ge [sflag:s3], $0x400  }
0x382: {  	s6 =	sshra.s32 s10, $0x2;
	s9 =	sadd.s32 $0x1C00, s9;
	[sflag:s3] =	ssyncset.done $0x0  }
0x383: {  	s7 =	sadd.s32 $0x16280, s6;
	[sflag:s3] =	ssyncadd.s32 $0xFFFFFC00  }
0x384: {  	[hbm4b:s2+s5] =	stream.indirect.scatter [tilespmem:s8], [sflag:$0x2], $0x8, s7, s5, $0xb8;
	[tilespmem:$0x1B290] =	vst v63  }
0x385: {  	_ =	swait.ge [sflag:s3], $0x400  }
0x386: {  	[sflag:s3] =	ssyncset.done $0x0  }
0x387: {  	s20 =	sadd.s32 $0xFFFFEC00, s4;
	s21 =	sadd.s32 $0x16300, s6;
	[sflag:s3] =	ssyncadd.s32 $0xFFFFFC00  }
0x388: {  	[hbm4b:s2+s5] =	stream.indirect.scatter [tilespmem:s20], [sflag:$0x2], $0x8, s21, s5, $0xb8;
	[tilespmem:$0x1B290] =	vst v63  }
0x389: {  	_ =	swait.ge [sflag:s3], $0x400  }
0x38a: {  	[sflag:s3] =	ssyncset.done $0x0  }
0x38b: {  	s22 =	sadd.s32 $0xFFFFF000, s4;
	s23 =	sadd.s32 $0x16380, s6;
	[sflag:s3] =	ssyncadd.s32 $0xFFFFFC00  }
0x38c: {  	[hbm4b:s2+s5] =	stream.indirect.scatter [tilespmem:s22], [sflag:$0x2], $0x8, s23, s5, $0xb8;
	[tilespmem:$0x1B290] =	vst v63  }
0x38d: {  	_ =	swait.ge [sflag:s3], $0x400  }
0x38e: {  	[sflag:s3] =	ssyncset.done $0x0  }
0x38f: {  	s24 =	sadd.s32 $0xFFFFF400, s4;
	s25 =	sadd.s32 $0x16400, s6;
	[sflag:s3] =	ssyncadd.s32 $0xFFFFFC00  }
0x390: {  	[hbm4b:s2+s5] =	stream.indirect.scatter [tilespmem:s24], [sflag:$0x2], $0x8, s25, s5, $0xb8;
	[tilespmem:$0x1B290] =	vst v63  }
0x391: {  	_ =	swait.ge [sflag:s3], $0x400  }
0x392: {  	[sflag:s3] =	ssyncset.done $0x0  }
0x393: {  	s26 =	sadd.s32 $0xFFFFF800, s4;
	s28 =	sadd.s32 $0x16480, s6;
	[sflag:s3] =	ssyncadd.s32 $0xFFFFFC00  }
0x394: {  	[hbm4b:s2+s5] =	stream.indirect.scatter [tilespmem:s26], [sflag:$0x2], $0x8, s28, s5, $0xb8;
	[tilespmem:$0x1B290] =	vst v63  }
0x395: {  	_ =	swait.ge [sflag:s3], $0x400  }
0x396: {  	[sflag:s3] =	ssyncset.done $0x0  }
0x397: {  	s29 =	sadd.s32 $0xFFFFFC00, s4;
	s30 =	sadd.s32 $0x16500, s6;
	[sflag:s3] =	ssyncadd.s32 $0xFFFFFC00  }
0x398: {  	[hbm4b:s2+s5] =	stream.indirect.scatter [tilespmem:s29], [sflag:$0x2], $0x8, s30, s5, $0xb8;
	[tilespmem:$0x1B290] =	vst v63  }
0x399: {  	_ =	swait.ge [sflag:s3], $0x400  }
0x39a: {  	[sflag:s3] =	ssyncset.done $0x0  }
0x39b: {  	s31 =	sadd.s32 $0x16580, s6;
	[sflag:s3] =	ssyncadd.s32 $0xFFFFFC00  }
0x39c: {  	[hbm4b:s2+s5] =	stream.indirect.scatter [tilespmem:s4], [sflag:$0x2], $0x8, s31, s5, $0xb8;
	[tilespmem:$0x1B290] =	vst v63  }
0x39d: {  	_ =	swait.ge [sflag:s3], $0x400  }
0x39e: {  	[sflag:s3] =	ssyncset.done $0x0  }
0x39f: {  	[sflag:s3] =	ssyncadd.s32 $0xFFFFFC00  }
0x3a0: {  	_ =	sfence.sel $0x180000  }
0x3a1: {  	[bflag:$0x0] =	sbarrier.arrive $0xFFFF  }
0x3a2: {  	p0 =	sne.s32 s1, $0x0;
	_ =	strace $0x90000047  }
0x3a3: {  	s0 =	sadd.s32 @!p0 $0x100000, s0;
	[bflag:$0x2] =	sbarrier.arrive $0xFFFF  }
0x3a4: {  	[sflag:s0] =	ssyncadd.tile.s32 @!p0 $0x1;
	_ =	shalt  }
.Lfunc_end2:
_tile_overlayer_lowered:
.L_overlay_start_2:
0x3a5: {  	(tag) =	ssettag $0x2  }
0x3a6: {  	s0 =	rddreg [dreg:$0x0];
	s2 =	stileid.u32  }
0x3a7: {  	s1 =	rddreg [dreg:$0x1];
	p0 =	sne.s32 s2, $0x0  }
0x3a8: {  	s3 =	rddreg [dreg:$0x2];
	[bflag:$0x3] =	sbarrier.arrive $0xFFFF;
	s2 =	simm.s32 @!p0 $0x1C03  }
0x3a9: {  	[timem:s3], [sflag:s2] =	dma.local @!p0 [hbm:s0], s1  }
0x3aa: {  	s0 =	simm.s32 @!p0 $0x3  }
0x3ab: {  	_ =	swait.ge @!p0 [sflag:s0], s1  }
0x3ac: {  	s1 =	ssub.s32 @!p0 $0x0, s1;
	[sflag:s0] =	ssyncset.done @!p0 $0x0  }
0x3ad: {  	[sflag:s0] =	ssyncadd.s32 @!p0 s1  }
0x3ae: {  	[bflag:$0x3] =	sbarrier.arrive $0xFFFF  }
0x3af: {  	_ =	shalt  }

</sc_bundles>
